<compile_context>
chip_gen: v7x
topology: tpu7x:2x2x1
jax: 0.10.2.dev20260603
libtpu: 0.0.44.dev20260713+nightly
codegen_flags: <defaults>
</compile_context>

<pallas_src>
import functools

import jax
import jax.numpy as jnp
from jax import lax
from jax.experimental import pallas as pl
from jax.experimental.pallas import tpu as pltpu
from jax.experimental.pallas import tpu_sc as plsc

_V = 1000000
_B = 16384
_D = 64
_POS = 10
_NEG = 50
_R = _POS + _NEG

_NC = 2
_NS = 16
_NW = _NC * _NS
_BPW = _B // _NW
_C = 8
_NIT = _BPW // _C
_CR = _C * _R
_G = 120
_NG = _CR // _G
_ORB = _CR + 8


def _sc_dots(out_tab_lin, inp_rows_lin, out_idx_flat):
  mesh = plsc.VectorSubcoreMesh(core_axis_name="c", subcore_axis_name="s")

  @functools.partial(
      pl.kernel,
      out_type=jax.ShapeDtypeStruct((_B * 64,), jnp.float32),
      mesh=mesh,
      compiler_params=pltpu.CompilerParams(use_tc_tiling_on_sc=False),
      scratch_types=[
          pltpu.VMEM((2, _CR), jnp.int32),
          pltpu.VMEM((2, _C, _D), jnp.float32),
          pltpu.VMEM((2, _ORB, _D), jnp.float32),
          pltpu.VMEM((2, _C * 64), jnp.float32),
          pltpu.SemaphoreType.DMA,
          pltpu.SemaphoreType.DMA,
          pltpu.SemaphoreType.DMA,
          pltpu.SemaphoreType.DMA,
          pltpu.SemaphoreType.DMA,
          pltpu.SemaphoreType.DMA,
      ],
  )
  def sc_kernel(out_tab, inp_rows, out_idx, dots_hbm,
                oidx_v, irows_v, orows_v, dots_v,
                sidx0, sidx1, sgat0, sgat1, sdot0, sdot1):
    wid = lax.axis_index("s") * _NC + lax.axis_index("c")
    sidx = (sidx0, sidx1)
    sgat = (sgat0, sgat1)
    sdot = (sdot0, sdot1)

    def issue_idx(k, slot):
      base = wid * _BPW + k * _C
      pltpu.make_async_copy(
          out_idx.at[pl.ds(base * _R, _CR)], oidx_v.at[slot],
          sidx[slot]).start()

    def wait_idx(slot):
      pltpu.make_async_copy(
          out_idx.at[pl.ds(0, _CR)], oidx_v.at[slot], sidx[slot]).wait()

    def issue_gat(k, slot):
      base = wid * _BPW + k * _C
      pltpu.make_async_copy(
          inp_rows.at[pl.ds(base, _C)], irows_v.at[slot],
          sgat[slot]).start()
      for g in range(_NG):
        pltpu.make_async_copy(
            out_tab.at[oidx_v.at[slot, pl.ds(g * _G, _G)]],
            orows_v.at[slot, pl.ds(g * _G, _G)], sgat[slot]).start()

    def wait_gat(slot):
      pltpu.make_async_copy(
          inp_rows.at[pl.ds(0, _C)], irows_v.at[slot], sgat[slot]).wait()
      for g in range(_NG):
        pltpu.make_async_copy(
            out_tab.at[oidx_v.at[slot, pl.ds(g * _G, _G)]],
            orows_v.at[slot, pl.ds(g * _G, _G)], sgat[slot]).wait()

    def issue_dots(k, slot):
      base = wid * _BPW + k * _C
      pltpu.make_async_copy(
          dots_v.at[slot], dots_hbm.at[pl.ds(base * 64, _C * 64)],
          sdot[slot]).start()

    def wait_dots(slot):
      pltpu.make_async_copy(
          dots_v.at[slot], dots_hbm.at[pl.ds(0, _C * 64)],
          sdot[slot]).wait()

    def compute(slot):
      lane = lax.iota(jnp.int32, 16)

      @plsc.parallel_loop(0, _C * 4, 1, unroll=2)
      def group_body(eg):
        e = eg // 4
        g = eg - e * 4
        inp = [irows_v[slot, e, pl.ds(q * 16, 16)] for q in range(4)]
        base_row = e * _R + g * 16

        accs = []
        for kk in range(16):
          row = base_row + kk
          acc = orows_v[slot, row, pl.ds(0, 16)] * inp[0]
          for q in range(1, 4):
            acc = acc + orows_v[slot, row, pl.ds(q * 16, 16)] * inp[q]
          accs.append(acc)

        def merge(a, b, s):
          idx = lane ^ s
          sa = a + a.at[idx].get(mode="promise_in_bounds")
          sb = b + b.at[idx].get(mode="promise_in_bounds")
          return jnp.where((lane & s) == 0, sa, sb)

        lvl = accs
        for s in (1, 2, 4, 8):
          lvl = [merge(lvl[2 * i], lvl[2 * i + 1], s)
                 for i in range(len(lvl) // 2)]
        dots_v[slot, pl.ds(e * 64 + g * 16, 16)] = lvl[0]

    issue_idx(0, 0)
    issue_idx(1, 1)
    wait_idx(0)
    issue_gat(0, 0)

    def half_body(k, slot):
      wait_gat(slot)

      @pl.when(k + 2 < _NIT)
      def _():
        issue_idx(k + 2, slot)

      @pl.when(k + 1 < _NIT)
      def _():
        wait_idx(slot ^ 1)
        issue_gat(k + 1, slot ^ 1)

      @pl.when(k >= 2)
      def _():
        wait_dots(slot)

      compute(slot)
      issue_dots(k, slot)

    def body(ii, carry):
      k = ii * 2
      half_body(k, 0)
      half_body(k + 1, 1)
      return carry

    lax.fori_loop(0, _NIT // 2, body, 0)
    wait_dots(0)
    wait_dots(1)

  return sc_kernel(out_tab_lin, inp_rows_lin, out_idx_flat)


def _tc_loss(dots):
  blk = 512
  grid = _B // blk

  def tc_body(dots_ref, out_ref):
    x = dots_ref[...]
    col = lax.broadcasted_iota(jnp.int32, x.shape, 1)
    xs = jnp.where(col < _POS, x, -x)
    ls = jnp.minimum(xs, 0.0) - jnp.log1p(jnp.exp(-jnp.abs(xs)))
    ls = jnp.where(col < _R, ls, 0.0)
    out_ref[...] = -jnp.sum(ls, axis=1)

  return pl.pallas_call(
      tc_body,
      grid=(grid,),
      in_specs=[pl.BlockSpec((blk, 64), lambda i: (i, 0))],
      out_specs=pl.BlockSpec((blk,), lambda i: (i,)),
      out_shape=jax.ShapeDtypeStruct((_B,), jnp.float32),
  )(dots)


def _linearize(x, shape):
  flat = lax.optimization_barrier(jnp.reshape(x, (-1,)))
  return flat.reshape(shape)


def kernel(input_labels, pos_labels, neg_labels, in_embed, out_embed):
  out_idx = jnp.concatenate([pos_labels, neg_labels], axis=1).reshape(-1)
  out_lin = _linearize(out_embed, (_V, _D))
  inp_rows = jnp.take(in_embed, input_labels, axis=0)
  inp_lin = _linearize(inp_rows, (_B, _D))
  dots = _sc_dots(out_lin, inp_lin, out_idx)
  return _tc_loss(dots.reshape(_B, 64))

# --- scband reference (transcript-rebuilt; emitter-appended) ---
"""Pipeline reference for scband-word2-vec-45904610460103 (READ-ONLY COPY).

The authoritative reference and input builder live on the scoring server;
editing this copy changes nothing except your own understanding.
"""

import jax, jax.numpy as jnp
import numpy as np

VOCAB = 1000000
EMBED = 64
BATCH = 16384
POS = 10
NEG = 50


def setup_inputs(seed: int = 0) -> dict:
    key = jax.random.key(seed)
    k1, k2, k3, k4, k5 = jax.random.split(key, 5)
    input_labels = jax.random.randint(k1, (BATCH,), 0, VOCAB, dtype=jnp.int64 if jax.config.jax_enable_x64 else jnp.int32).astype(jnp.int32)
    pos_labels = jax.random.randint(k2, (BATCH, POS), 0, VOCAB).astype(jnp.int32)
    neg_labels = jax.random.randint(k3, (BATCH, NEG), 0, VOCAB).astype(jnp.int32)
    in_embed = jax.random.normal(k4, (VOCAB, EMBED), dtype=jnp.float32)
    out_embed = jax.random.normal(k5, (VOCAB, EMBED), dtype=jnp.float32)
    return {
        "input_labels": input_labels,
        "pos_labels": pos_labels,
        "neg_labels": neg_labels,
        "in_embed": in_embed,
        "out_embed": out_embed,
    }


def reference(input_labels, pos_labels, neg_labels, in_embed, out_embed):
    # input_embedding: [B, D]
    input_embedding = jnp.take(in_embed, input_labels, axis=0)
    # pos_embedding: [B, P, D]; neg_embedding: [B, N, D]
    pos_embedding = jnp.take(out_embed, pos_labels, axis=0)
    neg_embedding = jnp.take(out_embed, neg_labels, axis=0)
    # bmm(pos_embedding, input_embedding.unsqueeze(2)).squeeze(2)
    pos_dot = jnp.einsum("bpd,bd->bp", pos_embedding, input_embedding)
    neg_dot = jnp.einsum("bnd,bd->bn", neg_embedding, -input_embedding)
    log_pos = jnp.sum(jax.nn.log_sigmoid(pos_dot), axis=1)
    log_neg = jnp.sum(jax.nn.log_sigmoid(neg_dot), axis=1)
    loss = log_pos + log_neg
    return -loss

if __name__ == "__main__":
    import jax
    _d = setup_inputs()
    print(jax.jit(kernel)(*tuple(_d.values())))

</pallas_src>

<mosaic_0001>
#map = affine_map<(d0, d1) -> (0, 0)>
#map1 = affine_map<(d0, d1) -> (0)>
module attributes {stable_mosaic.version = 14 : i64} {
  func.func @sc_kernel(%arg0: i32, %arg1: i32, %arg2: memref<1000000x64xf32, #tpu.memory_space<hbm>>, %arg3: memref<16384x64xf32, #tpu.memory_space<hbm>>, %arg4: memref<983040xi32, #tpu.memory_space<hbm>>, %arg5: memref<1048576xf32, #tpu.memory_space<hbm>>, %arg6: memref<2x480xi32, #tpu.memory_space<vmem>>, %arg7: memref<2x8x64xf32, #tpu.memory_space<vmem>>, %arg8: memref<2x488x64xf32, #tpu.memory_space<vmem>>, %arg9: memref<2x512xf32, #tpu.memory_space<vmem>>, %arg10: memref<!tpu.dma_semaphore, #tpu.memory_space<semaphore_mem>>, %arg11: memref<!tpu.dma_semaphore, #tpu.memory_space<semaphore_mem>>, %arg12: memref<!tpu.dma_semaphore, #tpu.memory_space<semaphore_mem>>, %arg13: memref<!tpu.dma_semaphore, #tpu.memory_space<semaphore_mem>>, %arg14: memref<!tpu.dma_semaphore, #tpu.memory_space<semaphore_mem>>, %arg15: memref<!tpu.dma_semaphore, #tpu.memory_space<semaphore_mem>>) attributes {dimension_semantics = [#tpu.dimension_semantics<core_parallel>, #tpu.dimension_semantics<subcore_parallel>], iteration_bounds = array<i64: 2, 16>, scalar_prefetch = 0 : i64, scratch_operands = 10 : i64, tpu.core_type = #tpu.core_type<sc_vector_subcore>, window_params = [{transform_indices = #map}, {transform_indices = #map}, {transform_indices = #map1}, {transform_indices = #map1}]} {
    %mul3A = arith.constant 2 : i32
    %mul3A_0 = arith.muli %arg1, %mul3A : i32
    %add3A = arith.addi %mul3A_0, %arg0 : i32
    %mul3A_1 = arith.constant 512 : i32
    %mul3A_2 = arith.muli %add3A, %mul3A_1 : i32
    %add3A_3 = arith.constant 0 : i32
    %add3A_4 = arith.addi %mul3A_2, %add3A_3 : i32
    %mul3A_5 = arith.constant 60 : i32
    %mul3A_6 = arith.muli %add3A_4, %mul3A_5 : i32
    %dma_start3A = arith.constant 0 : i32
    %dma_start3A_7 = arith.constant 0 : i32
    %dma_start3A_8 = tpu.memref_slice %arg6[%dma_start3A, %dma_start3A_7] : memref<2x480xi32, #tpu.memory_space<vmem>> -> memref<1x480xi32, #tpu.memory_space<vmem>>
    %dma_start3A_9 = tpu.memref_squeeze %dma_start3A_8 : memref<1x480xi32, #tpu.memory_space<vmem>> -> memref<480xi32, #tpu.memory_space<vmem>>
    %dma_start3A_10 = tpu.memref_slice %arg4[%mul3A_6] : memref<983040xi32, #tpu.memory_space<hbm>> -> memref<480xi32, #tpu.memory_space<hbm>>
    %dma_start3A_11 = arith.constant 0 : i32
    %dma_start3A_12 = tpu.memref_slice %arg6[%dma_start3A, %dma_start3A_11] : memref<2x480xi32, #tpu.memory_space<vmem>> -> memref<1x480xi32, #tpu.memory_space<vmem>>
    %dma_start3A_13 = tpu.memref_squeeze %dma_start3A_12 : memref<1x480xi32, #tpu.memory_space<vmem>> -> memref<480xi32, #tpu.memory_space<vmem>>
    %dma_start3A_14 = tpu.memref_slice %arg4[%mul3A_6] : memref<983040xi32, #tpu.memory_space<hbm>> -> memref<480xi32, #tpu.memory_space<hbm>>
    tpu.enqueue_dma source(%dma_start3A_14 : memref<480xi32, #tpu.memory_space<hbm>>) target(%dma_start3A_13 : memref<480xi32, #tpu.memory_space<vmem>>) target_semaphore(%arg10 : memref<!tpu.dma_semaphore, #tpu.memory_space<semaphore_mem>>)
    %mul3A_15 = arith.constant 512 : i32
    %mul3A_16 = arith.muli %add3A, %mul3A_15 : i32
    %add3A_17 = arith.constant 8 : i32
    %add3A_18 = arith.addi %mul3A_16, %add3A_17 : i32
    %mul3A_19 = arith.constant 60 : i32
    %mul3A_20 = arith.muli %add3A_18, %mul3A_19 : i32
    %dma_start3A_21 = arith.constant 1 : i32
    %dma_start3A_22 = arith.constant 0 : i32
    %dma_start3A_23 = tpu.memref_slice %arg6[%dma_start3A_21, %dma_start3A_22] : memref<2x480xi32, #tpu.memory_space<vmem>> -> memref<1x480xi32, #tpu.memory_space<vmem>>
    %dma_start3A_24 = tpu.memref_squeeze %dma_start3A_23 : memref<1x480xi32, #tpu.memory_space<vmem>> -> memref<480xi32, #tpu.memory_space<vmem>>
    %dma_start3A_25 = tpu.memref_slice %arg4[%mul3A_20] : memref<983040xi32, #tpu.memory_space<hbm>> -> memref<480xi32, #tpu.memory_space<hbm>>
    %dma_start3A_26 = arith.constant 0 : i32
    %dma_start3A_27 = tpu.memref_slice %arg6[%dma_start3A_21, %dma_start3A_26] : memref<2x480xi32, #tpu.memory_space<vmem>> -> memref<1x480xi32, #tpu.memory_space<vmem>>
    %dma_start3A_28 = tpu.memref_squeeze %dma_start3A_27 : memref<1x480xi32, #tpu.memory_space<vmem>> -> memref<480xi32, #tpu.memory_space<vmem>>
    %dma_start3A_29 = tpu.memref_slice %arg4[%mul3A_20] : memref<983040xi32, #tpu.memory_space<hbm>> -> memref<480xi32, #tpu.memory_space<hbm>>
    tpu.enqueue_dma source(%dma_start3A_29 : memref<480xi32, #tpu.memory_space<hbm>>) target(%dma_start3A_28 : memref<480xi32, #tpu.memory_space<vmem>>) target_semaphore(%arg11 : memref<!tpu.dma_semaphore, #tpu.memory_space<semaphore_mem>>)
    %dma_wait3A = arith.constant 0 : i32
    %dma_wait3A_30 = arith.constant 0 : i32
    %dma_wait3A_31 = tpu.memref_slice %arg6[%dma_wait3A, %dma_wait3A_30] : memref<2x480xi32, #tpu.memory_space<vmem>> -> memref<1x480xi32, #tpu.memory_space<vmem>>
    %dma_wait3A_32 = tpu.memref_squeeze %dma_wait3A_31 : memref<1x480xi32, #tpu.memory_space<vmem>> -> memref<480xi32, #tpu.memory_space<vmem>>
    %dma_wait3A_33 = arith.constant 0 : i32
    %dma_wait3A_34 = tpu.memref_slice %arg4[%dma_wait3A_33] : memref<983040xi32, #tpu.memory_space<hbm>> -> memref<480xi32, #tpu.memory_space<hbm>>
    %dma_wait3A_35 = arith.constant 0 : i32
    %dma_wait3A_36 = tpu.memref_slice %arg6[%dma_wait3A, %dma_wait3A_35] : memref<2x480xi32, #tpu.memory_space<vmem>> -> memref<1x480xi32, #tpu.memory_space<vmem>>
    %dma_wait3A_37 = tpu.memref_squeeze %dma_wait3A_36 : memref<1x480xi32, #tpu.memory_space<vmem>> -> memref<480xi32, #tpu.memory_space<vmem>>
    %dma_wait3A_38 = arith.constant 0 : i32
    %dma_wait3A_39 = tpu.memref_slice %arg4[%dma_wait3A_38] : memref<983040xi32, #tpu.memory_space<hbm>> -> memref<480xi32, #tpu.memory_space<hbm>>
    tpu.wait_dma2 semaphore(%arg10 : memref<!tpu.dma_semaphore, #tpu.memory_space<semaphore_mem>>) src(%dma_wait3A_39 : memref<480xi32, #tpu.memory_space<hbm>>) dst(%dma_wait3A_37 : memref<480xi32, #tpu.memory_space<vmem>>)
    %mul3A_40 = arith.constant 512 : i32
    %mul3A_41 = arith.muli %add3A, %mul3A_40 : i32
    %add3A_42 = arith.constant 0 : i32
    %add3A_43 = arith.addi %mul3A_41, %add3A_42 : i32
    %dma_start3A_44 = arith.constant 0 : i32
    %dma_start3A_45 = arith.constant 0 : i32
    %dma_start3A_46 = arith.constant 0 : i32
    %dma_start3A_47 = tpu.memref_slice %arg7[%dma_start3A_44, %dma_start3A_45, %dma_start3A_46] : memref<2x8x64xf32, #tpu.memory_space<vmem>> -> memref<1x8x64xf32, #tpu.memory_space<vmem>>
    %dma_start3A_48 = tpu.memref_squeeze %dma_start3A_47 : memref<1x8x64xf32, #tpu.memory_space<vmem>> -> memref<8x64xf32, #tpu.memory_space<vmem>>
    %dma_start3A_49 = arith.constant 0 : i32
    %dma_start3A_50 = tpu.memref_slice %arg3[%add3A_43, %dma_start3A_49] : memref<16384x64xf32, #tpu.memory_space<hbm>> -> memref<8x64xf32, #tpu.memory_space<hbm>>
    %dma_start3A_51 = arith.constant 0 : i32
    %dma_start3A_52 = arith.constant 0 : i32
    %dma_start3A_53 = tpu.memref_slice %arg7[%dma_start3A_44, %dma_start3A_51, %dma_start3A_52] : memref<2x8x64xf32, #tpu.memory_space<vmem>> -> memref<1x8x64xf32, #tpu.memory_space<vmem>>
    %dma_start3A_54 = tpu.memref_squeeze %dma_start3A_53 : memref<1x8x64xf32, #tpu.memory_space<vmem>> -> memref<8x64xf32, #tpu.memory_space<vmem>>
    %dma_start3A_55 = arith.constant 0 : i32
    %dma_start3A_56 = tpu.memref_slice %arg3[%add3A_43, %dma_start3A_55] : memref<16384x64xf32, #tpu.memory_space<hbm>> -> memref<8x64xf32, #tpu.memory_space<hbm>>
    tpu.enqueue_dma source(%dma_start3A_56 : memref<8x64xf32, #tpu.memory_space<hbm>>) target(%dma_start3A_54 : memref<8x64xf32, #tpu.memory_space<vmem>>) target_semaphore(%arg12 : memref<!tpu.dma_semaphore, #tpu.memory_space<semaphore_mem>>)
    %dma_start3A_57 = arith.constant 0 : i32
    %dma_start3A_58 = arith.constant 0 : i32
    %dma_start3A_59 = arith.constant 0 : i32
    %dma_start3A_60 = arith.constant 0 : i32
    %dma_start3A_61 = tpu.memref_slice %arg8[%dma_start3A_58, %dma_start3A_59, %dma_start3A_60] : memref<2x488x64xf32, #tpu.memory_space<vmem>> -> memref<1x120x64xf32, #tpu.memory_space<vmem>>
    %dma_start3A_62 = tpu.memref_squeeze %dma_start3A_61 : memref<1x120x64xf32, #tpu.memory_space<vmem>> -> memref<120x64xf32, #tpu.memory_space<vmem>>
    %dma_start3A_63 = arith.constant 0 : i32
    %dma_start3A_64 = tpu.memref_slice %arg6[%dma_start3A_57, %dma_start3A_63] : memref<2x480xi32, #tpu.memory_space<vmem>> -> memref<1x120xi32, #tpu.memory_space<vmem>>
    %dma_start3A_65 = tpu.memref_squeeze %dma_start3A_64 : memref<1x120xi32, #tpu.memory_space<vmem>> -> memref<120xi32, #tpu.memory_space<vmem>>
    %dma_start3A_66 = arith.constant 0 : i32
    %dma_start3A_67 = arith.constant 0 : i32
    %dma_start3A_68 = tpu.memref_slice %arg2[%dma_start3A_66, %dma_start3A_67] : memref<1000000x64xf32, #tpu.memory_space<hbm>> -> memref<1000000x64xf32, #tpu.memory_space<hbm>>
    tpu.enqueue_indirect_dma source(%dma_start3A_68 : memref<1000000x64xf32, #tpu.memory_space<hbm>>) target(%dma_start3A_62 : memref<120x64xf32, #tpu.memory_space<vmem>>) offsets(%dma_start3A_65 : memref<120xi32, #tpu.memory_space<vmem>>) semaphore(%arg12 : memref<!tpu.dma_semaphore, #tpu.memory_space<semaphore_mem>>)
    %dma_start3A_69 = arith.constant 0 : i32
    %dma_start3A_70 = arith.constant 0 : i32
    %dma_start3A_71 = arith.constant 120 : i32
    %dma_start3A_72 = arith.constant 0 : i32
    %dma_start3A_73 = tpu.memref_slice %arg8[%dma_start3A_70, %dma_start3A_71, %dma_start3A_72] : memref<2x488x64xf32, #tpu.memory_space<vmem>> -> memref<1x120x64xf32, #tpu.memory_space<vmem>>
    %dma_start3A_74 = tpu.memref_squeeze %dma_start3A_73 : memref<1x120x64xf32, #tpu.memory_space<vmem>> -> memref<120x64xf32, #tpu.memory_space<vmem>>
    %dma_start3A_75 = arith.constant 120 : i32
    %dma_start3A_76 = tpu.memref_slice %arg6[%dma_start3A_69, %dma_start3A_75] : memref<2x480xi32, #tpu.memory_space<vmem>> -> memref<1x120xi32, #tpu.memory_space<vmem>>
    %dma_start3A_77 = tpu.memref_squeeze %dma_start3A_76 : memref<1x120xi32, #tpu.memory_space<vmem>> -> memref<120xi32, #tpu.memory_space<vmem>>
    %dma_start3A_78 = arith.constant 0 : i32
    %dma_start3A_79 = arith.constant 0 : i32
    %dma_start3A_80 = tpu.memref_slice %arg2[%dma_start3A_78, %dma_start3A_79] : memref<1000000x64xf32, #tpu.memory_space<hbm>> -> memref<1000000x64xf32, #tpu.memory_space<hbm>>
    tpu.enqueue_indirect_dma source(%dma_start3A_80 : memref<1000000x64xf32, #tpu.memory_space<hbm>>) target(%dma_start3A_74 : memref<120x64xf32, #tpu.memory_space<vmem>>) offsets(%dma_start3A_77 : memref<120xi32, #tpu.memory_space<vmem>>) semaphore(%arg12 : memref<!tpu.dma_semaphore, #tpu.memory_space<semaphore_mem>>)
    %dma_start3A_81 = arith.constant 0 : i32
    %dma_start3A_82 = arith.constant 0 : i32
    %dma_start3A_83 = arith.constant 240 : i32
    %dma_start3A_84 = arith.constant 0 : i32
    %dma_start3A_85 = tpu.memref_slice %arg8[%dma_start3A_82, %dma_start3A_83, %dma_start3A_84] : memref<2x488x64xf32, #tpu.memory_space<vmem>> -> memref<1x120x64xf32, #tpu.memory_space<vmem>>
    %dma_start3A_86 = tpu.memref_squeeze %dma_start3A_85 : memref<1x120x64xf32, #tpu.memory_space<vmem>> -> memref<120x64xf32, #tpu.memory_space<vmem>>
    %dma_start3A_87 = arith.constant 240 : i32
    %dma_start3A_88 = tpu.memref_slice %arg6[%dma_start3A_81, %dma_start3A_87] : memref<2x480xi32, #tpu.memory_space<vmem>> -> memref<1x120xi32, #tpu.memory_space<vmem>>
    %dma_start3A_89 = tpu.memref_squeeze %dma_start3A_88 : memref<1x120xi32, #tpu.memory_space<vmem>> -> memref<120xi32, #tpu.memory_space<vmem>>
    %dma_start3A_90 = arith.constant 0 : i32
    %dma_start3A_91 = arith.constant 0 : i32
    %dma_start3A_92 = tpu.memref_slice %arg2[%dma_start3A_90, %dma_start3A_91] : memref<1000000x64xf32, #tpu.memory_space<hbm>> -> memref<1000000x64xf32, #tpu.memory_space<hbm>>
    tpu.enqueue_indirect_dma source(%dma_start3A_92 : memref<1000000x64xf32, #tpu.memory_space<hbm>>) target(%dma_start3A_86 : memref<120x64xf32, #tpu.memory_space<vmem>>) offsets(%dma_start3A_89 : memref<120xi32, #tpu.memory_space<vmem>>) semaphore(%arg12 : memref<!tpu.dma_semaphore, #tpu.memory_space<semaphore_mem>>)
    %dma_start3A_93 = arith.constant 0 : i32
    %dma_start3A_94 = arith.constant 0 : i32
    %dma_start3A_95 = arith.constant 360 : i32
    %dma_start3A_96 = arith.constant 0 : i32
    %dma_start3A_97 = tpu.memref_slice %arg8[%dma_start3A_94, %dma_start3A_95, %dma_start3A_96] : memref<2x488x64xf32, #tpu.memory_space<vmem>> -> memref<1x120x64xf32, #tpu.memory_space<vmem>>
    %dma_start3A_98 = tpu.memref_squeeze %dma_start3A_97 : memref<1x120x64xf32, #tpu.memory_space<vmem>> -> memref<120x64xf32, #tpu.memory_space<vmem>>
    %dma_start3A_99 = arith.constant 360 : i32
    %dma_start3A_100 = tpu.memref_slice %arg6[%dma_start3A_93, %dma_start3A_99] : memref<2x480xi32, #tpu.memory_space<vmem>> -> memref<1x120xi32, #tpu.memory_space<vmem>>
    %dma_start3A_101 = tpu.memref_squeeze %dma_start3A_100 : memref<1x120xi32, #tpu.memory_space<vmem>> -> memref<120xi32, #tpu.memory_space<vmem>>
    %dma_start3A_102 = arith.constant 0 : i32
    %dma_start3A_103 = arith.constant 0 : i32
    %dma_start3A_104 = tpu.memref_slice %arg2[%dma_start3A_102, %dma_start3A_103] : memref<1000000x64xf32, #tpu.memory_space<hbm>> -> memref<1000000x64xf32, #tpu.memory_space<hbm>>
    tpu.enqueue_indirect_dma source(%dma_start3A_104 : memref<1000000x64xf32, #tpu.memory_space<hbm>>) target(%dma_start3A_98 : memref<120x64xf32, #tpu.memory_space<vmem>>) offsets(%dma_start3A_101 : memref<120xi32, #tpu.memory_space<vmem>>) semaphore(%arg12 : memref<!tpu.dma_semaphore, #tpu.memory_space<semaphore_mem>>)
    %scan3A = arith.constant 0 : i32
    %scan3A_105 = arith.constant 0 : i32
    %scan3A_106 = arith.constant 32 : i32
    %scan3A_107 = arith.addi %scan3A_105, %scan3A_106 : i32
    %scan3A_108 = arith.constant 1 : i32
    scf.for %scan3A_132 = %scan3A_105 to %scan3A_107 step %scan3A_108  : i32 {
      %mul3A_133 = arith.constant 2 : i32
      %mul3A_134 = arith.muli %scan3A_132, %mul3A_133 : i32
      %dma_wait3A_135 = arith.constant 0 : i32
      %dma_wait3A_136 = arith.constant 0 : i32
      %dma_wait3A_137 = arith.constant 0 : i32
      %dma_wait3A_138 = tpu.memref_slice %arg7[%dma_wait3A_135, %dma_wait3A_136, %dma_wait3A_137] : memref<2x8x64xf32, #tpu.memory_space<vmem>> -> memref<1x8x64xf32, #tpu.memory_space<vmem>>
      %dma_wait3A_139 = tpu.memref_squeeze %dma_wait3A_138 : memref<1x8x64xf32, #tpu.memory_space<vmem>> -> memref<8x64xf32, #tpu.memory_space<vmem>>
      %dma_wait3A_140 = arith.constant 0 : i32
      %dma_wait3A_141 = arith.constant 0 : i32
      %dma_wait3A_142 = tpu.memref_slice %arg3[%dma_wait3A_140, %dma_wait3A_141] : memref<16384x64xf32, #tpu.memory_space<hbm>> -> memref<8x64xf32, #tpu.memory_space<hbm>>
      %dma_wait3A_143 = arith.constant 0 : i32
      %dma_wait3A_144 = arith.constant 0 : i32
      %dma_wait3A_145 = tpu.memref_slice %arg7[%dma_wait3A_135, %dma_wait3A_143, %dma_wait3A_144] : memref<2x8x64xf32, #tpu.memory_space<vmem>> -> memref<1x8x64xf32, #tpu.memory_space<vmem>>
      %dma_wait3A_146 = tpu.memref_squeeze %dma_wait3A_145 : memref<1x8x64xf32, #tpu.memory_space<vmem>> -> memref<8x64xf32, #tpu.memory_space<vmem>>
      %dma_wait3A_147 = arith.constant 0 : i32
      %dma_wait3A_148 = arith.constant 0 : i32
      %dma_wait3A_149 = tpu.memref_slice %arg3[%dma_wait3A_147, %dma_wait3A_148] : memref<16384x64xf32, #tpu.memory_space<hbm>> -> memref<8x64xf32, #tpu.memory_space<hbm>>
      tpu.wait_dma2 semaphore(%arg12 : memref<!tpu.dma_semaphore, #tpu.memory_space<semaphore_mem>>) src(%dma_wait3A_149 : memref<8x64xf32, #tpu.memory_space<hbm>>) dst(%dma_wait3A_146 : memref<8x64xf32, #tpu.memory_space<vmem>>)
      %dma_wait3A_150 = arith.constant 0 : i32
      %dma_wait3A_151 = arith.constant 0 : i32
      %dma_wait3A_152 = arith.constant 0 : i32
      %dma_wait3A_153 = arith.constant 0 : i32
      %dma_wait3A_154 = tpu.memref_slice %arg8[%dma_wait3A_151, %dma_wait3A_152, %dma_wait3A_153] : memref<2x488x64xf32, #tpu.memory_space<vmem>> -> memref<1x120x64xf32, #tpu.memory_space<vmem>>
      %dma_wait3A_155 = tpu.memref_squeeze %dma_wait3A_154 : memref<1x120x64xf32, #tpu.memory_space<vmem>> -> memref<120x64xf32, #tpu.memory_space<vmem>>
      %dma_wait3A_156 = arith.constant 0 : i32
      %dma_wait3A_157 = tpu.memref_slice %arg6[%dma_wait3A_150, %dma_wait3A_156] : memref<2x480xi32, #tpu.memory_space<vmem>> -> memref<1x120xi32, #tpu.memory_space<vmem>>
      %dma_wait3A_158 = tpu.memref_squeeze %dma_wait3A_157 : memref<1x120xi32, #tpu.memory_space<vmem>> -> memref<120xi32, #tpu.memory_space<vmem>>
      %dma_wait3A_159 = arith.constant 0 : i32
      %dma_wait3A_160 = arith.constant 0 : i32
      %dma_wait3A_161 = tpu.memref_slice %arg2[%dma_wait3A_159, %dma_wait3A_160] : memref<1000000x64xf32, #tpu.memory_space<hbm>> -> memref<1000000x64xf32, #tpu.memory_space<hbm>>
      tpu.wait_indirect_dma semaphore(%arg12 : memref<!tpu.dma_semaphore, #tpu.memory_space<semaphore_mem>>) src(%dma_wait3A_161 : memref<1000000x64xf32, #tpu.memory_space<hbm>>) dst(%dma_wait3A_155 : memref<120x64xf32, #tpu.memory_space<vmem>>)
      %dma_wait3A_162 = arith.constant 0 : i32
      %dma_wait3A_163 = arith.constant 0 : i32
      %dma_wait3A_164 = arith.constant 120 : i32
      %dma_wait3A_165 = arith.constant 0 : i32
      %dma_wait3A_166 = tpu.memref_slice %arg8[%dma_wait3A_163, %dma_wait3A_164, %dma_wait3A_165] : memref<2x488x64xf32, #tpu.memory_space<vmem>> -> memref<1x120x64xf32, #tpu.memory_space<vmem>>
      %dma_wait3A_167 = tpu.memref_squeeze %dma_wait3A_166 : memref<1x120x64xf32, #tpu.memory_space<vmem>> -> memref<120x64xf32, #tpu.memory_space<vmem>>
      %dma_wait3A_168 = arith.constant 120 : i32
      %dma_wait3A_169 = tpu.memref_slice %arg6[%dma_wait3A_162, %dma_wait3A_168] : memref<2x480xi32, #tpu.memory_space<vmem>> -> memref<1x120xi32, #tpu.memory_space<vmem>>
      %dma_wait3A_170 = tpu.memref_squeeze %dma_wait3A_169 : memref<1x120xi32, #tpu.memory_space<vmem>> -> memref<120xi32, #tpu.memory_space<vmem>>
      %dma_wait3A_171 = arith.constant 0 : i32
      %dma_wait3A_172 = arith.constant 0 : i32
      %dma_wait3A_173 = tpu.memref_slice %arg2[%dma_wait3A_171, %dma_wait3A_172] : memref<1000000x64xf32, #tpu.memory_space<hbm>> -> memref<1000000x64xf32, #tpu.memory_space<hbm>>
      tpu.wait_indirect_dma semaphore(%arg12 : memref<!tpu.dma_semaphore, #tpu.memory_space<semaphore_mem>>) src(%dma_wait3A_173 : memref<1000000x64xf32, #tpu.memory_space<hbm>>) dst(%dma_wait3A_167 : memref<120x64xf32, #tpu.memory_space<vmem>>)
      %dma_wait3A_174 = arith.constant 0 : i32
      %dma_wait3A_175 = arith.constant 0 : i32
      %dma_wait3A_176 = arith.constant 240 : i32
      %dma_wait3A_177 = arith.constant 0 : i32
      %dma_wait3A_178 = tpu.memref_slice %arg8[%dma_wait3A_175, %dma_wait3A_176, %dma_wait3A_177] : memref<2x488x64xf32, #tpu.memory_space<vmem>> -> memref<1x120x64xf32, #tpu.memory_space<vmem>>
      %dma_wait3A_179 = tpu.memref_squeeze %dma_wait3A_178 : memref<1x120x64xf32, #tpu.memory_space<vmem>> -> memref<120x64xf32, #tpu.memory_space<vmem>>
      %dma_wait3A_180 = arith.constant 240 : i32
      %dma_wait3A_181 = tpu.memref_slice %arg6[%dma_wait3A_174, %dma_wait3A_180] : memref<2x480xi32, #tpu.memory_space<vmem>> -> memref<1x120xi32, #tpu.memory_space<vmem>>
      %dma_wait3A_182 = tpu.memref_squeeze %dma_wait3A_181 : memref<1x120xi32, #tpu.memory_space<vmem>> -> memref<120xi32, #tpu.memory_space<vmem>>
      %dma_wait3A_183 = arith.constant 0 : i32
      %dma_wait3A_184 = arith.constant 0 : i32
      %dma_wait3A_185 = tpu.memref_slice %arg2[%dma_wait3A_183, %dma_wait3A_184] : memref<1000000x64xf32, #tpu.memory_space<hbm>> -> memref<1000000x64xf32, #tpu.memory_space<hbm>>
      tpu.wait_indirect_dma semaphore(%arg12 : memref<!tpu.dma_semaphore, #tpu.memory_space<semaphore_mem>>) src(%dma_wait3A_185 : memref<1000000x64xf32, #tpu.memory_space<hbm>>) dst(%dma_wait3A_179 : memref<120x64xf32, #tpu.memory_space<vmem>>)
      %dma_wait3A_186 = arith.constant 0 : i32
      %dma_wait3A_187 = arith.constant 0 : i32
      %dma_wait3A_188 = arith.constant 360 : i32
      %dma_wait3A_189 = arith.constant 0 : i32
      %dma_wait3A_190 = tpu.memref_slice %arg8[%dma_wait3A_187, %dma_wait3A_188, %dma_wait3A_189] : memref<2x488x64xf32, #tpu.memory_space<vmem>> -> memref<1x120x64xf32, #tpu.memory_space<vmem>>
      %dma_wait3A_191 = tpu.memref_squeeze %dma_wait3A_190 : memref<1x120x64xf32, #tpu.memory_space<vmem>> -> memref<120x64xf32, #tpu.memory_space<vmem>>
      %dma_wait3A_192 = arith.constant 360 : i32
      %dma_wait3A_193 = tpu.memref_slice %arg6[%dma_wait3A_186, %dma_wait3A_192] : memref<2x480xi32, #tpu.memory_space<vmem>> -> memref<1x120xi32, #tpu.memory_space<vmem>>
      %dma_wait3A_194 = tpu.memref_squeeze %dma_wait3A_193 : memref<1x120xi32, #tpu.memory_space<vmem>> -> memref<120xi32, #tpu.memory_space<vmem>>
      %dma_wait3A_195 = arith.constant 0 : i32
      %dma_wait3A_196 = arith.constant 0 : i32
      %dma_wait3A_197 = tpu.memref_slice %arg2[%dma_wait3A_195, %dma_wait3A_196] : memref<1000000x64xf32, #tpu.memory_space<hbm>> -> memref<1000000x64xf32, #tpu.memory_space<hbm>>
      tpu.wait_indirect_dma semaphore(%arg12 : memref<!tpu.dma_semaphore, #tpu.memory_space<semaphore_mem>>) src(%dma_wait3A_197 : memref<1000000x64xf32, #tpu.memory_space<hbm>>) dst(%dma_wait3A_191 : memref<120x64xf32, #tpu.memory_space<vmem>>)
      %add3A_198 = arith.constant 2 : i32
      %add3A_199 = arith.addi %mul3A_134, %add3A_198 : i32
      %lt3A = arith.constant 64 : i32
      %lt3A_200 = arith.cmpi slt, %add3A_199, %lt3A : i32
      %convert_element_type3A = arith.extui %lt3A_200 : i1 to i32
      %cond3A = arith.constant 0 : i32
      %cond3A_201 = arith.cmpi ne, %convert_element_type3A, %cond3A : i32
      scf.if %cond3A_201 {
        %add3A_335 = arith.constant 2 : i32
        %add3A_336 = arith.addi %mul3A_134, %add3A_335 : i32
        %mul3A_337 = arith.constant 512 : i32
        %mul3A_338 = arith.muli %add3A, %mul3A_337 : i32
        %mul3A_339 = arith.constant 8 : i32
        %mul3A_340 = arith.muli %add3A_336, %mul3A_339 : i32
        %add3A_341 = arith.addi %mul3A_338, %mul3A_340 : i32
        %mul3A_342 = arith.constant 60 : i32
        %mul3A_343 = arith.muli %add3A_341, %mul3A_342 : i32
        %dma_start3A_344 = arith.constant 0 : i32
        %dma_start3A_345 = arith.constant 0 : i32
        %dma_start3A_346 = tpu.memref_slice %arg6[%dma_start3A_344, %dma_start3A_345] : memref<2x480xi32, #tpu.memory_space<vmem>> -> memref<1x480xi32, #tpu.memory_space<vmem>>
        %dma_start3A_347 = tpu.memref_squeeze %dma_start3A_346 : memref<1x480xi32, #tpu.memory_space<vmem>> -> memref<480xi32, #tpu.memory_space<vmem>>
        %dma_start3A_348 = tpu.memref_slice %arg4[%mul3A_343] : memref<983040xi32, #tpu.memory_space<hbm>> -> memref<480xi32, #tpu.memory_space<hbm>>
        %dma_start3A_349 = arith.constant 0 : i32
        %dma_start3A_350 = tpu.memref_slice %arg6[%dma_start3A_344, %dma_start3A_349] : memref<2x480xi32, #tpu.memory_space<vmem>> -> memref<1x480xi32, #tpu.memory_space<vmem>>
        %dma_start3A_351 = tpu.memref_squeeze %dma_start3A_350 : memref<1x480xi32, #tpu.memory_space<vmem>> -> memref<480xi32, #tpu.memory_space<vmem>>
        %dma_start3A_352 = tpu.memref_slice %arg4[%mul3A_343] : memref<983040xi32, #tpu.memory_space<hbm>> -> memref<480xi32, #tpu.memory_space<hbm>>
        tpu.enqueue_dma source(%dma_start3A_352 : memref<480xi32, #tpu.memory_space<hbm>>) target(%dma_start3A_351 : memref<480xi32, #tpu.memory_space<vmem>>) target_semaphore(%arg10 : memref<!tpu.dma_semaphore, #tpu.memory_space<semaphore_mem>>)
      } else {
      }
      %add3A_202 = arith.constant 1 : i32
      %add3A_203 = arith.addi %mul3A_134, %add3A_202 : i32
      %lt3A_204 = arith.constant 64 : i32
      %lt3A_205 = arith.cmpi slt, %add3A_203, %lt3A_204 : i32
      %convert_element_type3A_206 = arith.extui %lt3A_205 : i1 to i32
      %cond3A_207 = arith.constant 0 : i32
      %cond3A_208 = arith.cmpi ne, %convert_element_type3A_206, %cond3A_207 : i32
      scf.if %cond3A_208 {
        %dma_wait3A_335 = arith.constant 1 : i32
        %dma_wait3A_336 = arith.constant 0 : i32
        %dma_wait3A_337 = tpu.memref_slice %arg6[%dma_wait3A_335, %dma_wait3A_336] : memref<2x480xi32, #tpu.memory_space<vmem>> -> memref<1x480xi32, #tpu.memory_space<vmem>>
        %dma_wait3A_338 = tpu.memref_squeeze %dma_wait3A_337 : memref<1x480xi32, #tpu.memory_space<vmem>> -> memref<480xi32, #tpu.memory_space<vmem>>
        %dma_wait3A_339 = arith.constant 0 : i32
        %dma_wait3A_340 = tpu.memref_slice %arg4[%dma_wait3A_339] : memref<983040xi32, #tpu.memory_space<hbm>> -> memref<480xi32, #tpu.memory_space<hbm>>
        %dma_wait3A_341 = arith.constant 0 : i32
        %dma_wait3A_342 = tpu.memref_slice %arg6[%dma_wait3A_335, %dma_wait3A_341] : memref<2x480xi32, #tpu.memory_space<vmem>> -> memref<1x480xi32, #tpu.memory_space<vmem>>
        %dma_wait3A_343 = tpu.memref_squeeze %dma_wait3A_342 : memref<1x480xi32, #tpu.memory_space<vmem>> -> memref<480xi32, #tpu.memory_space<vmem>>
        %dma_wait3A_344 = arith.constant 0 : i32
        %dma_wait3A_345 = tpu.memref_slice %arg4[%dma_wait3A_344] : memref<983040xi32, #tpu.memory_space<hbm>> -> memref<480xi32, #tpu.memory_space<hbm>>
        tpu.wait_dma2 semaphore(%arg11 : memref<!tpu.dma_semaphore, #tpu.memory_space<semaphore_mem>>) src(%dma_wait3A_345 : memref<480xi32, #tpu.memory_space<hbm>>) dst(%dma_wait3A_343 : memref<480xi32, #tpu.memory_space<vmem>>)
        %add3A_346 = arith.constant 1 : i32
        %add3A_347 = arith.addi %mul3A_134, %add3A_346 : i32
        %mul3A_348 = arith.constant 512 : i32
        %mul3A_349 = arith.muli %add3A, %mul3A_348 : i32
        %mul3A_350 = arith.constant 8 : i32
        %mul3A_351 = arith.muli %add3A_347, %mul3A_350 : i32
        %add3A_352 = arith.addi %mul3A_349, %mul3A_351 : i32
        %dma_start3A_353 = arith.constant 1 : i32
        %dma_start3A_354 = arith.constant 0 : i32
        %dma_start3A_355 = arith.constant 0 : i32
        %dma_start3A_356 = tpu.memref_slice %arg7[%dma_start3A_353, %dma_start3A_354, %dma_start3A_355] : memref<2x8x64xf32, #tpu.memory_space<vmem>> -> memref<1x8x64xf32, #tpu.memory_space<vmem>>
        %dma_start3A_357 = tpu.memref_squeeze %dma_start3A_356 : memref<1x8x64xf32, #tpu.memory_space<vmem>> -> memref<8x64xf32, #tpu.memory_space<vmem>>
        %dma_start3A_358 = arith.constant 0 : i32
        %dma_start3A_359 = tpu.memref_slice %arg3[%add3A_352, %dma_start3A_358] : memref<16384x64xf32, #tpu.memory_space<hbm>> -> memref<8x64xf32, #tpu.memory_space<hbm>>
        %dma_start3A_360 = arith.constant 0 : i32
        %dma_start3A_361 = arith.constant 0 : i32
        %dma_start3A_362 = tpu.memref_slice %arg7[%dma_start3A_353, %dma_start3A_360, %dma_start3A_361] : memref<2x8x64xf32, #tpu.memory_space<vmem>> -> memref<1x8x64xf32, #tpu.memory_space<vmem>>
        %dma_start3A_363 = tpu.memref_squeeze %dma_start3A_362 : memref<1x8x64xf32, #tpu.memory_space<vmem>> -> memref<8x64xf32, #tpu.memory_space<vmem>>
        %dma_start3A_364 = arith.constant 0 : i32
        %dma_start3A_365 = tpu.memref_slice %arg3[%add3A_352, %dma_start3A_364] : memref<16384x64xf32, #tpu.memory_space<hbm>> -> memref<8x64xf32, #tpu.memory_space<hbm>>
        tpu.enqueue_dma source(%dma_start3A_365 : memref<8x64xf32, #tpu.memory_space<hbm>>) target(%dma_start3A_363 : memref<8x64xf32, #tpu.memory_space<vmem>>) target_semaphore(%arg13 : memref<!tpu.dma_semaphore, #tpu.memory_space<semaphore_mem>>)
        %dma_start3A_366 = arith.constant 1 : i32
        %dma_start3A_367 = arith.constant 1 : i32
        %dma_start3A_368 = arith.constant 0 : i32
        %dma_start3A_369 = arith.constant 0 : i32
        %dma_start3A_370 = tpu.memref_slice %arg8[%dma_start3A_367, %dma_start3A_368, %dma_start3A_369] : memref<2x488x64xf32, #tpu.memory_space<vmem>> -> memref<1x120x64xf32, #tpu.memory_space<vmem>>
        %dma_start3A_371 = tpu.memref_squeeze %dma_start3A_370 : memref<1x120x64xf32, #tpu.memory_space<vmem>> -> memref<120x64xf32, #tpu.memory_space<vmem>>
        %dma_start3A_372 = arith.constant 0 : i32
        %dma_start3A_373 = tpu.memref_slice %arg6[%dma_start3A_366, %dma_start3A_372] : memref<2x480xi32, #tpu.memory_space<vmem>> -> memref<1x120xi32, #tpu.memory_space<vmem>>
        %dma_start3A_374 = tpu.memref_squeeze %dma_start3A_373 : memref<1x120xi32, #tpu.memory_space<vmem>> -> memref<120xi32, #tpu.memory_space<vmem>>
        %dma_start3A_375 = arith.constant 0 : i32
        %dma_start3A_376 = arith.constant 0 : i32
        %dma_start3A_377 = tpu.memref_slice %arg2[%dma_start3A_375, %dma_start3A_376] : memref<1000000x64xf32, #tpu.memory_space<hbm>> -> memref<1000000x64xf32, #tpu.memory_space<hbm>>
        tpu.enqueue_indirect_dma source(%dma_start3A_377 : memref<1000000x64xf32, #tpu.memory_space<hbm>>) target(%dma_start3A_371 : memref<120x64xf32, #tpu.memory_space<vmem>>) offsets(%dma_start3A_374 : memref<120xi32, #tpu.memory_space<vmem>>) semaphore(%arg13 : memref<!tpu.dma_semaphore, #tpu.memory_space<semaphore_mem>>)
        %dma_start3A_378 = arith.constant 1 : i32
        %dma_start3A_379 = arith.constant 1 : i32
        %dma_start3A_380 = arith.constant 120 : i32
        %dma_start3A_381 = arith.constant 0 : i32
        %dma_start3A_382 = tpu.memref_slice %arg8[%dma_start3A_379, %dma_start3A_380, %dma_start3A_381] : memref<2x488x64xf32, #tpu.memory_space<vmem>> -> memref<1x120x64xf32, #tpu.memory_space<vmem>>
        %dma_start3A_383 = tpu.memref_squeeze %dma_start3A_382 : memref<1x120x64xf32, #tpu.memory_space<vmem>> -> memref<120x64xf32, #tpu.memory_space<vmem>>
        %dma_start3A_384 = arith.constant 120 : i32
        %dma_start3A_385 = tpu.memref_slice %arg6[%dma_start3A_378, %dma_start3A_384] : memref<2x480xi32, #tpu.memory_space<vmem>> -> memref<1x120xi32, #tpu.memory_space<vmem>>
        %dma_start3A_386 = tpu.memref_squeeze %dma_start3A_385 : memref<1x120xi32, #tpu.memory_space<vmem>> -> memref<120xi32, #tpu.memory_space<vmem>>
        %dma_start3A_387 = arith.constant 0 : i32
        %dma_start3A_388 = arith.constant 0 : i32
        %dma_start3A_389 = tpu.memref_slice %arg2[%dma_start3A_387, %dma_start3A_388] : memref<1000000x64xf32, #tpu.memory_space<hbm>> -> memref<1000000x64xf32, #tpu.memory_space<hbm>>
        tpu.enqueue_indirect_dma source(%dma_start3A_389 : memref<1000000x64xf32, #tpu.memory_space<hbm>>) target(%dma_start3A_383 : memref<120x64xf32, #tpu.memory_space<vmem>>) offsets(%dma_start3A_386 : memref<120xi32, #tpu.memory_space<vmem>>) semaphore(%arg13 : memref<!tpu.dma_semaphore, #tpu.memory_space<semaphore_mem>>)
        %dma_start3A_390 = arith.constant 1 : i32
        %dma_start3A_391 = arith.constant 1 : i32
        %dma_start3A_392 = arith.constant 240 : i32
        %dma_start3A_393 = arith.constant 0 : i32
        %dma_start3A_394 = tpu.memref_slice %arg8[%dma_start3A_391, %dma_start3A_392, %dma_start3A_393] : memref<2x488x64xf32, #tpu.memory_space<vmem>> -> memref<1x120x64xf32, #tpu.memory_space<vmem>>
        %dma_start3A_395 = tpu.memref_squeeze %dma_start3A_394 : memref<1x120x64xf32, #tpu.memory_space<vmem>> -> memref<120x64xf32, #tpu.memory_space<vmem>>
        %dma_start3A_396 = arith.constant 240 : i32
        %dma_start3A_397 = tpu.memref_slice %arg6[%dma_start3A_390, %dma_start3A_396] : memref<2x480xi32, #tpu.memory_space<vmem>> -> memref<1x120xi32, #tpu.memory_space<vmem>>
        %dma_start3A_398 = tpu.memref_squeeze %dma_start3A_397 : memref<1x120xi32, #tpu.memory_space<vmem>> -> memref<120xi32, #tpu.memory_space<vmem>>
        %dma_start3A_399 = arith.constant 0 : i32
        %dma_start3A_400 = arith.constant 0 : i32
        %dma_start3A_401 = tpu.memref_slice %arg2[%dma_start3A_399, %dma_start3A_400] : memref<1000000x64xf32, #tpu.memory_space<hbm>> -> memref<1000000x64xf32, #tpu.memory_space<hbm>>
        tpu.enqueue_indirect_dma source(%dma_start3A_401 : memref<1000000x64xf32, #tpu.memory_space<hbm>>) target(%dma_start3A_395 : memref<120x64xf32, #tpu.memory_space<vmem>>) offsets(%dma_start3A_398 : memref<120xi32, #tpu.memory_space<vmem>>) semaphore(%arg13 : memref<!tpu.dma_semaphore, #tpu.memory_space<semaphore_mem>>)
        %dma_start3A_402 = arith.constant 1 : i32
        %dma_start3A_403 = arith.constant 1 : i32
        %dma_start3A_404 = arith.constant 360 : i32
        %dma_start3A_405 = arith.constant 0 : i32
        %dma_start3A_406 = tpu.memref_slice %arg8[%dma_start3A_403, %dma_start3A_404, %dma_start3A_405] : memref<2x488x64xf32, #tpu.memory_space<vmem>> -> memref<1x120x64xf32, #tpu.memory_space<vmem>>
        %dma_start3A_407 = tpu.memref_squeeze %dma_start3A_406 : memref<1x120x64xf32, #tpu.memory_space<vmem>> -> memref<120x64xf32, #tpu.memory_space<vmem>>
        %dma_start3A_408 = arith.constant 360 : i32
        %dma_start3A_409 = tpu.memref_slice %arg6[%dma_start3A_402, %dma_start3A_408] : memref<2x480xi32, #tpu.memory_space<vmem>> -> memref<1x120xi32, #tpu.memory_space<vmem>>
        %dma_start3A_410 = tpu.memref_squeeze %dma_start3A_409 : memref<1x120xi32, #tpu.memory_space<vmem>> -> memref<120xi32, #tpu.memory_space<vmem>>
        %dma_start3A_411 = arith.constant 0 : i32
        %dma_start3A_412 = arith.constant 0 : i32
        %dma_start3A_413 = tpu.memref_slice %arg2[%dma_start3A_411, %dma_start3A_412] : memref<1000000x64xf32, #tpu.memory_space<hbm>> -> memref<1000000x64xf32, #tpu.memory_space<hbm>>
        tpu.enqueue_indirect_dma source(%dma_start3A_413 : memref<1000000x64xf32, #tpu.memory_space<hbm>>) target(%dma_start3A_407 : memref<120x64xf32, #tpu.memory_space<vmem>>) offsets(%dma_start3A_410 : memref<120xi32, #tpu.memory_space<vmem>>) semaphore(%arg13 : memref<!tpu.dma_semaphore, #tpu.memory_space<semaphore_mem>>)
      } else {
      }
      %ge3A = arith.constant 2 : i32
      %ge3A_209 = arith.cmpi sge, %mul3A_134, %ge3A : i32
      %convert_element_type3A_210 = arith.extui %ge3A_209 : i1 to i32
      %cond3A_211 = arith.constant 0 : i32
      %cond3A_212 = arith.cmpi ne, %convert_element_type3A_210, %cond3A_211 : i32
      scf.if %cond3A_212 {
        %dma_wait3A_335 = arith.constant 0 : i32
        %dma_wait3A_336 = arith.constant 0 : i32
        %dma_wait3A_337 = tpu.memref_slice %arg9[%dma_wait3A_335, %dma_wait3A_336] : memref<2x512xf32, #tpu.memory_space<vmem>> -> memref<1x512xf32, #tpu.memory_space<vmem>>
        %dma_wait3A_338 = tpu.memref_squeeze %dma_wait3A_337 : memref<1x512xf32, #tpu.memory_space<vmem>> -> memref<512xf32, #tpu.memory_space<vmem>>
        %dma_wait3A_339 = arith.constant 0 : i32
        %dma_wait3A_340 = tpu.memref_slice %arg5[%dma_wait3A_339] : memref<1048576xf32, #tpu.memory_space<hbm>> -> memref<512xf32, #tpu.memory_space<hbm>>
        %dma_wait3A_341 = arith.constant 0 : i32
        %dma_wait3A_342 = tpu.memref_slice %arg5[%dma_wait3A_341] : memref<1048576xf32, #tpu.memory_space<hbm>> -> memref<512xf32, #tpu.memory_space<hbm>>
        %dma_wait3A_343 = arith.constant 0 : i32
        %dma_wait3A_344 = tpu.memref_slice %arg9[%dma_wait3A_335, %dma_wait3A_343] : memref<2x512xf32, #tpu.memory_space<vmem>> -> memref<1x512xf32, #tpu.memory_space<vmem>>
        %dma_wait3A_345 = tpu.memref_squeeze %dma_wait3A_344 : memref<1x512xf32, #tpu.memory_space<vmem>> -> memref<512xf32, #tpu.memory_space<vmem>>
        tpu.wait_dma2 semaphore(%arg14 : memref<!tpu.dma_semaphore, #tpu.memory_space<semaphore_mem>>) src(%dma_wait3A_345 : memref<512xf32, #tpu.memory_space<vmem>>) dst(%dma_wait3A_342 : memref<512xf32, #tpu.memory_space<hbm>>)
      } else {
      }
      %iota3A = tpu.iota {dimensions = array<i32: 0>} : vector<16xi32>
      %parallel_loop3A = arith.constant 0 : i32
      %parallel_loop3A_213 = arith.constant 32 : i32
      %parallel_loop3A_214 = arith.constant 1 : i32
      scf.for %parallel_loop3A_335 = %parallel_loop3A to %parallel_loop3A_213 step %parallel_loop3A_214  : i32 {
        %parallel_loop3A_336 = arith.constant 4 : i32
        %parallel_loop3A_337 = arith.divsi %parallel_loop3A_335, %parallel_loop3A_336 : i32
        %parallel_loop3A_338 = arith.constant 0 : i32
        %parallel_loop3A_339 = arith.cmpi sgt, %parallel_loop3A_335, %parallel_loop3A_338 : i32
        %parallel_loop3A_340 = arith.extui %parallel_loop3A_339 : i1 to i32
        %parallel_loop3A_341 = arith.constant 0 : i32
        %parallel_loop3A_342 = arith.cmpi slt, %parallel_loop3A_335, %parallel_loop3A_341 : i32
        %parallel_loop3A_343 = arith.extui %parallel_loop3A_342 : i1 to i32
        %parallel_loop3A_344 = arith.subi %parallel_loop3A_340, %parallel_loop3A_343 : i32
        %parallel_loop3A_345 = arith.constant 0 : i32
        %parallel_loop3A_346 = arith.cmpi sgt, %parallel_loop3A_336, %parallel_loop3A_345 : i32
        %parallel_loop3A_347 = arith.extui %parallel_loop3A_346 : i1 to i32
        %parallel_loop3A_348 = arith.constant 0 : i32
        %parallel_loop3A_349 = arith.cmpi slt, %parallel_loop3A_336, %parallel_loop3A_348 : i32
        %parallel_loop3A_350 = arith.extui %parallel_loop3A_349 : i1 to i32
        %parallel_loop3A_351 = arith.subi %parallel_loop3A_347, %parallel_loop3A_350 : i32
        %parallel_loop3A_352 = arith.cmpi ne, %parallel_loop3A_344, %parallel_loop3A_351 : i32
        %parallel_loop3A_353 = arith.remsi %parallel_loop3A_335, %parallel_loop3A_336 : i32
        %parallel_loop3A_354 = arith.constant 0 : i32
        %parallel_loop3A_355 = arith.cmpi ne, %parallel_loop3A_353, %parallel_loop3A_354 : i32
        %parallel_loop3A_356 = arith.andi %parallel_loop3A_352, %parallel_loop3A_355 : i1
        %parallel_loop3A_357 = arith.constant 1 : i32
        %parallel_loop3A_358 = arith.subi %parallel_loop3A_337, %parallel_loop3A_357 : i32
        %parallel_loop3A_359 = arith.select %parallel_loop3A_356, %parallel_loop3A_358, %parallel_loop3A_337 : i32
        %parallel_loop3A_360 = arith.constant 4 : i32
        %parallel_loop3A_361 = arith.muli %parallel_loop3A_359, %parallel_loop3A_360 : i32
        %parallel_loop3A_362 = arith.subi %parallel_loop3A_335, %parallel_loop3A_361 : i32
        %parallel_loop3A_363 = arith.constant 0 : i32
        %parallel_loop3A_364 = arith.index_cast %parallel_loop3A_363 : i32 to index
        %parallel_loop3A_365 = arith.index_cast %parallel_loop3A_359 : i32 to index
        %parallel_loop3A_366 = arith.constant 0 : index
        %parallel_loop3A_367 = tpu.vector_load %arg7[%parallel_loop3A_364, %parallel_loop3A_365, %parallel_loop3A_366] {strides = array<i32>} : memref<2x8x64xf32, #tpu.memory_space<vmem>>, vector<1x1x16xf32>,
        %parallel_loop3A_368 = vector.shape_cast %parallel_loop3A_367 : vector<1x1x16xf32> to vector<16xf32>
        %parallel_loop3A_369 = arith.constant 0 : i32
        %parallel_loop3A_370 = arith.index_cast %parallel_loop3A_369 : i32 to index
        %parallel_loop3A_371 = arith.index_cast %parallel_loop3A_359 : i32 to index
        %parallel_loop3A_372 = arith.constant 16 : index
        %parallel_loop3A_373 = tpu.vector_load %arg7[%parallel_loop3A_370, %parallel_loop3A_371, %parallel_loop3A_372] {strides = array<i32>} : memref<2x8x64xf32, #tpu.memory_space<vmem>>, vector<1x1x16xf32>,
        %parallel_loop3A_374 = vector.shape_cast %parallel_loop3A_373 : vector<1x1x16xf32> to vector<16xf32>
        %parallel_loop3A_375 = arith.constant 0 : i32
        %parallel_loop3A_376 = arith.index_cast %parallel_loop3A_375 : i32 to index
        %parallel_loop3A_377 = arith.index_cast %parallel_loop3A_359 : i32 to index
        %parallel_loop3A_378 = arith.constant 32 : index
        %parallel_loop3A_379 = tpu.vector_load %arg7[%parallel_loop3A_376, %parallel_loop3A_377, %parallel_loop3A_378] {strides = array<i32>} : memref<2x8x64xf32, #tpu.memory_space<vmem>>, vector<1x1x16xf32>,
        %parallel_loop3A_380 = vector.shape_cast %parallel_loop3A_379 : vector<1x1x16xf32> to vector<16xf32>
        %parallel_loop3A_381 = arith.constant 0 : i32
        %parallel_loop3A_382 = arith.index_cast %parallel_loop3A_381 : i32 to index
        %parallel_loop3A_383 = arith.index_cast %parallel_loop3A_359 : i32 to index
        %parallel_loop3A_384 = arith.constant 48 : index
        %parallel_loop3A_385 = tpu.vector_load %arg7[%parallel_loop3A_382, %parallel_loop3A_383, %parallel_loop3A_384] {strides = array<i32>} : memref<2x8x64xf32, #tpu.memory_space<vmem>>, vector<1x1x16xf32>,
        %parallel_loop3A_386 = vector.shape_cast %parallel_loop3A_385 : vector<1x1x16xf32> to vector<16xf32>
        %parallel_loop3A_387 = arith.constant 60 : i32
        %parallel_loop3A_388 = arith.muli %parallel_loop3A_359, %parallel_loop3A_387 : i32
        %parallel_loop3A_389 = arith.constant 16 : i32
        %parallel_loop3A_390 = arith.muli %parallel_loop3A_362, %parallel_loop3A_389 : i32
        %parallel_loop3A_391 = arith.addi %parallel_loop3A_388, %parallel_loop3A_390 : i32
        %parallel_loop3A_392 = arith.constant 0 : i32
        %parallel_loop3A_393 = arith.addi %parallel_loop3A_391, %parallel_loop3A_392 : i32
        %parallel_loop3A_394 = arith.constant 0 : i32
        %parallel_loop3A_395 = arith.index_cast %parallel_loop3A_394 : i32 to index
        %parallel_loop3A_396 = arith.index_cast %parallel_loop3A_393 : i32 to index
        %parallel_loop3A_397 = arith.constant 0 : index
        %parallel_loop3A_398 = tpu.vector_load %arg8[%parallel_loop3A_395, %parallel_loop3A_396, %parallel_loop3A_397] {strides = array<i32>} : memref<2x488x64xf32, #tpu.memory_space<vmem>>, vector<1x1x16xf32>,
        %parallel_loop3A_399 = vector.shape_cast %parallel_loop3A_398 : vector<1x1x16xf32> to vector<16xf32>
        %parallel_loop3A_400 = arith.mulf %parallel_loop3A_399, %parallel_loop3A_368 : vector<16xf32>
        %parallel_loop3A_401 = arith.constant 0 : i32
        %parallel_loop3A_402 = arith.index_cast %parallel_loop3A_401 : i32 to index
        %parallel_loop3A_403 = arith.index_cast %parallel_loop3A_393 : i32 to index
        %parallel_loop3A_404 = arith.constant 16 : index
        %parallel_loop3A_405 = tpu.vector_load %arg8[%parallel_loop3A_402, %parallel_loop3A_403, %parallel_loop3A_404] {strides = array<i32>} : memref<2x488x64xf32, #tpu.memory_space<vmem>>, vector<1x1x16xf32>,
        %parallel_loop3A_406 = vector.shape_cast %parallel_loop3A_405 : vector<1x1x16xf32> to vector<16xf32>
        %parallel_loop3A_407 = arith.mulf %parallel_loop3A_406, %parallel_loop3A_374 : vector<16xf32>
        %parallel_loop3A_408 = arith.addf %parallel_loop3A_400, %parallel_loop3A_407 : vector<16xf32>
        %parallel_loop3A_409 = arith.constant 0 : i32
        %parallel_loop3A_410 = arith.index_cast %parallel_loop3A_409 : i32 to index
        %parallel_loop3A_411 = arith.index_cast %parallel_loop3A_393 : i32 to index
        %parallel_loop3A_412 = arith.constant 32 : index
        %parallel_loop3A_413 = tpu.vector_load %arg8[%parallel_loop3A_410, %parallel_loop3A_411, %parallel_loop3A_412] {strides = array<i32>} : memref<2x488x64xf32, #tpu.memory_space<vmem>>, vector<1x1x16xf32>,
        %parallel_loop3A_414 = vector.shape_cast %parallel_loop3A_413 : vector<1x1x16xf32> to vector<16xf32>
        %parallel_loop3A_415 = arith.mulf %parallel_loop3A_414, %parallel_loop3A_380 : vector<16xf32>
        %parallel_loop3A_416 = arith.addf %parallel_loop3A_408, %parallel_loop3A_415 : vector<16xf32>
        %parallel_loop3A_417 = arith.constant 0 : i32
        %parallel_loop3A_418 = arith.index_cast %parallel_loop3A_417 : i32 to index
        %parallel_loop3A_419 = arith.index_cast %parallel_loop3A_393 : i32 to index
        %parallel_loop3A_420 = arith.constant 48 : index
        %parallel_loop3A_421 = tpu.vector_load %arg8[%parallel_loop3A_418, %parallel_loop3A_419, %parallel_loop3A_420] {strides = array<i32>} : memref<2x488x64xf32, #tpu.memory_space<vmem>>, vector<1x1x16xf32>,
        %parallel_loop3A_422 = vector.shape_cast %parallel_loop3A_421 : vector<1x1x16xf32> to vector<16xf32>
        %parallel_loop3A_423 = arith.mulf %parallel_loop3A_422, %parallel_loop3A_386 : vector<16xf32>
        %parallel_loop3A_424 = arith.addf %parallel_loop3A_416, %parallel_loop3A_423 : vector<16xf32>
        %parallel_loop3A_425 = arith.constant 1 : i32
        %parallel_loop3A_426 = arith.addi %parallel_loop3A_391, %parallel_loop3A_425 : i32
        %parallel_loop3A_427 = arith.constant 0 : i32
        %parallel_loop3A_428 = arith.index_cast %parallel_loop3A_427 : i32 to index
        %parallel_loop3A_429 = arith.index_cast %parallel_loop3A_426 : i32 to index
        %parallel_loop3A_430 = arith.constant 0 : index
        %parallel_loop3A_431 = tpu.vector_load %arg8[%parallel_loop3A_428, %parallel_loop3A_429, %parallel_loop3A_430] {strides = array<i32>} : memref<2x488x64xf32, #tpu.memory_space<vmem>>, vector<1x1x16xf32>,
        %parallel_loop3A_432 = vector.shape_cast %parallel_loop3A_431 : vector<1x1x16xf32> to vector<16xf32>
        %parallel_loop3A_433 = arith.mulf %parallel_loop3A_432, %parallel_loop3A_368 : vector<16xf32>
        %parallel_loop3A_434 = arith.constant 0 : i32
        %parallel_loop3A_435 = arith.index_cast %parallel_loop3A_434 : i32 to index
        %parallel_loop3A_436 = arith.index_cast %parallel_loop3A_426 : i32 to index
        %parallel_loop3A_437 = arith.constant 16 : index
        %parallel_loop3A_438 = tpu.vector_load %arg8[%parallel_loop3A_435, %parallel_loop3A_436, %parallel_loop3A_437] {strides = array<i32>} : memref<2x488x64xf32, #tpu.memory_space<vmem>>, vector<1x1x16xf32>,
        %parallel_loop3A_439 = vector.shape_cast %parallel_loop3A_438 : vector<1x1x16xf32> to vector<16xf32>
        %parallel_loop3A_440 = arith.mulf %parallel_loop3A_439, %parallel_loop3A_374 : vector<16xf32>
        %parallel_loop3A_441 = arith.addf %parallel_loop3A_433, %parallel_loop3A_440 : vector<16xf32>
        %parallel_loop3A_442 = arith.constant 0 : i32
        %parallel_loop3A_443 = arith.index_cast %parallel_loop3A_442 : i32 to index
        %parallel_loop3A_444 = arith.index_cast %parallel_loop3A_426 : i32 to index
        %parallel_loop3A_445 = arith.constant 32 : index
        %parallel_loop3A_446 = tpu.vector_load %arg8[%parallel_loop3A_443, %parallel_loop3A_444, %parallel_loop3A_445] {strides = array<i32>} : memref<2x488x64xf32, #tpu.memory_space<vmem>>, vector<1x1x16xf32>,
        %parallel_loop3A_447 = vector.shape_cast %parallel_loop3A_446 : vector<1x1x16xf32> to vector<16xf32>
        %parallel_loop3A_448 = arith.mulf %parallel_loop3A_447, %parallel_loop3A_380 : vector<16xf32>
        %parallel_loop3A_449 = arith.addf %parallel_loop3A_441, %parallel_loop3A_448 : vector<16xf32>
        %parallel_loop3A_450 = arith.constant 0 : i32
        %parallel_loop3A_451 = arith.index_cast %parallel_loop3A_450 : i32 to index
        %parallel_loop3A_452 = arith.index_cast %parallel_loop3A_426 : i32 to index
        %parallel_loop3A_453 = arith.constant 48 : index
        %parallel_loop3A_454 = tpu.vector_load %arg8[%parallel_loop3A_451, %parallel_loop3A_452, %parallel_loop3A_453] {strides = array<i32>} : memref<2x488x64xf32, #tpu.memory_space<vmem>>, vector<1x1x16xf32>,
        %parallel_loop3A_455 = vector.shape_cast %parallel_loop3A_454 : vector<1x1x16xf32> to vector<16xf32>
        %parallel_loop3A_456 = arith.mulf %parallel_loop3A_455, %parallel_loop3A_386 : vector<16xf32>
        %parallel_loop3A_457 = arith.addf %parallel_loop3A_449, %parallel_loop3A_456 : vector<16xf32>
        %parallel_loop3A_458 = arith.constant 2 : i32
        %parallel_loop3A_459 = arith.addi %parallel_loop3A_391, %parallel_loop3A_458 : i32
        %parallel_loop3A_460 = arith.constant 0 : i32
        %parallel_loop3A_461 = arith.index_cast %parallel_loop3A_460 : i32 to index
        %parallel_loop3A_462 = arith.index_cast %parallel_loop3A_459 : i32 to index
        %parallel_loop3A_463 = arith.constant 0 : index
        %parallel_loop3A_464 = tpu.vector_load %arg8[%parallel_loop3A_461, %parallel_loop3A_462, %parallel_loop3A_463] {strides = array<i32>} : memref<2x488x64xf32, #tpu.memory_space<vmem>>, vector<1x1x16xf32>,
        %parallel_loop3A_465 = vector.shape_cast %parallel_loop3A_464 : vector<1x1x16xf32> to vector<16xf32>
        %parallel_loop3A_466 = arith.mulf %parallel_loop3A_465, %parallel_loop3A_368 : vector<16xf32>
        %parallel_loop3A_467 = arith.constant 0 : i32
        %parallel_loop3A_468 = arith.index_cast %parallel_loop3A_467 : i32 to index
        %parallel_loop3A_469 = arith.index_cast %parallel_loop3A_459 : i32 to index
        %parallel_loop3A_470 = arith.constant 16 : index
        %parallel_loop3A_471 = tpu.vector_load %arg8[%parallel_loop3A_468, %parallel_loop3A_469, %parallel_loop3A_470] {strides = array<i32>} : memref<2x488x64xf32, #tpu.memory_space<vmem>>, vector<1x1x16xf32>,
        %parallel_loop3A_472 = vector.shape_cast %parallel_loop3A_471 : vector<1x1x16xf32> to vector<16xf32>
        %parallel_loop3A_473 = arith.mulf %parallel_loop3A_472, %parallel_loop3A_374 : vector<16xf32>
        %parallel_loop3A_474 = arith.addf %parallel_loop3A_466, %parallel_loop3A_473 : vector<16xf32>
        %parallel_loop3A_475 = arith.constant 0 : i32
        %parallel_loop3A_476 = arith.index_cast %parallel_loop3A_475 : i32 to index
        %parallel_loop3A_477 = arith.index_cast %parallel_loop3A_459 : i32 to index
        %parallel_loop3A_478 = arith.constant 32 : index
        %parallel_loop3A_479 = tpu.vector_load %arg8[%parallel_loop3A_476, %parallel_loop3A_477, %parallel_loop3A_478] {strides = array<i32>} : memref<2x488x64xf32, #tpu.memory_space<vmem>>, vector<1x1x16xf32>,
        %parallel_loop3A_480 = vector.shape_cast %parallel_loop3A_479 : vector<1x1x16xf32> to vector<16xf32>
        %parallel_loop3A_481 = arith.mulf %parallel_loop3A_480, %parallel_loop3A_380 : vector<16xf32>
        %parallel_loop3A_482 = arith.addf %parallel_loop3A_474, %parallel_loop3A_481 : vector<16xf32>
        %parallel_loop3A_483 = arith.constant 0 : i32
        %parallel_loop3A_484 = arith.index_cast %parallel_loop3A_483 : i32 to index
        %parallel_loop3A_485 = arith.index_cast %parallel_loop3A_459 : i32 to index
        %parallel_loop3A_486 = arith.constant 48 : index
        %parallel_loop3A_487 = tpu.vector_load %arg8[%parallel_loop3A_484, %parallel_loop3A_485, %parallel_loop3A_486] {strides = array<i32>} : memref<2x488x64xf32, #tpu.memory_space<vmem>>, vector<1x1x16xf32>,
        %parallel_loop3A_488 = vector.shape_cast %parallel_loop3A_487 : vector<1x1x16xf32> to vector<16xf32>
        %parallel_loop3A_489 = arith.mulf %parallel_loop3A_488, %parallel_loop3A_386 : vector<16xf32>
        %parallel_loop3A_490 = arith.addf %parallel_loop3A_482, %parallel_loop3A_489 : vector<16xf32>
        %parallel_loop3A_491 = arith.constant 3 : i32
        %parallel_loop3A_492 = arith.addi %parallel_loop3A_391, %parallel_loop3A_491 : i32
        %parallel_loop3A_493 = arith.constant 0 : i32
        %parallel_loop3A_494 = arith.index_cast %parallel_loop3A_493 : i32 to index
        %parallel_loop3A_495 = arith.index_cast %parallel_loop3A_492 : i32 to index
        %parallel_loop3A_496 = arith.constant 0 : index
        %parallel_loop3A_497 = tpu.vector_load %arg8[%parallel_loop3A_494, %parallel_loop3A_495, %parallel_loop3A_496] {strides = array<i32>} : memref<2x488x64xf32, #tpu.memory_space<vmem>>, vector<1x1x16xf32>,
        %parallel_loop3A_498 = vector.shape_cast %parallel_loop3A_497 : vector<1x1x16xf32> to vector<16xf32>
        %parallel_loop3A_499 = arith.mulf %parallel_loop3A_498, %parallel_loop3A_368 : vector<16xf32>
        %parallel_loop3A_500 = arith.constant 0 : i32
        %parallel_loop3A_501 = arith.index_cast %parallel_loop3A_500 : i32 to index
        %parallel_loop3A_502 = arith.index_cast %parallel_loop3A_492 : i32 to index
        %parallel_loop3A_503 = arith.constant 16 : index
        %parallel_loop3A_504 = tpu.vector_load %arg8[%parallel_loop3A_501, %parallel_loop3A_502, %parallel_loop3A_503] {strides = array<i32>} : memref<2x488x64xf32, #tpu.memory_space<vmem>>, vector<1x1x16xf32>,
        %parallel_loop3A_505 = vector.shape_cast %parallel_loop3A_504 : vector<1x1x16xf32> to vector<16xf32>
        %parallel_loop3A_506 = arith.mulf %parallel_loop3A_505, %parallel_loop3A_374 : vector<16xf32>
        %parallel_loop3A_507 = arith.addf %parallel_loop3A_499, %parallel_loop3A_506 : vector<16xf32>
        %parallel_loop3A_508 = arith.constant 0 : i32
        %parallel_loop3A_509 = arith.index_cast %parallel_loop3A_508 : i32 to index
        %parallel_loop3A_510 = arith.index_cast %parallel_loop3A_492 : i32 to index
        %parallel_loop3A_511 = arith.constant 32 : index
        %parallel_loop3A_512 = tpu.vector_load %arg8[%parallel_loop3A_509, %parallel_loop3A_510, %parallel_loop3A_511] {strides = array<i32>} : memref<2x488x64xf32, #tpu.memory_space<vmem>>, vector<1x1x16xf32>,
        %parallel_loop3A_513 = vector.shape_cast %parallel_loop3A_512 : vector<1x1x16xf32> to vector<16xf32>
        %parallel_loop3A_514 = arith.mulf %parallel_loop3A_513, %parallel_loop3A_380 : vector<16xf32>
        %parallel_loop3A_515 = arith.addf %parallel_loop3A_507, %parallel_loop3A_514 : vector<16xf32>
        %parallel_loop3A_516 = arith.constant 0 : i32
        %parallel_loop3A_517 = arith.index_cast %parallel_loop3A_516 : i32 to index
        %parallel_loop3A_518 = arith.index_cast %parallel_loop3A_492 : i32 to index
        %parallel_loop3A_519 = arith.constant 48 : index
        %parallel_loop3A_520 = tpu.vector_load %arg8[%parallel_loop3A_517, %parallel_loop3A_518, %parallel_loop3A_519] {strides = array<i32>} : memref<2x488x64xf32, #tpu.memory_space<vmem>>, vector<1x1x16xf32>,
        %parallel_loop3A_521 = vector.shape_cast %parallel_loop3A_520 : vector<1x1x16xf32> to vector<16xf32>
        %parallel_loop3A_522 = arith.mulf %parallel_loop3A_521, %parallel_loop3A_386 : vector<16xf32>
        %parallel_loop3A_523 = arith.addf %parallel_loop3A_515, %parallel_loop3A_522 : vector<16xf32>
        %parallel_loop3A_524 = arith.constant 4 : i32
        %parallel_loop3A_525 = arith.addi %parallel_loop3A_391, %parallel_loop3A_524 : i32
        %parallel_loop3A_526 = arith.constant 0 : i32
        %parallel_loop3A_527 = arith.index_cast %parallel_loop3A_526 : i32 to index
        %parallel_loop3A_528 = arith.index_cast %parallel_loop3A_525 : i32 to index
        %parallel_loop3A_529 = arith.constant 0 : index
        %parallel_loop3A_530 = tpu.vector_load %arg8[%parallel_loop3A_527, %parallel_loop3A_528, %parallel_loop3A_529] {strides = array<i32>} : memref<2x488x64xf32, #tpu.memory_space<vmem>>, vector<1x1x16xf32>,
        %parallel_loop3A_531 = vector.shape_cast %parallel_loop3A_530 : vector<1x1x16xf32> to vector<16xf32>
        %parallel_loop3A_532 = arith.mulf %parallel_loop3A_531, %parallel_loop3A_368 : vector<16xf32>
        %parallel_loop3A_533 = arith.constant 0 : i32
        %parallel_loop3A_534 = arith.index_cast %parallel_loop3A_533 : i32 to index
        %parallel_loop3A_535 = arith.index_cast %parallel_loop3A_525 : i32 to index
        %parallel_loop3A_536 = arith.constant 16 : index
        %parallel_loop3A_537 = tpu.vector_load %arg8[%parallel_loop3A_534, %parallel_loop3A_535, %parallel_loop3A_536] {strides = array<i32>} : memref<2x488x64xf32, #tpu.memory_space<vmem>>, vector<1x1x16xf32>,
        %parallel_loop3A_538 = vector.shape_cast %parallel_loop3A_537 : vector<1x1x16xf32> to vector<16xf32>
        %parallel_loop3A_539 = arith.mulf %parallel_loop3A_538, %parallel_loop3A_374 : vector<16xf32>
        %parallel_loop3A_540 = arith.addf %parallel_loop3A_532, %parallel_loop3A_539 : vector<16xf32>
        %parallel_loop3A_541 = arith.constant 0 : i32
        %parallel_loop3A_542 = arith.index_cast %parallel_loop3A_541 : i32 to index
        %parallel_loop3A_543 = arith.index_cast %parallel_loop3A_525 : i32 to index
        %parallel_loop3A_544 = arith.constant 32 : index
        %parallel_loop3A_545 = tpu.vector_load %arg8[%parallel_loop3A_542, %parallel_loop3A_543, %parallel_loop3A_544] {strides = array<i32>} : memref<2x488x64xf32, #tpu.memory_space<vmem>>, vector<1x1x16xf32>,
        %parallel_loop3A_546 = vector.shape_cast %parallel_loop3A_545 : vector<1x1x16xf32> to vector<16xf32>
        %parallel_loop3A_547 = arith.mulf %parallel_loop3A_546, %parallel_loop3A_380 : vector<16xf32>
        %parallel_loop3A_548 = arith.addf %parallel_loop3A_540, %parallel_loop3A_547 : vector<16xf32>
        %parallel_loop3A_549 = arith.constant 0 : i32
        %parallel_loop3A_550 = arith.index_cast %parallel_loop3A_549 : i32 to index
        %parallel_loop3A_551 = arith.index_cast %parallel_loop3A_525 : i32 to index
        %parallel_loop3A_552 = arith.constant 48 : index
        %parallel_loop3A_553 = tpu.vector_load %arg8[%parallel_loop3A_550, %parallel_loop3A_551, %parallel_loop3A_552] {strides = array<i32>} : memref<2x488x64xf32, #tpu.memory_space<vmem>>, vector<1x1x16xf32>,
        %parallel_loop3A_554 = vector.shape_cast %parallel_loop3A_553 : vector<1x1x16xf32> to vector<16xf32>
        %parallel_loop3A_555 = arith.mulf %parallel_loop3A_554, %parallel_loop3A_386 : vector<16xf32>
        %parallel_loop3A_556 = arith.addf %parallel_loop3A_548, %parallel_loop3A_555 : vector<16xf32>
        %parallel_loop3A_557 = arith.constant 5 : i32
        %parallel_loop3A_558 = arith.addi %parallel_loop3A_391, %parallel_loop3A_557 : i32
        %parallel_loop3A_559 = arith.constant 0 : i32
        %parallel_loop3A_560 = arith.index_cast %parallel_loop3A_559 : i32 to index
        %parallel_loop3A_561 = arith.index_cast %parallel_loop3A_558 : i32 to index
        %parallel_loop3A_562 = arith.constant 0 : index
        %parallel_loop3A_563 = tpu.vector_load %arg8[%parallel_loop3A_560, %parallel_loop3A_561, %parallel_loop3A_562] {strides = array<i32>} : memref<2x488x64xf32, #tpu.memory_space<vmem>>, vector<1x1x16xf32>,
        %parallel_loop3A_564 = vector.shape_cast %parallel_loop3A_563 : vector<1x1x16xf32> to vector<16xf32>
        %parallel_loop3A_565 = arith.mulf %parallel_loop3A_564, %parallel_loop3A_368 : vector<16xf32>
        %parallel_loop3A_566 = arith.constant 0 : i32
        %parallel_loop3A_567 = arith.index_cast %parallel_loop3A_566 : i32 to index
        %parallel_loop3A_568 = arith.index_cast %parallel_loop3A_558 : i32 to index
        %parallel_loop3A_569 = arith.constant 16 : index
        %parallel_loop3A_570 = tpu.vector_load %arg8[%parallel_loop3A_567, %parallel_loop3A_568, %parallel_loop3A_569] {strides = array<i32>} : memref<2x488x64xf32, #tpu.memory_space<vmem>>, vector<1x1x16xf32>,
        %parallel_loop3A_571 = vector.shape_cast %parallel_loop3A_570 : vector<1x1x16xf32> to vector<16xf32>
        %parallel_loop3A_572 = arith.mulf %parallel_loop3A_571, %parallel_loop3A_374 : vector<16xf32>
        %parallel_loop3A_573 = arith.addf %parallel_loop3A_565, %parallel_loop3A_572 : vector<16xf32>
        %parallel_loop3A_574 = arith.constant 0 : i32
        %parallel_loop3A_575 = arith.index_cast %parallel_loop3A_574 : i32 to index
        %parallel_loop3A_576 = arith.index_cast %parallel_loop3A_558 : i32 to index
        %parallel_loop3A_577 = arith.constant 32 : index
        %parallel_loop3A_578 = tpu.vector_load %arg8[%parallel_loop3A_575, %parallel_loop3A_576, %parallel_loop3A_577] {strides = array<i32>} : memref<2x488x64xf32, #tpu.memory_space<vmem>>, vector<1x1x16xf32>,
        %parallel_loop3A_579 = vector.shape_cast %parallel_loop3A_578 : vector<1x1x16xf32> to vector<16xf32>
        %parallel_loop3A_580 = arith.mulf %parallel_loop3A_579, %parallel_loop3A_380 : vector<16xf32>
        %parallel_loop3A_581 = arith.addf %parallel_loop3A_573, %parallel_loop3A_580 : vector<16xf32>
        %parallel_loop3A_582 = arith.constant 0 : i32
        %parallel_loop3A_583 = arith.index_cast %parallel_loop3A_582 : i32 to index
        %parallel_loop3A_584 = arith.index_cast %parallel_loop3A_558 : i32 to index
        %parallel_loop3A_585 = arith.constant 48 : index
        %parallel_loop3A_586 = tpu.vector_load %arg8[%parallel_loop3A_583, %parallel_loop3A_584, %parallel_loop3A_585] {strides = array<i32>} : memref<2x488x64xf32, #tpu.memory_space<vmem>>, vector<1x1x16xf32>,
        %parallel_loop3A_587 = vector.shape_cast %parallel_loop3A_586 : vector<1x1x16xf32> to vector<16xf32>
        %parallel_loop3A_588 = arith.mulf %parallel_loop3A_587, %parallel_loop3A_386 : vector<16xf32>
        %parallel_loop3A_589 = arith.addf %parallel_loop3A_581, %parallel_loop3A_588 : vector<16xf32>
        %parallel_loop3A_590 = arith.constant 6 : i32
        %parallel_loop3A_591 = arith.addi %parallel_loop3A_391, %parallel_loop3A_590 : i32
        %parallel_loop3A_592 = arith.constant 0 : i32
        %parallel_loop3A_593 = arith.index_cast %parallel_loop3A_592 : i32 to index
        %parallel_loop3A_594 = arith.index_cast %parallel_loop3A_591 : i32 to index
        %parallel_loop3A_595 = arith.constant 0 : index
        %parallel_loop3A_596 = tpu.vector_load %arg8[%parallel_loop3A_593, %parallel_loop3A_594, %parallel_loop3A_595] {strides = array<i32>} : memref<2x488x64xf32, #tpu.memory_space<vmem>>, vector<1x1x16xf32>,
        %parallel_loop3A_597 = vector.shape_cast %parallel_loop3A_596 : vector<1x1x16xf32> to vector<16xf32>
        %parallel_loop3A_598 = arith.mulf %parallel_loop3A_597, %parallel_loop3A_368 : vector<16xf32>
        %parallel_loop3A_599 = arith.constant 0 : i32
        %parallel_loop3A_600 = arith.index_cast %parallel_loop3A_599 : i32 to index
        %parallel_loop3A_601 = arith.index_cast %parallel_loop3A_591 : i32 to index
        %parallel_loop3A_602 = arith.constant 16 : index
        %parallel_loop3A_603 = tpu.vector_load %arg8[%parallel_loop3A_600, %parallel_loop3A_601, %parallel_loop3A_602] {strides = array<i32>} : memref<2x488x64xf32, #tpu.memory_space<vmem>>, vector<1x1x16xf32>,
        %parallel_loop3A_604 = vector.shape_cast %parallel_loop3A_603 : vector<1x1x16xf32> to vector<16xf32>
        %parallel_loop3A_605 = arith.mulf %parallel_loop3A_604, %parallel_loop3A_374 : vector<16xf32>
        %parallel_loop3A_606 = arith.addf %parallel_loop3A_598, %parallel_loop3A_605 : vector<16xf32>
        %parallel_loop3A_607 = arith.constant 0 : i32
        %parallel_loop3A_608 = arith.index_cast %parallel_loop3A_607 : i32 to index
        %parallel_loop3A_609 = arith.index_cast %parallel_loop3A_591 : i32 to index
        %parallel_loop3A_610 = arith.constant 32 : index
        %parallel_loop3A_611 = tpu.vector_load %arg8[%parallel_loop3A_608, %parallel_loop3A_609, %parallel_loop3A_610] {strides = array<i32>} : memref<2x488x64xf32, #tpu.memory_space<vmem>>, vector<1x1x16xf32>,
        %parallel_loop3A_612 = vector.shape_cast %parallel_loop3A_611 : vector<1x1x16xf32> to vector<16xf32>
        %parallel_loop3A_613 = arith.mulf %parallel_loop3A_612, %parallel_loop3A_380 : vector<16xf32>
        %parallel_loop3A_614 = arith.addf %parallel_loop3A_606, %parallel_loop3A_613 : vector<16xf32>
        %parallel_loop3A_615 = arith.constant 0 : i32
        %parallel_loop3A_616 = arith.index_cast %parallel_loop3A_615 : i32 to index
        %parallel_loop3A_617 = arith.index_cast %parallel_loop3A_591 : i32 to index
        %parallel_loop3A_618 = arith.constant 48 : index
        %parallel_loop3A_619 = tpu.vector_load %arg8[%parallel_loop3A_616, %parallel_loop3A_617, %parallel_loop3A_618] {strides = array<i32>} : memref<2x488x64xf32, #tpu.memory_space<vmem>>, vector<1x1x16xf32>,
        %parallel_loop3A_620 = vector.shape_cast %parallel_loop3A_619 : vector<1x1x16xf32> to vector<16xf32>
        %parallel_loop3A_621 = arith.mulf %parallel_loop3A_620, %parallel_loop3A_386 : vector<16xf32>
        %parallel_loop3A_622 = arith.addf %parallel_loop3A_614, %parallel_loop3A_621 : vector<16xf32>
        %parallel_loop3A_623 = arith.constant 7 : i32
        %parallel_loop3A_624 = arith.addi %parallel_loop3A_391, %parallel_loop3A_623 : i32
        %parallel_loop3A_625 = arith.constant 0 : i32
        %parallel_loop3A_626 = arith.index_cast %parallel_loop3A_625 : i32 to index
        %parallel_loop3A_627 = arith.index_cast %parallel_loop3A_624 : i32 to index
        %parallel_loop3A_628 = arith.constant 0 : index
        %parallel_loop3A_629 = tpu.vector_load %arg8[%parallel_loop3A_626, %parallel_loop3A_627, %parallel_loop3A_628] {strides = array<i32>} : memref<2x488x64xf32, #tpu.memory_space<vmem>>, vector<1x1x16xf32>,
        %parallel_loop3A_630 = vector.shape_cast %parallel_loop3A_629 : vector<1x1x16xf32> to vector<16xf32>
        %parallel_loop3A_631 = arith.mulf %parallel_loop3A_630, %parallel_loop3A_368 : vector<16xf32>
        %parallel_loop3A_632 = arith.constant 0 : i32
        %parallel_loop3A_633 = arith.index_cast %parallel_loop3A_632 : i32 to index
        %parallel_loop3A_634 = arith.index_cast %parallel_loop3A_624 : i32 to index
        %parallel_loop3A_635 = arith.constant 16 : index
        %parallel_loop3A_636 = tpu.vector_load %arg8[%parallel_loop3A_633, %parallel_loop3A_634, %parallel_loop3A_635] {strides = array<i32>} : memref<2x488x64xf32, #tpu.memory_space<vmem>>, vector<1x1x16xf32>,
        %parallel_loop3A_637 = vector.shape_cast %parallel_loop3A_636 : vector<1x1x16xf32> to vector<16xf32>
        %parallel_loop3A_638 = arith.mulf %parallel_loop3A_637, %parallel_loop3A_374 : vector<16xf32>
        %parallel_loop3A_639 = arith.addf %parallel_loop3A_631, %parallel_loop3A_638 : vector<16xf32>
        %parallel_loop3A_640 = arith.constant 0 : i32
        %parallel_loop3A_641 = arith.index_cast %parallel_loop3A_640 : i32 to index
        %parallel_loop3A_642 = arith.index_cast %parallel_loop3A_624 : i32 to index
        %parallel_loop3A_643 = arith.constant 32 : index
        %parallel_loop3A_644 = tpu.vector_load %arg8[%parallel_loop3A_641, %parallel_loop3A_642, %parallel_loop3A_643] {strides = array<i32>} : memref<2x488x64xf32, #tpu.memory_space<vmem>>, vector<1x1x16xf32>,
        %parallel_loop3A_645 = vector.shape_cast %parallel_loop3A_644 : vector<1x1x16xf32> to vector<16xf32>
        %parallel_loop3A_646 = arith.mulf %parallel_loop3A_645, %parallel_loop3A_380 : vector<16xf32>
        %parallel_loop3A_647 = arith.addf %parallel_loop3A_639, %parallel_loop3A_646 : vector<16xf32>
        %parallel_loop3A_648 = arith.constant 0 : i32
        %parallel_loop3A_649 = arith.index_cast %parallel_loop3A_648 : i32 to index
        %parallel_loop3A_650 = arith.index_cast %parallel_loop3A_624 : i32 to index
        %parallel_loop3A_651 = arith.constant 48 : index
        %parallel_loop3A_652 = tpu.vector_load %arg8[%parallel_loop3A_649, %parallel_loop3A_650, %parallel_loop3A_651] {strides = array<i32>} : memref<2x488x64xf32, #tpu.memory_space<vmem>>, vector<1x1x16xf32>,
        %parallel_loop3A_653 = vector.shape_cast %parallel_loop3A_652 : vector<1x1x16xf32> to vector<16xf32>
        %parallel_loop3A_654 = arith.mulf %parallel_loop3A_653, %parallel_loop3A_386 : vector<16xf32>
        %parallel_loop3A_655 = arith.addf %parallel_loop3A_647, %parallel_loop3A_654 : vector<16xf32>
        %parallel_loop3A_656 = arith.constant 8 : i32
        %parallel_loop3A_657 = arith.addi %parallel_loop3A_391, %parallel_loop3A_656 : i32
        %parallel_loop3A_658 = arith.constant 0 : i32
        %parallel_loop3A_659 = arith.index_cast %parallel_loop3A_658 : i32 to index
        %parallel_loop3A_660 = arith.index_cast %parallel_loop3A_657 : i32 to index
        %parallel_loop3A_661 = arith.constant 0 : index
        %parallel_loop3A_662 = tpu.vector_load %arg8[%parallel_loop3A_659, %parallel_loop3A_660, %parallel_loop3A_661] {strides = array<i32>} : memref<2x488x64xf32, #tpu.memory_space<vmem>>, vector<1x1x16xf32>,
        %parallel_loop3A_663 = vector.shape_cast %parallel_loop3A_662 : vector<1x1x16xf32> to vector<16xf32>
        %parallel_loop3A_664 = arith.mulf %parallel_loop3A_663, %parallel_loop3A_368 : vector<16xf32>
        %parallel_loop3A_665 = arith.constant 0 : i32
        %parallel_loop3A_666 = arith.index_cast %parallel_loop3A_665 : i32 to index
        %parallel_loop3A_667 = arith.index_cast %parallel_loop3A_657 : i32 to index
        %parallel_loop3A_668 = arith.constant 16 : index
        %parallel_loop3A_669 = tpu.vector_load %arg8[%parallel_loop3A_666, %parallel_loop3A_667, %parallel_loop3A_668] {strides = array<i32>} : memref<2x488x64xf32, #tpu.memory_space<vmem>>, vector<1x1x16xf32>,
        %parallel_loop3A_670 = vector.shape_cast %parallel_loop3A_669 : vector<1x1x16xf32> to vector<16xf32>
        %parallel_loop3A_671 = arith.mulf %parallel_loop3A_670, %parallel_loop3A_374 : vector<16xf32>
        %parallel_loop3A_672 = arith.addf %parallel_loop3A_664, %parallel_loop3A_671 : vector<16xf32>
        %parallel_loop3A_673 = arith.constant 0 : i32
        %parallel_loop3A_674 = arith.index_cast %parallel_loop3A_673 : i32 to index
        %parallel_loop3A_675 = arith.index_cast %parallel_loop3A_657 : i32 to index
        %parallel_loop3A_676 = arith.constant 32 : index
        %parallel_loop3A_677 = tpu.vector_load %arg8[%parallel_loop3A_674, %parallel_loop3A_675, %parallel_loop3A_676] {strides = array<i32>} : memref<2x488x64xf32, #tpu.memory_space<vmem>>, vector<1x1x16xf32>,
        %parallel_loop3A_678 = vector.shape_cast %parallel_loop3A_677 : vector<1x1x16xf32> to vector<16xf32>
        %parallel_loop3A_679 = arith.mulf %parallel_loop3A_678, %parallel_loop3A_380 : vector<16xf32>
        %parallel_loop3A_680 = arith.addf %parallel_loop3A_672, %parallel_loop3A_679 : vector<16xf32>
        %parallel_loop3A_681 = arith.constant 0 : i32
        %parallel_loop3A_682 = arith.index_cast %parallel_loop3A_681 : i32 to index
        %parallel_loop3A_683 = arith.index_cast %parallel_loop3A_657 : i32 to index
        %parallel_loop3A_684 = arith.constant 48 : index
        %parallel_loop3A_685 = tpu.vector_load %arg8[%parallel_loop3A_682, %parallel_loop3A_683, %parallel_loop3A_684] {strides = array<i32>} : memref<2x488x64xf32, #tpu.memory_space<vmem>>, vector<1x1x16xf32>,
        %parallel_loop3A_686 = vector.shape_cast %parallel_loop3A_685 : vector<1x1x16xf32> to vector<16xf32>
        %parallel_loop3A_687 = arith.mulf %parallel_loop3A_686, %parallel_loop3A_386 : vector<16xf32>
        %parallel_loop3A_688 = arith.addf %parallel_loop3A_680, %parallel_loop3A_687 : vector<16xf32>
        %parallel_loop3A_689 = arith.constant 9 : i32
        %parallel_loop3A_690 = arith.addi %parallel_loop3A_391, %parallel_loop3A_689 : i32
        %parallel_loop3A_691 = arith.constant 0 : i32
        %parallel_loop3A_692 = arith.index_cast %parallel_loop3A_691 : i32 to index
        %parallel_loop3A_693 = arith.index_cast %parallel_loop3A_690 : i32 to index
        %parallel_loop3A_694 = arith.constant 0 : index
        %parallel_loop3A_695 = tpu.vector_load %arg8[%parallel_loop3A_692, %parallel_loop3A_693, %parallel_loop3A_694] {strides = array<i32>} : memref<2x488x64xf32, #tpu.memory_space<vmem>>, vector<1x1x16xf32>,
        %parallel_loop3A_696 = vector.shape_cast %parallel_loop3A_695 : vector<1x1x16xf32> to vector<16xf32>
        %parallel_loop3A_697 = arith.mulf %parallel_loop3A_696, %parallel_loop3A_368 : vector<16xf32>
        %parallel_loop3A_698 = arith.constant 0 : i32
        %parallel_loop3A_699 = arith.index_cast %parallel_loop3A_698 : i32 to index
        %parallel_loop3A_700 = arith.index_cast %parallel_loop3A_690 : i32 to index
        %parallel_loop3A_701 = arith.constant 16 : index
        %parallel_loop3A_702 = tpu.vector_load %arg8[%parallel_loop3A_699, %parallel_loop3A_700, %parallel_loop3A_701] {strides = array<i32>} : memref<2x488x64xf32, #tpu.memory_space<vmem>>, vector<1x1x16xf32>,
        %parallel_loop3A_703 = vector.shape_cast %parallel_loop3A_702 : vector<1x1x16xf32> to vector<16xf32>
        %parallel_loop3A_704 = arith.mulf %parallel_loop3A_703, %parallel_loop3A_374 : vector<16xf32>
        %parallel_loop3A_705 = arith.addf %parallel_loop3A_697, %parallel_loop3A_704 : vector<16xf32>
        %parallel_loop3A_706 = arith.constant 0 : i32
        %parallel_loop3A_707 = arith.index_cast %parallel_loop3A_706 : i32 to index
        %parallel_loop3A_708 = arith.index_cast %parallel_loop3A_690 : i32 to index
        %parallel_loop3A_709 = arith.constant 32 : index
        %parallel_loop3A_710 = tpu.vector_load %arg8[%parallel_loop3A_707, %parallel_loop3A_708, %parallel_loop3A_709] {strides = array<i32>} : memref<2x488x64xf32, #tpu.memory_space<vmem>>, vector<1x1x16xf32>,
        %parallel_loop3A_711 = vector.shape_cast %parallel_loop3A_710 : vector<1x1x16xf32> to vector<16xf32>
        %parallel_loop3A_712 = arith.mulf %parallel_loop3A_711, %parallel_loop3A_380 : vector<16xf32>
        %parallel_loop3A_713 = arith.addf %parallel_loop3A_705, %parallel_loop3A_712 : vector<16xf32>
        %parallel_loop3A_714 = arith.constant 0 : i32
        %parallel_loop3A_715 = arith.index_cast %parallel_loop3A_714 : i32 to index
        %parallel_loop3A_716 = arith.index_cast %parallel_loop3A_690 : i32 to index
        %parallel_loop3A_717 = arith.constant 48 : index
        %parallel_loop3A_718 = tpu.vector_load %arg8[%parallel_loop3A_715, %parallel_loop3A_716, %parallel_loop3A_717] {strides = array<i32>} : memref<2x488x64xf32, #tpu.memory_space<vmem>>, vector<1x1x16xf32>,
        %parallel_loop3A_719 = vector.shape_cast %parallel_loop3A_718 : vector<1x1x16xf32> to vector<16xf32>
        %parallel_loop3A_720 = arith.mulf %parallel_loop3A_719, %parallel_loop3A_386 : vector<16xf32>
        %parallel_loop3A_721 = arith.addf %parallel_loop3A_713, %parallel_loop3A_720 : vector<16xf32>
        %parallel_loop3A_722 = arith.constant 10 : i32
        %parallel_loop3A_723 = arith.addi %parallel_loop3A_391, %parallel_loop3A_722 : i32
        %parallel_loop3A_724 = arith.constant 0 : i32
        %parallel_loop3A_725 = arith.index_cast %parallel_loop3A_724 : i32 to index
        %parallel_loop3A_726 = arith.index_cast %parallel_loop3A_723 : i32 to index
        %parallel_loop3A_727 = arith.constant 0 : index
        %parallel_loop3A_728 = tpu.vector_load %arg8[%parallel_loop3A_725, %parallel_loop3A_726, %parallel_loop3A_727] {strides = array<i32>} : memref<2x488x64xf32, #tpu.memory_space<vmem>>, vector<1x1x16xf32>,
        %parallel_loop3A_729 = vector.shape_cast %parallel_loop3A_728 : vector<1x1x16xf32> to vector<16xf32>
        %parallel_loop3A_730 = arith.mulf %parallel_loop3A_729, %parallel_loop3A_368 : vector<16xf32>
        %parallel_loop3A_731 = arith.constant 0 : i32
        %parallel_loop3A_732 = arith.index_cast %parallel_loop3A_731 : i32 to index
        %parallel_loop3A_733 = arith.index_cast %parallel_loop3A_723 : i32 to index
        %parallel_loop3A_734 = arith.constant 16 : index
        %parallel_loop3A_735 = tpu.vector_load %arg8[%parallel_loop3A_732, %parallel_loop3A_733, %parallel_loop3A_734] {strides = array<i32>} : memref<2x488x64xf32, #tpu.memory_space<vmem>>, vector<1x1x16xf32>,
        %parallel_loop3A_736 = vector.shape_cast %parallel_loop3A_735 : vector<1x1x16xf32> to vector<16xf32>
        %parallel_loop3A_737 = arith.mulf %parallel_loop3A_736, %parallel_loop3A_374 : vector<16xf32>
        %parallel_loop3A_738 = arith.addf %parallel_loop3A_730, %parallel_loop3A_737 : vector<16xf32>
        %parallel_loop3A_739 = arith.constant 0 : i32
        %parallel_loop3A_740 = arith.index_cast %parallel_loop3A_739 : i32 to index
        %parallel_loop3A_741 = arith.index_cast %parallel_loop3A_723 : i32 to index
        %parallel_loop3A_742 = arith.constant 32 : index
        %parallel_loop3A_743 = tpu.vector_load %arg8[%parallel_loop3A_740, %parallel_loop3A_741, %parallel_loop3A_742] {strides = array<i32>} : memref<2x488x64xf32, #tpu.memory_space<vmem>>, vector<1x1x16xf32>,
        %parallel_loop3A_744 = vector.shape_cast %parallel_loop3A_743 : vector<1x1x16xf32> to vector<16xf32>
        %parallel_loop3A_745 = arith.mulf %parallel_loop3A_744, %parallel_loop3A_380 : vector<16xf32>
        %parallel_loop3A_746 = arith.addf %parallel_loop3A_738, %parallel_loop3A_745 : vector<16xf32>
        %parallel_loop3A_747 = arith.constant 0 : i32
        %parallel_loop3A_748 = arith.index_cast %parallel_loop3A_747 : i32 to index
        %parallel_loop3A_749 = arith.index_cast %parallel_loop3A_723 : i32 to index
        %parallel_loop3A_750 = arith.constant 48 : index
        %parallel_loop3A_751 = tpu.vector_load %arg8[%parallel_loop3A_748, %parallel_loop3A_749, %parallel_loop3A_750] {strides = array<i32>} : memref<2x488x64xf32, #tpu.memory_space<vmem>>, vector<1x1x16xf32>,
        %parallel_loop3A_752 = vector.shape_cast %parallel_loop3A_751 : vector<1x1x16xf32> to vector<16xf32>
        %parallel_loop3A_753 = arith.mulf %parallel_loop3A_752, %parallel_loop3A_386 : vector<16xf32>
        %parallel_loop3A_754 = arith.addf %parallel_loop3A_746, %parallel_loop3A_753 : vector<16xf32>
        %parallel_loop3A_755 = arith.constant 11 : i32
        %parallel_loop3A_756 = arith.addi %parallel_loop3A_391, %parallel_loop3A_755 : i32
        %parallel_loop3A_757 = arith.constant 0 : i32
        %parallel_loop3A_758 = arith.index_cast %parallel_loop3A_757 : i32 to index
        %parallel_loop3A_759 = arith.index_cast %parallel_loop3A_756 : i32 to index
        %parallel_loop3A_760 = arith.constant 0 : index
        %parallel_loop3A_761 = tpu.vector_load %arg8[%parallel_loop3A_758, %parallel_loop3A_759, %parallel_loop3A_760] {strides = array<i32>} : memref<2x488x64xf32, #tpu.memory_space<vmem>>, vector<1x1x16xf32>,
        %parallel_loop3A_762 = vector.shape_cast %parallel_loop3A_761 : vector<1x1x16xf32> to vector<16xf32>
        %parallel_loop3A_763 = arith.mulf %parallel_loop3A_762, %parallel_loop3A_368 : vector<16xf32>
        %parallel_loop3A_764 = arith.constant 0 : i32
        %parallel_loop3A_765 = arith.index_cast %parallel_loop3A_764 : i32 to index
        %parallel_loop3A_766 = arith.index_cast %parallel_loop3A_756 : i32 to index
        %parallel_loop3A_767 = arith.constant 16 : index
        %parallel_loop3A_768 = tpu.vector_load %arg8[%parallel_loop3A_765, %parallel_loop3A_766, %parallel_loop3A_767] {strides = array<i32>} : memref<2x488x64xf32, #tpu.memory_space<vmem>>, vector<1x1x16xf32>,
        %parallel_loop3A_769 = vector.shape_cast %parallel_loop3A_768 : vector<1x1x16xf32> to vector<16xf32>
        %parallel_loop3A_770 = arith.mulf %parallel_loop3A_769, %parallel_loop3A_374 : vector<16xf32>
        %parallel_loop3A_771 = arith.addf %parallel_loop3A_763, %parallel_loop3A_770 : vector<16xf32>
        %parallel_loop3A_772 = arith.constant 0 : i32
        %parallel_loop3A_773 = arith.index_cast %parallel_loop3A_772 : i32 to index
        %parallel_loop3A_774 = arith.index_cast %parallel_loop3A_756 : i32 to index
        %parallel_loop3A_775 = arith.constant 32 : index
        %parallel_loop3A_776 = tpu.vector_load %arg8[%parallel_loop3A_773, %parallel_loop3A_774, %parallel_loop3A_775] {strides = array<i32>} : memref<2x488x64xf32, #tpu.memory_space<vmem>>, vector<1x1x16xf32>,
        %parallel_loop3A_777 = vector.shape_cast %parallel_loop3A_776 : vector<1x1x16xf32> to vector<16xf32>
        %parallel_loop3A_778 = arith.mulf %parallel_loop3A_777, %parallel_loop3A_380 : vector<16xf32>
        %parallel_loop3A_779 = arith.addf %parallel_loop3A_771, %parallel_loop3A_778 : vector<16xf32>
        %parallel_loop3A_780 = arith.constant 0 : i32
        %parallel_loop3A_781 = arith.index_cast %parallel_loop3A_780 : i32 to index
        %parallel_loop3A_782 = arith.index_cast %parallel_loop3A_756 : i32 to index
        %parallel_loop3A_783 = arith.constant 48 : index
        %parallel_loop3A_784 = tpu.vector_load %arg8[%parallel_loop3A_781, %parallel_loop3A_782, %parallel_loop3A_783] {strides = array<i32>} : memref<2x488x64xf32, #tpu.memory_space<vmem>>, vector<1x1x16xf32>,
        %parallel_loop3A_785 = vector.shape_cast %parallel_loop3A_784 : vector<1x1x16xf32> to vector<16xf32>
        %parallel_loop3A_786 = arith.mulf %parallel_loop3A_785, %parallel_loop3A_386 : vector<16xf32>
        %parallel_loop3A_787 = arith.addf %parallel_loop3A_779, %parallel_loop3A_786 : vector<16xf32>
        %parallel_loop3A_788 = arith.constant 12 : i32
        %parallel_loop3A_789 = arith.addi %parallel_loop3A_391, %parallel_loop3A_788 : i32
        %parallel_loop3A_790 = arith.constant 0 : i32
        %parallel_loop3A_791 = arith.index_cast %parallel_loop3A_790 : i32 to index
        %parallel_loop3A_792 = arith.index_cast %parallel_loop3A_789 : i32 to index
        %parallel_loop3A_793 = arith.constant 0 : index
        %parallel_loop3A_794 = tpu.vector_load %arg8[%parallel_loop3A_791, %parallel_loop3A_792, %parallel_loop3A_793] {strides = array<i32>} : memref<2x488x64xf32, #tpu.memory_space<vmem>>, vector<1x1x16xf32>,
        %parallel_loop3A_795 = vector.shape_cast %parallel_loop3A_794 : vector<1x1x16xf32> to vector<16xf32>
        %parallel_loop3A_796 = arith.mulf %parallel_loop3A_795, %parallel_loop3A_368 : vector<16xf32>
        %parallel_loop3A_797 = arith.constant 0 : i32
        %parallel_loop3A_798 = arith.index_cast %parallel_loop3A_797 : i32 to index
        %parallel_loop3A_799 = arith.index_cast %parallel_loop3A_789 : i32 to index
        %parallel_loop3A_800 = arith.constant 16 : index
        %parallel_loop3A_801 = tpu.vector_load %arg8[%parallel_loop3A_798, %parallel_loop3A_799, %parallel_loop3A_800] {strides = array<i32>} : memref<2x488x64xf32, #tpu.memory_space<vmem>>, vector<1x1x16xf32>,
        %parallel_loop3A_802 = vector.shape_cast %parallel_loop3A_801 : vector<1x1x16xf32> to vector<16xf32>
        %parallel_loop3A_803 = arith.mulf %parallel_loop3A_802, %parallel_loop3A_374 : vector<16xf32>
        %parallel_loop3A_804 = arith.addf %parallel_loop3A_796, %parallel_loop3A_803 : vector<16xf32>
        %parallel_loop3A_805 = arith.constant 0 : i32
        %parallel_loop3A_806 = arith.index_cast %parallel_loop3A_805 : i32 to index
        %parallel_loop3A_807 = arith.index_cast %parallel_loop3A_789 : i32 to index
        %parallel_loop3A_808 = arith.constant 32 : index
        %parallel_loop3A_809 = tpu.vector_load %arg8[%parallel_loop3A_806, %parallel_loop3A_807, %parallel_loop3A_808] {strides = array<i32>} : memref<2x488x64xf32, #tpu.memory_space<vmem>>, vector<1x1x16xf32>,
        %parallel_loop3A_810 = vector.shape_cast %parallel_loop3A_809 : vector<1x1x16xf32> to vector<16xf32>
        %parallel_loop3A_811 = arith.mulf %parallel_loop3A_810, %parallel_loop3A_380 : vector<16xf32>
        %parallel_loop3A_812 = arith.addf %parallel_loop3A_804, %parallel_loop3A_811 : vector<16xf32>
        %parallel_loop3A_813 = arith.constant 0 : i32
        %parallel_loop3A_814 = arith.index_cast %parallel_loop3A_813 : i32 to index
        %parallel_loop3A_815 = arith.index_cast %parallel_loop3A_789 : i32 to index
        %parallel_loop3A_816 = arith.constant 48 : index
        %parallel_loop3A_817 = tpu.vector_load %arg8[%parallel_loop3A_814, %parallel_loop3A_815, %parallel_loop3A_816] {strides = array<i32>} : memref<2x488x64xf32, #tpu.memory_space<vmem>>, vector<1x1x16xf32>,
        %parallel_loop3A_818 = vector.shape_cast %parallel_loop3A_817 : vector<1x1x16xf32> to vector<16xf32>
        %parallel_loop3A_819 = arith.mulf %parallel_loop3A_818, %parallel_loop3A_386 : vector<16xf32>
        %parallel_loop3A_820 = arith.addf %parallel_loop3A_812, %parallel_loop3A_819 : vector<16xf32>
        %parallel_loop3A_821 = arith.constant 13 : i32
        %parallel_loop3A_822 = arith.addi %parallel_loop3A_391, %parallel_loop3A_821 : i32
        %parallel_loop3A_823 = arith.constant 0 : i32
        %parallel_loop3A_824 = arith.index_cast %parallel_loop3A_823 : i32 to index
        %parallel_loop3A_825 = arith.index_cast %parallel_loop3A_822 : i32 to index
        %parallel_loop3A_826 = arith.constant 0 : index
        %parallel_loop3A_827 = tpu.vector_load %arg8[%parallel_loop3A_824, %parallel_loop3A_825, %parallel_loop3A_826] {strides = array<i32>} : memref<2x488x64xf32, #tpu.memory_space<vmem>>, vector<1x1x16xf32>,
        %parallel_loop3A_828 = vector.shape_cast %parallel_loop3A_827 : vector<1x1x16xf32> to vector<16xf32>
        %parallel_loop3A_829 = arith.mulf %parallel_loop3A_828, %parallel_loop3A_368 : vector<16xf32>
        %parallel_loop3A_830 = arith.constant 0 : i32
        %parallel_loop3A_831 = arith.index_cast %parallel_loop3A_830 : i32 to index
        %parallel_loop3A_832 = arith.index_cast %parallel_loop3A_822 : i32 to index
        %parallel_loop3A_833 = arith.constant 16 : index
        %parallel_loop3A_834 = tpu.vector_load %arg8[%parallel_loop3A_831, %parallel_loop3A_832, %parallel_loop3A_833] {strides = array<i32>} : memref<2x488x64xf32, #tpu.memory_space<vmem>>, vector<1x1x16xf32>,
        %parallel_loop3A_835 = vector.shape_cast %parallel_loop3A_834 : vector<1x1x16xf32> to vector<16xf32>
        %parallel_loop3A_836 = arith.mulf %parallel_loop3A_835, %parallel_loop3A_374 : vector<16xf32>
        %parallel_loop3A_837 = arith.addf %parallel_loop3A_829, %parallel_loop3A_836 : vector<16xf32>
        %parallel_loop3A_838 = arith.constant 0 : i32
        %parallel_loop3A_839 = arith.index_cast %parallel_loop3A_838 : i32 to index
        %parallel_loop3A_840 = arith.index_cast %parallel_loop3A_822 : i32 to index
        %parallel_loop3A_841 = arith.constant 32 : index
        %parallel_loop3A_842 = tpu.vector_load %arg8[%parallel_loop3A_839, %parallel_loop3A_840, %parallel_loop3A_841] {strides = array<i32>} : memref<2x488x64xf32, #tpu.memory_space<vmem>>, vector<1x1x16xf32>,
        %parallel_loop3A_843 = vector.shape_cast %parallel_loop3A_842 : vector<1x1x16xf32> to vector<16xf32>
        %parallel_loop3A_844 = arith.mulf %parallel_loop3A_843, %parallel_loop3A_380 : vector<16xf32>
        %parallel_loop3A_845 = arith.addf %parallel_loop3A_837, %parallel_loop3A_844 : vector<16xf32>
        %parallel_loop3A_846 = arith.constant 0 : i32
        %parallel_loop3A_847 = arith.index_cast %parallel_loop3A_846 : i32 to index
        %parallel_loop3A_848 = arith.index_cast %parallel_loop3A_822 : i32 to index
        %parallel_loop3A_849 = arith.constant 48 : index
        %parallel_loop3A_850 = tpu.vector_load %arg8[%parallel_loop3A_847, %parallel_loop3A_848, %parallel_loop3A_849] {strides = array<i32>} : memref<2x488x64xf32, #tpu.memory_space<vmem>>, vector<1x1x16xf32>,
        %parallel_loop3A_851 = vector.shape_cast %parallel_loop3A_850 : vector<1x1x16xf32> to vector<16xf32>
        %parallel_loop3A_852 = arith.mulf %parallel_loop3A_851, %parallel_loop3A_386 : vector<16xf32>
        %parallel_loop3A_853 = arith.addf %parallel_loop3A_845, %parallel_loop3A_852 : vector<16xf32>
        %parallel_loop3A_854 = arith.constant 14 : i32
        %parallel_loop3A_855 = arith.addi %parallel_loop3A_391, %parallel_loop3A_854 : i32
        %parallel_loop3A_856 = arith.constant 0 : i32
        %parallel_loop3A_857 = arith.index_cast %parallel_loop3A_856 : i32 to index
        %parallel_loop3A_858 = arith.index_cast %parallel_loop3A_855 : i32 to index
        %parallel_loop3A_859 = arith.constant 0 : index
        %parallel_loop3A_860 = tpu.vector_load %arg8[%parallel_loop3A_857, %parallel_loop3A_858, %parallel_loop3A_859] {strides = array<i32>} : memref<2x488x64xf32, #tpu.memory_space<vmem>>, vector<1x1x16xf32>,
        %parallel_loop3A_861 = vector.shape_cast %parallel_loop3A_860 : vector<1x1x16xf32> to vector<16xf32>
        %parallel_loop3A_862 = arith.mulf %parallel_loop3A_861, %parallel_loop3A_368 : vector<16xf32>
        %parallel_loop3A_863 = arith.constant 0 : i32
        %parallel_loop3A_864 = arith.index_cast %parallel_loop3A_863 : i32 to index
        %parallel_loop3A_865 = arith.index_cast %parallel_loop3A_855 : i32 to index
        %parallel_loop3A_866 = arith.constant 16 : index
        %parallel_loop3A_867 = tpu.vector_load %arg8[%parallel_loop3A_864, %parallel_loop3A_865, %parallel_loop3A_866] {strides = array<i32>} : memref<2x488x64xf32, #tpu.memory_space<vmem>>, vector<1x1x16xf32>,
        %parallel_loop3A_868 = vector.shape_cast %parallel_loop3A_867 : vector<1x1x16xf32> to vector<16xf32>
        %parallel_loop3A_869 = arith.mulf %parallel_loop3A_868, %parallel_loop3A_374 : vector<16xf32>
        %parallel_loop3A_870 = arith.addf %parallel_loop3A_862, %parallel_loop3A_869 : vector<16xf32>
        %parallel_loop3A_871 = arith.constant 0 : i32
        %parallel_loop3A_872 = arith.index_cast %parallel_loop3A_871 : i32 to index
        %parallel_loop3A_873 = arith.index_cast %parallel_loop3A_855 : i32 to index
        %parallel_loop3A_874 = arith.constant 32 : index
        %parallel_loop3A_875 = tpu.vector_load %arg8[%parallel_loop3A_872, %parallel_loop3A_873, %parallel_loop3A_874] {strides = array<i32>} : memref<2x488x64xf32, #tpu.memory_space<vmem>>, vector<1x1x16xf32>,
        %parallel_loop3A_876 = vector.shape_cast %parallel_loop3A_875 : vector<1x1x16xf32> to vector<16xf32>
        %parallel_loop3A_877 = arith.mulf %parallel_loop3A_876, %parallel_loop3A_380 : vector<16xf32>
        %parallel_loop3A_878 = arith.addf %parallel_loop3A_870, %parallel_loop3A_877 : vector<16xf32>
        %parallel_loop3A_879 = arith.constant 0 : i32
        %parallel_loop3A_880 = arith.index_cast %parallel_loop3A_879 : i32 to index
        %parallel_loop3A_881 = arith.index_cast %parallel_loop3A_855 : i32 to index
        %parallel_loop3A_882 = arith.constant 48 : index
        %parallel_loop3A_883 = tpu.vector_load %arg8[%parallel_loop3A_880, %parallel_loop3A_881, %parallel_loop3A_882] {strides = array<i32>} : memref<2x488x64xf32, #tpu.memory_space<vmem>>, vector<1x1x16xf32>,
        %parallel_loop3A_884 = vector.shape_cast %parallel_loop3A_883 : vector<1x1x16xf32> to vector<16xf32>
        %parallel_loop3A_885 = arith.mulf %parallel_loop3A_884, %parallel_loop3A_386 : vector<16xf32>
        %parallel_loop3A_886 = arith.addf %parallel_loop3A_878, %parallel_loop3A_885 : vector<16xf32>
        %parallel_loop3A_887 = arith.constant 15 : i32
        %parallel_loop3A_888 = arith.addi %parallel_loop3A_391, %parallel_loop3A_887 : i32
        %parallel_loop3A_889 = arith.constant 0 : i32
        %parallel_loop3A_890 = arith.index_cast %parallel_loop3A_889 : i32 to index
        %parallel_loop3A_891 = arith.index_cast %parallel_loop3A_888 : i32 to index
        %parallel_loop3A_892 = arith.constant 0 : index
        %parallel_loop3A_893 = tpu.vector_load %arg8[%parallel_loop3A_890, %parallel_loop3A_891, %parallel_loop3A_892] {strides = array<i32>} : memref<2x488x64xf32, #tpu.memory_space<vmem>>, vector<1x1x16xf32>,
        %parallel_loop3A_894 = vector.shape_cast %parallel_loop3A_893 : vector<1x1x16xf32> to vector<16xf32>
        %parallel_loop3A_895 = arith.mulf %parallel_loop3A_894, %parallel_loop3A_368 : vector<16xf32>
        %parallel_loop3A_896 = arith.constant 0 : i32
        %parallel_loop3A_897 = arith.index_cast %parallel_loop3A_896 : i32 to index
        %parallel_loop3A_898 = arith.index_cast %parallel_loop3A_888 : i32 to index
        %parallel_loop3A_899 = arith.constant 16 : index
        %parallel_loop3A_900 = tpu.vector_load %arg8[%parallel_loop3A_897, %parallel_loop3A_898, %parallel_loop3A_899] {strides = array<i32>} : memref<2x488x64xf32, #tpu.memory_space<vmem>>, vector<1x1x16xf32>,
        %parallel_loop3A_901 = vector.shape_cast %parallel_loop3A_900 : vector<1x1x16xf32> to vector<16xf32>
        %parallel_loop3A_902 = arith.mulf %parallel_loop3A_901, %parallel_loop3A_374 : vector<16xf32>
        %parallel_loop3A_903 = arith.addf %parallel_loop3A_895, %parallel_loop3A_902 : vector<16xf32>
        %parallel_loop3A_904 = arith.constant 0 : i32
        %parallel_loop3A_905 = arith.index_cast %parallel_loop3A_904 : i32 to index
        %parallel_loop3A_906 = arith.index_cast %parallel_loop3A_888 : i32 to index
        %parallel_loop3A_907 = arith.constant 32 : index
        %parallel_loop3A_908 = tpu.vector_load %arg8[%parallel_loop3A_905, %parallel_loop3A_906, %parallel_loop3A_907] {strides = array<i32>} : memref<2x488x64xf32, #tpu.memory_space<vmem>>, vector<1x1x16xf32>,
        %parallel_loop3A_909 = vector.shape_cast %parallel_loop3A_908 : vector<1x1x16xf32> to vector<16xf32>
        %parallel_loop3A_910 = arith.mulf %parallel_loop3A_909, %parallel_loop3A_380 : vector<16xf32>
        %parallel_loop3A_911 = arith.addf %parallel_loop3A_903, %parallel_loop3A_910 : vector<16xf32>
        %parallel_loop3A_912 = arith.constant 0 : i32
        %parallel_loop3A_913 = arith.index_cast %parallel_loop3A_912 : i32 to index
        %parallel_loop3A_914 = arith.index_cast %parallel_loop3A_888 : i32 to index
        %parallel_loop3A_915 = arith.constant 48 : index
        %parallel_loop3A_916 = tpu.vector_load %arg8[%parallel_loop3A_913, %parallel_loop3A_914, %parallel_loop3A_915] {strides = array<i32>} : memref<2x488x64xf32, #tpu.memory_space<vmem>>, vector<1x1x16xf32>,
        %parallel_loop3A_917 = vector.shape_cast %parallel_loop3A_916 : vector<1x1x16xf32> to vector<16xf32>
        %parallel_loop3A_918 = arith.mulf %parallel_loop3A_917, %parallel_loop3A_386 : vector<16xf32>
        %parallel_loop3A_919 = arith.addf %parallel_loop3A_911, %parallel_loop3A_918 : vector<16xf32>
        %parallel_loop3A_920 = arith.constant 1 : i32
        %parallel_loop3A_921 = vector.broadcast %parallel_loop3A_920 : i32 to vector<16xi32>
        %parallel_loop3A_922 = arith.xori %iota3A, %parallel_loop3A_921 : vector<16xi32>
        %parallel_loop3A_923 = arith.constant 0 : i32
        %parallel_loop3A_924 = vector.broadcast %parallel_loop3A_923 : i32 to vector<16xi32>
        %parallel_loop3A_925 = arith.cmpi slt, %parallel_loop3A_922, %parallel_loop3A_924 : vector<16xi32>
        %parallel_loop3A_926 = arith.constant 16 : i32
        %parallel_loop3A_927 = vector.broadcast %parallel_loop3A_926 : i32 to vector<16xi32>
        %parallel_loop3A_928 = arith.addi %parallel_loop3A_922, %parallel_loop3A_927 : vector<16xi32>
        %parallel_loop3A_929 = arith.select %parallel_loop3A_925, %parallel_loop3A_928, %parallel_loop3A_922 : vector<16xi1>, vector<16xi32>
        %parallel_loop3A_930 = vector.shape_cast %parallel_loop3A_929 : vector<16xi32> to vector<16x1xi32>
        %parallel_loop3A_931 = vector.shape_cast %parallel_loop3A_930 : vector<16x1xi32> to vector<16xi32>
        %parallel_loop3A_932 = tpu.dynamic_gather %parallel_loop3A_424[%parallel_loop3A_931] in [0] : vector<16xf32>, vector<16xi32> -> vector<16xf32>
        %parallel_loop3A_933 = arith.addf %parallel_loop3A_424, %parallel_loop3A_932 : vector<16xf32>
        %parallel_loop3A_934 = arith.constant 0 : i32
        %parallel_loop3A_935 = vector.broadcast %parallel_loop3A_934 : i32 to vector<16xi32>
        %parallel_loop3A_936 = arith.cmpi slt, %parallel_loop3A_922, %parallel_loop3A_935 : vector<16xi32>
        %parallel_loop3A_937 = arith.constant 16 : i32
        %parallel_loop3A_938 = vector.broadcast %parallel_loop3A_937 : i32 to vector<16xi32>
        %parallel_loop3A_939 = arith.addi %parallel_loop3A_922, %parallel_loop3A_938 : vector<16xi32>
        %parallel_loop3A_940 = arith.select %parallel_loop3A_936, %parallel_loop3A_939, %parallel_loop3A_922 : vector<16xi1>, vector<16xi32>
        %parallel_loop3A_941 = vector.shape_cast %parallel_loop3A_940 : vector<16xi32> to vector<16x1xi32>
        %parallel_loop3A_942 = vector.shape_cast %parallel_loop3A_941 : vector<16x1xi32> to vector<16xi32>
        %parallel_loop3A_943 = tpu.dynamic_gather %parallel_loop3A_457[%parallel_loop3A_942] in [0] : vector<16xf32>, vector<16xi32> -> vector<16xf32>
        %parallel_loop3A_944 = arith.addf %parallel_loop3A_457, %parallel_loop3A_943 : vector<16xf32>
        %parallel_loop3A_945 = arith.constant 1 : i32
        %parallel_loop3A_946 = vector.broadcast %parallel_loop3A_945 : i32 to vector<16xi32>
        %parallel_loop3A_947 = arith.andi %iota3A, %parallel_loop3A_946 : vector<16xi32>
        %parallel_loop3A_948 = arith.constant 0 : i32
        %parallel_loop3A_949 = vector.broadcast %parallel_loop3A_948 : i32 to vector<16xi32>
        %parallel_loop3A_950 = arith.cmpi eq, %parallel_loop3A_947, %parallel_loop3A_949 : vector<16xi32>
        %parallel_loop3A_951 = arith.select %parallel_loop3A_950, %parallel_loop3A_933, %parallel_loop3A_944 : vector<16xi1>, vector<16xf32>
        %parallel_loop3A_952 = arith.constant 1 : i32
        %parallel_loop3A_953 = vector.broadcast %parallel_loop3A_952 : i32 to vector<16xi32>
        %parallel_loop3A_954 = arith.xori %iota3A, %parallel_loop3A_953 : vector<16xi32>
        %parallel_loop3A_955 = arith.constant 0 : i32
        %parallel_loop3A_956 = vector.broadcast %parallel_loop3A_955 : i32 to vector<16xi32>
        %parallel_loop3A_957 = arith.cmpi slt, %parallel_loop3A_954, %parallel_loop3A_956 : vector<16xi32>
        %parallel_loop3A_958 = arith.constant 16 : i32
        %parallel_loop3A_959 = vector.broadcast %parallel_loop3A_958 : i32 to vector<16xi32>
        %parallel_loop3A_960 = arith.addi %parallel_loop3A_954, %parallel_loop3A_959 : vector<16xi32>
        %parallel_loop3A_961 = arith.select %parallel_loop3A_957, %parallel_loop3A_960, %parallel_loop3A_954 : vector<16xi1>, vector<16xi32>
        %parallel_loop3A_962 = vector.shape_cast %parallel_loop3A_961 : vector<16xi32> to vector<16x1xi32>
        %parallel_loop3A_963 = vector.shape_cast %parallel_loop3A_962 : vector<16x1xi32> to vector<16xi32>
        %parallel_loop3A_964 = tpu.dynamic_gather %parallel_loop3A_490[%parallel_loop3A_963] in [0] : vector<16xf32>, vector<16xi32> -> vector<16xf32>
        %parallel_loop3A_965 = arith.addf %parallel_loop3A_490, %parallel_loop3A_964 : vector<16xf32>
        %parallel_loop3A_966 = arith.constant 0 : i32
        %parallel_loop3A_967 = vector.broadcast %parallel_loop3A_966 : i32 to vector<16xi32>
        %parallel_loop3A_968 = arith.cmpi slt, %parallel_loop3A_954, %parallel_loop3A_967 : vector<16xi32>
        %parallel_loop3A_969 = arith.constant 16 : i32
        %parallel_loop3A_970 = vector.broadcast %parallel_loop3A_969 : i32 to vector<16xi32>
        %parallel_loop3A_971 = arith.addi %parallel_loop3A_954, %parallel_loop3A_970 : vector<16xi32>
        %parallel_loop3A_972 = arith.select %parallel_loop3A_968, %parallel_loop3A_971, %parallel_loop3A_954 : vector<16xi1>, vector<16xi32>
        %parallel_loop3A_973 = vector.shape_cast %parallel_loop3A_972 : vector<16xi32> to vector<16x1xi32>
        %parallel_loop3A_974 = vector.shape_cast %parallel_loop3A_973 : vector<16x1xi32> to vector<16xi32>
        %parallel_loop3A_975 = tpu.dynamic_gather %parallel_loop3A_523[%parallel_loop3A_974] in [0] : vector<16xf32>, vector<16xi32> -> vector<16xf32>
        %parallel_loop3A_976 = arith.addf %parallel_loop3A_523, %parallel_loop3A_975 : vector<16xf32>
        %parallel_loop3A_977 = arith.constant 1 : i32
        %parallel_loop3A_978 = vector.broadcast %parallel_loop3A_977 : i32 to vector<16xi32>
        %parallel_loop3A_979 = arith.andi %iota3A, %parallel_loop3A_978 : vector<16xi32>
        %parallel_loop3A_980 = arith.constant 0 : i32
        %parallel_loop3A_981 = vector.broadcast %parallel_loop3A_980 : i32 to vector<16xi32>
        %parallel_loop3A_982 = arith.cmpi eq, %parallel_loop3A_979, %parallel_loop3A_981 : vector<16xi32>
        %parallel_loop3A_983 = arith.select %parallel_loop3A_982, %parallel_loop3A_965, %parallel_loop3A_976 : vector<16xi1>, vector<16xf32>
        %parallel_loop3A_984 = arith.constant 1 : i32
        %parallel_loop3A_985 = vector.broadcast %parallel_loop3A_984 : i32 to vector<16xi32>
        %parallel_loop3A_986 = arith.xori %iota3A, %parallel_loop3A_985 : vector<16xi32>
        %parallel_loop3A_987 = arith.constant 0 : i32
        %parallel_loop3A_988 = vector.broadcast %parallel_loop3A_987 : i32 to vector<16xi32>
        %parallel_loop3A_989 = arith.cmpi slt, %parallel_loop3A_986, %parallel_loop3A_988 : vector<16xi32>
        %parallel_loop3A_990 = arith.constant 16 : i32
        %parallel_loop3A_991 = vector.broadcast %parallel_loop3A_990 : i32 to vector<16xi32>
        %parallel_loop3A_992 = arith.addi %parallel_loop3A_986, %parallel_loop3A_991 : vector<16xi32>
        %parallel_loop3A_993 = arith.select %parallel_loop3A_989, %parallel_loop3A_992, %parallel_loop3A_986 : vector<16xi1>, vector<16xi32>
        %parallel_loop3A_994 = vector.shape_cast %parallel_loop3A_993 : vector<16xi32> to vector<16x1xi32>
        %parallel_loop3A_995 = vector.shape_cast %parallel_loop3A_994 : vector<16x1xi32> to vector<16xi32>
        %parallel_loop3A_996 = tpu.dynamic_gather %parallel_loop3A_556[%parallel_loop3A_995] in [0] : vector<16xf32>, vector<16xi32> -> vector<16xf32>
        %parallel_loop3A_997 = arith.addf %parallel_loop3A_556, %parallel_loop3A_996 : vector<16xf32>
        %parallel_loop3A_998 = arith.constant 0 : i32
        %parallel_loop3A_999 = vector.broadcast %parallel_loop3A_998 : i32 to vector<16xi32>
        %parallel_loop3A_1000 = arith.cmpi slt, %parallel_loop3A_986, %parallel_loop3A_999 : vector<16xi32>
        %parallel_loop3A_1001 = arith.constant 16 : i32
        %parallel_loop3A_1002 = vector.broadcast %parallel_loop3A_1001 : i32 to vector<16xi32>
        %parallel_loop3A_1003 = arith.addi %parallel_loop3A_986, %parallel_loop3A_1002 : vector<16xi32>
        %parallel_loop3A_1004 = arith.select %parallel_loop3A_1000, %parallel_loop3A_1003, %parallel_loop3A_986 : vector<16xi1>, vector<16xi32>
        %parallel_loop3A_1005 = vector.shape_cast %parallel_loop3A_1004 : vector<16xi32> to vector<16x1xi32>
        %parallel_loop3A_1006 = vector.shape_cast %parallel_loop3A_1005 : vector<16x1xi32> to vector<16xi32>
        %parallel_loop3A_1007 = tpu.dynamic_gather %parallel_loop3A_589[%parallel_loop3A_1006] in [0] : vector<16xf32>, vector<16xi32> -> vector<16xf32>
        %parallel_loop3A_1008 = arith.addf %parallel_loop3A_589, %parallel_loop3A_1007 : vector<16xf32>
        %parallel_loop3A_1009 = arith.constant 1 : i32
        %parallel_loop3A_1010 = vector.broadcast %parallel_loop3A_1009 : i32 to vector<16xi32>
        %parallel_loop3A_1011 = arith.andi %iota3A, %parallel_loop3A_1010 : vector<16xi32>
        %parallel_loop3A_1012 = arith.constant 0 : i32
        %parallel_loop3A_1013 = vector.broadcast %parallel_loop3A_1012 : i32 to vector<16xi32>
        %parallel_loop3A_1014 = arith.cmpi eq, %parallel_loop3A_1011, %parallel_loop3A_1013 : vector<16xi32>
        %parallel_loop3A_1015 = arith.select %parallel_loop3A_1014, %parallel_loop3A_997, %parallel_loop3A_1008 : vector<16xi1>, vector<16xf32>
        %parallel_loop3A_1016 = arith.constant 1 : i32
        %parallel_loop3A_1017 = vector.broadcast %parallel_loop3A_1016 : i32 to vector<16xi32>
        %parallel_loop3A_1018 = arith.xori %iota3A, %parallel_loop3A_1017 : vector<16xi32>
        %parallel_loop3A_1019 = arith.constant 0 : i32
        %parallel_loop3A_1020 = vector.broadcast %parallel_loop3A_1019 : i32 to vector<16xi32>
        %parallel_loop3A_1021 = arith.cmpi slt, %parallel_loop3A_1018, %parallel_loop3A_1020 : vector<16xi32>
        %parallel_loop3A_1022 = arith.constant 16 : i32
        %parallel_loop3A_1023 = vector.broadcast %parallel_loop3A_1022 : i32 to vector<16xi32>
        %parallel_loop3A_1024 = arith.addi %parallel_loop3A_1018, %parallel_loop3A_1023 : vector<16xi32>
        %parallel_loop3A_1025 = arith.select %parallel_loop3A_1021, %parallel_loop3A_1024, %parallel_loop3A_1018 : vector<16xi1>, vector<16xi32>
        %parallel_loop3A_1026 = vector.shape_cast %parallel_loop3A_1025 : vector<16xi32> to vector<16x1xi32>
        %parallel_loop3A_1027 = vector.shape_cast %parallel_loop3A_1026 : vector<16x1xi32> to vector<16xi32>
        %parallel_loop3A_1028 = tpu.dynamic_gather %parallel_loop3A_622[%parallel_loop3A_1027] in [0] : vector<16xf32>, vector<16xi32> -> vector<16xf32>
        %parallel_loop3A_1029 = arith.addf %parallel_loop3A_622, %parallel_loop3A_1028 : vector<16xf32>
        %parallel_loop3A_1030 = arith.constant 0 : i32
        %parallel_loop3A_1031 = vector.broadcast %parallel_loop3A_1030 : i32 to vector<16xi32>
        %parallel_loop3A_1032 = arith.cmpi slt, %parallel_loop3A_1018, %parallel_loop3A_1031 : vector<16xi32>
        %parallel_loop3A_1033 = arith.constant 16 : i32
        %parallel_loop3A_1034 = vector.broadcast %parallel_loop3A_1033 : i32 to vector<16xi32>
        %parallel_loop3A_1035 = arith.addi %parallel_loop3A_1018, %parallel_loop3A_1034 : vector<16xi32>
        %parallel_loop3A_1036 = arith.select %parallel_loop3A_1032, %parallel_loop3A_1035, %parallel_loop3A_1018 : vector<16xi1>, vector<16xi32>
        %parallel_loop3A_1037 = vector.shape_cast %parallel_loop3A_1036 : vector<16xi32> to vector<16x1xi32>
        %parallel_loop3A_1038 = vector.shape_cast %parallel_loop3A_1037 : vector<16x1xi32> to vector<16xi32>
        %parallel_loop3A_1039 = tpu.dynamic_gather %parallel_loop3A_655[%parallel_loop3A_1038] in [0] : vector<16xf32>, vector<16xi32> -> vector<16xf32>
        %parallel_loop3A_1040 = arith.addf %parallel_loop3A_655, %parallel_loop3A_1039 : vector<16xf32>
        %parallel_loop3A_1041 = arith.constant 1 : i32
        %parallel_loop3A_1042 = vector.broadcast %parallel_loop3A_1041 : i32 to vector<16xi32>
        %parallel_loop3A_1043 = arith.andi %iota3A, %parallel_loop3A_1042 : vector<16xi32>
        %parallel_loop3A_1044 = arith.constant 0 : i32
        %parallel_loop3A_1045 = vector.broadcast %parallel_loop3A_1044 : i32 to vector<16xi32>
        %parallel_loop3A_1046 = arith.cmpi eq, %parallel_loop3A_1043, %parallel_loop3A_1045 : vector<16xi32>
        %parallel_loop3A_1047 = arith.select %parallel_loop3A_1046, %parallel_loop3A_1029, %parallel_loop3A_1040 : vector<16xi1>, vector<16xf32>
        %parallel_loop3A_1048 = arith.constant 1 : i32
        %parallel_loop3A_1049 = vector.broadcast %parallel_loop3A_1048 : i32 to vector<16xi32>
        %parallel_loop3A_1050 = arith.xori %iota3A, %parallel_loop3A_1049 : vector<16xi32>
        %parallel_loop3A_1051 = arith.constant 0 : i32
        %parallel_loop3A_1052 = vector.broadcast %parallel_loop3A_1051 : i32 to vector<16xi32>
        %parallel_loop3A_1053 = arith.cmpi slt, %parallel_loop3A_1050, %parallel_loop3A_1052 : vector<16xi32>
        %parallel_loop3A_1054 = arith.constant 16 : i32
        %parallel_loop3A_1055 = vector.broadcast %parallel_loop3A_1054 : i32 to vector<16xi32>
        %parallel_loop3A_1056 = arith.addi %parallel_loop3A_1050, %parallel_loop3A_1055 : vector<16xi32>
        %parallel_loop3A_1057 = arith.select %parallel_loop3A_1053, %parallel_loop3A_1056, %parallel_loop3A_1050 : vector<16xi1>, vector<16xi32>
        %parallel_loop3A_1058 = vector.shape_cast %parallel_loop3A_1057 : vector<16xi32> to vector<16x1xi32>
        %parallel_loop3A_1059 = vector.shape_cast %parallel_loop3A_1058 : vector<16x1xi32> to vector<16xi32>
        %parallel_loop3A_1060 = tpu.dynamic_gather %parallel_loop3A_688[%parallel_loop3A_1059] in [0] : vector<16xf32>, vector<16xi32> -> vector<16xf32>
        %parallel_loop3A_1061 = arith.addf %parallel_loop3A_688, %parallel_loop3A_1060 : vector<16xf32>
        %parallel_loop3A_1062 = arith.constant 0 : i32
        %parallel_loop3A_1063 = vector.broadcast %parallel_loop3A_1062 : i32 to vector<16xi32>
        %parallel_loop3A_1064 = arith.cmpi slt, %parallel_loop3A_1050, %parallel_loop3A_1063 : vector<16xi32>
        %parallel_loop3A_1065 = arith.constant 16 : i32
        %parallel_loop3A_1066 = vector.broadcast %parallel_loop3A_1065 : i32 to vector<16xi32>
        %parallel_loop3A_1067 = arith.addi %parallel_loop3A_1050, %parallel_loop3A_1066 : vector<16xi32>
        %parallel_loop3A_1068 = arith.select %parallel_loop3A_1064, %parallel_loop3A_1067, %parallel_loop3A_1050 : vector<16xi1>, vector<16xi32>
        %parallel_loop3A_1069 = vector.shape_cast %parallel_loop3A_1068 : vector<16xi32> to vector<16x1xi32>
        %parallel_loop3A_1070 = vector.shape_cast %parallel_loop3A_1069 : vector<16x1xi32> to vector<16xi32>
        %parallel_loop3A_1071 = tpu.dynamic_gather %parallel_loop3A_721[%parallel_loop3A_1070] in [0] : vector<16xf32>, vector<16xi32> -> vector<16xf32>
        %parallel_loop3A_1072 = arith.addf %parallel_loop3A_721, %parallel_loop3A_1071 : vector<16xf32>
        %parallel_loop3A_1073 = arith.constant 1 : i32
        %parallel_loop3A_1074 = vector.broadcast %parallel_loop3A_1073 : i32 to vector<16xi32>
        %parallel_loop3A_1075 = arith.andi %iota3A, %parallel_loop3A_1074 : vector<16xi32>
        %parallel_loop3A_1076 = arith.constant 0 : i32
        %parallel_loop3A_1077 = vector.broadcast %parallel_loop3A_1076 : i32 to vector<16xi32>
        %parallel_loop3A_1078 = arith.cmpi eq, %parallel_loop3A_1075, %parallel_loop3A_1077 : vector<16xi32>
        %parallel_loop3A_1079 = arith.select %parallel_loop3A_1078, %parallel_loop3A_1061, %parallel_loop3A_1072 : vector<16xi1>, vector<16xf32>
        %parallel_loop3A_1080 = arith.constant 1 : i32
        %parallel_loop3A_1081 = vector.broadcast %parallel_loop3A_1080 : i32 to vector<16xi32>
        %parallel_loop3A_1082 = arith.xori %iota3A, %parallel_loop3A_1081 : vector<16xi32>
        %parallel_loop3A_1083 = arith.constant 0 : i32
        %parallel_loop3A_1084 = vector.broadcast %parallel_loop3A_1083 : i32 to vector<16xi32>
        %parallel_loop3A_1085 = arith.cmpi slt, %parallel_loop3A_1082, %parallel_loop3A_1084 : vector<16xi32>
        %parallel_loop3A_1086 = arith.constant 16 : i32
        %parallel_loop3A_1087 = vector.broadcast %parallel_loop3A_1086 : i32 to vector<16xi32>
        %parallel_loop3A_1088 = arith.addi %parallel_loop3A_1082, %parallel_loop3A_1087 : vector<16xi32>
        %parallel_loop3A_1089 = arith.select %parallel_loop3A_1085, %parallel_loop3A_1088, %parallel_loop3A_1082 : vector<16xi1>, vector<16xi32>
        %parallel_loop3A_1090 = vector.shape_cast %parallel_loop3A_1089 : vector<16xi32> to vector<16x1xi32>
        %parallel_loop3A_1091 = vector.shape_cast %parallel_loop3A_1090 : vector<16x1xi32> to vector<16xi32>
        %parallel_loop3A_1092 = tpu.dynamic_gather %parallel_loop3A_754[%parallel_loop3A_1091] in [0] : vector<16xf32>, vector<16xi32> -> vector<16xf32>
        %parallel_loop3A_1093 = arith.addf %parallel_loop3A_754, %parallel_loop3A_1092 : vector<16xf32>
        %parallel_loop3A_1094 = arith.constant 0 : i32
        %parallel_loop3A_1095 = vector.broadcast %parallel_loop3A_1094 : i32 to vector<16xi32>
        %parallel_loop3A_1096 = arith.cmpi slt, %parallel_loop3A_1082, %parallel_loop3A_1095 : vector<16xi32>
        %parallel_loop3A_1097 = arith.constant 16 : i32
        %parallel_loop3A_1098 = vector.broadcast %parallel_loop3A_1097 : i32 to vector<16xi32>
        %parallel_loop3A_1099 = arith.addi %parallel_loop3A_1082, %parallel_loop3A_1098 : vector<16xi32>
        %parallel_loop3A_1100 = arith.select %parallel_loop3A_1096, %parallel_loop3A_1099, %parallel_loop3A_1082 : vector<16xi1>, vector<16xi32>
        %parallel_loop3A_1101 = vector.shape_cast %parallel_loop3A_1100 : vector<16xi32> to vector<16x1xi32>
        %parallel_loop3A_1102 = vector.shape_cast %parallel_loop3A_1101 : vector<16x1xi32> to vector<16xi32>
        %parallel_loop3A_1103 = tpu.dynamic_gather %parallel_loop3A_787[%parallel_loop3A_1102] in [0] : vector<16xf32>, vector<16xi32> -> vector<16xf32>
        %parallel_loop3A_1104 = arith.addf %parallel_loop3A_787, %parallel_loop3A_1103 : vector<16xf32>
        %parallel_loop3A_1105 = arith.constant 1 : i32
        %parallel_loop3A_1106 = vector.broadcast %parallel_loop3A_1105 : i32 to vector<16xi32>
        %parallel_loop3A_1107 = arith.andi %iota3A, %parallel_loop3A_1106 : vector<16xi32>
        %parallel_loop3A_1108 = arith.constant 0 : i32
        %parallel_loop3A_1109 = vector.broadcast %parallel_loop3A_1108 : i32 to vector<16xi32>
        %parallel_loop3A_1110 = arith.cmpi eq, %parallel_loop3A_1107, %parallel_loop3A_1109 : vector<16xi32>
        %parallel_loop3A_1111 = arith.select %parallel_loop3A_1110, %parallel_loop3A_1093, %parallel_loop3A_1104 : vector<16xi1>, vector<16xf32>
        %parallel_loop3A_1112 = arith.constant 1 : i32
        %parallel_loop3A_1113 = vector.broadcast %parallel_loop3A_1112 : i32 to vector<16xi32>
        %parallel_loop3A_1114 = arith.xori %iota3A, %parallel_loop3A_1113 : vector<16xi32>
        %parallel_loop3A_1115 = arith.constant 0 : i32
        %parallel_loop3A_1116 = vector.broadcast %parallel_loop3A_1115 : i32 to vector<16xi32>
        %parallel_loop3A_1117 = arith.cmpi slt, %parallel_loop3A_1114, %parallel_loop3A_1116 : vector<16xi32>
        %parallel_loop3A_1118 = arith.constant 16 : i32
        %parallel_loop3A_1119 = vector.broadcast %parallel_loop3A_1118 : i32 to vector<16xi32>
        %parallel_loop3A_1120 = arith.addi %parallel_loop3A_1114, %parallel_loop3A_1119 : vector<16xi32>
        %parallel_loop3A_1121 = arith.select %parallel_loop3A_1117, %parallel_loop3A_1120, %parallel_loop3A_1114 : vector<16xi1>, vector<16xi32>
        %parallel_loop3A_1122 = vector.shape_cast %parallel_loop3A_1121 : vector<16xi32> to vector<16x1xi32>
        %parallel_loop3A_1123 = vector.shape_cast %parallel_loop3A_1122 : vector<16x1xi32> to vector<16xi32>
        %parallel_loop3A_1124 = tpu.dynamic_gather %parallel_loop3A_820[%parallel_loop3A_1123] in [0] : vector<16xf32>, vector<16xi32> -> vector<16xf32>
        %parallel_loop3A_1125 = arith.addf %parallel_loop3A_820, %parallel_loop3A_1124 : vector<16xf32>
        %parallel_loop3A_1126 = arith.constant 0 : i32
        %parallel_loop3A_1127 = vector.broadcast %parallel_loop3A_1126 : i32 to vector<16xi32>
        %parallel_loop3A_1128 = arith.cmpi slt, %parallel_loop3A_1114, %parallel_loop3A_1127 : vector<16xi32>
        %parallel_loop3A_1129 = arith.constant 16 : i32
        %parallel_loop3A_1130 = vector.broadcast %parallel_loop3A_1129 : i32 to vector<16xi32>
        %parallel_loop3A_1131 = arith.addi %parallel_loop3A_1114, %parallel_loop3A_1130 : vector<16xi32>
        %parallel_loop3A_1132 = arith.select %parallel_loop3A_1128, %parallel_loop3A_1131, %parallel_loop3A_1114 : vector<16xi1>, vector<16xi32>
        %parallel_loop3A_1133 = vector.shape_cast %parallel_loop3A_1132 : vector<16xi32> to vector<16x1xi32>
        %parallel_loop3A_1134 = vector.shape_cast %parallel_loop3A_1133 : vector<16x1xi32> to vector<16xi32>
        %parallel_loop3A_1135 = tpu.dynamic_gather %parallel_loop3A_853[%parallel_loop3A_1134] in [0] : vector<16xf32>, vector<16xi32> -> vector<16xf32>
        %parallel_loop3A_1136 = arith.addf %parallel_loop3A_853, %parallel_loop3A_1135 : vector<16xf32>
        %parallel_loop3A_1137 = arith.constant 1 : i32
        %parallel_loop3A_1138 = vector.broadcast %parallel_loop3A_1137 : i32 to vector<16xi32>
        %parallel_loop3A_1139 = arith.andi %iota3A, %parallel_loop3A_1138 : vector<16xi32>
        %parallel_loop3A_1140 = arith.constant 0 : i32
        %parallel_loop3A_1141 = vector.broadcast %parallel_loop3A_1140 : i32 to vector<16xi32>
        %parallel_loop3A_1142 = arith.cmpi eq, %parallel_loop3A_1139, %parallel_loop3A_1141 : vector<16xi32>
        %parallel_loop3A_1143 = arith.select %parallel_loop3A_1142, %parallel_loop3A_1125, %parallel_loop3A_1136 : vector<16xi1>, vector<16xf32>
        %parallel_loop3A_1144 = arith.constant 1 : i32
        %parallel_loop3A_1145 = vector.broadcast %parallel_loop3A_1144 : i32 to vector<16xi32>
        %parallel_loop3A_1146 = arith.xori %iota3A, %parallel_loop3A_1145 : vector<16xi32>
        %parallel_loop3A_1147 = arith.constant 0 : i32
        %parallel_loop3A_1148 = vector.broadcast %parallel_loop3A_1147 : i32 to vector<16xi32>
        %parallel_loop3A_1149 = arith.cmpi slt, %parallel_loop3A_1146, %parallel_loop3A_1148 : vector<16xi32>
        %parallel_loop3A_1150 = arith.constant 16 : i32
        %parallel_loop3A_1151 = vector.broadcast %parallel_loop3A_1150 : i32 to vector<16xi32>
        %parallel_loop3A_1152 = arith.addi %parallel_loop3A_1146, %parallel_loop3A_1151 : vector<16xi32>
        %parallel_loop3A_1153 = arith.select %parallel_loop3A_1149, %parallel_loop3A_1152, %parallel_loop3A_1146 : vector<16xi1>, vector<16xi32>
        %parallel_loop3A_1154 = vector.shape_cast %parallel_loop3A_1153 : vector<16xi32> to vector<16x1xi32>
        %parallel_loop3A_1155 = vector.shape_cast %parallel_loop3A_1154 : vector<16x1xi32> to vector<16xi32>
        %parallel_loop3A_1156 = tpu.dynamic_gather %parallel_loop3A_886[%parallel_loop3A_1155] in [0] : vector<16xf32>, vector<16xi32> -> vector<16xf32>
        %parallel_loop3A_1157 = arith.addf %parallel_loop3A_886, %parallel_loop3A_1156 : vector<16xf32>
        %parallel_loop3A_1158 = arith.constant 0 : i32
        %parallel_loop3A_1159 = vector.broadcast %parallel_loop3A_1158 : i32 to vector<16xi32>
        %parallel_loop3A_1160 = arith.cmpi slt, %parallel_loop3A_1146, %parallel_loop3A_1159 : vector<16xi32>
        %parallel_loop3A_1161 = arith.constant 16 : i32
        %parallel_loop3A_1162 = vector.broadcast %parallel_loop3A_1161 : i32 to vector<16xi32>
        %parallel_loop3A_1163 = arith.addi %parallel_loop3A_1146, %parallel_loop3A_1162 : vector<16xi32>
        %parallel_loop3A_1164 = arith.select %parallel_loop3A_1160, %parallel_loop3A_1163, %parallel_loop3A_1146 : vector<16xi1>, vector<16xi32>
        %parallel_loop3A_1165 = vector.shape_cast %parallel_loop3A_1164 : vector<16xi32> to vector<16x1xi32>
        %parallel_loop3A_1166 = vector.shape_cast %parallel_loop3A_1165 : vector<16x1xi32> to vector<16xi32>
        %parallel_loop3A_1167 = tpu.dynamic_gather %parallel_loop3A_919[%parallel_loop3A_1166] in [0] : vector<16xf32>, vector<16xi32> -> vector<16xf32>
        %parallel_loop3A_1168 = arith.addf %parallel_loop3A_919, %parallel_loop3A_1167 : vector<16xf32>
        %parallel_loop3A_1169 = arith.constant 1 : i32
        %parallel_loop3A_1170 = vector.broadcast %parallel_loop3A_1169 : i32 to vector<16xi32>
        %parallel_loop3A_1171 = arith.andi %iota3A, %parallel_loop3A_1170 : vector<16xi32>
        %parallel_loop3A_1172 = arith.constant 0 : i32
        %parallel_loop3A_1173 = vector.broadcast %parallel_loop3A_1172 : i32 to vector<16xi32>
        %parallel_loop3A_1174 = arith.cmpi eq, %parallel_loop3A_1171, %parallel_loop3A_1173 : vector<16xi32>
        %parallel_loop3A_1175 = arith.select %parallel_loop3A_1174, %parallel_loop3A_1157, %parallel_loop3A_1168 : vector<16xi1>, vector<16xf32>
        %parallel_loop3A_1176 = arith.constant 2 : i32
        %parallel_loop3A_1177 = vector.broadcast %parallel_loop3A_1176 : i32 to vector<16xi32>
        %parallel_loop3A_1178 = arith.xori %iota3A, %parallel_loop3A_1177 : vector<16xi32>
        %parallel_loop3A_1179 = arith.constant 0 : i32
        %parallel_loop3A_1180 = vector.broadcast %parallel_loop3A_1179 : i32 to vector<16xi32>
        %parallel_loop3A_1181 = arith.cmpi slt, %parallel_loop3A_1178, %parallel_loop3A_1180 : vector<16xi32>
        %parallel_loop3A_1182 = arith.constant 16 : i32
        %parallel_loop3A_1183 = vector.broadcast %parallel_loop3A_1182 : i32 to vector<16xi32>
        %parallel_loop3A_1184 = arith.addi %parallel_loop3A_1178, %parallel_loop3A_1183 : vector<16xi32>
        %parallel_loop3A_1185 = arith.select %parallel_loop3A_1181, %parallel_loop3A_1184, %parallel_loop3A_1178 : vector<16xi1>, vector<16xi32>
        %parallel_loop3A_1186 = vector.shape_cast %parallel_loop3A_1185 : vector<16xi32> to vector<16x1xi32>
        %parallel_loop3A_1187 = vector.shape_cast %parallel_loop3A_1186 : vector<16x1xi32> to vector<16xi32>
        %parallel_loop3A_1188 = tpu.dynamic_gather %parallel_loop3A_951[%parallel_loop3A_1187] in [0] : vector<16xf32>, vector<16xi32> -> vector<16xf32>
        %parallel_loop3A_1189 = arith.addf %parallel_loop3A_951, %parallel_loop3A_1188 : vector<16xf32>
        %parallel_loop3A_1190 = arith.constant 0 : i32
        %parallel_loop3A_1191 = vector.broadcast %parallel_loop3A_1190 : i32 to vector<16xi32>
        %parallel_loop3A_1192 = arith.cmpi slt, %parallel_loop3A_1178, %parallel_loop3A_1191 : vector<16xi32>
        %parallel_loop3A_1193 = arith.constant 16 : i32
        %parallel_loop3A_1194 = vector.broadcast %parallel_loop3A_1193 : i32 to vector<16xi32>
        %parallel_loop3A_1195 = arith.addi %parallel_loop3A_1178, %parallel_loop3A_1194 : vector<16xi32>
        %parallel_loop3A_1196 = arith.select %parallel_loop3A_1192, %parallel_loop3A_1195, %parallel_loop3A_1178 : vector<16xi1>, vector<16xi32>
        %parallel_loop3A_1197 = vector.shape_cast %parallel_loop3A_1196 : vector<16xi32> to vector<16x1xi32>
        %parallel_loop3A_1198 = vector.shape_cast %parallel_loop3A_1197 : vector<16x1xi32> to vector<16xi32>
        %parallel_loop3A_1199 = tpu.dynamic_gather %parallel_loop3A_983[%parallel_loop3A_1198] in [0] : vector<16xf32>, vector<16xi32> -> vector<16xf32>
        %parallel_loop3A_1200 = arith.addf %parallel_loop3A_983, %parallel_loop3A_1199 : vector<16xf32>
        %parallel_loop3A_1201 = arith.constant 2 : i32
        %parallel_loop3A_1202 = vector.broadcast %parallel_loop3A_1201 : i32 to vector<16xi32>
        %parallel_loop3A_1203 = arith.andi %iota3A, %parallel_loop3A_1202 : vector<16xi32>
        %parallel_loop3A_1204 = arith.constant 0 : i32
        %parallel_loop3A_1205 = vector.broadcast %parallel_loop3A_1204 : i32 to vector<16xi32>
        %parallel_loop3A_1206 = arith.cmpi eq, %parallel_loop3A_1203, %parallel_loop3A_1205 : vector<16xi32>
        %parallel_loop3A_1207 = arith.select %parallel_loop3A_1206, %parallel_loop3A_1189, %parallel_loop3A_1200 : vector<16xi1>, vector<16xf32>
        %parallel_loop3A_1208 = arith.constant 2 : i32
        %parallel_loop3A_1209 = vector.broadcast %parallel_loop3A_1208 : i32 to vector<16xi32>
        %parallel_loop3A_1210 = arith.xori %iota3A, %parallel_loop3A_1209 : vector<16xi32>
        %parallel_loop3A_1211 = arith.constant 0 : i32
        %parallel_loop3A_1212 = vector.broadcast %parallel_loop3A_1211 : i32 to vector<16xi32>
        %parallel_loop3A_1213 = arith.cmpi slt, %parallel_loop3A_1210, %parallel_loop3A_1212 : vector<16xi32>
        %parallel_loop3A_1214 = arith.constant 16 : i32
        %parallel_loop3A_1215 = vector.broadcast %parallel_loop3A_1214 : i32 to vector<16xi32>
        %parallel_loop3A_1216 = arith.addi %parallel_loop3A_1210, %parallel_loop3A_1215 : vector<16xi32>
        %parallel_loop3A_1217 = arith.select %parallel_loop3A_1213, %parallel_loop3A_1216, %parallel_loop3A_1210 : vector<16xi1>, vector<16xi32>
        %parallel_loop3A_1218 = vector.shape_cast %parallel_loop3A_1217 : vector<16xi32> to vector<16x1xi32>
        %parallel_loop3A_1219 = vector.shape_cast %parallel_loop3A_1218 : vector<16x1xi32> to vector<16xi32>
        %parallel_loop3A_1220 = tpu.dynamic_gather %parallel_loop3A_1015[%parallel_loop3A_1219] in [0] : vector<16xf32>, vector<16xi32> -> vector<16xf32>
        %parallel_loop3A_1221 = arith.addf %parallel_loop3A_1015, %parallel_loop3A_1220 : vector<16xf32>
        %parallel_loop3A_1222 = arith.constant 0 : i32
        %parallel_loop3A_1223 = vector.broadcast %parallel_loop3A_1222 : i32 to vector<16xi32>
        %parallel_loop3A_1224 = arith.cmpi slt, %parallel_loop3A_1210, %parallel_loop3A_1223 : vector<16xi32>
        %parallel_loop3A_1225 = arith.constant 16 : i32
        %parallel_loop3A_1226 = vector.broadcast %parallel_loop3A_1225 : i32 to vector<16xi32>
        %parallel_loop3A_1227 = arith.addi %parallel_loop3A_1210, %parallel_loop3A_1226 : vector<16xi32>
        %parallel_loop3A_1228 = arith.select %parallel_loop3A_1224, %parallel_loop3A_1227, %parallel_loop3A_1210 : vector<16xi1>, vector<16xi32>
        %parallel_loop3A_1229 = vector.shape_cast %parallel_loop3A_1228 : vector<16xi32> to vector<16x1xi32>
        %parallel_loop3A_1230 = vector.shape_cast %parallel_loop3A_1229 : vector<16x1xi32> to vector<16xi32>
        %parallel_loop3A_1231 = tpu.dynamic_gather %parallel_loop3A_1047[%parallel_loop3A_1230] in [0] : vector<16xf32>, vector<16xi32> -> vector<16xf32>
        %parallel_loop3A_1232 = arith.addf %parallel_loop3A_1047, %parallel_loop3A_1231 : vector<16xf32>
        %parallel_loop3A_1233 = arith.constant 2 : i32
        %parallel_loop3A_1234 = vector.broadcast %parallel_loop3A_1233 : i32 to vector<16xi32>
        %parallel_loop3A_1235 = arith.andi %iota3A, %parallel_loop3A_1234 : vector<16xi32>
        %parallel_loop3A_1236 = arith.constant 0 : i32
        %parallel_loop3A_1237 = vector.broadcast %parallel_loop3A_1236 : i32 to vector<16xi32>
        %parallel_loop3A_1238 = arith.cmpi eq, %parallel_loop3A_1235, %parallel_loop3A_1237 : vector<16xi32>
        %parallel_loop3A_1239 = arith.select %parallel_loop3A_1238, %parallel_loop3A_1221, %parallel_loop3A_1232 : vector<16xi1>, vector<16xf32>
        %parallel_loop3A_1240 = arith.constant 2 : i32
        %parallel_loop3A_1241 = vector.broadcast %parallel_loop3A_1240 : i32 to vector<16xi32>
        %parallel_loop3A_1242 = arith.xori %iota3A, %parallel_loop3A_1241 : vector<16xi32>
        %parallel_loop3A_1243 = arith.constant 0 : i32
        %parallel_loop3A_1244 = vector.broadcast %parallel_loop3A_1243 : i32 to vector<16xi32>
        %parallel_loop3A_1245 = arith.cmpi slt, %parallel_loop3A_1242, %parallel_loop3A_1244 : vector<16xi32>
        %parallel_loop3A_1246 = arith.constant 16 : i32
        %parallel_loop3A_1247 = vector.broadcast %parallel_loop3A_1246 : i32 to vector<16xi32>
        %parallel_loop3A_1248 = arith.addi %parallel_loop3A_1242, %parallel_loop3A_1247 : vector<16xi32>
        %parallel_loop3A_1249 = arith.select %parallel_loop3A_1245, %parallel_loop3A_1248, %parallel_loop3A_1242 : vector<16xi1>, vector<16xi32>
        %parallel_loop3A_1250 = vector.shape_cast %parallel_loop3A_1249 : vector<16xi32> to vector<16x1xi32>
        %parallel_loop3A_1251 = vector.shape_cast %parallel_loop3A_1250 : vector<16x1xi32> to vector<16xi32>
        %parallel_loop3A_1252 = tpu.dynamic_gather %parallel_loop3A_1079[%parallel_loop3A_1251] in [0] : vector<16xf32>, vector<16xi32> -> vector<16xf32>
        %parallel_loop3A_1253 = arith.addf %parallel_loop3A_1079, %parallel_loop3A_1252 : vector<16xf32>
        %parallel_loop3A_1254 = arith.constant 0 : i32
        %parallel_loop3A_1255 = vector.broadcast %parallel_loop3A_1254 : i32 to vector<16xi32>
        %parallel_loop3A_1256 = arith.cmpi slt, %parallel_loop3A_1242, %parallel_loop3A_1255 : vector<16xi32>
        %parallel_loop3A_1257 = arith.constant 16 : i32
        %parallel_loop3A_1258 = vector.broadcast %parallel_loop3A_1257 : i32 to vector<16xi32>
        %parallel_loop3A_1259 = arith.addi %parallel_loop3A_1242, %parallel_loop3A_1258 : vector<16xi32>
        %parallel_loop3A_1260 = arith.select %parallel_loop3A_1256, %parallel_loop3A_1259, %parallel_loop3A_1242 : vector<16xi1>, vector<16xi32>
        %parallel_loop3A_1261 = vector.shape_cast %parallel_loop3A_1260 : vector<16xi32> to vector<16x1xi32>
        %parallel_loop3A_1262 = vector.shape_cast %parallel_loop3A_1261 : vector<16x1xi32> to vector<16xi32>
        %parallel_loop3A_1263 = tpu.dynamic_gather %parallel_loop3A_1111[%parallel_loop3A_1262] in [0] : vector<16xf32>, vector<16xi32> -> vector<16xf32>
        %parallel_loop3A_1264 = arith.addf %parallel_loop3A_1111, %parallel_loop3A_1263 : vector<16xf32>
        %parallel_loop3A_1265 = arith.constant 2 : i32
        %parallel_loop3A_1266 = vector.broadcast %parallel_loop3A_1265 : i32 to vector<16xi32>
        %parallel_loop3A_1267 = arith.andi %iota3A, %parallel_loop3A_1266 : vector<16xi32>
        %parallel_loop3A_1268 = arith.constant 0 : i32
        %parallel_loop3A_1269 = vector.broadcast %parallel_loop3A_1268 : i32 to vector<16xi32>
        %parallel_loop3A_1270 = arith.cmpi eq, %parallel_loop3A_1267, %parallel_loop3A_1269 : vector<16xi32>
        %parallel_loop3A_1271 = arith.select %parallel_loop3A_1270, %parallel_loop3A_1253, %parallel_loop3A_1264 : vector<16xi1>, vector<16xf32>
        %parallel_loop3A_1272 = arith.constant 2 : i32
        %parallel_loop3A_1273 = vector.broadcast %parallel_loop3A_1272 : i32 to vector<16xi32>
        %parallel_loop3A_1274 = arith.xori %iota3A, %parallel_loop3A_1273 : vector<16xi32>
        %parallel_loop3A_1275 = arith.constant 0 : i32
        %parallel_loop3A_1276 = vector.broadcast %parallel_loop3A_1275 : i32 to vector<16xi32>
        %parallel_loop3A_1277 = arith.cmpi slt, %parallel_loop3A_1274, %parallel_loop3A_1276 : vector<16xi32>
        %parallel_loop3A_1278 = arith.constant 16 : i32
        %parallel_loop3A_1279 = vector.broadcast %parallel_loop3A_1278 : i32 to vector<16xi32>
        %parallel_loop3A_1280 = arith.addi %parallel_loop3A_1274, %parallel_loop3A_1279 : vector<16xi32>
        %parallel_loop3A_1281 = arith.select %parallel_loop3A_1277, %parallel_loop3A_1280, %parallel_loop3A_1274 : vector<16xi1>, vector<16xi32>
        %parallel_loop3A_1282 = vector.shape_cast %parallel_loop3A_1281 : vector<16xi32> to vector<16x1xi32>
        %parallel_loop3A_1283 = vector.shape_cast %parallel_loop3A_1282 : vector<16x1xi32> to vector<16xi32>
        %parallel_loop3A_1284 = tpu.dynamic_gather %parallel_loop3A_1143[%parallel_loop3A_1283] in [0] : vector<16xf32>, vector<16xi32> -> vector<16xf32>
        %parallel_loop3A_1285 = arith.addf %parallel_loop3A_1143, %parallel_loop3A_1284 : vector<16xf32>
        %parallel_loop3A_1286 = arith.constant 0 : i32
        %parallel_loop3A_1287 = vector.broadcast %parallel_loop3A_1286 : i32 to vector<16xi32>
        %parallel_loop3A_1288 = arith.cmpi slt, %parallel_loop3A_1274, %parallel_loop3A_1287 : vector<16xi32>
        %parallel_loop3A_1289 = arith.constant 16 : i32
        %parallel_loop3A_1290 = vector.broadcast %parallel_loop3A_1289 : i32 to vector<16xi32>
        %parallel_loop3A_1291 = arith.addi %parallel_loop3A_1274, %parallel_loop3A_1290 : vector<16xi32>
        %parallel_loop3A_1292 = arith.select %parallel_loop3A_1288, %parallel_loop3A_1291, %parallel_loop3A_1274 : vector<16xi1>, vector<16xi32>
        %parallel_loop3A_1293 = vector.shape_cast %parallel_loop3A_1292 : vector<16xi32> to vector<16x1xi32>
        %parallel_loop3A_1294 = vector.shape_cast %parallel_loop3A_1293 : vector<16x1xi32> to vector<16xi32>
        %parallel_loop3A_1295 = tpu.dynamic_gather %parallel_loop3A_1175[%parallel_loop3A_1294] in [0] : vector<16xf32>, vector<16xi32> -> vector<16xf32>
        %parallel_loop3A_1296 = arith.addf %parallel_loop3A_1175, %parallel_loop3A_1295 : vector<16xf32>
        %parallel_loop3A_1297 = arith.constant 2 : i32
        %parallel_loop3A_1298 = vector.broadcast %parallel_loop3A_1297 : i32 to vector<16xi32>
        %parallel_loop3A_1299 = arith.andi %iota3A, %parallel_loop3A_1298 : vector<16xi32>
        %parallel_loop3A_1300 = arith.constant 0 : i32
        %parallel_loop3A_1301 = vector.broadcast %parallel_loop3A_1300 : i32 to vector<16xi32>
        %parallel_loop3A_1302 = arith.cmpi eq, %parallel_loop3A_1299, %parallel_loop3A_1301 : vector<16xi32>
        %parallel_loop3A_1303 = arith.select %parallel_loop3A_1302, %parallel_loop3A_1285, %parallel_loop3A_1296 : vector<16xi1>, vector<16xf32>
        %parallel_loop3A_1304 = arith.constant 4 : i32
        %parallel_loop3A_1305 = vector.broadcast %parallel_loop3A_1304 : i32 to vector<16xi32>
        %parallel_loop3A_1306 = arith.xori %iota3A, %parallel_loop3A_1305 : vector<16xi32>
        %parallel_loop3A_1307 = arith.constant 0 : i32
        %parallel_loop3A_1308 = vector.broadcast %parallel_loop3A_1307 : i32 to vector<16xi32>
        %parallel_loop3A_1309 = arith.cmpi slt, %parallel_loop3A_1306, %parallel_loop3A_1308 : vector<16xi32>
        %parallel_loop3A_1310 = arith.constant 16 : i32
        %parallel_loop3A_1311 = vector.broadcast %parallel_loop3A_1310 : i32 to vector<16xi32>
        %parallel_loop3A_1312 = arith.addi %parallel_loop3A_1306, %parallel_loop3A_1311 : vector<16xi32>
        %parallel_loop3A_1313 = arith.select %parallel_loop3A_1309, %parallel_loop3A_1312, %parallel_loop3A_1306 : vector<16xi1>, vector<16xi32>
        %parallel_loop3A_1314 = vector.shape_cast %parallel_loop3A_1313 : vector<16xi32> to vector<16x1xi32>
        %parallel_loop3A_1315 = vector.shape_cast %parallel_loop3A_1314 : vector<16x1xi32> to vector<16xi32>
        %parallel_loop3A_1316 = tpu.dynamic_gather %parallel_loop3A_1207[%parallel_loop3A_1315] in [0] : vector<16xf32>, vector<16xi32> -> vector<16xf32>
        %parallel_loop3A_1317 = arith.addf %parallel_loop3A_1207, %parallel_loop3A_1316 : vector<16xf32>
        %parallel_loop3A_1318 = arith.constant 0 : i32
        %parallel_loop3A_1319 = vector.broadcast %parallel_loop3A_1318 : i32 to vector<16xi32>
        %parallel_loop3A_1320 = arith.cmpi slt, %parallel_loop3A_1306, %parallel_loop3A_1319 : vector<16xi32>
        %parallel_loop3A_1321 = arith.constant 16 : i32
        %parallel_loop3A_1322 = vector.broadcast %parallel_loop3A_1321 : i32 to vector<16xi32>
        %parallel_loop3A_1323 = arith.addi %parallel_loop3A_1306, %parallel_loop3A_1322 : vector<16xi32>
        %parallel_loop3A_1324 = arith.select %parallel_loop3A_1320, %parallel_loop3A_1323, %parallel_loop3A_1306 : vector<16xi1>, vector<16xi32>
        %parallel_loop3A_1325 = vector.shape_cast %parallel_loop3A_1324 : vector<16xi32> to vector<16x1xi32>
        %parallel_loop3A_1326 = vector.shape_cast %parallel_loop3A_1325 : vector<16x1xi32> to vector<16xi32>
        %parallel_loop3A_1327 = tpu.dynamic_gather %parallel_loop3A_1239[%parallel_loop3A_1326] in [0] : vector<16xf32>, vector<16xi32> -> vector<16xf32>
        %parallel_loop3A_1328 = arith.addf %parallel_loop3A_1239, %parallel_loop3A_1327 : vector<16xf32>
        %parallel_loop3A_1329 = arith.constant 4 : i32
        %parallel_loop3A_1330 = vector.broadcast %parallel_loop3A_1329 : i32 to vector<16xi32>
        %parallel_loop3A_1331 = arith.andi %iota3A, %parallel_loop3A_1330 : vector<16xi32>
        %parallel_loop3A_1332 = arith.constant 0 : i32
        %parallel_loop3A_1333 = vector.broadcast %parallel_loop3A_1332 : i32 to vector<16xi32>
        %parallel_loop3A_1334 = arith.cmpi eq, %parallel_loop3A_1331, %parallel_loop3A_1333 : vector<16xi32>
        %parallel_loop3A_1335 = arith.select %parallel_loop3A_1334, %parallel_loop3A_1317, %parallel_loop3A_1328 : vector<16xi1>, vector<16xf32>
        %parallel_loop3A_1336 = arith.constant 4 : i32
        %parallel_loop3A_1337 = vector.broadcast %parallel_loop3A_1336 : i32 to vector<16xi32>
        %parallel_loop3A_1338 = arith.xori %iota3A, %parallel_loop3A_1337 : vector<16xi32>
        %parallel_loop3A_1339 = arith.constant 0 : i32
        %parallel_loop3A_1340 = vector.broadcast %parallel_loop3A_1339 : i32 to vector<16xi32>
        %parallel_loop3A_1341 = arith.cmpi slt, %parallel_loop3A_1338, %parallel_loop3A_1340 : vector<16xi32>
        %parallel_loop3A_1342 = arith.constant 16 : i32
        %parallel_loop3A_1343 = vector.broadcast %parallel_loop3A_1342 : i32 to vector<16xi32>
        %parallel_loop3A_1344 = arith.addi %parallel_loop3A_1338, %parallel_loop3A_1343 : vector<16xi32>
        %parallel_loop3A_1345 = arith.select %parallel_loop3A_1341, %parallel_loop3A_1344, %parallel_loop3A_1338 : vector<16xi1>, vector<16xi32>
        %parallel_loop3A_1346 = vector.shape_cast %parallel_loop3A_1345 : vector<16xi32> to vector<16x1xi32>
        %parallel_loop3A_1347 = vector.shape_cast %parallel_loop3A_1346 : vector<16x1xi32> to vector<16xi32>
        %parallel_loop3A_1348 = tpu.dynamic_gather %parallel_loop3A_1271[%parallel_loop3A_1347] in [0] : vector<16xf32>, vector<16xi32> -> vector<16xf32>
        %parallel_loop3A_1349 = arith.addf %parallel_loop3A_1271, %parallel_loop3A_1348 : vector<16xf32>
        %parallel_loop3A_1350 = arith.constant 0 : i32
        %parallel_loop3A_1351 = vector.broadcast %parallel_loop3A_1350 : i32 to vector<16xi32>
        %parallel_loop3A_1352 = arith.cmpi slt, %parallel_loop3A_1338, %parallel_loop3A_1351 : vector<16xi32>
        %parallel_loop3A_1353 = arith.constant 16 : i32
        %parallel_loop3A_1354 = vector.broadcast %parallel_loop3A_1353 : i32 to vector<16xi32>
        %parallel_loop3A_1355 = arith.addi %parallel_loop3A_1338, %parallel_loop3A_1354 : vector<16xi32>
        %parallel_loop3A_1356 = arith.select %parallel_loop3A_1352, %parallel_loop3A_1355, %parallel_loop3A_1338 : vector<16xi1>, vector<16xi32>
        %parallel_loop3A_1357 = vector.shape_cast %parallel_loop3A_1356 : vector<16xi32> to vector<16x1xi32>
        %parallel_loop3A_1358 = vector.shape_cast %parallel_loop3A_1357 : vector<16x1xi32> to vector<16xi32>
        %parallel_loop3A_1359 = tpu.dynamic_gather %parallel_loop3A_1303[%parallel_loop3A_1358] in [0] : vector<16xf32>, vector<16xi32> -> vector<16xf32>
        %parallel_loop3A_1360 = arith.addf %parallel_loop3A_1303, %parallel_loop3A_1359 : vector<16xf32>
        %parallel_loop3A_1361 = arith.constant 4 : i32
        %parallel_loop3A_1362 = vector.broadcast %parallel_loop3A_1361 : i32 to vector<16xi32>
        %parallel_loop3A_1363 = arith.andi %iota3A, %parallel_loop3A_1362 : vector<16xi32>
        %parallel_loop3A_1364 = arith.constant 0 : i32
        %parallel_loop3A_1365 = vector.broadcast %parallel_loop3A_1364 : i32 to vector<16xi32>
        %parallel_loop3A_1366 = arith.cmpi eq, %parallel_loop3A_1363, %parallel_loop3A_1365 : vector<16xi32>
        %parallel_loop3A_1367 = arith.select %parallel_loop3A_1366, %parallel_loop3A_1349, %parallel_loop3A_1360 : vector<16xi1>, vector<16xf32>
        %parallel_loop3A_1368 = arith.constant 8 : i32
        %parallel_loop3A_1369 = vector.broadcast %parallel_loop3A_1368 : i32 to vector<16xi32>
        %parallel_loop3A_1370 = arith.xori %iota3A, %parallel_loop3A_1369 : vector<16xi32>
        %parallel_loop3A_1371 = arith.constant 0 : i32
        %parallel_loop3A_1372 = vector.broadcast %parallel_loop3A_1371 : i32 to vector<16xi32>
        %parallel_loop3A_1373 = arith.cmpi slt, %parallel_loop3A_1370, %parallel_loop3A_1372 : vector<16xi32>
        %parallel_loop3A_1374 = arith.constant 16 : i32
        %parallel_loop3A_1375 = vector.broadcast %parallel_loop3A_1374 : i32 to vector<16xi32>
        %parallel_loop3A_1376 = arith.addi %parallel_loop3A_1370, %parallel_loop3A_1375 : vector<16xi32>
        %parallel_loop3A_1377 = arith.select %parallel_loop3A_1373, %parallel_loop3A_1376, %parallel_loop3A_1370 : vector<16xi1>, vector<16xi32>
        %parallel_loop3A_1378 = vector.shape_cast %parallel_loop3A_1377 : vector<16xi32> to vector<16x1xi32>
        %parallel_loop3A_1379 = vector.shape_cast %parallel_loop3A_1378 : vector<16x1xi32> to vector<16xi32>
        %parallel_loop3A_1380 = tpu.dynamic_gather %parallel_loop3A_1335[%parallel_loop3A_1379] in [0] : vector<16xf32>, vector<16xi32> -> vector<16xf32>
        %parallel_loop3A_1381 = arith.addf %parallel_loop3A_1335, %parallel_loop3A_1380 : vector<16xf32>
        %parallel_loop3A_1382 = arith.constant 0 : i32
        %parallel_loop3A_1383 = vector.broadcast %parallel_loop3A_1382 : i32 to vector<16xi32>
        %parallel_loop3A_1384 = arith.cmpi slt, %parallel_loop3A_1370, %parallel_loop3A_1383 : vector<16xi32>
        %parallel_loop3A_1385 = arith.constant 16 : i32
        %parallel_loop3A_1386 = vector.broadcast %parallel_loop3A_1385 : i32 to vector<16xi32>
        %parallel_loop3A_1387 = arith.addi %parallel_loop3A_1370, %parallel_loop3A_1386 : vector<16xi32>
        %parallel_loop3A_1388 = arith.select %parallel_loop3A_1384, %parallel_loop3A_1387, %parallel_loop3A_1370 : vector<16xi1>, vector<16xi32>
        %parallel_loop3A_1389 = vector.shape_cast %parallel_loop3A_1388 : vector<16xi32> to vector<16x1xi32>
        %parallel_loop3A_1390 = vector.shape_cast %parallel_loop3A_1389 : vector<16x1xi32> to vector<16xi32>
        %parallel_loop3A_1391 = tpu.dynamic_gather %parallel_loop3A_1367[%parallel_loop3A_1390] in [0] : vector<16xf32>, vector<16xi32> -> vector<16xf32>
        %parallel_loop3A_1392 = arith.addf %parallel_loop3A_1367, %parallel_loop3A_1391 : vector<16xf32>
        %parallel_loop3A_1393 = arith.constant 8 : i32
        %parallel_loop3A_1394 = vector.broadcast %parallel_loop3A_1393 : i32 to vector<16xi32>
        %parallel_loop3A_1395 = arith.andi %iota3A, %parallel_loop3A_1394 : vector<16xi32>
        %parallel_loop3A_1396 = arith.constant 0 : i32
        %parallel_loop3A_1397 = vector.broadcast %parallel_loop3A_1396 : i32 to vector<16xi32>
        %parallel_loop3A_1398 = arith.cmpi eq, %parallel_loop3A_1395, %parallel_loop3A_1397 : vector<16xi32>
        %parallel_loop3A_1399 = arith.select %parallel_loop3A_1398, %parallel_loop3A_1381, %parallel_loop3A_1392 : vector<16xi1>, vector<16xf32>
        %parallel_loop3A_1400 = arith.constant 64 : i32
        %parallel_loop3A_1401 = arith.muli %parallel_loop3A_359, %parallel_loop3A_1400 : i32
        %parallel_loop3A_1402 = arith.constant 16 : i32
        %parallel_loop3A_1403 = arith.muli %parallel_loop3A_362, %parallel_loop3A_1402 : i32
        %parallel_loop3A_1404 = arith.addi %parallel_loop3A_1401, %parallel_loop3A_1403 : i32
        %parallel_loop3A_1405 = arith.constant 0 : i32
        %parallel_loop3A_1406 = arith.index_cast %parallel_loop3A_1405 : i32 to index
        %parallel_loop3A_1407 = arith.index_cast %parallel_loop3A_1404 : i32 to index
        %parallel_loop3A_1408 = tpu.vector_load %arg9[%parallel_loop3A_1406, %parallel_loop3A_1407] {strides = array<i32>} : memref<2x512xf32, #tpu.memory_space<vmem>>, vector<1x16xf32>,
        %parallel_loop3A_1409 = vector.shape_cast %parallel_loop3A_1408 : vector<1x16xf32> to vector<16xf32>
        %parallel_loop3A_1410 = vector.shape_cast %parallel_loop3A_1399 : vector<16xf32> to vector<1x16xf32>
        tpu.vector_store %arg9[%parallel_loop3A_1406, %parallel_loop3A_1407], %parallel_loop3A_1410 {strides = array<i32>} : memref<2x512xf32, #tpu.memory_space<vmem>>, vector<1x16xf32>,
      } {sc.loop_unroll_factor = 2 : i64, sc.parallel_access}
      %mul3A_215 = arith.constant 512 : i32
      %mul3A_216 = arith.muli %add3A, %mul3A_215 : i32
      %mul3A_217 = arith.constant 8 : i32
      %mul3A_218 = arith.muli %mul3A_134, %mul3A_217 : i32
      %add3A_219 = arith.addi %mul3A_216, %mul3A_218 : i32
      %mul3A_220 = arith.constant 64 : i32
      %mul3A_221 = arith.muli %add3A_219, %mul3A_220 : i32
      %dma_start3A_222 = arith.constant 0 : i32
      %dma_start3A_223 = arith.constant 0 : i32
      %dma_start3A_224 = tpu.memref_slice %arg9[%dma_start3A_222, %dma_start3A_223] : memref<2x512xf32, #tpu.memory_space<vmem>> -> memref<1x512xf32, #tpu.memory_space<vmem>>
      %dma_start3A_225 = tpu.memref_squeeze %dma_start3A_224 : memref<1x512xf32, #tpu.memory_space<vmem>> -> memref<512xf32, #tpu.memory_space<vmem>>
      %dma_start3A_226 = tpu.memref_slice %arg5[%mul3A_221] : memref<1048576xf32, #tpu.memory_space<hbm>> -> memref<512xf32, #tpu.memory_space<hbm>>
      %dma_start3A_227 = tpu.memref_slice %arg5[%mul3A_221] : memref<1048576xf32, #tpu.memory_space<hbm>> -> memref<512xf32, #tpu.memory_space<hbm>>
      %dma_start3A_228 = arith.constant 0 : i32
      %dma_start3A_229 = tpu.memref_slice %arg9[%dma_start3A_222, %dma_start3A_228] : memref<2x512xf32, #tpu.memory_space<vmem>> -> memref<1x512xf32, #tpu.memory_space<vmem>>
      %dma_start3A_230 = tpu.memref_squeeze %dma_start3A_229 : memref<1x512xf32, #tpu.memory_space<vmem>> -> memref<512xf32, #tpu.memory_space<vmem>>
      tpu.enqueue_dma source(%dma_start3A_230 : memref<512xf32, #tpu.memory_space<vmem>>) target(%dma_start3A_227 : memref<512xf32, #tpu.memory_space<hbm>>) target_semaphore(%arg14 : memref<!tpu.dma_semaphore, #tpu.memory_space<semaphore_mem>>)
      %add3A_231 = arith.constant 1 : i32
      %add3A_232 = arith.addi %mul3A_134, %add3A_231 : i32
      %dma_wait3A_233 = arith.constant 1 : i32
      %dma_wait3A_234 = arith.constant 0 : i32
      %dma_wait3A_235 = arith.constant 0 : i32
      %dma_wait3A_236 = tpu.memref_slice %arg7[%dma_wait3A_233, %dma_wait3A_234, %dma_wait3A_235] : memref<2x8x64xf32, #tpu.memory_space<vmem>> -> memref<1x8x64xf32, #tpu.memory_space<vmem>>
      %dma_wait3A_237 = tpu.memref_squeeze %dma_wait3A_236 : memref<1x8x64xf32, #tpu.memory_space<vmem>> -> memref<8x64xf32, #tpu.memory_space<vmem>>
      %dma_wait3A_238 = arith.constant 0 : i32
      %dma_wait3A_239 = arith.constant 0 : i32
      %dma_wait3A_240 = tpu.memref_slice %arg3[%dma_wait3A_238, %dma_wait3A_239] : memref<16384x64xf32, #tpu.memory_space<hbm>> -> memref<8x64xf32, #tpu.memory_space<hbm>>
      %dma_wait3A_241 = arith.constant 0 : i32
      %dma_wait3A_242 = arith.constant 0 : i32
      %dma_wait3A_243 = tpu.memref_slice %arg7[%dma_wait3A_233, %dma_wait3A_241, %dma_wait3A_242] : memref<2x8x64xf32, #tpu.memory_space<vmem>> -> memref<1x8x64xf32, #tpu.memory_space<vmem>>
      %dma_wait3A_244 = tpu.memref_squeeze %dma_wait3A_243 : memref<1x8x64xf32, #tpu.memory_space<vmem>> -> memref<8x64xf32, #tpu.memory_space<vmem>>
      %dma_wait3A_245 = arith.constant 0 : i32
      %dma_wait3A_246 = arith.constant 0 : i32
      %dma_wait3A_247 = tpu.memref_slice %arg3[%dma_wait3A_245, %dma_wait3A_246] : memref<16384x64xf32, #tpu.memory_space<hbm>> -> memref<8x64xf32, #tpu.memory_space<hbm>>
      tpu.wait_dma2 semaphore(%arg13 : memref<!tpu.dma_semaphore, #tpu.memory_space<semaphore_mem>>) src(%dma_wait3A_247 : memref<8x64xf32, #tpu.memory_space<hbm>>) dst(%dma_wait3A_244 : memref<8x64xf32, #tpu.memory_space<vmem>>)
      %dma_wait3A_248 = arith.constant 1 : i32
      %dma_wait3A_249 = arith.constant 1 : i32
      %dma_wait3A_250 = arith.constant 0 : i32
      %dma_wait3A_251 = arith.constant 0 : i32
      %dma_wait3A_252 = tpu.memref_slice %arg8[%dma_wait3A_249, %dma_wait3A_250, %dma_wait3A_251] : memref<2x488x64xf32, #tpu.memory_space<vmem>> -> memref<1x120x64xf32, #tpu.memory_space<vmem>>
      %dma_wait3A_253 = tpu.memref_squeeze %dma_wait3A_252 : memref<1x120x64xf32, #tpu.memory_space<vmem>> -> memref<120x64xf32, #tpu.memory_space<vmem>>
      %dma_wait3A_254 = arith.constant 0 : i32
      %dma_wait3A_255 = tpu.memref_slice %arg6[%dma_wait3A_248, %dma_wait3A_254] : memref<2x480xi32, #tpu.memory_space<vmem>> -> memref<1x120xi32, #tpu.memory_space<vmem>>
      %dma_wait3A_256 = tpu.memref_squeeze %dma_wait3A_255 : memref<1x120xi32, #tpu.memory_space<vmem>> -> memref<120xi32, #tpu.memory_space<vmem>>
      %dma_wait3A_257 = arith.constant 0 : i32
      %dma_wait3A_258 = arith.constant 0 : i32
      %dma_wait3A_259 = tpu.memref_slice %arg2[%dma_wait3A_257, %dma_wait3A_258] : memref<1000000x64xf32, #tpu.memory_space<hbm>> -> memref<1000000x64xf32, #tpu.memory_space<hbm>>
      tpu.wait_indirect_dma semaphore(%arg13 : memref<!tpu.dma_semaphore, #tpu.memory_space<semaphore_mem>>) src(%dma_wait3A_259 : memref<1000000x64xf32, #tpu.memory_space<hbm>>) dst(%dma_wait3A_253 : memref<120x64xf32, #tpu.memory_space<vmem>>)
      %dma_wait3A_260 = arith.constant 1 : i32
      %dma_wait3A_261 = arith.constant 1 : i32
      %dma_wait3A_262 = arith.constant 120 : i32
      %dma_wait3A_263 = arith.constant 0 : i32
      %dma_wait3A_264 = tpu.memref_slice %arg8[%dma_wait3A_261, %dma_wait3A_262, %dma_wait3A_263] : memref<2x488x64xf32, #tpu.memory_space<vmem>> -> memref<1x120x64xf32, #tpu.memory_space<vmem>>
      %dma_wait3A_265 = tpu.memref_squeeze %dma_wait3A_264 : memref<1x120x64xf32, #tpu.memory_space<vmem>> -> memref<120x64xf32, #tpu.memory_space<vmem>>
      %dma_wait3A_266 = arith.constant 120 : i32
      %dma_wait3A_267 = tpu.memref_slice %arg6[%dma_wait3A_260, %dma_wait3A_266] : memref<2x480xi32, #tpu.memory_space<vmem>> -> memref<1x120xi32, #tpu.memory_space<vmem>>
      %dma_wait3A_268 = tpu.memref_squeeze %dma_wait3A_267 : memref<1x120xi32, #tpu.memory_space<vmem>> -> memref<120xi32, #tpu.memory_space<vmem>>
      %dma_wait3A_269 = arith.constant 0 : i32
      %dma_wait3A_270 = arith.constant 0 : i32
      %dma_wait3A_271 = tpu.memref_slice %arg2[%dma_wait3A_269, %dma_wait3A_270] : memref<1000000x64xf32, #tpu.memory_space<hbm>> -> memref<1000000x64xf32, #tpu.memory_space<hbm>>
      tpu.wait_indirect_dma semaphore(%arg13 : memref<!tpu.dma_semaphore, #tpu.memory_space<semaphore_mem>>) src(%dma_wait3A_271 : memref<1000000x64xf32, #tpu.memory_space<hbm>>) dst(%dma_wait3A_265 : memref<120x64xf32, #tpu.memory_space<vmem>>)
      %dma_wait3A_272 = arith.constant 1 : i32
      %dma_wait3A_273 = arith.constant 1 : i32
      %dma_wait3A_274 = arith.constant 240 : i32
      %dma_wait3A_275 = arith.constant 0 : i32
      %dma_wait3A_276 = tpu.memref_slice %arg8[%dma_wait3A_273, %dma_wait3A_274, %dma_wait3A_275] : memref<2x488x64xf32, #tpu.memory_space<vmem>> -> memref<1x120x64xf32, #tpu.memory_space<vmem>>
      %dma_wait3A_277 = tpu.memref_squeeze %dma_wait3A_276 : memref<1x120x64xf32, #tpu.memory_space<vmem>> -> memref<120x64xf32, #tpu.memory_space<vmem>>
      %dma_wait3A_278 = arith.constant 240 : i32
      %dma_wait3A_279 = tpu.memref_slice %arg6[%dma_wait3A_272, %dma_wait3A_278] : memref<2x480xi32, #tpu.memory_space<vmem>> -> memref<1x120xi32, #tpu.memory_space<vmem>>
      %dma_wait3A_280 = tpu.memref_squeeze %dma_wait3A_279 : memref<1x120xi32, #tpu.memory_space<vmem>> -> memref<120xi32, #tpu.memory_space<vmem>>
      %dma_wait3A_281 = arith.constant 0 : i32
      %dma_wait3A_282 = arith.constant 0 : i32
      %dma_wait3A_283 = tpu.memref_slice %arg2[%dma_wait3A_281, %dma_wait3A_282] : memref<1000000x64xf32, #tpu.memory_space<hbm>> -> memref<1000000x64xf32, #tpu.memory_space<hbm>>
      tpu.wait_indirect_dma semaphore(%arg13 : memref<!tpu.dma_semaphore, #tpu.memory_space<semaphore_mem>>) src(%dma_wait3A_283 : memref<1000000x64xf32, #tpu.memory_space<hbm>>) dst(%dma_wait3A_277 : memref<120x64xf32, #tpu.memory_space<vmem>>)
      %dma_wait3A_284 = arith.constant 1 : i32
      %dma_wait3A_285 = arith.constant 1 : i32
      %dma_wait3A_286 = arith.constant 360 : i32
      %dma_wait3A_287 = arith.constant 0 : i32
      %dma_wait3A_288 = tpu.memref_slice %arg8[%dma_wait3A_285, %dma_wait3A_286, %dma_wait3A_287] : memref<2x488x64xf32, #tpu.memory_space<vmem>> -> memref<1x120x64xf32, #tpu.memory_space<vmem>>
      %dma_wait3A_289 = tpu.memref_squeeze %dma_wait3A_288 : memref<1x120x64xf32, #tpu.memory_space<vmem>> -> memref<120x64xf32, #tpu.memory_space<vmem>>
      %dma_wait3A_290 = arith.constant 360 : i32
      %dma_wait3A_291 = tpu.memref_slice %arg6[%dma_wait3A_284, %dma_wait3A_290] : memref<2x480xi32, #tpu.memory_space<vmem>> -> memref<1x120xi32, #tpu.memory_space<vmem>>
      %dma_wait3A_292 = tpu.memref_squeeze %dma_wait3A_291 : memref<1x120xi32, #tpu.memory_space<vmem>> -> memref<120xi32, #tpu.memory_space<vmem>>
      %dma_wait3A_293 = arith.constant 0 : i32
      %dma_wait3A_294 = arith.constant 0 : i32
      %dma_wait3A_295 = tpu.memref_slice %arg2[%dma_wait3A_293, %dma_wait3A_294] : memref<1000000x64xf32, #tpu.memory_space<hbm>> -> memref<1000000x64xf32, #tpu.memory_space<hbm>>
      tpu.wait_indirect_dma semaphore(%arg13 : memref<!tpu.dma_semaphore, #tpu.memory_space<semaphore_mem>>) src(%dma_wait3A_295 : memref<1000000x64xf32, #tpu.memory_space<hbm>>) dst(%dma_wait3A_289 : memref<120x64xf32, #tpu.memory_space<vmem>>)
      %add3A_296 = arith.constant 2 : i32
      %add3A_297 = arith.addi %add3A_232, %add3A_296 : i32
      %lt3A_298 = arith.constant 64 : i32
      %lt3A_299 = arith.cmpi slt, %add3A_297, %lt3A_298 : i32
      %convert_element_type3A_300 = arith.extui %lt3A_299 : i1 to i32
      %cond3A_301 = arith.constant 0 : i32
      %cond3A_302 = arith.cmpi ne, %convert_element_type3A_300, %cond3A_301 : i32
      scf.if %cond3A_302 {
        %add3A_335 = arith.constant 2 : i32
        %add3A_336 = arith.addi %add3A_232, %add3A_335 : i32
        %mul3A_337 = arith.constant 512 : i32
        %mul3A_338 = arith.muli %add3A, %mul3A_337 : i32
        %mul3A_339 = arith.constant 8 : i32
        %mul3A_340 = arith.muli %add3A_336, %mul3A_339 : i32
        %add3A_341 = arith.addi %mul3A_338, %mul3A_340 : i32
        %mul3A_342 = arith.constant 60 : i32
        %mul3A_343 = arith.muli %add3A_341, %mul3A_342 : i32
        %dma_start3A_344 = arith.constant 1 : i32
        %dma_start3A_345 = arith.constant 0 : i32
        %dma_start3A_346 = tpu.memref_slice %arg6[%dma_start3A_344, %dma_start3A_345] : memref<2x480xi32, #tpu.memory_space<vmem>> -> memref<1x480xi32, #tpu.memory_space<vmem>>
        %dma_start3A_347 = tpu.memref_squeeze %dma_start3A_346 : memref<1x480xi32, #tpu.memory_space<vmem>> -> memref<480xi32, #tpu.memory_space<vmem>>
        %dma_start3A_348 = tpu.memref_slice %arg4[%mul3A_343] : memref<983040xi32, #tpu.memory_space<hbm>> -> memref<480xi32, #tpu.memory_space<hbm>>
        %dma_start3A_349 = arith.constant 0 : i32
        %dma_start3A_350 = tpu.memref_slice %arg6[%dma_start3A_344, %dma_start3A_349] : memref<2x480xi32, #tpu.memory_space<vmem>> -> memref<1x480xi32, #tpu.memory_space<vmem>>
        %dma_start3A_351 = tpu.memref_squeeze %dma_start3A_350 : memref<1x480xi32, #tpu.memory_space<vmem>> -> memref<480xi32, #tpu.memory_space<vmem>>
        %dma_start3A_352 = tpu.memref_slice %arg4[%mul3A_343] : memref<983040xi32, #tpu.memory_space<hbm>> -> memref<480xi32, #tpu.memory_space<hbm>>
        tpu.enqueue_dma source(%dma_start3A_352 : memref<480xi32, #tpu.memory_space<hbm>>) target(%dma_start3A_351 : memref<480xi32, #tpu.memory_space<vmem>>) target_semaphore(%arg11 : memref<!tpu.dma_semaphore, #tpu.memory_space<semaphore_mem>>)
      } else {
      }
      %add3A_303 = arith.constant 1 : i32
      %add3A_304 = arith.addi %add3A_232, %add3A_303 : i32
      %lt3A_305 = arith.constant 64 : i32
      %lt3A_306 = arith.cmpi slt, %add3A_304, %lt3A_305 : i32
      %convert_element_type3A_307 = arith.extui %lt3A_306 : i1 to i32
      %cond3A_308 = arith.constant 0 : i32
      %cond3A_309 = arith.cmpi ne, %convert_element_type3A_307, %cond3A_308 : i32
      scf.if %cond3A_309 {
        %dma_wait3A_335 = arith.constant 0 : i32
        %dma_wait3A_336 = arith.constant 0 : i32
        %dma_wait3A_337 = tpu.memref_slice %arg6[%dma_wait3A_335, %dma_wait3A_336] : memref<2x480xi32, #tpu.memory_space<vmem>> -> memref<1x480xi32, #tpu.memory_space<vmem>>
        %dma_wait3A_338 = tpu.memref_squeeze %dma_wait3A_337 : memref<1x480xi32, #tpu.memory_space<vmem>> -> memref<480xi32, #tpu.memory_space<vmem>>
        %dma_wait3A_339 = arith.constant 0 : i32
        %dma_wait3A_340 = tpu.memref_slice %arg4[%dma_wait3A_339] : memref<983040xi32, #tpu.memory_space<hbm>> -> memref<480xi32, #tpu.memory_space<hbm>>
        %dma_wait3A_341 = arith.constant 0 : i32
        %dma_wait3A_342 = tpu.memref_slice %arg6[%dma_wait3A_335, %dma_wait3A_341] : memref<2x480xi32, #tpu.memory_space<vmem>> -> memref<1x480xi32, #tpu.memory_space<vmem>>
        %dma_wait3A_343 = tpu.memref_squeeze %dma_wait3A_342 : memref<1x480xi32, #tpu.memory_space<vmem>> -> memref<480xi32, #tpu.memory_space<vmem>>
        %dma_wait3A_344 = arith.constant 0 : i32
        %dma_wait3A_345 = tpu.memref_slice %arg4[%dma_wait3A_344] : memref<983040xi32, #tpu.memory_space<hbm>> -> memref<480xi32, #tpu.memory_space<hbm>>
        tpu.wait_dma2 semaphore(%arg10 : memref<!tpu.dma_semaphore, #tpu.memory_space<semaphore_mem>>) src(%dma_wait3A_345 : memref<480xi32, #tpu.memory_space<hbm>>) dst(%dma_wait3A_343 : memref<480xi32, #tpu.memory_space<vmem>>)
        %add3A_346 = arith.constant 1 : i32
        %add3A_347 = arith.addi %add3A_232, %add3A_346 : i32
        %mul3A_348 = arith.constant 512 : i32
        %mul3A_349 = arith.muli %add3A, %mul3A_348 : i32
        %mul3A_350 = arith.constant 8 : i32
        %mul3A_351 = arith.muli %add3A_347, %mul3A_350 : i32
        %add3A_352 = arith.addi %mul3A_349, %mul3A_351 : i32
        %dma_start3A_353 = arith.constant 0 : i32
        %dma_start3A_354 = arith.constant 0 : i32
        %dma_start3A_355 = arith.constant 0 : i32
        %dma_start3A_356 = tpu.memref_slice %arg7[%dma_start3A_353, %dma_start3A_354, %dma_start3A_355] : memref<2x8x64xf32, #tpu.memory_space<vmem>> -> memref<1x8x64xf32, #tpu.memory_space<vmem>>
        %dma_start3A_357 = tpu.memref_squeeze %dma_start3A_356 : memref<1x8x64xf32, #tpu.memory_space<vmem>> -> memref<8x64xf32, #tpu.memory_space<vmem>>
        %dma_start3A_358 = arith.constant 0 : i32
        %dma_start3A_359 = tpu.memref_slice %arg3[%add3A_352, %dma_start3A_358] : memref<16384x64xf32, #tpu.memory_space<hbm>> -> memref<8x64xf32, #tpu.memory_space<hbm>>
        %dma_start3A_360 = arith.constant 0 : i32
        %dma_start3A_361 = arith.constant 0 : i32
        %dma_start3A_362 = tpu.memref_slice %arg7[%dma_start3A_353, %dma_start3A_360, %dma_start3A_361] : memref<2x8x64xf32, #tpu.memory_space<vmem>> -> memref<1x8x64xf32, #tpu.memory_space<vmem>>
        %dma_start3A_363 = tpu.memref_squeeze %dma_start3A_362 : memref<1x8x64xf32, #tpu.memory_space<vmem>> -> memref<8x64xf32, #tpu.memory_space<vmem>>
        %dma_start3A_364 = arith.constant 0 : i32
        %dma_start3A_365 = tpu.memref_slice %arg3[%add3A_352, %dma_start3A_364] : memref<16384x64xf32, #tpu.memory_space<hbm>> -> memref<8x64xf32, #tpu.memory_space<hbm>>
        tpu.enqueue_dma source(%dma_start3A_365 : memref<8x64xf32, #tpu.memory_space<hbm>>) target(%dma_start3A_363 : memref<8x64xf32, #tpu.memory_space<vmem>>) target_semaphore(%arg12 : memref<!tpu.dma_semaphore, #tpu.memory_space<semaphore_mem>>)
        %dma_start3A_366 = arith.constant 0 : i32
        %dma_start3A_367 = arith.constant 0 : i32
        %dma_start3A_368 = arith.constant 0 : i32
        %dma_start3A_369 = arith.constant 0 : i32
        %dma_start3A_370 = tpu.memref_slice %arg8[%dma_start3A_367, %dma_start3A_368, %dma_start3A_369] : memref<2x488x64xf32, #tpu.memory_space<vmem>> -> memref<1x120x64xf32, #tpu.memory_space<vmem>>
        %dma_start3A_371 = tpu.memref_squeeze %dma_start3A_370 : memref<1x120x64xf32, #tpu.memory_space<vmem>> -> memref<120x64xf32, #tpu.memory_space<vmem>>
        %dma_start3A_372 = arith.constant 0 : i32
        %dma_start3A_373 = tpu.memref_slice %arg6[%dma_start3A_366, %dma_start3A_372] : memref<2x480xi32, #tpu.memory_space<vmem>> -> memref<1x120xi32, #tpu.memory_space<vmem>>
        %dma_start3A_374 = tpu.memref_squeeze %dma_start3A_373 : memref<1x120xi32, #tpu.memory_space<vmem>> -> memref<120xi32, #tpu.memory_space<vmem>>
        %dma_start3A_375 = arith.constant 0 : i32
        %dma_start3A_376 = arith.constant 0 : i32
        %dma_start3A_377 = tpu.memref_slice %arg2[%dma_start3A_375, %dma_start3A_376] : memref<1000000x64xf32, #tpu.memory_space<hbm>> -> memref<1000000x64xf32, #tpu.memory_space<hbm>>
        tpu.enqueue_indirect_dma source(%dma_start3A_377 : memref<1000000x64xf32, #tpu.memory_space<hbm>>) target(%dma_start3A_371 : memref<120x64xf32, #tpu.memory_space<vmem>>) offsets(%dma_start3A_374 : memref<120xi32, #tpu.memory_space<vmem>>) semaphore(%arg12 : memref<!tpu.dma_semaphore, #tpu.memory_space<semaphore_mem>>)
        %dma_start3A_378 = arith.constant 0 : i32
        %dma_start3A_379 = arith.constant 0 : i32
        %dma_start3A_380 = arith.constant 120 : i32
        %dma_start3A_381 = arith.constant 0 : i32
        %dma_start3A_382 = tpu.memref_slice %arg8[%dma_start3A_379, %dma_start3A_380, %dma_start3A_381] : memref<2x488x64xf32, #tpu.memory_space<vmem>> -> memref<1x120x64xf32, #tpu.memory_space<vmem>>
        %dma_start3A_383 = tpu.memref_squeeze %dma_start3A_382 : memref<1x120x64xf32, #tpu.memory_space<vmem>> -> memref<120x64xf32, #tpu.memory_space<vmem>>
        %dma_start3A_384 = arith.constant 120 : i32
        %dma_start3A_385 = tpu.memref_slice %arg6[%dma_start3A_378, %dma_start3A_384] : memref<2x480xi32, #tpu.memory_space<vmem>> -> memref<1x120xi32, #tpu.memory_space<vmem>>
        %dma_start3A_386 = tpu.memref_squeeze %dma_start3A_385 : memref<1x120xi32, #tpu.memory_space<vmem>> -> memref<120xi32, #tpu.memory_space<vmem>>
        %dma_start3A_387 = arith.constant 0 : i32
        %dma_start3A_388 = arith.constant 0 : i32
        %dma_start3A_389 = tpu.memref_slice %arg2[%dma_start3A_387, %dma_start3A_388] : memref<1000000x64xf32, #tpu.memory_space<hbm>> -> memref<1000000x64xf32, #tpu.memory_space<hbm>>
        tpu.enqueue_indirect_dma source(%dma_start3A_389 : memref<1000000x64xf32, #tpu.memory_space<hbm>>) target(%dma_start3A_383 : memref<120x64xf32, #tpu.memory_space<vmem>>) offsets(%dma_start3A_386 : memref<120xi32, #tpu.memory_space<vmem>>) semaphore(%arg12 : memref<!tpu.dma_semaphore, #tpu.memory_space<semaphore_mem>>)
        %dma_start3A_390 = arith.constant 0 : i32
        %dma_start3A_391 = arith.constant 0 : i32
        %dma_start3A_392 = arith.constant 240 : i32
        %dma_start3A_393 = arith.constant 0 : i32
        %dma_start3A_394 = tpu.memref_slice %arg8[%dma_start3A_391, %dma_start3A_392, %dma_start3A_393] : memref<2x488x64xf32, #tpu.memory_space<vmem>> -> memref<1x120x64xf32, #tpu.memory_space<vmem>>
        %dma_start3A_395 = tpu.memref_squeeze %dma_start3A_394 : memref<1x120x64xf32, #tpu.memory_space<vmem>> -> memref<120x64xf32, #tpu.memory_space<vmem>>
        %dma_start3A_396 = arith.constant 240 : i32
        %dma_start3A_397 = tpu.memref_slice %arg6[%dma_start3A_390, %dma_start3A_396] : memref<2x480xi32, #tpu.memory_space<vmem>> -> memref<1x120xi32, #tpu.memory_space<vmem>>
        %dma_start3A_398 = tpu.memref_squeeze %dma_start3A_397 : memref<1x120xi32, #tpu.memory_space<vmem>> -> memref<120xi32, #tpu.memory_space<vmem>>
        %dma_start3A_399 = arith.constant 0 : i32
        %dma_start3A_400 = arith.constant 0 : i32
        %dma_start3A_401 = tpu.memref_slice %arg2[%dma_start3A_399, %dma_start3A_400] : memref<1000000x64xf32, #tpu.memory_space<hbm>> -> memref<1000000x64xf32, #tpu.memory_space<hbm>>
        tpu.enqueue_indirect_dma source(%dma_start3A_401 : memref<1000000x64xf32, #tpu.memory_space<hbm>>) target(%dma_start3A_395 : memref<120x64xf32, #tpu.memory_space<vmem>>) offsets(%dma_start3A_398 : memref<120xi32, #tpu.memory_space<vmem>>) semaphore(%arg12 : memref<!tpu.dma_semaphore, #tpu.memory_space<semaphore_mem>>)
        %dma_start3A_402 = arith.constant 0 : i32
        %dma_start3A_403 = arith.constant 0 : i32
        %dma_start3A_404 = arith.constant 360 : i32
        %dma_start3A_405 = arith.constant 0 : i32
        %dma_start3A_406 = tpu.memref_slice %arg8[%dma_start3A_403, %dma_start3A_404, %dma_start3A_405] : memref<2x488x64xf32, #tpu.memory_space<vmem>> -> memref<1x120x64xf32, #tpu.memory_space<vmem>>
        %dma_start3A_407 = tpu.memref_squeeze %dma_start3A_406 : memref<1x120x64xf32, #tpu.memory_space<vmem>> -> memref<120x64xf32, #tpu.memory_space<vmem>>
        %dma_start3A_408 = arith.constant 360 : i32
        %dma_start3A_409 = tpu.memref_slice %arg6[%dma_start3A_402, %dma_start3A_408] : memref<2x480xi32, #tpu.memory_space<vmem>> -> memref<1x120xi32, #tpu.memory_space<vmem>>
        %dma_start3A_410 = tpu.memref_squeeze %dma_start3A_409 : memref<1x120xi32, #tpu.memory_space<vmem>> -> memref<120xi32, #tpu.memory_space<vmem>>
        %dma_start3A_411 = arith.constant 0 : i32
        %dma_start3A_412 = arith.constant 0 : i32
        %dma_start3A_413 = tpu.memref_slice %arg2[%dma_start3A_411, %dma_start3A_412] : memref<1000000x64xf32, #tpu.memory_space<hbm>> -> memref<1000000x64xf32, #tpu.memory_space<hbm>>
        tpu.enqueue_indirect_dma source(%dma_start3A_413 : memref<1000000x64xf32, #tpu.memory_space<hbm>>) target(%dma_start3A_407 : memref<120x64xf32, #tpu.memory_space<vmem>>) offsets(%dma_start3A_410 : memref<120xi32, #tpu.memory_space<vmem>>) semaphore(%arg12 : memref<!tpu.dma_semaphore, #tpu.memory_space<semaphore_mem>>)
      } else {
      }
      %ge3A_310 = arith.constant 2 : i32
      %ge3A_311 = arith.cmpi sge, %add3A_232, %ge3A_310 : i32
      %convert_element_type3A_312 = arith.extui %ge3A_311 : i1 to i32
      %cond3A_313 = arith.constant 0 : i32
      %cond3A_314 = arith.cmpi ne, %convert_element_type3A_312, %cond3A_313 : i32
      scf.if %cond3A_314 {
        %dma_wait3A_335 = arith.constant 1 : i32
        %dma_wait3A_336 = arith.constant 0 : i32
        %dma_wait3A_337 = tpu.memref_slice %arg9[%dma_wait3A_335, %dma_wait3A_336] : memref<2x512xf32, #tpu.memory_space<vmem>> -> memref<1x512xf32, #tpu.memory_space<vmem>>
        %dma_wait3A_338 = tpu.memref_squeeze %dma_wait3A_337 : memref<1x512xf32, #tpu.memory_space<vmem>> -> memref<512xf32, #tpu.memory_space<vmem>>
        %dma_wait3A_339 = arith.constant 0 : i32
        %dma_wait3A_340 = tpu.memref_slice %arg5[%dma_wait3A_339] : memref<1048576xf32, #tpu.memory_space<hbm>> -> memref<512xf32, #tpu.memory_space<hbm>>
        %dma_wait3A_341 = arith.constant 0 : i32
        %dma_wait3A_342 = tpu.memref_slice %arg5[%dma_wait3A_341] : memref<1048576xf32, #tpu.memory_space<hbm>> -> memref<512xf32, #tpu.memory_space<hbm>>
        %dma_wait3A_343 = arith.constant 0 : i32
        %dma_wait3A_344 = tpu.memref_slice %arg9[%dma_wait3A_335, %dma_wait3A_343] : memref<2x512xf32, #tpu.memory_space<vmem>> -> memref<1x512xf32, #tpu.memory_space<vmem>>
        %dma_wait3A_345 = tpu.memref_squeeze %dma_wait3A_344 : memref<1x512xf32, #tpu.memory_space<vmem>> -> memref<512xf32, #tpu.memory_space<vmem>>
        tpu.wait_dma2 semaphore(%arg15 : memref<!tpu.dma_semaphore, #tpu.memory_space<semaphore_mem>>) src(%dma_wait3A_345 : memref<512xf32, #tpu.memory_space<vmem>>) dst(%dma_wait3A_342 : memref<512xf32, #tpu.memory_space<hbm>>)
      } else {
      }
      %iota3A_315 = tpu.iota {dimensions = array<i32: 0>} : vector<16xi32>
      %parallel_loop3A_316 = arith.constant 0 : i32
      %parallel_loop3A_317 = arith.constant 32 : i32
      %parallel_loop3A_318 = arith.constant 1 : i32
      scf.for %parallel_loop3A_335 = %parallel_loop3A_316 to %parallel_loop3A_317 step %parallel_loop3A_318  : i32 {
        %parallel_loop3A_336 = arith.constant 4 : i32
        %parallel_loop3A_337 = arith.divsi %parallel_loop3A_335, %parallel_loop3A_336 : i32
        %parallel_loop3A_338 = arith.constant 0 : i32
        %parallel_loop3A_339 = arith.cmpi sgt, %parallel_loop3A_335, %parallel_loop3A_338 : i32
        %parallel_loop3A_340 = arith.extui %parallel_loop3A_339 : i1 to i32
        %parallel_loop3A_341 = arith.constant 0 : i32
        %parallel_loop3A_342 = arith.cmpi slt, %parallel_loop3A_335, %parallel_loop3A_341 : i32
        %parallel_loop3A_343 = arith.extui %parallel_loop3A_342 : i1 to i32
        %parallel_loop3A_344 = arith.subi %parallel_loop3A_340, %parallel_loop3A_343 : i32
        %parallel_loop3A_345 = arith.constant 0 : i32
        %parallel_loop3A_346 = arith.cmpi sgt, %parallel_loop3A_336, %parallel_loop3A_345 : i32
        %parallel_loop3A_347 = arith.extui %parallel_loop3A_346 : i1 to i32
        %parallel_loop3A_348 = arith.constant 0 : i32
        %parallel_loop3A_349 = arith.cmpi slt, %parallel_loop3A_336, %parallel_loop3A_348 : i32
        %parallel_loop3A_350 = arith.extui %parallel_loop3A_349 : i1 to i32
        %parallel_loop3A_351 = arith.subi %parallel_loop3A_347, %parallel_loop3A_350 : i32
        %parallel_loop3A_352 = arith.cmpi ne, %parallel_loop3A_344, %parallel_loop3A_351 : i32
        %parallel_loop3A_353 = arith.remsi %parallel_loop3A_335, %parallel_loop3A_336 : i32
        %parallel_loop3A_354 = arith.constant 0 : i32
        %parallel_loop3A_355 = arith.cmpi ne, %parallel_loop3A_353, %parallel_loop3A_354 : i32
        %parallel_loop3A_356 = arith.andi %parallel_loop3A_352, %parallel_loop3A_355 : i1
        %parallel_loop3A_357 = arith.constant 1 : i32
        %parallel_loop3A_358 = arith.subi %parallel_loop3A_337, %parallel_loop3A_357 : i32
        %parallel_loop3A_359 = arith.select %parallel_loop3A_356, %parallel_loop3A_358, %parallel_loop3A_337 : i32
        %parallel_loop3A_360 = arith.constant 4 : i32
        %parallel_loop3A_361 = arith.muli %parallel_loop3A_359, %parallel_loop3A_360 : i32
        %parallel_loop3A_362 = arith.subi %parallel_loop3A_335, %parallel_loop3A_361 : i32
        %parallel_loop3A_363 = arith.constant 1 : i32
        %parallel_loop3A_364 = arith.index_cast %parallel_loop3A_363 : i32 to index
        %parallel_loop3A_365 = arith.index_cast %parallel_loop3A_359 : i32 to index
        %parallel_loop3A_366 = arith.constant 0 : index
        %parallel_loop3A_367 = tpu.vector_load %arg7[%parallel_loop3A_364, %parallel_loop3A_365, %parallel_loop3A_366] {strides = array<i32>} : memref<2x8x64xf32, #tpu.memory_space<vmem>>, vector<1x1x16xf32>,
        %parallel_loop3A_368 = vector.shape_cast %parallel_loop3A_367 : vector<1x1x16xf32> to vector<16xf32>
        %parallel_loop3A_369 = arith.constant 1 : i32
        %parallel_loop3A_370 = arith.index_cast %parallel_loop3A_369 : i32 to index
        %parallel_loop3A_371 = arith.index_cast %parallel_loop3A_359 : i32 to index
        %parallel_loop3A_372 = arith.constant 16 : index
        %parallel_loop3A_373 = tpu.vector_load %arg7[%parallel_loop3A_370, %parallel_loop3A_371, %parallel_loop3A_372] {strides = array<i32>} : memref<2x8x64xf32, #tpu.memory_space<vmem>>, vector<1x1x16xf32>,
        %parallel_loop3A_374 = vector.shape_cast %parallel_loop3A_373 : vector<1x1x16xf32> to vector<16xf32>
        %parallel_loop3A_375 = arith.constant 1 : i32
        %parallel_loop3A_376 = arith.index_cast %parallel_loop3A_375 : i32 to index
        %parallel_loop3A_377 = arith.index_cast %parallel_loop3A_359 : i32 to index
        %parallel_loop3A_378 = arith.constant 32 : index
        %parallel_loop3A_379 = tpu.vector_load %arg7[%parallel_loop3A_376, %parallel_loop3A_377, %parallel_loop3A_378] {strides = array<i32>} : memref<2x8x64xf32, #tpu.memory_space<vmem>>, vector<1x1x16xf32>,
        %parallel_loop3A_380 = vector.shape_cast %parallel_loop3A_379 : vector<1x1x16xf32> to vector<16xf32>
        %parallel_loop3A_381 = arith.constant 1 : i32
        %parallel_loop3A_382 = arith.index_cast %parallel_loop3A_381 : i32 to index
        %parallel_loop3A_383 = arith.index_cast %parallel_loop3A_359 : i32 to index
        %parallel_loop3A_384 = arith.constant 48 : index
        %parallel_loop3A_385 = tpu.vector_load %arg7[%parallel_loop3A_382, %parallel_loop3A_383, %parallel_loop3A_384] {strides = array<i32>} : memref<2x8x64xf32, #tpu.memory_space<vmem>>, vector<1x1x16xf32>,
        %parallel_loop3A_386 = vector.shape_cast %parallel_loop3A_385 : vector<1x1x16xf32> to vector<16xf32>
        %parallel_loop3A_387 = arith.constant 60 : i32
        %parallel_loop3A_388 = arith.muli %parallel_loop3A_359, %parallel_loop3A_387 : i32
        %parallel_loop3A_389 = arith.constant 16 : i32
        %parallel_loop3A_390 = arith.muli %parallel_loop3A_362, %parallel_loop3A_389 : i32
        %parallel_loop3A_391 = arith.addi %parallel_loop3A_388, %parallel_loop3A_390 : i32
        %parallel_loop3A_392 = arith.constant 0 : i32
        %parallel_loop3A_393 = arith.addi %parallel_loop3A_391, %parallel_loop3A_392 : i32
        %parallel_loop3A_394 = arith.constant 1 : i32
        %parallel_loop3A_395 = arith.index_cast %parallel_loop3A_394 : i32 to index
        %parallel_loop3A_396 = arith.index_cast %parallel_loop3A_393 : i32 to index
        %parallel_loop3A_397 = arith.constant 0 : index
        %parallel_loop3A_398 = tpu.vector_load %arg8[%parallel_loop3A_395, %parallel_loop3A_396, %parallel_loop3A_397] {strides = array<i32>} : memref<2x488x64xf32, #tpu.memory_space<vmem>>, vector<1x1x16xf32>,
        %parallel_loop3A_399 = vector.shape_cast %parallel_loop3A_398 : vector<1x1x16xf32> to vector<16xf32>
        %parallel_loop3A_400 = arith.mulf %parallel_loop3A_399, %parallel_loop3A_368 : vector<16xf32>
        %parallel_loop3A_401 = arith.constant 1 : i32
        %parallel_loop3A_402 = arith.index_cast %parallel_loop3A_401 : i32 to index
        %parallel_loop3A_403 = arith.index_cast %parallel_loop3A_393 : i32 to index
        %parallel_loop3A_404 = arith.constant 16 : index
        %parallel_loop3A_405 = tpu.vector_load %arg8[%parallel_loop3A_402, %parallel_loop3A_403, %parallel_loop3A_404] {strides = array<i32>} : memref<2x488x64xf32, #tpu.memory_space<vmem>>, vector<1x1x16xf32>,
        %parallel_loop3A_406 = vector.shape_cast %parallel_loop3A_405 : vector<1x1x16xf32> to vector<16xf32>
        %parallel_loop3A_407 = arith.mulf %parallel_loop3A_406, %parallel_loop3A_374 : vector<16xf32>
        %parallel_loop3A_408 = arith.addf %parallel_loop3A_400, %parallel_loop3A_407 : vector<16xf32>
        %parallel_loop3A_409 = arith.constant 1 : i32
        %parallel_loop3A_410 = arith.index_cast %parallel_loop3A_409 : i32 to index
        %parallel_loop3A_411 = arith.index_cast %parallel_loop3A_393 : i32 to index
        %parallel_loop3A_412 = arith.constant 32 : index
        %parallel_loop3A_413 = tpu.vector_load %arg8[%parallel_loop3A_410, %parallel_loop3A_411, %parallel_loop3A_412] {strides = array<i32>} : memref<2x488x64xf32, #tpu.memory_space<vmem>>, vector<1x1x16xf32>,
        %parallel_loop3A_414 = vector.shape_cast %parallel_loop3A_413 : vector<1x1x16xf32> to vector<16xf32>
        %parallel_loop3A_415 = arith.mulf %parallel_loop3A_414, %parallel_loop3A_380 : vector<16xf32>
        %parallel_loop3A_416 = arith.addf %parallel_loop3A_408, %parallel_loop3A_415 : vector<16xf32>
        %parallel_loop3A_417 = arith.constant 1 : i32
        %parallel_loop3A_418 = arith.index_cast %parallel_loop3A_417 : i32 to index
        %parallel_loop3A_419 = arith.index_cast %parallel_loop3A_393 : i32 to index
        %parallel_loop3A_420 = arith.constant 48 : index
        %parallel_loop3A_421 = tpu.vector_load %arg8[%parallel_loop3A_418, %parallel_loop3A_419, %parallel_loop3A_420] {strides = array<i32>} : memref<2x488x64xf32, #tpu.memory_space<vmem>>, vector<1x1x16xf32>,
        %parallel_loop3A_422 = vector.shape_cast %parallel_loop3A_421 : vector<1x1x16xf32> to vector<16xf32>
        %parallel_loop3A_423 = arith.mulf %parallel_loop3A_422, %parallel_loop3A_386 : vector<16xf32>
        %parallel_loop3A_424 = arith.addf %parallel_loop3A_416, %parallel_loop3A_423 : vector<16xf32>
        %parallel_loop3A_425 = arith.constant 1 : i32
        %parallel_loop3A_426 = arith.addi %parallel_loop3A_391, %parallel_loop3A_425 : i32
        %parallel_loop3A_427 = arith.constant 1 : i32
        %parallel_loop3A_428 = arith.index_cast %parallel_loop3A_427 : i32 to index
        %parallel_loop3A_429 = arith.index_cast %parallel_loop3A_426 : i32 to index
        %parallel_loop3A_430 = arith.constant 0 : index
        %parallel_loop3A_431 = tpu.vector_load %arg8[%parallel_loop3A_428, %parallel_loop3A_429, %parallel_loop3A_430] {strides = array<i32>} : memref<2x488x64xf32, #tpu.memory_space<vmem>>, vector<1x1x16xf32>,
        %parallel_loop3A_432 = vector.shape_cast %parallel_loop3A_431 : vector<1x1x16xf32> to vector<16xf32>
        %parallel_loop3A_433 = arith.mulf %parallel_loop3A_432, %parallel_loop3A_368 : vector<16xf32>
        %parallel_loop3A_434 = arith.constant 1 : i32
        %parallel_loop3A_435 = arith.index_cast %parallel_loop3A_434 : i32 to index
        %parallel_loop3A_436 = arith.index_cast %parallel_loop3A_426 : i32 to index
        %parallel_loop3A_437 = arith.constant 16 : index
        %parallel_loop3A_438 = tpu.vector_load %arg8[%parallel_loop3A_435, %parallel_loop3A_436, %parallel_loop3A_437] {strides = array<i32>} : memref<2x488x64xf32, #tpu.memory_space<vmem>>, vector<1x1x16xf32>,
        %parallel_loop3A_439 = vector.shape_cast %parallel_loop3A_438 : vector<1x1x16xf32> to vector<16xf32>
        %parallel_loop3A_440 = arith.mulf %parallel_loop3A_439, %parallel_loop3A_374 : vector<16xf32>
        %parallel_loop3A_441 = arith.addf %parallel_loop3A_433, %parallel_loop3A_440 : vector<16xf32>
        %parallel_loop3A_442 = arith.constant 1 : i32
        %parallel_loop3A_443 = arith.index_cast %parallel_loop3A_442 : i32 to index
        %parallel_loop3A_444 = arith.index_cast %parallel_loop3A_426 : i32 to index
        %parallel_loop3A_445 = arith.constant 32 : index
        %parallel_loop3A_446 = tpu.vector_load %arg8[%parallel_loop3A_443, %parallel_loop3A_444, %parallel_loop3A_445] {strides = array<i32>} : memref<2x488x64xf32, #tpu.memory_space<vmem>>, vector<1x1x16xf32>,
        %parallel_loop3A_447 = vector.shape_cast %parallel_loop3A_446 : vector<1x1x16xf32> to vector<16xf32>
        %parallel_loop3A_448 = arith.mulf %parallel_loop3A_447, %parallel_loop3A_380 : vector<16xf32>
        %parallel_loop3A_449 = arith.addf %parallel_loop3A_441, %parallel_loop3A_448 : vector<16xf32>
        %parallel_loop3A_450 = arith.constant 1 : i32
        %parallel_loop3A_451 = arith.index_cast %parallel_loop3A_450 : i32 to index
        %parallel_loop3A_452 = arith.index_cast %parallel_loop3A_426 : i32 to index
        %parallel_loop3A_453 = arith.constant 48 : index
        %parallel_loop3A_454 = tpu.vector_load %arg8[%parallel_loop3A_451, %parallel_loop3A_452, %parallel_loop3A_453] {strides = array<i32>} : memref<2x488x64xf32, #tpu.memory_space<vmem>>, vector<1x1x16xf32>,
        %parallel_loop3A_455 = vector.shape_cast %parallel_loop3A_454 : vector<1x1x16xf32> to vector<16xf32>
        %parallel_loop3A_456 = arith.mulf %parallel_loop3A_455, %parallel_loop3A_386 : vector<16xf32>
        %parallel_loop3A_457 = arith.addf %parallel_loop3A_449, %parallel_loop3A_456 : vector<16xf32>
        %parallel_loop3A_458 = arith.constant 2 : i32
        %parallel_loop3A_459 = arith.addi %parallel_loop3A_391, %parallel_loop3A_458 : i32
        %parallel_loop3A_460 = arith.constant 1 : i32
        %parallel_loop3A_461 = arith.index_cast %parallel_loop3A_460 : i32 to index
        %parallel_loop3A_462 = arith.index_cast %parallel_loop3A_459 : i32 to index
        %parallel_loop3A_463 = arith.constant 0 : index
        %parallel_loop3A_464 = tpu.vector_load %arg8[%parallel_loop3A_461, %parallel_loop3A_462, %parallel_loop3A_463] {strides = array<i32>} : memref<2x488x64xf32, #tpu.memory_space<vmem>>, vector<1x1x16xf32>,
        %parallel_loop3A_465 = vector.shape_cast %parallel_loop3A_464 : vector<1x1x16xf32> to vector<16xf32>
        %parallel_loop3A_466 = arith.mulf %parallel_loop3A_465, %parallel_loop3A_368 : vector<16xf32>
        %parallel_loop3A_467 = arith.constant 1 : i32
        %parallel_loop3A_468 = arith.index_cast %parallel_loop3A_467 : i32 to index
        %parallel_loop3A_469 = arith.index_cast %parallel_loop3A_459 : i32 to index
        %parallel_loop3A_470 = arith.constant 16 : index
        %parallel_loop3A_471 = tpu.vector_load %arg8[%parallel_loop3A_468, %parallel_loop3A_469, %parallel_loop3A_470] {strides = array<i32>} : memref<2x488x64xf32, #tpu.memory_space<vmem>>, vector<1x1x16xf32>,
        %parallel_loop3A_472 = vector.shape_cast %parallel_loop3A_471 : vector<1x1x16xf32> to vector<16xf32>
        %parallel_loop3A_473 = arith.mulf %parallel_loop3A_472, %parallel_loop3A_374 : vector<16xf32>
        %parallel_loop3A_474 = arith.addf %parallel_loop3A_466, %parallel_loop3A_473 : vector<16xf32>
        %parallel_loop3A_475 = arith.constant 1 : i32
        %parallel_loop3A_476 = arith.index_cast %parallel_loop3A_475 : i32 to index
        %parallel_loop3A_477 = arith.index_cast %parallel_loop3A_459 : i32 to index
        %parallel_loop3A_478 = arith.constant 32 : index
        %parallel_loop3A_479 = tpu.vector_load %arg8[%parallel_loop3A_476, %parallel_loop3A_477, %parallel_loop3A_478] {strides = array<i32>} : memref<2x488x64xf32, #tpu.memory_space<vmem>>, vector<1x1x16xf32>,
        %parallel_loop3A_480 = vector.shape_cast %parallel_loop3A_479 : vector<1x1x16xf32> to vector<16xf32>
        %parallel_loop3A_481 = arith.mulf %parallel_loop3A_480, %parallel_loop3A_380 : vector<16xf32>
        %parallel_loop3A_482 = arith.addf %parallel_loop3A_474, %parallel_loop3A_481 : vector<16xf32>
        %parallel_loop3A_483 = arith.constant 1 : i32
        %parallel_loop3A_484 = arith.index_cast %parallel_loop3A_483 : i32 to index
        %parallel_loop3A_485 = arith.index_cast %parallel_loop3A_459 : i32 to index
        %parallel_loop3A_486 = arith.constant 48 : index
        %parallel_loop3A_487 = tpu.vector_load %arg8[%parallel_loop3A_484, %parallel_loop3A_485, %parallel_loop3A_486] {strides = array<i32>} : memref<2x488x64xf32, #tpu.memory_space<vmem>>, vector<1x1x16xf32>,
        %parallel_loop3A_488 = vector.shape_cast %parallel_loop3A_487 : vector<1x1x16xf32> to vector<16xf32>
        %parallel_loop3A_489 = arith.mulf %parallel_loop3A_488, %parallel_loop3A_386 : vector<16xf32>
        %parallel_loop3A_490 = arith.addf %parallel_loop3A_482, %parallel_loop3A_489 : vector<16xf32>
        %parallel_loop3A_491 = arith.constant 3 : i32
        %parallel_loop3A_492 = arith.addi %parallel_loop3A_391, %parallel_loop3A_491 : i32
        %parallel_loop3A_493 = arith.constant 1 : i32
        %parallel_loop3A_494 = arith.index_cast %parallel_loop3A_493 : i32 to index
        %parallel_loop3A_495 = arith.index_cast %parallel_loop3A_492 : i32 to index
        %parallel_loop3A_496 = arith.constant 0 : index
        %parallel_loop3A_497 = tpu.vector_load %arg8[%parallel_loop3A_494, %parallel_loop3A_495, %parallel_loop3A_496] {strides = array<i32>} : memref<2x488x64xf32, #tpu.memory_space<vmem>>, vector<1x1x16xf32>,
        %parallel_loop3A_498 = vector.shape_cast %parallel_loop3A_497 : vector<1x1x16xf32> to vector<16xf32>
        %parallel_loop3A_499 = arith.mulf %parallel_loop3A_498, %parallel_loop3A_368 : vector<16xf32>
        %parallel_loop3A_500 = arith.constant 1 : i32
        %parallel_loop3A_501 = arith.index_cast %parallel_loop3A_500 : i32 to index
        %parallel_loop3A_502 = arith.index_cast %parallel_loop3A_492 : i32 to index
        %parallel_loop3A_503 = arith.constant 16 : index
        %parallel_loop3A_504 = tpu.vector_load %arg8[%parallel_loop3A_501, %parallel_loop3A_502, %parallel_loop3A_503] {strides = array<i32>} : memref<2x488x64xf32, #tpu.memory_space<vmem>>, vector<1x1x16xf32>,
        %parallel_loop3A_505 = vector.shape_cast %parallel_loop3A_504 : vector<1x1x16xf32> to vector<16xf32>
        %parallel_loop3A_506 = arith.mulf %parallel_loop3A_505, %parallel_loop3A_374 : vector<16xf32>
        %parallel_loop3A_507 = arith.addf %parallel_loop3A_499, %parallel_loop3A_506 : vector<16xf32>
        %parallel_loop3A_508 = arith.constant 1 : i32
        %parallel_loop3A_509 = arith.index_cast %parallel_loop3A_508 : i32 to index
        %parallel_loop3A_510 = arith.index_cast %parallel_loop3A_492 : i32 to index
        %parallel_loop3A_511 = arith.constant 32 : index
        %parallel_loop3A_512 = tpu.vector_load %arg8[%parallel_loop3A_509, %parallel_loop3A_510, %parallel_loop3A_511] {strides = array<i32>} : memref<2x488x64xf32, #tpu.memory_space<vmem>>, vector<1x1x16xf32>,
        %parallel_loop3A_513 = vector.shape_cast %parallel_loop3A_512 : vector<1x1x16xf32> to vector<16xf32>
        %parallel_loop3A_514 = arith.mulf %parallel_loop3A_513, %parallel_loop3A_380 : vector<16xf32>
        %parallel_loop3A_515 = arith.addf %parallel_loop3A_507, %parallel_loop3A_514 : vector<16xf32>
        %parallel_loop3A_516 = arith.constant 1 : i32
        %parallel_loop3A_517 = arith.index_cast %parallel_loop3A_516 : i32 to index
        %parallel_loop3A_518 = arith.index_cast %parallel_loop3A_492 : i32 to index
        %parallel_loop3A_519 = arith.constant 48 : index
        %parallel_loop3A_520 = tpu.vector_load %arg8[%parallel_loop3A_517, %parallel_loop3A_518, %parallel_loop3A_519] {strides = array<i32>} : memref<2x488x64xf32, #tpu.memory_space<vmem>>, vector<1x1x16xf32>,
        %parallel_loop3A_521 = vector.shape_cast %parallel_loop3A_520 : vector<1x1x16xf32> to vector<16xf32>
        %parallel_loop3A_522 = arith.mulf %parallel_loop3A_521, %parallel_loop3A_386 : vector<16xf32>
        %parallel_loop3A_523 = arith.addf %parallel_loop3A_515, %parallel_loop3A_522 : vector<16xf32>
        %parallel_loop3A_524 = arith.constant 4 : i32
        %parallel_loop3A_525 = arith.addi %parallel_loop3A_391, %parallel_loop3A_524 : i32
        %parallel_loop3A_526 = arith.constant 1 : i32
        %parallel_loop3A_527 = arith.index_cast %parallel_loop3A_526 : i32 to index
        %parallel_loop3A_528 = arith.index_cast %parallel_loop3A_525 : i32 to index
        %parallel_loop3A_529 = arith.constant 0 : index
        %parallel_loop3A_530 = tpu.vector_load %arg8[%parallel_loop3A_527, %parallel_loop3A_528, %parallel_loop3A_529] {strides = array<i32>} : memref<2x488x64xf32, #tpu.memory_space<vmem>>, vector<1x1x16xf32>,
        %parallel_loop3A_531 = vector.shape_cast %parallel_loop3A_530 : vector<1x1x16xf32> to vector<16xf32>
        %parallel_loop3A_532 = arith.mulf %parallel_loop3A_531, %parallel_loop3A_368 : vector<16xf32>
        %parallel_loop3A_533 = arith.constant 1 : i32
        %parallel_loop3A_534 = arith.index_cast %parallel_loop3A_533 : i32 to index
        %parallel_loop3A_535 = arith.index_cast %parallel_loop3A_525 : i32 to index
        %parallel_loop3A_536 = arith.constant 16 : index
        %parallel_loop3A_537 = tpu.vector_load %arg8[%parallel_loop3A_534, %parallel_loop3A_535, %parallel_loop3A_536] {strides = array<i32>} : memref<2x488x64xf32, #tpu.memory_space<vmem>>, vector<1x1x16xf32>,
        %parallel_loop3A_538 = vector.shape_cast %parallel_loop3A_537 : vector<1x1x16xf32> to vector<16xf32>
        %parallel_loop3A_539 = arith.mulf %parallel_loop3A_538, %parallel_loop3A_374 : vector<16xf32>
        %parallel_loop3A_540 = arith.addf %parallel_loop3A_532, %parallel_loop3A_539 : vector<16xf32>
        %parallel_loop3A_541 = arith.constant 1 : i32
        %parallel_loop3A_542 = arith.index_cast %parallel_loop3A_541 : i32 to index
        %parallel_loop3A_543 = arith.index_cast %parallel_loop3A_525 : i32 to index
        %parallel_loop3A_544 = arith.constant 32 : index
        %parallel_loop3A_545 = tpu.vector_load %arg8[%parallel_loop3A_542, %parallel_loop3A_543, %parallel_loop3A_544] {strides = array<i32>} : memref<2x488x64xf32, #tpu.memory_space<vmem>>, vector<1x1x16xf32>,
        %parallel_loop3A_546 = vector.shape_cast %parallel_loop3A_545 : vector<1x1x16xf32> to vector<16xf32>
        %parallel_loop3A_547 = arith.mulf %parallel_loop3A_546, %parallel_loop3A_380 : vector<16xf32>
        %parallel_loop3A_548 = arith.addf %parallel_loop3A_540, %parallel_loop3A_547 : vector<16xf32>
        %parallel_loop3A_549 = arith.constant 1 : i32
        %parallel_loop3A_550 = arith.index_cast %parallel_loop3A_549 : i32 to index
        %parallel_loop3A_551 = arith.index_cast %parallel_loop3A_525 : i32 to index
        %parallel_loop3A_552 = arith.constant 48 : index
        %parallel_loop3A_553 = tpu.vector_load %arg8[%parallel_loop3A_550, %parallel_loop3A_551, %parallel_loop3A_552] {strides = array<i32>} : memref<2x488x64xf32, #tpu.memory_space<vmem>>, vector<1x1x16xf32>,
        %parallel_loop3A_554 = vector.shape_cast %parallel_loop3A_553 : vector<1x1x16xf32> to vector<16xf32>
        %parallel_loop3A_555 = arith.mulf %parallel_loop3A_554, %parallel_loop3A_386 : vector<16xf32>
        %parallel_loop3A_556 = arith.addf %parallel_loop3A_548, %parallel_loop3A_555 : vector<16xf32>
        %parallel_loop3A_557 = arith.constant 5 : i32
        %parallel_loop3A_558 = arith.addi %parallel_loop3A_391, %parallel_loop3A_557 : i32
        %parallel_loop3A_559 = arith.constant 1 : i32
        %parallel_loop3A_560 = arith.index_cast %parallel_loop3A_559 : i32 to index
        %parallel_loop3A_561 = arith.index_cast %parallel_loop3A_558 : i32 to index
        %parallel_loop3A_562 = arith.constant 0 : index
        %parallel_loop3A_563 = tpu.vector_load %arg8[%parallel_loop3A_560, %parallel_loop3A_561, %parallel_loop3A_562] {strides = array<i32>} : memref<2x488x64xf32, #tpu.memory_space<vmem>>, vector<1x1x16xf32>,
        %parallel_loop3A_564 = vector.shape_cast %parallel_loop3A_563 : vector<1x1x16xf32> to vector<16xf32>
        %parallel_loop3A_565 = arith.mulf %parallel_loop3A_564, %parallel_loop3A_368 : vector<16xf32>
        %parallel_loop3A_566 = arith.constant 1 : i32
        %parallel_loop3A_567 = arith.index_cast %parallel_loop3A_566 : i32 to index
        %parallel_loop3A_568 = arith.index_cast %parallel_loop3A_558 : i32 to index
        %parallel_loop3A_569 = arith.constant 16 : index
        %parallel_loop3A_570 = tpu.vector_load %arg8[%parallel_loop3A_567, %parallel_loop3A_568, %parallel_loop3A_569] {strides = array<i32>} : memref<2x488x64xf32, #tpu.memory_space<vmem>>, vector<1x1x16xf32>,
        %parallel_loop3A_571 = vector.shape_cast %parallel_loop3A_570 : vector<1x1x16xf32> to vector<16xf32>
        %parallel_loop3A_572 = arith.mulf %parallel_loop3A_571, %parallel_loop3A_374 : vector<16xf32>
        %parallel_loop3A_573 = arith.addf %parallel_loop3A_565, %parallel_loop3A_572 : vector<16xf32>
        %parallel_loop3A_574 = arith.constant 1 : i32
        %parallel_loop3A_575 = arith.index_cast %parallel_loop3A_574 : i32 to index
        %parallel_loop3A_576 = arith.index_cast %parallel_loop3A_558 : i32 to index
        %parallel_loop3A_577 = arith.constant 32 : index
        %parallel_loop3A_578 = tpu.vector_load %arg8[%parallel_loop3A_575, %parallel_loop3A_576, %parallel_loop3A_577] {strides = array<i32>} : memref<2x488x64xf32, #tpu.memory_space<vmem>>, vector<1x1x16xf32>,
        %parallel_loop3A_579 = vector.shape_cast %parallel_loop3A_578 : vector<1x1x16xf32> to vector<16xf32>
        %parallel_loop3A_580 = arith.mulf %parallel_loop3A_579, %parallel_loop3A_380 : vector<16xf32>
        %parallel_loop3A_581 = arith.addf %parallel_loop3A_573, %parallel_loop3A_580 : vector<16xf32>
        %parallel_loop3A_582 = arith.constant 1 : i32
        %parallel_loop3A_583 = arith.index_cast %parallel_loop3A_582 : i32 to index
        %parallel_loop3A_584 = arith.index_cast %parallel_loop3A_558 : i32 to index
        %parallel_loop3A_585 = arith.constant 48 : index
        %parallel_loop3A_586 = tpu.vector_load %arg8[%parallel_loop3A_583, %parallel_loop3A_584, %parallel_loop3A_585] {strides = array<i32>} : memref<2x488x64xf32, #tpu.memory_space<vmem>>, vector<1x1x16xf32>,
        %parallel_loop3A_587 = vector.shape_cast %parallel_loop3A_586 : vector<1x1x16xf32> to vector<16xf32>
        %parallel_loop3A_588 = arith.mulf %parallel_loop3A_587, %parallel_loop3A_386 : vector<16xf32>
        %parallel_loop3A_589 = arith.addf %parallel_loop3A_581, %parallel_loop3A_588 : vector<16xf32>
        %parallel_loop3A_590 = arith.constant 6 : i32
        %parallel_loop3A_591 = arith.addi %parallel_loop3A_391, %parallel_loop3A_590 : i32
        %parallel_loop3A_592 = arith.constant 1 : i32
        %parallel_loop3A_593 = arith.index_cast %parallel_loop3A_592 : i32 to index
        %parallel_loop3A_594 = arith.index_cast %parallel_loop3A_591 : i32 to index
        %parallel_loop3A_595 = arith.constant 0 : index
        %parallel_loop3A_596 = tpu.vector_load %arg8[%parallel_loop3A_593, %parallel_loop3A_594, %parallel_loop3A_595] {strides = array<i32>} : memref<2x488x64xf32, #tpu.memory_space<vmem>>, vector<1x1x16xf32>,
        %parallel_loop3A_597 = vector.shape_cast %parallel_loop3A_596 : vector<1x1x16xf32> to vector<16xf32>
        %parallel_loop3A_598 = arith.mulf %parallel_loop3A_597, %parallel_loop3A_368 : vector<16xf32>
        %parallel_loop3A_599 = arith.constant 1 : i32
        %parallel_loop3A_600 = arith.index_cast %parallel_loop3A_599 : i32 to index
        %parallel_loop3A_601 = arith.index_cast %parallel_loop3A_591 : i32 to index
        %parallel_loop3A_602 = arith.constant 16 : index
        %parallel_loop3A_603 = tpu.vector_load %arg8[%parallel_loop3A_600, %parallel_loop3A_601, %parallel_loop3A_602] {strides = array<i32>} : memref<2x488x64xf32, #tpu.memory_space<vmem>>, vector<1x1x16xf32>,
        %parallel_loop3A_604 = vector.shape_cast %parallel_loop3A_603 : vector<1x1x16xf32> to vector<16xf32>
        %parallel_loop3A_605 = arith.mulf %parallel_loop3A_604, %parallel_loop3A_374 : vector<16xf32>
        %parallel_loop3A_606 = arith.addf %parallel_loop3A_598, %parallel_loop3A_605 : vector<16xf32>
        %parallel_loop3A_607 = arith.constant 1 : i32
        %parallel_loop3A_608 = arith.index_cast %parallel_loop3A_607 : i32 to index
        %parallel_loop3A_609 = arith.index_cast %parallel_loop3A_591 : i32 to index
        %parallel_loop3A_610 = arith.constant 32 : index
        %parallel_loop3A_611 = tpu.vector_load %arg8[%parallel_loop3A_608, %parallel_loop3A_609, %parallel_loop3A_610] {strides = array<i32>} : memref<2x488x64xf32, #tpu.memory_space<vmem>>, vector<1x1x16xf32>,
        %parallel_loop3A_612 = vector.shape_cast %parallel_loop3A_611 : vector<1x1x16xf32> to vector<16xf32>
        %parallel_loop3A_613 = arith.mulf %parallel_loop3A_612, %parallel_loop3A_380 : vector<16xf32>
        %parallel_loop3A_614 = arith.addf %parallel_loop3A_606, %parallel_loop3A_613 : vector<16xf32>
        %parallel_loop3A_615 = arith.constant 1 : i32
        %parallel_loop3A_616 = arith.index_cast %parallel_loop3A_615 : i32 to index
        %parallel_loop3A_617 = arith.index_cast %parallel_loop3A_591 : i32 to index
        %parallel_loop3A_618 = arith.constant 48 : index
        %parallel_loop3A_619 = tpu.vector_load %arg8[%parallel_loop3A_616, %parallel_loop3A_617, %parallel_loop3A_618] {strides = array<i32>} : memref<2x488x64xf32, #tpu.memory_space<vmem>>, vector<1x1x16xf32>,
        %parallel_loop3A_620 = vector.shape_cast %parallel_loop3A_619 : vector<1x1x16xf32> to vector<16xf32>
        %parallel_loop3A_621 = arith.mulf %parallel_loop3A_620, %parallel_loop3A_386 : vector<16xf32>
        %parallel_loop3A_622 = arith.addf %parallel_loop3A_614, %parallel_loop3A_621 : vector<16xf32>
        %parallel_loop3A_623 = arith.constant 7 : i32
        %parallel_loop3A_624 = arith.addi %parallel_loop3A_391, %parallel_loop3A_623 : i32
        %parallel_loop3A_625 = arith.constant 1 : i32
        %parallel_loop3A_626 = arith.index_cast %parallel_loop3A_625 : i32 to index
        %parallel_loop3A_627 = arith.index_cast %parallel_loop3A_624 : i32 to index
        %parallel_loop3A_628 = arith.constant 0 : index
        %parallel_loop3A_629 = tpu.vector_load %arg8[%parallel_loop3A_626, %parallel_loop3A_627, %parallel_loop3A_628] {strides = array<i32>} : memref<2x488x64xf32, #tpu.memory_space<vmem>>, vector<1x1x16xf32>,
        %parallel_loop3A_630 = vector.shape_cast %parallel_loop3A_629 : vector<1x1x16xf32> to vector<16xf32>
        %parallel_loop3A_631 = arith.mulf %parallel_loop3A_630, %parallel_loop3A_368 : vector<16xf32>
        %parallel_loop3A_632 = arith.constant 1 : i32
        %parallel_loop3A_633 = arith.index_cast %parallel_loop3A_632 : i32 to index
        %parallel_loop3A_634 = arith.index_cast %parallel_loop3A_624 : i32 to index
        %parallel_loop3A_635 = arith.constant 16 : index
        %parallel_loop3A_636 = tpu.vector_load %arg8[%parallel_loop3A_633, %parallel_loop3A_634, %parallel_loop3A_635] {strides = array<i32>} : memref<2x488x64xf32, #tpu.memory_space<vmem>>, vector<1x1x16xf32>,
        %parallel_loop3A_637 = vector.shape_cast %parallel_loop3A_636 : vector<1x1x16xf32> to vector<16xf32>
        %parallel_loop3A_638 = arith.mulf %parallel_loop3A_637, %parallel_loop3A_374 : vector<16xf32>
        %parallel_loop3A_639 = arith.addf %parallel_loop3A_631, %parallel_loop3A_638 : vector<16xf32>
        %parallel_loop3A_640 = arith.constant 1 : i32
        %parallel_loop3A_641 = arith.index_cast %parallel_loop3A_640 : i32 to index
        %parallel_loop3A_642 = arith.index_cast %parallel_loop3A_624 : i32 to index
        %parallel_loop3A_643 = arith.constant 32 : index
        %parallel_loop3A_644 = tpu.vector_load %arg8[%parallel_loop3A_641, %parallel_loop3A_642, %parallel_loop3A_643] {strides = array<i32>} : memref<2x488x64xf32, #tpu.memory_space<vmem>>, vector<1x1x16xf32>,
        %parallel_loop3A_645 = vector.shape_cast %parallel_loop3A_644 : vector<1x1x16xf32> to vector<16xf32>
        %parallel_loop3A_646 = arith.mulf %parallel_loop3A_645, %parallel_loop3A_380 : vector<16xf32>
        %parallel_loop3A_647 = arith.addf %parallel_loop3A_639, %parallel_loop3A_646 : vector<16xf32>
        %parallel_loop3A_648 = arith.constant 1 : i32
        %parallel_loop3A_649 = arith.index_cast %parallel_loop3A_648 : i32 to index
        %parallel_loop3A_650 = arith.index_cast %parallel_loop3A_624 : i32 to index
        %parallel_loop3A_651 = arith.constant 48 : index
        %parallel_loop3A_652 = tpu.vector_load %arg8[%parallel_loop3A_649, %parallel_loop3A_650, %parallel_loop3A_651] {strides = array<i32>} : memref<2x488x64xf32, #tpu.memory_space<vmem>>, vector<1x1x16xf32>,
        %parallel_loop3A_653 = vector.shape_cast %parallel_loop3A_652 : vector<1x1x16xf32> to vector<16xf32>
        %parallel_loop3A_654 = arith.mulf %parallel_loop3A_653, %parallel_loop3A_386 : vector<16xf32>
        %parallel_loop3A_655 = arith.addf %parallel_loop3A_647, %parallel_loop3A_654 : vector<16xf32>
        %parallel_loop3A_656 = arith.constant 8 : i32
        %parallel_loop3A_657 = arith.addi %parallel_loop3A_391, %parallel_loop3A_656 : i32
        %parallel_loop3A_658 = arith.constant 1 : i32
        %parallel_loop3A_659 = arith.index_cast %parallel_loop3A_658 : i32 to index
        %parallel_loop3A_660 = arith.index_cast %parallel_loop3A_657 : i32 to index
        %parallel_loop3A_661 = arith.constant 0 : index
        %parallel_loop3A_662 = tpu.vector_load %arg8[%parallel_loop3A_659, %parallel_loop3A_660, %parallel_loop3A_661] {strides = array<i32>} : memref<2x488x64xf32, #tpu.memory_space<vmem>>, vector<1x1x16xf32>,
        %parallel_loop3A_663 = vector.shape_cast %parallel_loop3A_662 : vector<1x1x16xf32> to vector<16xf32>
        %parallel_loop3A_664 = arith.mulf %parallel_loop3A_663, %parallel_loop3A_368 : vector<16xf32>
        %parallel_loop3A_665 = arith.constant 1 : i32
        %parallel_loop3A_666 = arith.index_cast %parallel_loop3A_665 : i32 to index
        %parallel_loop3A_667 = arith.index_cast %parallel_loop3A_657 : i32 to index
        %parallel_loop3A_668 = arith.constant 16 : index
        %parallel_loop3A_669 = tpu.vector_load %arg8[%parallel_loop3A_666, %parallel_loop3A_667, %parallel_loop3A_668] {strides = array<i32>} : memref<2x488x64xf32, #tpu.memory_space<vmem>>, vector<1x1x16xf32>,
        %parallel_loop3A_670 = vector.shape_cast %parallel_loop3A_669 : vector<1x1x16xf32> to vector<16xf32>
        %parallel_loop3A_671 = arith.mulf %parallel_loop3A_670, %parallel_loop3A_374 : vector<16xf32>
        %parallel_loop3A_672 = arith.addf %parallel_loop3A_664, %parallel_loop3A_671 : vector<16xf32>
        %parallel_loop3A_673 = arith.constant 1 : i32
        %parallel_loop3A_674 = arith.index_cast %parallel_loop3A_673 : i32 to index
        %parallel_loop3A_675 = arith.index_cast %parallel_loop3A_657 : i32 to index
        %parallel_loop3A_676 = arith.constant 32 : index
        %parallel_loop3A_677 = tpu.vector_load %arg8[%parallel_loop3A_674, %parallel_loop3A_675, %parallel_loop3A_676] {strides = array<i32>} : memref<2x488x64xf32, #tpu.memory_space<vmem>>, vector<1x1x16xf32>,
        %parallel_loop3A_678 = vector.shape_cast %parallel_loop3A_677 : vector<1x1x16xf32> to vector<16xf32>
        %parallel_loop3A_679 = arith.mulf %parallel_loop3A_678, %parallel_loop3A_380 : vector<16xf32>
        %parallel_loop3A_680 = arith.addf %parallel_loop3A_672, %parallel_loop3A_679 : vector<16xf32>
        %parallel_loop3A_681 = arith.constant 1 : i32
        %parallel_loop3A_682 = arith.index_cast %parallel_loop3A_681 : i32 to index
        %parallel_loop3A_683 = arith.index_cast %parallel_loop3A_657 : i32 to index
        %parallel_loop3A_684 = arith.constant 48 : index
        %parallel_loop3A_685 = tpu.vector_load %arg8[%parallel_loop3A_682, %parallel_loop3A_683, %parallel_loop3A_684] {strides = array<i32>} : memref<2x488x64xf32, #tpu.memory_space<vmem>>, vector<1x1x16xf32>,
        %parallel_loop3A_686 = vector.shape_cast %parallel_loop3A_685 : vector<1x1x16xf32> to vector<16xf32>
        %parallel_loop3A_687 = arith.mulf %parallel_loop3A_686, %parallel_loop3A_386 : vector<16xf32>
        %parallel_loop3A_688 = arith.addf %parallel_loop3A_680, %parallel_loop3A_687 : vector<16xf32>
        %parallel_loop3A_689 = arith.constant 9 : i32
        %parallel_loop3A_690 = arith.addi %parallel_loop3A_391, %parallel_loop3A_689 : i32
        %parallel_loop3A_691 = arith.constant 1 : i32
        %parallel_loop3A_692 = arith.index_cast %parallel_loop3A_691 : i32 to index
        %parallel_loop3A_693 = arith.index_cast %parallel_loop3A_690 : i32 to index
        %parallel_loop3A_694 = arith.constant 0 : index
        %parallel_loop3A_695 = tpu.vector_load %arg8[%parallel_loop3A_692, %parallel_loop3A_693, %parallel_loop3A_694] {strides = array<i32>} : memref<2x488x64xf32, #tpu.memory_space<vmem>>, vector<1x1x16xf32>,
        %parallel_loop3A_696 = vector.shape_cast %parallel_loop3A_695 : vector<1x1x16xf32> to vector<16xf32>
        %parallel_loop3A_697 = arith.mulf %parallel_loop3A_696, %parallel_loop3A_368 : vector<16xf32>
        %parallel_loop3A_698 = arith.constant 1 : i32
        %parallel_loop3A_699 = arith.index_cast %parallel_loop3A_698 : i32 to index
        %parallel_loop3A_700 = arith.index_cast %parallel_loop3A_690 : i32 to index
        %parallel_loop3A_701 = arith.constant 16 : index
        %parallel_loop3A_702 = tpu.vector_load %arg8[%parallel_loop3A_699, %parallel_loop3A_700, %parallel_loop3A_701] {strides = array<i32>} : memref<2x488x64xf32, #tpu.memory_space<vmem>>, vector<1x1x16xf32>,
        %parallel_loop3A_703 = vector.shape_cast %parallel_loop3A_702 : vector<1x1x16xf32> to vector<16xf32>
        %parallel_loop3A_704 = arith.mulf %parallel_loop3A_703, %parallel_loop3A_374 : vector<16xf32>
        %parallel_loop3A_705 = arith.addf %parallel_loop3A_697, %parallel_loop3A_704 : vector<16xf32>
        %parallel_loop3A_706 = arith.constant 1 : i32
        %parallel_loop3A_707 = arith.index_cast %parallel_loop3A_706 : i32 to index
        %parallel_loop3A_708 = arith.index_cast %parallel_loop3A_690 : i32 to index
        %parallel_loop3A_709 = arith.constant 32 : index
        %parallel_loop3A_710 = tpu.vector_load %arg8[%parallel_loop3A_707, %parallel_loop3A_708, %parallel_loop3A_709] {strides = array<i32>} : memref<2x488x64xf32, #tpu.memory_space<vmem>>, vector<1x1x16xf32>,
        %parallel_loop3A_711 = vector.shape_cast %parallel_loop3A_710 : vector<1x1x16xf32> to vector<16xf32>
        %parallel_loop3A_712 = arith.mulf %parallel_loop3A_711, %parallel_loop3A_380 : vector<16xf32>
        %parallel_loop3A_713 = arith.addf %parallel_loop3A_705, %parallel_loop3A_712 : vector<16xf32>
        %parallel_loop3A_714 = arith.constant 1 : i32
        %parallel_loop3A_715 = arith.index_cast %parallel_loop3A_714 : i32 to index
        %parallel_loop3A_716 = arith.index_cast %parallel_loop3A_690 : i32 to index
        %parallel_loop3A_717 = arith.constant 48 : index
        %parallel_loop3A_718 = tpu.vector_load %arg8[%parallel_loop3A_715, %parallel_loop3A_716, %parallel_loop3A_717] {strides = array<i32>} : memref<2x488x64xf32, #tpu.memory_space<vmem>>, vector<1x1x16xf32>,
        %parallel_loop3A_719 = vector.shape_cast %parallel_loop3A_718 : vector<1x1x16xf32> to vector<16xf32>
        %parallel_loop3A_720 = arith.mulf %parallel_loop3A_719, %parallel_loop3A_386 : vector<16xf32>
        %parallel_loop3A_721 = arith.addf %parallel_loop3A_713, %parallel_loop3A_720 : vector<16xf32>
        %parallel_loop3A_722 = arith.constant 10 : i32
        %parallel_loop3A_723 = arith.addi %parallel_loop3A_391, %parallel_loop3A_722 : i32
        %parallel_loop3A_724 = arith.constant 1 : i32
        %parallel_loop3A_725 = arith.index_cast %parallel_loop3A_724 : i32 to index
        %parallel_loop3A_726 = arith.index_cast %parallel_loop3A_723 : i32 to index
        %parallel_loop3A_727 = arith.constant 0 : index
        %parallel_loop3A_728 = tpu.vector_load %arg8[%parallel_loop3A_725, %parallel_loop3A_726, %parallel_loop3A_727] {strides = array<i32>} : memref<2x488x64xf32, #tpu.memory_space<vmem>>, vector<1x1x16xf32>,
        %parallel_loop3A_729 = vector.shape_cast %parallel_loop3A_728 : vector<1x1x16xf32> to vector<16xf32>
        %parallel_loop3A_730 = arith.mulf %parallel_loop3A_729, %parallel_loop3A_368 : vector<16xf32>
        %parallel_loop3A_731 = arith.constant 1 : i32
        %parallel_loop3A_732 = arith.index_cast %parallel_loop3A_731 : i32 to index
        %parallel_loop3A_733 = arith.index_cast %parallel_loop3A_723 : i32 to index
        %parallel_loop3A_734 = arith.constant 16 : index
        %parallel_loop3A_735 = tpu.vector_load %arg8[%parallel_loop3A_732, %parallel_loop3A_733, %parallel_loop3A_734] {strides = array<i32>} : memref<2x488x64xf32, #tpu.memory_space<vmem>>, vector<1x1x16xf32>,
        %parallel_loop3A_736 = vector.shape_cast %parallel_loop3A_735 : vector<1x1x16xf32> to vector<16xf32>
        %parallel_loop3A_737 = arith.mulf %parallel_loop3A_736, %parallel_loop3A_374 : vector<16xf32>
        %parallel_loop3A_738 = arith.addf %parallel_loop3A_730, %parallel_loop3A_737 : vector<16xf32>
        %parallel_loop3A_739 = arith.constant 1 : i32
        %parallel_loop3A_740 = arith.index_cast %parallel_loop3A_739 : i32 to index
        %parallel_loop3A_741 = arith.index_cast %parallel_loop3A_723 : i32 to index
        %parallel_loop3A_742 = arith.constant 32 : index
        %parallel_loop3A_743 = tpu.vector_load %arg8[%parallel_loop3A_740, %parallel_loop3A_741, %parallel_loop3A_742] {strides = array<i32>} : memref<2x488x64xf32, #tpu.memory_space<vmem>>, vector<1x1x16xf32>,
        %parallel_loop3A_744 = vector.shape_cast %parallel_loop3A_743 : vector<1x1x16xf32> to vector<16xf32>
        %parallel_loop3A_745 = arith.mulf %parallel_loop3A_744, %parallel_loop3A_380 : vector<16xf32>
        %parallel_loop3A_746 = arith.addf %parallel_loop3A_738, %parallel_loop3A_745 : vector<16xf32>
        %parallel_loop3A_747 = arith.constant 1 : i32
        %parallel_loop3A_748 = arith.index_cast %parallel_loop3A_747 : i32 to index
        %parallel_loop3A_749 = arith.index_cast %parallel_loop3A_723 : i32 to index
        %parallel_loop3A_750 = arith.constant 48 : index
        %parallel_loop3A_751 = tpu.vector_load %arg8[%parallel_loop3A_748, %parallel_loop3A_749, %parallel_loop3A_750] {strides = array<i32>} : memref<2x488x64xf32, #tpu.memory_space<vmem>>, vector<1x1x16xf32>,
        %parallel_loop3A_752 = vector.shape_cast %parallel_loop3A_751 : vector<1x1x16xf32> to vector<16xf32>
        %parallel_loop3A_753 = arith.mulf %parallel_loop3A_752, %parallel_loop3A_386 : vector<16xf32>
        %parallel_loop3A_754 = arith.addf %parallel_loop3A_746, %parallel_loop3A_753 : vector<16xf32>
        %parallel_loop3A_755 = arith.constant 11 : i32
        %parallel_loop3A_756 = arith.addi %parallel_loop3A_391, %parallel_loop3A_755 : i32
        %parallel_loop3A_757 = arith.constant 1 : i32
        %parallel_loop3A_758 = arith.index_cast %parallel_loop3A_757 : i32 to index
        %parallel_loop3A_759 = arith.index_cast %parallel_loop3A_756 : i32 to index
        %parallel_loop3A_760 = arith.constant 0 : index
        %parallel_loop3A_761 = tpu.vector_load %arg8[%parallel_loop3A_758, %parallel_loop3A_759, %parallel_loop3A_760] {strides = array<i32>} : memref<2x488x64xf32, #tpu.memory_space<vmem>>, vector<1x1x16xf32>,
        %parallel_loop3A_762 = vector.shape_cast %parallel_loop3A_761 : vector<1x1x16xf32> to vector<16xf32>
        %parallel_loop3A_763 = arith.mulf %parallel_loop3A_762, %parallel_loop3A_368 : vector<16xf32>
        %parallel_loop3A_764 = arith.constant 1 : i32
        %parallel_loop3A_765 = arith.index_cast %parallel_loop3A_764 : i32 to index
        %parallel_loop3A_766 = arith.index_cast %parallel_loop3A_756 : i32 to index
        %parallel_loop3A_767 = arith.constant 16 : index
        %parallel_loop3A_768 = tpu.vector_load %arg8[%parallel_loop3A_765, %parallel_loop3A_766, %parallel_loop3A_767] {strides = array<i32>} : memref<2x488x64xf32, #tpu.memory_space<vmem>>, vector<1x1x16xf32>,
        %parallel_loop3A_769 = vector.shape_cast %parallel_loop3A_768 : vector<1x1x16xf32> to vector<16xf32>
        %parallel_loop3A_770 = arith.mulf %parallel_loop3A_769, %parallel_loop3A_374 : vector<16xf32>
        %parallel_loop3A_771 = arith.addf %parallel_loop3A_763, %parallel_loop3A_770 : vector<16xf32>
        %parallel_loop3A_772 = arith.constant 1 : i32
        %parallel_loop3A_773 = arith.index_cast %parallel_loop3A_772 : i32 to index
        %parallel_loop3A_774 = arith.index_cast %parallel_loop3A_756 : i32 to index
        %parallel_loop3A_775 = arith.constant 32 : index
        %parallel_loop3A_776 = tpu.vector_load %arg8[%parallel_loop3A_773, %parallel_loop3A_774, %parallel_loop3A_775] {strides = array<i32>} : memref<2x488x64xf32, #tpu.memory_space<vmem>>, vector<1x1x16xf32>,
        %parallel_loop3A_777 = vector.shape_cast %parallel_loop3A_776 : vector<1x1x16xf32> to vector<16xf32>
        %parallel_loop3A_778 = arith.mulf %parallel_loop3A_777, %parallel_loop3A_380 : vector<16xf32>
        %parallel_loop3A_779 = arith.addf %parallel_loop3A_771, %parallel_loop3A_778 : vector<16xf32>
        %parallel_loop3A_780 = arith.constant 1 : i32
        %parallel_loop3A_781 = arith.index_cast %parallel_loop3A_780 : i32 to index
        %parallel_loop3A_782 = arith.index_cast %parallel_loop3A_756 : i32 to index
        %parallel_loop3A_783 = arith.constant 48 : index
        %parallel_loop3A_784 = tpu.vector_load %arg8[%parallel_loop3A_781, %parallel_loop3A_782, %parallel_loop3A_783] {strides = array<i32>} : memref<2x488x64xf32, #tpu.memory_space<vmem>>, vector<1x1x16xf32>,
        %parallel_loop3A_785 = vector.shape_cast %parallel_loop3A_784 : vector<1x1x16xf32> to vector<16xf32>
        %parallel_loop3A_786 = arith.mulf %parallel_loop3A_785, %parallel_loop3A_386 : vector<16xf32>
        %parallel_loop3A_787 = arith.addf %parallel_loop3A_779, %parallel_loop3A_786 : vector<16xf32>
        %parallel_loop3A_788 = arith.constant 12 : i32
        %parallel_loop3A_789 = arith.addi %parallel_loop3A_391, %parallel_loop3A_788 : i32
        %parallel_loop3A_790 = arith.constant 1 : i32
        %parallel_loop3A_791 = arith.index_cast %parallel_loop3A_790 : i32 to index
        %parallel_loop3A_792 = arith.index_cast %parallel_loop3A_789 : i32 to index
        %parallel_loop3A_793 = arith.constant 0 : index
        %parallel_loop3A_794 = tpu.vector_load %arg8[%parallel_loop3A_791, %parallel_loop3A_792, %parallel_loop3A_793] {strides = array<i32>} : memref<2x488x64xf32, #tpu.memory_space<vmem>>, vector<1x1x16xf32>,
        %parallel_loop3A_795 = vector.shape_cast %parallel_loop3A_794 : vector<1x1x16xf32> to vector<16xf32>
        %parallel_loop3A_796 = arith.mulf %parallel_loop3A_795, %parallel_loop3A_368 : vector<16xf32>
        %parallel_loop3A_797 = arith.constant 1 : i32
        %parallel_loop3A_798 = arith.index_cast %parallel_loop3A_797 : i32 to index
        %parallel_loop3A_799 = arith.index_cast %parallel_loop3A_789 : i32 to index
        %parallel_loop3A_800 = arith.constant 16 : index
        %parallel_loop3A_801 = tpu.vector_load %arg8[%parallel_loop3A_798, %parallel_loop3A_799, %parallel_loop3A_800] {strides = array<i32>} : memref<2x488x64xf32, #tpu.memory_space<vmem>>, vector<1x1x16xf32>,
        %parallel_loop3A_802 = vector.shape_cast %parallel_loop3A_801 : vector<1x1x16xf32> to vector<16xf32>
        %parallel_loop3A_803 = arith.mulf %parallel_loop3A_802, %parallel_loop3A_374 : vector<16xf32>
        %parallel_loop3A_804 = arith.addf %parallel_loop3A_796, %parallel_loop3A_803 : vector<16xf32>
        %parallel_loop3A_805 = arith.constant 1 : i32
        %parallel_loop3A_806 = arith.index_cast %parallel_loop3A_805 : i32 to index
        %parallel_loop3A_807 = arith.index_cast %parallel_loop3A_789 : i32 to index
        %parallel_loop3A_808 = arith.constant 32 : index
        %parallel_loop3A_809 = tpu.vector_load %arg8[%parallel_loop3A_806, %parallel_loop3A_807, %parallel_loop3A_808] {strides = array<i32>} : memref<2x488x64xf32, #tpu.memory_space<vmem>>, vector<1x1x16xf32>,
        %parallel_loop3A_810 = vector.shape_cast %parallel_loop3A_809 : vector<1x1x16xf32> to vector<16xf32>
        %parallel_loop3A_811 = arith.mulf %parallel_loop3A_810, %parallel_loop3A_380 : vector<16xf32>
        %parallel_loop3A_812 = arith.addf %parallel_loop3A_804, %parallel_loop3A_811 : vector<16xf32>
        %parallel_loop3A_813 = arith.constant 1 : i32
        %parallel_loop3A_814 = arith.index_cast %parallel_loop3A_813 : i32 to index
        %parallel_loop3A_815 = arith.index_cast %parallel_loop3A_789 : i32 to index
        %parallel_loop3A_816 = arith.constant 48 : index
        %parallel_loop3A_817 = tpu.vector_load %arg8[%parallel_loop3A_814, %parallel_loop3A_815, %parallel_loop3A_816] {strides = array<i32>} : memref<2x488x64xf32, #tpu.memory_space<vmem>>, vector<1x1x16xf32>,
        %parallel_loop3A_818 = vector.shape_cast %parallel_loop3A_817 : vector<1x1x16xf32> to vector<16xf32>
        %parallel_loop3A_819 = arith.mulf %parallel_loop3A_818, %parallel_loop3A_386 : vector<16xf32>
        %parallel_loop3A_820 = arith.addf %parallel_loop3A_812, %parallel_loop3A_819 : vector<16xf32>
        %parallel_loop3A_821 = arith.constant 13 : i32
        %parallel_loop3A_822 = arith.addi %parallel_loop3A_391, %parallel_loop3A_821 : i32
        %parallel_loop3A_823 = arith.constant 1 : i32
        %parallel_loop3A_824 = arith.index_cast %parallel_loop3A_823 : i32 to index
        %parallel_loop3A_825 = arith.index_cast %parallel_loop3A_822 : i32 to index
        %parallel_loop3A_826 = arith.constant 0 : index
        %parallel_loop3A_827 = tpu.vector_load %arg8[%parallel_loop3A_824, %parallel_loop3A_825, %parallel_loop3A_826] {strides = array<i32>} : memref<2x488x64xf32, #tpu.memory_space<vmem>>, vector<1x1x16xf32>,
        %parallel_loop3A_828 = vector.shape_cast %parallel_loop3A_827 : vector<1x1x16xf32> to vector<16xf32>
        %parallel_loop3A_829 = arith.mulf %parallel_loop3A_828, %parallel_loop3A_368 : vector<16xf32>
        %parallel_loop3A_830 = arith.constant 1 : i32
        %parallel_loop3A_831 = arith.index_cast %parallel_loop3A_830 : i32 to index
        %parallel_loop3A_832 = arith.index_cast %parallel_loop3A_822 : i32 to index
        %parallel_loop3A_833 = arith.constant 16 : index
        %parallel_loop3A_834 = tpu.vector_load %arg8[%parallel_loop3A_831, %parallel_loop3A_832, %parallel_loop3A_833] {strides = array<i32>} : memref<2x488x64xf32, #tpu.memory_space<vmem>>, vector<1x1x16xf32>,
        %parallel_loop3A_835 = vector.shape_cast %parallel_loop3A_834 : vector<1x1x16xf32> to vector<16xf32>
        %parallel_loop3A_836 = arith.mulf %parallel_loop3A_835, %parallel_loop3A_374 : vector<16xf32>
        %parallel_loop3A_837 = arith.addf %parallel_loop3A_829, %parallel_loop3A_836 : vector<16xf32>
        %parallel_loop3A_838 = arith.constant 1 : i32
        %parallel_loop3A_839 = arith.index_cast %parallel_loop3A_838 : i32 to index
        %parallel_loop3A_840 = arith.index_cast %parallel_loop3A_822 : i32 to index
        %parallel_loop3A_841 = arith.constant 32 : index
        %parallel_loop3A_842 = tpu.vector_load %arg8[%parallel_loop3A_839, %parallel_loop3A_840, %parallel_loop3A_841] {strides = array<i32>} : memref<2x488x64xf32, #tpu.memory_space<vmem>>, vector<1x1x16xf32>,
        %parallel_loop3A_843 = vector.shape_cast %parallel_loop3A_842 : vector<1x1x16xf32> to vector<16xf32>
        %parallel_loop3A_844 = arith.mulf %parallel_loop3A_843, %parallel_loop3A_380 : vector<16xf32>
        %parallel_loop3A_845 = arith.addf %parallel_loop3A_837, %parallel_loop3A_844 : vector<16xf32>
        %parallel_loop3A_846 = arith.constant 1 : i32
        %parallel_loop3A_847 = arith.index_cast %parallel_loop3A_846 : i32 to index
        %parallel_loop3A_848 = arith.index_cast %parallel_loop3A_822 : i32 to index
        %parallel_loop3A_849 = arith.constant 48 : index
        %parallel_loop3A_850 = tpu.vector_load %arg8[%parallel_loop3A_847, %parallel_loop3A_848, %parallel_loop3A_849] {strides = array<i32>} : memref<2x488x64xf32, #tpu.memory_space<vmem>>, vector<1x1x16xf32>,
        %parallel_loop3A_851 = vector.shape_cast %parallel_loop3A_850 : vector<1x1x16xf32> to vector<16xf32>
        %parallel_loop3A_852 = arith.mulf %parallel_loop3A_851, %parallel_loop3A_386 : vector<16xf32>
        %parallel_loop3A_853 = arith.addf %parallel_loop3A_845, %parallel_loop3A_852 : vector<16xf32>
        %parallel_loop3A_854 = arith.constant 14 : i32
        %parallel_loop3A_855 = arith.addi %parallel_loop3A_391, %parallel_loop3A_854 : i32
        %parallel_loop3A_856 = arith.constant 1 : i32
        %parallel_loop3A_857 = arith.index_cast %parallel_loop3A_856 : i32 to index
        %parallel_loop3A_858 = arith.index_cast %parallel_loop3A_855 : i32 to index
        %parallel_loop3A_859 = arith.constant 0 : index
        %parallel_loop3A_860 = tpu.vector_load %arg8[%parallel_loop3A_857, %parallel_loop3A_858, %parallel_loop3A_859] {strides = array<i32>} : memref<2x488x64xf32, #tpu.memory_space<vmem>>, vector<1x1x16xf32>,
        %parallel_loop3A_861 = vector.shape_cast %parallel_loop3A_860 : vector<1x1x16xf32> to vector<16xf32>
        %parallel_loop3A_862 = arith.mulf %parallel_loop3A_861, %parallel_loop3A_368 : vector<16xf32>
        %parallel_loop3A_863 = arith.constant 1 : i32
        %parallel_loop3A_864 = arith.index_cast %parallel_loop3A_863 : i32 to index
        %parallel_loop3A_865 = arith.index_cast %parallel_loop3A_855 : i32 to index
        %parallel_loop3A_866 = arith.constant 16 : index
        %parallel_loop3A_867 = tpu.vector_load %arg8[%parallel_loop3A_864, %parallel_loop3A_865, %parallel_loop3A_866] {strides = array<i32>} : memref<2x488x64xf32, #tpu.memory_space<vmem>>, vector<1x1x16xf32>,
        %parallel_loop3A_868 = vector.shape_cast %parallel_loop3A_867 : vector<1x1x16xf32> to vector<16xf32>
        %parallel_loop3A_869 = arith.mulf %parallel_loop3A_868, %parallel_loop3A_374 : vector<16xf32>
        %parallel_loop3A_870 = arith.addf %parallel_loop3A_862, %parallel_loop3A_869 : vector<16xf32>
        %parallel_loop3A_871 = arith.constant 1 : i32
        %parallel_loop3A_872 = arith.index_cast %parallel_loop3A_871 : i32 to index
        %parallel_loop3A_873 = arith.index_cast %parallel_loop3A_855 : i32 to index
        %parallel_loop3A_874 = arith.constant 32 : index
        %parallel_loop3A_875 = tpu.vector_load %arg8[%parallel_loop3A_872, %parallel_loop3A_873, %parallel_loop3A_874] {strides = array<i32>} : memref<2x488x64xf32, #tpu.memory_space<vmem>>, vector<1x1x16xf32>,
        %parallel_loop3A_876 = vector.shape_cast %parallel_loop3A_875 : vector<1x1x16xf32> to vector<16xf32>
        %parallel_loop3A_877 = arith.mulf %parallel_loop3A_876, %parallel_loop3A_380 : vector<16xf32>
        %parallel_loop3A_878 = arith.addf %parallel_loop3A_870, %parallel_loop3A_877 : vector<16xf32>
        %parallel_loop3A_879 = arith.constant 1 : i32
        %parallel_loop3A_880 = arith.index_cast %parallel_loop3A_879 : i32 to index
        %parallel_loop3A_881 = arith.index_cast %parallel_loop3A_855 : i32 to index
        %parallel_loop3A_882 = arith.constant 48 : index
        %parallel_loop3A_883 = tpu.vector_load %arg8[%parallel_loop3A_880, %parallel_loop3A_881, %parallel_loop3A_882] {strides = array<i32>} : memref<2x488x64xf32, #tpu.memory_space<vmem>>, vector<1x1x16xf32>,
        %parallel_loop3A_884 = vector.shape_cast %parallel_loop3A_883 : vector<1x1x16xf32> to vector<16xf32>
        %parallel_loop3A_885 = arith.mulf %parallel_loop3A_884, %parallel_loop3A_386 : vector<16xf32>
        %parallel_loop3A_886 = arith.addf %parallel_loop3A_878, %parallel_loop3A_885 : vector<16xf32>
        %parallel_loop3A_887 = arith.constant 15 : i32
        %parallel_loop3A_888 = arith.addi %parallel_loop3A_391, %parallel_loop3A_887 : i32
        %parallel_loop3A_889 = arith.constant 1 : i32
        %parallel_loop3A_890 = arith.index_cast %parallel_loop3A_889 : i32 to index
        %parallel_loop3A_891 = arith.index_cast %parallel_loop3A_888 : i32 to index
        %parallel_loop3A_892 = arith.constant 0 : index
        %parallel_loop3A_893 = tpu.vector_load %arg8[%parallel_loop3A_890, %parallel_loop3A_891, %parallel_loop3A_892] {strides = array<i32>} : memref<2x488x64xf32, #tpu.memory_space<vmem>>, vector<1x1x16xf32>,
        %parallel_loop3A_894 = vector.shape_cast %parallel_loop3A_893 : vector<1x1x16xf32> to vector<16xf32>
        %parallel_loop3A_895 = arith.mulf %parallel_loop3A_894, %parallel_loop3A_368 : vector<16xf32>
        %parallel_loop3A_896 = arith.constant 1 : i32
        %parallel_loop3A_897 = arith.index_cast %parallel_loop3A_896 : i32 to index
        %parallel_loop3A_898 = arith.index_cast %parallel_loop3A_888 : i32 to index
        %parallel_loop3A_899 = arith.constant 16 : index
        %parallel_loop3A_900 = tpu.vector_load %arg8[%parallel_loop3A_897, %parallel_loop3A_898, %parallel_loop3A_899] {strides = array<i32>} : memref<2x488x64xf32, #tpu.memory_space<vmem>>, vector<1x1x16xf32>,
        %parallel_loop3A_901 = vector.shape_cast %parallel_loop3A_900 : vector<1x1x16xf32> to vector<16xf32>
        %parallel_loop3A_902 = arith.mulf %parallel_loop3A_901, %parallel_loop3A_374 : vector<16xf32>
        %parallel_loop3A_903 = arith.addf %parallel_loop3A_895, %parallel_loop3A_902 : vector<16xf32>
        %parallel_loop3A_904 = arith.constant 1 : i32
        %parallel_loop3A_905 = arith.index_cast %parallel_loop3A_904 : i32 to index
        %parallel_loop3A_906 = arith.index_cast %parallel_loop3A_888 : i32 to index
        %parallel_loop3A_907 = arith.constant 32 : index
        %parallel_loop3A_908 = tpu.vector_load %arg8[%parallel_loop3A_905, %parallel_loop3A_906, %parallel_loop3A_907] {strides = array<i32>} : memref<2x488x64xf32, #tpu.memory_space<vmem>>, vector<1x1x16xf32>,
        %parallel_loop3A_909 = vector.shape_cast %parallel_loop3A_908 : vector<1x1x16xf32> to vector<16xf32>
        %parallel_loop3A_910 = arith.mulf %parallel_loop3A_909, %parallel_loop3A_380 : vector<16xf32>
        %parallel_loop3A_911 = arith.addf %parallel_loop3A_903, %parallel_loop3A_910 : vector<16xf32>
        %parallel_loop3A_912 = arith.constant 1 : i32
        %parallel_loop3A_913 = arith.index_cast %parallel_loop3A_912 : i32 to index
        %parallel_loop3A_914 = arith.index_cast %parallel_loop3A_888 : i32 to index
        %parallel_loop3A_915 = arith.constant 48 : index
        %parallel_loop3A_916 = tpu.vector_load %arg8[%parallel_loop3A_913, %parallel_loop3A_914, %parallel_loop3A_915] {strides = array<i32>} : memref<2x488x64xf32, #tpu.memory_space<vmem>>, vector<1x1x16xf32>,
        %parallel_loop3A_917 = vector.shape_cast %parallel_loop3A_916 : vector<1x1x16xf32> to vector<16xf32>
        %parallel_loop3A_918 = arith.mulf %parallel_loop3A_917, %parallel_loop3A_386 : vector<16xf32>
        %parallel_loop3A_919 = arith.addf %parallel_loop3A_911, %parallel_loop3A_918 : vector<16xf32>
        %parallel_loop3A_920 = arith.constant 1 : i32
        %parallel_loop3A_921 = vector.broadcast %parallel_loop3A_920 : i32 to vector<16xi32>
        %parallel_loop3A_922 = arith.xori %iota3A_315, %parallel_loop3A_921 : vector<16xi32>
        %parallel_loop3A_923 = arith.constant 0 : i32
        %parallel_loop3A_924 = vector.broadcast %parallel_loop3A_923 : i32 to vector<16xi32>
        %parallel_loop3A_925 = arith.cmpi slt, %parallel_loop3A_922, %parallel_loop3A_924 : vector<16xi32>
        %parallel_loop3A_926 = arith.constant 16 : i32
        %parallel_loop3A_927 = vector.broadcast %parallel_loop3A_926 : i32 to vector<16xi32>
        %parallel_loop3A_928 = arith.addi %parallel_loop3A_922, %parallel_loop3A_927 : vector<16xi32>
        %parallel_loop3A_929 = arith.select %parallel_loop3A_925, %parallel_loop3A_928, %parallel_loop3A_922 : vector<16xi1>, vector<16xi32>
        %parallel_loop3A_930 = vector.shape_cast %parallel_loop3A_929 : vector<16xi32> to vector<16x1xi32>
        %parallel_loop3A_931 = vector.shape_cast %parallel_loop3A_930 : vector<16x1xi32> to vector<16xi32>
        %parallel_loop3A_932 = tpu.dynamic_gather %parallel_loop3A_424[%parallel_loop3A_931] in [0] : vector<16xf32>, vector<16xi32> -> vector<16xf32>
        %parallel_loop3A_933 = arith.addf %parallel_loop3A_424, %parallel_loop3A_932 : vector<16xf32>
        %parallel_loop3A_934 = arith.constant 0 : i32
        %parallel_loop3A_935 = vector.broadcast %parallel_loop3A_934 : i32 to vector<16xi32>
        %parallel_loop3A_936 = arith.cmpi slt, %parallel_loop3A_922, %parallel_loop3A_935 : vector<16xi32>
        %parallel_loop3A_937 = arith.constant 16 : i32
        %parallel_loop3A_938 = vector.broadcast %parallel_loop3A_937 : i32 to vector<16xi32>
        %parallel_loop3A_939 = arith.addi %parallel_loop3A_922, %parallel_loop3A_938 : vector<16xi32>
        %parallel_loop3A_940 = arith.select %parallel_loop3A_936, %parallel_loop3A_939, %parallel_loop3A_922 : vector<16xi1>, vector<16xi32>
        %parallel_loop3A_941 = vector.shape_cast %parallel_loop3A_940 : vector<16xi32> to vector<16x1xi32>
        %parallel_loop3A_942 = vector.shape_cast %parallel_loop3A_941 : vector<16x1xi32> to vector<16xi32>
        %parallel_loop3A_943 = tpu.dynamic_gather %parallel_loop3A_457[%parallel_loop3A_942] in [0] : vector<16xf32>, vector<16xi32> -> vector<16xf32>
        %parallel_loop3A_944 = arith.addf %parallel_loop3A_457, %parallel_loop3A_943 : vector<16xf32>
        %parallel_loop3A_945 = arith.constant 1 : i32
        %parallel_loop3A_946 = vector.broadcast %parallel_loop3A_945 : i32 to vector<16xi32>
        %parallel_loop3A_947 = arith.andi %iota3A_315, %parallel_loop3A_946 : vector<16xi32>
        %parallel_loop3A_948 = arith.constant 0 : i32
        %parallel_loop3A_949 = vector.broadcast %parallel_loop3A_948 : i32 to vector<16xi32>
        %parallel_loop3A_950 = arith.cmpi eq, %parallel_loop3A_947, %parallel_loop3A_949 : vector<16xi32>
        %parallel_loop3A_951 = arith.select %parallel_loop3A_950, %parallel_loop3A_933, %parallel_loop3A_944 : vector<16xi1>, vector<16xf32>
        %parallel_loop3A_952 = arith.constant 1 : i32
        %parallel_loop3A_953 = vector.broadcast %parallel_loop3A_952 : i32 to vector<16xi32>
        %parallel_loop3A_954 = arith.xori %iota3A_315, %parallel_loop3A_953 : vector<16xi32>
        %parallel_loop3A_955 = arith.constant 0 : i32
        %parallel_loop3A_956 = vector.broadcast %parallel_loop3A_955 : i32 to vector<16xi32>
        %parallel_loop3A_957 = arith.cmpi slt, %parallel_loop3A_954, %parallel_loop3A_956 : vector<16xi32>
        %parallel_loop3A_958 = arith.constant 16 : i32
        %parallel_loop3A_959 = vector.broadcast %parallel_loop3A_958 : i32 to vector<16xi32>
        %parallel_loop3A_960 = arith.addi %parallel_loop3A_954, %parallel_loop3A_959 : vector<16xi32>
        %parallel_loop3A_961 = arith.select %parallel_loop3A_957, %parallel_loop3A_960, %parallel_loop3A_954 : vector<16xi1>, vector<16xi32>
        %parallel_loop3A_962 = vector.shape_cast %parallel_loop3A_961 : vector<16xi32> to vector<16x1xi32>
        %parallel_loop3A_963 = vector.shape_cast %parallel_loop3A_962 : vector<16x1xi32> to vector<16xi32>
        %parallel_loop3A_964 = tpu.dynamic_gather %parallel_loop3A_490[%parallel_loop3A_963] in [0] : vector<16xf32>, vector<16xi32> -> vector<16xf32>
        %parallel_loop3A_965 = arith.addf %parallel_loop3A_490, %parallel_loop3A_964 : vector<16xf32>
        %parallel_loop3A_966 = arith.constant 0 : i32
        %parallel_loop3A_967 = vector.broadcast %parallel_loop3A_966 : i32 to vector<16xi32>
        %parallel_loop3A_968 = arith.cmpi slt, %parallel_loop3A_954, %parallel_loop3A_967 : vector<16xi32>
        %parallel_loop3A_969 = arith.constant 16 : i32
        %parallel_loop3A_970 = vector.broadcast %parallel_loop3A_969 : i32 to vector<16xi32>
        %parallel_loop3A_971 = arith.addi %parallel_loop3A_954, %parallel_loop3A_970 : vector<16xi32>
        %parallel_loop3A_972 = arith.select %parallel_loop3A_968, %parallel_loop3A_971, %parallel_loop3A_954 : vector<16xi1>, vector<16xi32>
        %parallel_loop3A_973 = vector.shape_cast %parallel_loop3A_972 : vector<16xi32> to vector<16x1xi32>
        %parallel_loop3A_974 = vector.shape_cast %parallel_loop3A_973 : vector<16x1xi32> to vector<16xi32>
        %parallel_loop3A_975 = tpu.dynamic_gather %parallel_loop3A_523[%parallel_loop3A_974] in [0] : vector<16xf32>, vector<16xi32> -> vector<16xf32>
        %parallel_loop3A_976 = arith.addf %parallel_loop3A_523, %parallel_loop3A_975 : vector<16xf32>
        %parallel_loop3A_977 = arith.constant 1 : i32
        %parallel_loop3A_978 = vector.broadcast %parallel_loop3A_977 : i32 to vector<16xi32>
        %parallel_loop3A_979 = arith.andi %iota3A_315, %parallel_loop3A_978 : vector<16xi32>
        %parallel_loop3A_980 = arith.constant 0 : i32
        %parallel_loop3A_981 = vector.broadcast %parallel_loop3A_980 : i32 to vector<16xi32>
        %parallel_loop3A_982 = arith.cmpi eq, %parallel_loop3A_979, %parallel_loop3A_981 : vector<16xi32>
        %parallel_loop3A_983 = arith.select %parallel_loop3A_982, %parallel_loop3A_965, %parallel_loop3A_976 : vector<16xi1>, vector<16xf32>
        %parallel_loop3A_984 = arith.constant 1 : i32
        %parallel_loop3A_985 = vector.broadcast %parallel_loop3A_984 : i32 to vector<16xi32>
        %parallel_loop3A_986 = arith.xori %iota3A_315, %parallel_loop3A_985 : vector<16xi32>
        %parallel_loop3A_987 = arith.constant 0 : i32
        %parallel_loop3A_988 = vector.broadcast %parallel_loop3A_987 : i32 to vector<16xi32>
        %parallel_loop3A_989 = arith.cmpi slt, %parallel_loop3A_986, %parallel_loop3A_988 : vector<16xi32>
        %parallel_loop3A_990 = arith.constant 16 : i32
        %parallel_loop3A_991 = vector.broadcast %parallel_loop3A_990 : i32 to vector<16xi32>
        %parallel_loop3A_992 = arith.addi %parallel_loop3A_986, %parallel_loop3A_991 : vector<16xi32>
        %parallel_loop3A_993 = arith.select %parallel_loop3A_989, %parallel_loop3A_992, %parallel_loop3A_986 : vector<16xi1>, vector<16xi32>
        %parallel_loop3A_994 = vector.shape_cast %parallel_loop3A_993 : vector<16xi32> to vector<16x1xi32>
        %parallel_loop3A_995 = vector.shape_cast %parallel_loop3A_994 : vector<16x1xi32> to vector<16xi32>
        %parallel_loop3A_996 = tpu.dynamic_gather %parallel_loop3A_556[%parallel_loop3A_995] in [0] : vector<16xf32>, vector<16xi32> -> vector<16xf32>
        %parallel_loop3A_997 = arith.addf %parallel_loop3A_556, %parallel_loop3A_996 : vector<16xf32>
        %parallel_loop3A_998 = arith.constant 0 : i32
        %parallel_loop3A_999 = vector.broadcast %parallel_loop3A_998 : i32 to vector<16xi32>
        %parallel_loop3A_1000 = arith.cmpi slt, %parallel_loop3A_986, %parallel_loop3A_999 : vector<16xi32>
        %parallel_loop3A_1001 = arith.constant 16 : i32
        %parallel_loop3A_1002 = vector.broadcast %parallel_loop3A_1001 : i32 to vector<16xi32>
        %parallel_loop3A_1003 = arith.addi %parallel_loop3A_986, %parallel_loop3A_1002 : vector<16xi32>
        %parallel_loop3A_1004 = arith.select %parallel_loop3A_1000, %parallel_loop3A_1003, %parallel_loop3A_986 : vector<16xi1>, vector<16xi32>
        %parallel_loop3A_1005 = vector.shape_cast %parallel_loop3A_1004 : vector<16xi32> to vector<16x1xi32>
        %parallel_loop3A_1006 = vector.shape_cast %parallel_loop3A_1005 : vector<16x1xi32> to vector<16xi32>
        %parallel_loop3A_1007 = tpu.dynamic_gather %parallel_loop3A_589[%parallel_loop3A_1006] in [0] : vector<16xf32>, vector<16xi32> -> vector<16xf32>
        %parallel_loop3A_1008 = arith.addf %parallel_loop3A_589, %parallel_loop3A_1007 : vector<16xf32>
        %parallel_loop3A_1009 = arith.constant 1 : i32
        %parallel_loop3A_1010 = vector.broadcast %parallel_loop3A_1009 : i32 to vector<16xi32>
        %parallel_loop3A_1011 = arith.andi %iota3A_315, %parallel_loop3A_1010 : vector<16xi32>
        %parallel_loop3A_1012 = arith.constant 0 : i32
        %parallel_loop3A_1013 = vector.broadcast %parallel_loop3A_1012 : i32 to vector<16xi32>
        %parallel_loop3A_1014 = arith.cmpi eq, %parallel_loop3A_1011, %parallel_loop3A_1013 : vector<16xi32>
        %parallel_loop3A_1015 = arith.select %parallel_loop3A_1014, %parallel_loop3A_997, %parallel_loop3A_1008 : vector<16xi1>, vector<16xf32>
        %parallel_loop3A_1016 = arith.constant 1 : i32
        %parallel_loop3A_1017 = vector.broadcast %parallel_loop3A_1016 : i32 to vector<16xi32>
        %parallel_loop3A_1018 = arith.xori %iota3A_315, %parallel_loop3A_1017 : vector<16xi32>
        %parallel_loop3A_1019 = arith.constant 0 : i32
        %parallel_loop3A_1020 = vector.broadcast %parallel_loop3A_1019 : i32 to vector<16xi32>
        %parallel_loop3A_1021 = arith.cmpi slt, %parallel_loop3A_1018, %parallel_loop3A_1020 : vector<16xi32>
        %parallel_loop3A_1022 = arith.constant 16 : i32
        %parallel_loop3A_1023 = vector.broadcast %parallel_loop3A_1022 : i32 to vector<16xi32>
        %parallel_loop3A_1024 = arith.addi %parallel_loop3A_1018, %parallel_loop3A_1023 : vector<16xi32>
        %parallel_loop3A_1025 = arith.select %parallel_loop3A_1021, %parallel_loop3A_1024, %parallel_loop3A_1018 : vector<16xi1>, vector<16xi32>
        %parallel_loop3A_1026 = vector.shape_cast %parallel_loop3A_1025 : vector<16xi32> to vector<16x1xi32>
        %parallel_loop3A_1027 = vector.shape_cast %parallel_loop3A_1026 : vector<16x1xi32> to vector<16xi32>
        %parallel_loop3A_1028 = tpu.dynamic_gather %parallel_loop3A_622[%parallel_loop3A_1027] in [0] : vector<16xf32>, vector<16xi32> -> vector<16xf32>
        %parallel_loop3A_1029 = arith.addf %parallel_loop3A_622, %parallel_loop3A_1028 : vector<16xf32>
        %parallel_loop3A_1030 = arith.constant 0 : i32
        %parallel_loop3A_1031 = vector.broadcast %parallel_loop3A_1030 : i32 to vector<16xi32>
        %parallel_loop3A_1032 = arith.cmpi slt, %parallel_loop3A_1018, %parallel_loop3A_1031 : vector<16xi32>
        %parallel_loop3A_1033 = arith.constant 16 : i32
        %parallel_loop3A_1034 = vector.broadcast %parallel_loop3A_1033 : i32 to vector<16xi32>
        %parallel_loop3A_1035 = arith.addi %parallel_loop3A_1018, %parallel_loop3A_1034 : vector<16xi32>
        %parallel_loop3A_1036 = arith.select %parallel_loop3A_1032, %parallel_loop3A_1035, %parallel_loop3A_1018 : vector<16xi1>, vector<16xi32>
        %parallel_loop3A_1037 = vector.shape_cast %parallel_loop3A_1036 : vector<16xi32> to vector<16x1xi32>
        %parallel_loop3A_1038 = vector.shape_cast %parallel_loop3A_1037 : vector<16x1xi32> to vector<16xi32>
        %parallel_loop3A_1039 = tpu.dynamic_gather %parallel_loop3A_655[%parallel_loop3A_1038] in [0] : vector<16xf32>, vector<16xi32> -> vector<16xf32>
        %parallel_loop3A_1040 = arith.addf %parallel_loop3A_655, %parallel_loop3A_1039 : vector<16xf32>
        %parallel_loop3A_1041 = arith.constant 1 : i32
        %parallel_loop3A_1042 = vector.broadcast %parallel_loop3A_1041 : i32 to vector<16xi32>
        %parallel_loop3A_1043 = arith.andi %iota3A_315, %parallel_loop3A_1042 : vector<16xi32>
        %parallel_loop3A_1044 = arith.constant 0 : i32
        %parallel_loop3A_1045 = vector.broadcast %parallel_loop3A_1044 : i32 to vector<16xi32>
        %parallel_loop3A_1046 = arith.cmpi eq, %parallel_loop3A_1043, %parallel_loop3A_1045 : vector<16xi32>
        %parallel_loop3A_1047 = arith.select %parallel_loop3A_1046, %parallel_loop3A_1029, %parallel_loop3A_1040 : vector<16xi1>, vector<16xf32>
        %parallel_loop3A_1048 = arith.constant 1 : i32
        %parallel_loop3A_1049 = vector.broadcast %parallel_loop3A_1048 : i32 to vector<16xi32>
        %parallel_loop3A_1050 = arith.xori %iota3A_315, %parallel_loop3A_1049 : vector<16xi32>
        %parallel_loop3A_1051 = arith.constant 0 : i32
        %parallel_loop3A_1052 = vector.broadcast %parallel_loop3A_1051 : i32 to vector<16xi32>
        %parallel_loop3A_1053 = arith.cmpi slt, %parallel_loop3A_1050, %parallel_loop3A_1052 : vector<16xi32>
        %parallel_loop3A_1054 = arith.constant 16 : i32
        %parallel_loop3A_1055 = vector.broadcast %parallel_loop3A_1054 : i32 to vector<16xi32>
        %parallel_loop3A_1056 = arith.addi %parallel_loop3A_1050, %parallel_loop3A_1055 : vector<16xi32>
        %parallel_loop3A_1057 = arith.select %parallel_loop3A_1053, %parallel_loop3A_1056, %parallel_loop3A_1050 : vector<16xi1>, vector<16xi32>
        %parallel_loop3A_1058 = vector.shape_cast %parallel_loop3A_1057 : vector<16xi32> to vector<16x1xi32>
        %parallel_loop3A_1059 = vector.shape_cast %parallel_loop3A_1058 : vector<16x1xi32> to vector<16xi32>
        %parallel_loop3A_1060 = tpu.dynamic_gather %parallel_loop3A_688[%parallel_loop3A_1059] in [0] : vector<16xf32>, vector<16xi32> -> vector<16xf32>
        %parallel_loop3A_1061 = arith.addf %parallel_loop3A_688, %parallel_loop3A_1060 : vector<16xf32>
        %parallel_loop3A_1062 = arith.constant 0 : i32
        %parallel_loop3A_1063 = vector.broadcast %parallel_loop3A_1062 : i32 to vector<16xi32>
        %parallel_loop3A_1064 = arith.cmpi slt, %parallel_loop3A_1050, %parallel_loop3A_1063 : vector<16xi32>
        %parallel_loop3A_1065 = arith.constant 16 : i32
        %parallel_loop3A_1066 = vector.broadcast %parallel_loop3A_1065 : i32 to vector<16xi32>
        %parallel_loop3A_1067 = arith.addi %parallel_loop3A_1050, %parallel_loop3A_1066 : vector<16xi32>
        %parallel_loop3A_1068 = arith.select %parallel_loop3A_1064, %parallel_loop3A_1067, %parallel_loop3A_1050 : vector<16xi1>, vector<16xi32>
        %parallel_loop3A_1069 = vector.shape_cast %parallel_loop3A_1068 : vector<16xi32> to vector<16x1xi32>
        %parallel_loop3A_1070 = vector.shape_cast %parallel_loop3A_1069 : vector<16x1xi32> to vector<16xi32>
        %parallel_loop3A_1071 = tpu.dynamic_gather %parallel_loop3A_721[%parallel_loop3A_1070] in [0] : vector<16xf32>, vector<16xi32> -> vector<16xf32>
        %parallel_loop3A_1072 = arith.addf %parallel_loop3A_721, %parallel_loop3A_1071 : vector<16xf32>
        %parallel_loop3A_1073 = arith.constant 1 : i32
        %parallel_loop3A_1074 = vector.broadcast %parallel_loop3A_1073 : i32 to vector<16xi32>
        %parallel_loop3A_1075 = arith.andi %iota3A_315, %parallel_loop3A_1074 : vector<16xi32>
        %parallel_loop3A_1076 = arith.constant 0 : i32
        %parallel_loop3A_1077 = vector.broadcast %parallel_loop3A_1076 : i32 to vector<16xi32>
        %parallel_loop3A_1078 = arith.cmpi eq, %parallel_loop3A_1075, %parallel_loop3A_1077 : vector<16xi32>
        %parallel_loop3A_1079 = arith.select %parallel_loop3A_1078, %parallel_loop3A_1061, %parallel_loop3A_1072 : vector<16xi1>, vector<16xf32>
        %parallel_loop3A_1080 = arith.constant 1 : i32
        %parallel_loop3A_1081 = vector.broadcast %parallel_loop3A_1080 : i32 to vector<16xi32>
        %parallel_loop3A_1082 = arith.xori %iota3A_315, %parallel_loop3A_1081 : vector<16xi32>
        %parallel_loop3A_1083 = arith.constant 0 : i32
        %parallel_loop3A_1084 = vector.broadcast %parallel_loop3A_1083 : i32 to vector<16xi32>
        %parallel_loop3A_1085 = arith.cmpi slt, %parallel_loop3A_1082, %parallel_loop3A_1084 : vector<16xi32>
        %parallel_loop3A_1086 = arith.constant 16 : i32
        %parallel_loop3A_1087 = vector.broadcast %parallel_loop3A_1086 : i32 to vector<16xi32>
        %parallel_loop3A_1088 = arith.addi %parallel_loop3A_1082, %parallel_loop3A_1087 : vector<16xi32>
        %parallel_loop3A_1089 = arith.select %parallel_loop3A_1085, %parallel_loop3A_1088, %parallel_loop3A_1082 : vector<16xi1>, vector<16xi32>
        %parallel_loop3A_1090 = vector.shape_cast %parallel_loop3A_1089 : vector<16xi32> to vector<16x1xi32>
        %parallel_loop3A_1091 = vector.shape_cast %parallel_loop3A_1090 : vector<16x1xi32> to vector<16xi32>
        %parallel_loop3A_1092 = tpu.dynamic_gather %parallel_loop3A_754[%parallel_loop3A_1091] in [0] : vector<16xf32>, vector<16xi32> -> vector<16xf32>
        %parallel_loop3A_1093 = arith.addf %parallel_loop3A_754, %parallel_loop3A_1092 : vector<16xf32>
        %parallel_loop3A_1094 = arith.constant 0 : i32
        %parallel_loop3A_1095 = vector.broadcast %parallel_loop3A_1094 : i32 to vector<16xi32>
        %parallel_loop3A_1096 = arith.cmpi slt, %parallel_loop3A_1082, %parallel_loop3A_1095 : vector<16xi32>
        %parallel_loop3A_1097 = arith.constant 16 : i32
        %parallel_loop3A_1098 = vector.broadcast %parallel_loop3A_1097 : i32 to vector<16xi32>
        %parallel_loop3A_1099 = arith.addi %parallel_loop3A_1082, %parallel_loop3A_1098 : vector<16xi32>
        %parallel_loop3A_1100 = arith.select %parallel_loop3A_1096, %parallel_loop3A_1099, %parallel_loop3A_1082 : vector<16xi1>, vector<16xi32>
        %parallel_loop3A_1101 = vector.shape_cast %parallel_loop3A_1100 : vector<16xi32> to vector<16x1xi32>
        %parallel_loop3A_1102 = vector.shape_cast %parallel_loop3A_1101 : vector<16x1xi32> to vector<16xi32>
        %parallel_loop3A_1103 = tpu.dynamic_gather %parallel_loop3A_787[%parallel_loop3A_1102] in [0] : vector<16xf32>, vector<16xi32> -> vector<16xf32>
        %parallel_loop3A_1104 = arith.addf %parallel_loop3A_787, %parallel_loop3A_1103 : vector<16xf32>
        %parallel_loop3A_1105 = arith.constant 1 : i32
        %parallel_loop3A_1106 = vector.broadcast %parallel_loop3A_1105 : i32 to vector<16xi32>
        %parallel_loop3A_1107 = arith.andi %iota3A_315, %parallel_loop3A_1106 : vector<16xi32>
        %parallel_loop3A_1108 = arith.constant 0 : i32
        %parallel_loop3A_1109 = vector.broadcast %parallel_loop3A_1108 : i32 to vector<16xi32>
        %parallel_loop3A_1110 = arith.cmpi eq, %parallel_loop3A_1107, %parallel_loop3A_1109 : vector<16xi32>
        %parallel_loop3A_1111 = arith.select %parallel_loop3A_1110, %parallel_loop3A_1093, %parallel_loop3A_1104 : vector<16xi1>, vector<16xf32>
        %parallel_loop3A_1112 = arith.constant 1 : i32
        %parallel_loop3A_1113 = vector.broadcast %parallel_loop3A_1112 : i32 to vector<16xi32>
        %parallel_loop3A_1114 = arith.xori %iota3A_315, %parallel_loop3A_1113 : vector<16xi32>
        %parallel_loop3A_1115 = arith.constant 0 : i32
        %parallel_loop3A_1116 = vector.broadcast %parallel_loop3A_1115 : i32 to vector<16xi32>
        %parallel_loop3A_1117 = arith.cmpi slt, %parallel_loop3A_1114, %parallel_loop3A_1116 : vector<16xi32>
        %parallel_loop3A_1118 = arith.constant 16 : i32
        %parallel_loop3A_1119 = vector.broadcast %parallel_loop3A_1118 : i32 to vector<16xi32>
        %parallel_loop3A_1120 = arith.addi %parallel_loop3A_1114, %parallel_loop3A_1119 : vector<16xi32>
        %parallel_loop3A_1121 = arith.select %parallel_loop3A_1117, %parallel_loop3A_1120, %parallel_loop3A_1114 : vector<16xi1>, vector<16xi32>
        %parallel_loop3A_1122 = vector.shape_cast %parallel_loop3A_1121 : vector<16xi32> to vector<16x1xi32>
        %parallel_loop3A_1123 = vector.shape_cast %parallel_loop3A_1122 : vector<16x1xi32> to vector<16xi32>
        %parallel_loop3A_1124 = tpu.dynamic_gather %parallel_loop3A_820[%parallel_loop3A_1123] in [0] : vector<16xf32>, vector<16xi32> -> vector<16xf32>
        %parallel_loop3A_1125 = arith.addf %parallel_loop3A_820, %parallel_loop3A_1124 : vector<16xf32>
        %parallel_loop3A_1126 = arith.constant 0 : i32
        %parallel_loop3A_1127 = vector.broadcast %parallel_loop3A_1126 : i32 to vector<16xi32>
        %parallel_loop3A_1128 = arith.cmpi slt, %parallel_loop3A_1114, %parallel_loop3A_1127 : vector<16xi32>
        %parallel_loop3A_1129 = arith.constant 16 : i32
        %parallel_loop3A_1130 = vector.broadcast %parallel_loop3A_1129 : i32 to vector<16xi32>
        %parallel_loop3A_1131 = arith.addi %parallel_loop3A_1114, %parallel_loop3A_1130 : vector<16xi32>
        %parallel_loop3A_1132 = arith.select %parallel_loop3A_1128, %parallel_loop3A_1131, %parallel_loop3A_1114 : vector<16xi1>, vector<16xi32>
        %parallel_loop3A_1133 = vector.shape_cast %parallel_loop3A_1132 : vector<16xi32> to vector<16x1xi32>
        %parallel_loop3A_1134 = vector.shape_cast %parallel_loop3A_1133 : vector<16x1xi32> to vector<16xi32>
        %parallel_loop3A_1135 = tpu.dynamic_gather %parallel_loop3A_853[%parallel_loop3A_1134] in [0] : vector<16xf32>, vector<16xi32> -> vector<16xf32>
        %parallel_loop3A_1136 = arith.addf %parallel_loop3A_853, %parallel_loop3A_1135 : vector<16xf32>
        %parallel_loop3A_1137 = arith.constant 1 : i32
        %parallel_loop3A_1138 = vector.broadcast %parallel_loop3A_1137 : i32 to vector<16xi32>
        %parallel_loop3A_1139 = arith.andi %iota3A_315, %parallel_loop3A_1138 : vector<16xi32>
        %parallel_loop3A_1140 = arith.constant 0 : i32
        %parallel_loop3A_1141 = vector.broadcast %parallel_loop3A_1140 : i32 to vector<16xi32>
        %parallel_loop3A_1142 = arith.cmpi eq, %parallel_loop3A_1139, %parallel_loop3A_1141 : vector<16xi32>
        %parallel_loop3A_1143 = arith.select %parallel_loop3A_1142, %parallel_loop3A_1125, %parallel_loop3A_1136 : vector<16xi1>, vector<16xf32>
        %parallel_loop3A_1144 = arith.constant 1 : i32
        %parallel_loop3A_1145 = vector.broadcast %parallel_loop3A_1144 : i32 to vector<16xi32>
        %parallel_loop3A_1146 = arith.xori %iota3A_315, %parallel_loop3A_1145 : vector<16xi32>
        %parallel_loop3A_1147 = arith.constant 0 : i32
        %parallel_loop3A_1148 = vector.broadcast %parallel_loop3A_1147 : i32 to vector<16xi32>
        %parallel_loop3A_1149 = arith.cmpi slt, %parallel_loop3A_1146, %parallel_loop3A_1148 : vector<16xi32>
        %parallel_loop3A_1150 = arith.constant 16 : i32
        %parallel_loop3A_1151 = vector.broadcast %parallel_loop3A_1150 : i32 to vector<16xi32>
        %parallel_loop3A_1152 = arith.addi %parallel_loop3A_1146, %parallel_loop3A_1151 : vector<16xi32>
        %parallel_loop3A_1153 = arith.select %parallel_loop3A_1149, %parallel_loop3A_1152, %parallel_loop3A_1146 : vector<16xi1>, vector<16xi32>
        %parallel_loop3A_1154 = vector.shape_cast %parallel_loop3A_1153 : vector<16xi32> to vector<16x1xi32>
        %parallel_loop3A_1155 = vector.shape_cast %parallel_loop3A_1154 : vector<16x1xi32> to vector<16xi32>
        %parallel_loop3A_1156 = tpu.dynamic_gather %parallel_loop3A_886[%parallel_loop3A_1155] in [0] : vector<16xf32>, vector<16xi32> -> vector<16xf32>
        %parallel_loop3A_1157 = arith.addf %parallel_loop3A_886, %parallel_loop3A_1156 : vector<16xf32>
        %parallel_loop3A_1158 = arith.constant 0 : i32
        %parallel_loop3A_1159 = vector.broadcast %parallel_loop3A_1158 : i32 to vector<16xi32>
        %parallel_loop3A_1160 = arith.cmpi slt, %parallel_loop3A_1146, %parallel_loop3A_1159 : vector<16xi32>
        %parallel_loop3A_1161 = arith.constant 16 : i32
        %parallel_loop3A_1162 = vector.broadcast %parallel_loop3A_1161 : i32 to vector<16xi32>
        %parallel_loop3A_1163 = arith.addi %parallel_loop3A_1146, %parallel_loop3A_1162 : vector<16xi32>
        %parallel_loop3A_1164 = arith.select %parallel_loop3A_1160, %parallel_loop3A_1163, %parallel_loop3A_1146 : vector<16xi1>, vector<16xi32>
        %parallel_loop3A_1165 = vector.shape_cast %parallel_loop3A_1164 : vector<16xi32> to vector<16x1xi32>
        %parallel_loop3A_1166 = vector.shape_cast %parallel_loop3A_1165 : vector<16x1xi32> to vector<16xi32>
        %parallel_loop3A_1167 = tpu.dynamic_gather %parallel_loop3A_919[%parallel_loop3A_1166] in [0] : vector<16xf32>, vector<16xi32> -> vector<16xf32>
        %parallel_loop3A_1168 = arith.addf %parallel_loop3A_919, %parallel_loop3A_1167 : vector<16xf32>
        %parallel_loop3A_1169 = arith.constant 1 : i32
        %parallel_loop3A_1170 = vector.broadcast %parallel_loop3A_1169 : i32 to vector<16xi32>
        %parallel_loop3A_1171 = arith.andi %iota3A_315, %parallel_loop3A_1170 : vector<16xi32>
        %parallel_loop3A_1172 = arith.constant 0 : i32
        %parallel_loop3A_1173 = vector.broadcast %parallel_loop3A_1172 : i32 to vector<16xi32>
        %parallel_loop3A_1174 = arith.cmpi eq, %parallel_loop3A_1171, %parallel_loop3A_1173 : vector<16xi32>
        %parallel_loop3A_1175 = arith.select %parallel_loop3A_1174, %parallel_loop3A_1157, %parallel_loop3A_1168 : vector<16xi1>, vector<16xf32>
        %parallel_loop3A_1176 = arith.constant 2 : i32
        %parallel_loop3A_1177 = vector.broadcast %parallel_loop3A_1176 : i32 to vector<16xi32>
        %parallel_loop3A_1178 = arith.xori %iota3A_315, %parallel_loop3A_1177 : vector<16xi32>
        %parallel_loop3A_1179 = arith.constant 0 : i32
        %parallel_loop3A_1180 = vector.broadcast %parallel_loop3A_1179 : i32 to vector<16xi32>
        %parallel_loop3A_1181 = arith.cmpi slt, %parallel_loop3A_1178, %parallel_loop3A_1180 : vector<16xi32>
        %parallel_loop3A_1182 = arith.constant 16 : i32
        %parallel_loop3A_1183 = vector.broadcast %parallel_loop3A_1182 : i32 to vector<16xi32>
        %parallel_loop3A_1184 = arith.addi %parallel_loop3A_1178, %parallel_loop3A_1183 : vector<16xi32>
        %parallel_loop3A_1185 = arith.select %parallel_loop3A_1181, %parallel_loop3A_1184, %parallel_loop3A_1178 : vector<16xi1>, vector<16xi32>
        %parallel_loop3A_1186 = vector.shape_cast %parallel_loop3A_1185 : vector<16xi32> to vector<16x1xi32>
        %parallel_loop3A_1187 = vector.shape_cast %parallel_loop3A_1186 : vector<16x1xi32> to vector<16xi32>
        %parallel_loop3A_1188 = tpu.dynamic_gather %parallel_loop3A_951[%parallel_loop3A_1187] in [0] : vector<16xf32>, vector<16xi32> -> vector<16xf32>
        %parallel_loop3A_1189 = arith.addf %parallel_loop3A_951, %parallel_loop3A_1188 : vector<16xf32>
        %parallel_loop3A_1190 = arith.constant 0 : i32
        %parallel_loop3A_1191 = vector.broadcast %parallel_loop3A_1190 : i32 to vector<16xi32>
        %parallel_loop3A_1192 = arith.cmpi slt, %parallel_loop3A_1178, %parallel_loop3A_1191 : vector<16xi32>
        %parallel_loop3A_1193 = arith.constant 16 : i32
        %parallel_loop3A_1194 = vector.broadcast %parallel_loop3A_1193 : i32 to vector<16xi32>
        %parallel_loop3A_1195 = arith.addi %parallel_loop3A_1178, %parallel_loop3A_1194 : vector<16xi32>
        %parallel_loop3A_1196 = arith.select %parallel_loop3A_1192, %parallel_loop3A_1195, %parallel_loop3A_1178 : vector<16xi1>, vector<16xi32>
        %parallel_loop3A_1197 = vector.shape_cast %parallel_loop3A_1196 : vector<16xi32> to vector<16x1xi32>
        %parallel_loop3A_1198 = vector.shape_cast %parallel_loop3A_1197 : vector<16x1xi32> to vector<16xi32>
        %parallel_loop3A_1199 = tpu.dynamic_gather %parallel_loop3A_983[%parallel_loop3A_1198] in [0] : vector<16xf32>, vector<16xi32> -> vector<16xf32>
        %parallel_loop3A_1200 = arith.addf %parallel_loop3A_983, %parallel_loop3A_1199 : vector<16xf32>
        %parallel_loop3A_1201 = arith.constant 2 : i32
        %parallel_loop3A_1202 = vector.broadcast %parallel_loop3A_1201 : i32 to vector<16xi32>
        %parallel_loop3A_1203 = arith.andi %iota3A_315, %parallel_loop3A_1202 : vector<16xi32>
        %parallel_loop3A_1204 = arith.constant 0 : i32
        %parallel_loop3A_1205 = vector.broadcast %parallel_loop3A_1204 : i32 to vector<16xi32>
        %parallel_loop3A_1206 = arith.cmpi eq, %parallel_loop3A_1203, %parallel_loop3A_1205 : vector<16xi32>
        %parallel_loop3A_1207 = arith.select %parallel_loop3A_1206, %parallel_loop3A_1189, %parallel_loop3A_1200 : vector<16xi1>, vector<16xf32>
        %parallel_loop3A_1208 = arith.constant 2 : i32
        %parallel_loop3A_1209 = vector.broadcast %parallel_loop3A_1208 : i32 to vector<16xi32>
        %parallel_loop3A_1210 = arith.xori %iota3A_315, %parallel_loop3A_1209 : vector<16xi32>
        %parallel_loop3A_1211 = arith.constant 0 : i32
        %parallel_loop3A_1212 = vector.broadcast %parallel_loop3A_1211 : i32 to vector<16xi32>
        %parallel_loop3A_1213 = arith.cmpi slt, %parallel_loop3A_1210, %parallel_loop3A_1212 : vector<16xi32>
        %parallel_loop3A_1214 = arith.constant 16 : i32
        %parallel_loop3A_1215 = vector.broadcast %parallel_loop3A_1214 : i32 to vector<16xi32>
        %parallel_loop3A_1216 = arith.addi %parallel_loop3A_1210, %parallel_loop3A_1215 : vector<16xi32>
        %parallel_loop3A_1217 = arith.select %parallel_loop3A_1213, %parallel_loop3A_1216, %parallel_loop3A_1210 : vector<16xi1>, vector<16xi32>
        %parallel_loop3A_1218 = vector.shape_cast %parallel_loop3A_1217 : vector<16xi32> to vector<16x1xi32>
        %parallel_loop3A_1219 = vector.shape_cast %parallel_loop3A_1218 : vector<16x1xi32> to vector<16xi32>
        %parallel_loop3A_1220 = tpu.dynamic_gather %parallel_loop3A_1015[%parallel_loop3A_1219] in [0] : vector<16xf32>, vector<16xi32> -> vector<16xf32>
        %parallel_loop3A_1221 = arith.addf %parallel_loop3A_1015, %parallel_loop3A_1220 : vector<16xf32>
        %parallel_loop3A_1222 = arith.constant 0 : i32
        %parallel_loop3A_1223 = vector.broadcast %parallel_loop3A_1222 : i32 to vector<16xi32>
        %parallel_loop3A_1224 = arith.cmpi slt, %parallel_loop3A_1210, %parallel_loop3A_1223 : vector<16xi32>
        %parallel_loop3A_1225 = arith.constant 16 : i32
        %parallel_loop3A_1226 = vector.broadcast %parallel_loop3A_1225 : i32 to vector<16xi32>
        %parallel_loop3A_1227 = arith.addi %parallel_loop3A_1210, %parallel_loop3A_1226 : vector<16xi32>
        %parallel_loop3A_1228 = arith.select %parallel_loop3A_1224, %parallel_loop3A_1227, %parallel_loop3A_1210 : vector<16xi1>, vector<16xi32>
        %parallel_loop3A_1229 = vector.shape_cast %parallel_loop3A_1228 : vector<16xi32> to vector<16x1xi32>
        %parallel_loop3A_1230 = vector.shape_cast %parallel_loop3A_1229 : vector<16x1xi32> to vector<16xi32>
        %parallel_loop3A_1231 = tpu.dynamic_gather %parallel_loop3A_1047[%parallel_loop3A_1230] in [0] : vector<16xf32>, vector<16xi32> -> vector<16xf32>
        %parallel_loop3A_1232 = arith.addf %parallel_loop3A_1047, %parallel_loop3A_1231 : vector<16xf32>
        %parallel_loop3A_1233 = arith.constant 2 : i32
        %parallel_loop3A_1234 = vector.broadcast %parallel_loop3A_1233 : i32 to vector<16xi32>
        %parallel_loop3A_1235 = arith.andi %iota3A_315, %parallel_loop3A_1234 : vector<16xi32>
        %parallel_loop3A_1236 = arith.constant 0 : i32
        %parallel_loop3A_1237 = vector.broadcast %parallel_loop3A_1236 : i32 to vector<16xi32>
        %parallel_loop3A_1238 = arith.cmpi eq, %parallel_loop3A_1235, %parallel_loop3A_1237 : vector<16xi32>
        %parallel_loop3A_1239 = arith.select %parallel_loop3A_1238, %parallel_loop3A_1221, %parallel_loop3A_1232 : vector<16xi1>, vector<16xf32>
        %parallel_loop3A_1240 = arith.constant 2 : i32
        %parallel_loop3A_1241 = vector.broadcast %parallel_loop3A_1240 : i32 to vector<16xi32>
        %parallel_loop3A_1242 = arith.xori %iota3A_315, %parallel_loop3A_1241 : vector<16xi32>
        %parallel_loop3A_1243 = arith.constant 0 : i32
        %parallel_loop3A_1244 = vector.broadcast %parallel_loop3A_1243 : i32 to vector<16xi32>
        %parallel_loop3A_1245 = arith.cmpi slt, %parallel_loop3A_1242, %parallel_loop3A_1244 : vector<16xi32>
        %parallel_loop3A_1246 = arith.constant 16 : i32
        %parallel_loop3A_1247 = vector.broadcast %parallel_loop3A_1246 : i32 to vector<16xi32>
        %parallel_loop3A_1248 = arith.addi %parallel_loop3A_1242, %parallel_loop3A_1247 : vector<16xi32>
        %parallel_loop3A_1249 = arith.select %parallel_loop3A_1245, %parallel_loop3A_1248, %parallel_loop3A_1242 : vector<16xi1>, vector<16xi32>
        %parallel_loop3A_1250 = vector.shape_cast %parallel_loop3A_1249 : vector<16xi32> to vector<16x1xi32>
        %parallel_loop3A_1251 = vector.shape_cast %parallel_loop3A_1250 : vector<16x1xi32> to vector<16xi32>
        %parallel_loop3A_1252 = tpu.dynamic_gather %parallel_loop3A_1079[%parallel_loop3A_1251] in [0] : vector<16xf32>, vector<16xi32> -> vector<16xf32>
        %parallel_loop3A_1253 = arith.addf %parallel_loop3A_1079, %parallel_loop3A_1252 : vector<16xf32>
        %parallel_loop3A_1254 = arith.constant 0 : i32
        %parallel_loop3A_1255 = vector.broadcast %parallel_loop3A_1254 : i32 to vector<16xi32>
        %parallel_loop3A_1256 = arith.cmpi slt, %parallel_loop3A_1242, %parallel_loop3A_1255 : vector<16xi32>
        %parallel_loop3A_1257 = arith.constant 16 : i32
        %parallel_loop3A_1258 = vector.broadcast %parallel_loop3A_1257 : i32 to vector<16xi32>
        %parallel_loop3A_1259 = arith.addi %parallel_loop3A_1242, %parallel_loop3A_1258 : vector<16xi32>
        %parallel_loop3A_1260 = arith.select %parallel_loop3A_1256, %parallel_loop3A_1259, %parallel_loop3A_1242 : vector<16xi1>, vector<16xi32>
        %parallel_loop3A_1261 = vector.shape_cast %parallel_loop3A_1260 : vector<16xi32> to vector<16x1xi32>
        %parallel_loop3A_1262 = vector.shape_cast %parallel_loop3A_1261 : vector<16x1xi32> to vector<16xi32>
        %parallel_loop3A_1263 = tpu.dynamic_gather %parallel_loop3A_1111[%parallel_loop3A_1262] in [0] : vector<16xf32>, vector<16xi32> -> vector<16xf32>
        %parallel_loop3A_1264 = arith.addf %parallel_loop3A_1111, %parallel_loop3A_1263 : vector<16xf32>
        %parallel_loop3A_1265 = arith.constant 2 : i32
        %parallel_loop3A_1266 = vector.broadcast %parallel_loop3A_1265 : i32 to vector<16xi32>
        %parallel_loop3A_1267 = arith.andi %iota3A_315, %parallel_loop3A_1266 : vector<16xi32>
        %parallel_loop3A_1268 = arith.constant 0 : i32
        %parallel_loop3A_1269 = vector.broadcast %parallel_loop3A_1268 : i32 to vector<16xi32>
        %parallel_loop3A_1270 = arith.cmpi eq, %parallel_loop3A_1267, %parallel_loop3A_1269 : vector<16xi32>
        %parallel_loop3A_1271 = arith.select %parallel_loop3A_1270, %parallel_loop3A_1253, %parallel_loop3A_1264 : vector<16xi1>, vector<16xf32>
        %parallel_loop3A_1272 = arith.constant 2 : i32
        %parallel_loop3A_1273 = vector.broadcast %parallel_loop3A_1272 : i32 to vector<16xi32>
        %parallel_loop3A_1274 = arith.xori %iota3A_315, %parallel_loop3A_1273 : vector<16xi32>
        %parallel_loop3A_1275 = arith.constant 0 : i32
        %parallel_loop3A_1276 = vector.broadcast %parallel_loop3A_1275 : i32 to vector<16xi32>
        %parallel_loop3A_1277 = arith.cmpi slt, %parallel_loop3A_1274, %parallel_loop3A_1276 : vector<16xi32>
        %parallel_loop3A_1278 = arith.constant 16 : i32
        %parallel_loop3A_1279 = vector.broadcast %parallel_loop3A_1278 : i32 to vector<16xi32>
        %parallel_loop3A_1280 = arith.addi %parallel_loop3A_1274, %parallel_loop3A_1279 : vector<16xi32>
        %parallel_loop3A_1281 = arith.select %parallel_loop3A_1277, %parallel_loop3A_1280, %parallel_loop3A_1274 : vector<16xi1>, vector<16xi32>
        %parallel_loop3A_1282 = vector.shape_cast %parallel_loop3A_1281 : vector<16xi32> to vector<16x1xi32>
        %parallel_loop3A_1283 = vector.shape_cast %parallel_loop3A_1282 : vector<16x1xi32> to vector<16xi32>
        %parallel_loop3A_1284 = tpu.dynamic_gather %parallel_loop3A_1143[%parallel_loop3A_1283] in [0] : vector<16xf32>, vector<16xi32> -> vector<16xf32>
        %parallel_loop3A_1285 = arith.addf %parallel_loop3A_1143, %parallel_loop3A_1284 : vector<16xf32>
        %parallel_loop3A_1286 = arith.constant 0 : i32
        %parallel_loop3A_1287 = vector.broadcast %parallel_loop3A_1286 : i32 to vector<16xi32>
        %parallel_loop3A_1288 = arith.cmpi slt, %parallel_loop3A_1274, %parallel_loop3A_1287 : vector<16xi32>
        %parallel_loop3A_1289 = arith.constant 16 : i32
        %parallel_loop3A_1290 = vector.broadcast %parallel_loop3A_1289 : i32 to vector<16xi32>
        %parallel_loop3A_1291 = arith.addi %parallel_loop3A_1274, %parallel_loop3A_1290 : vector<16xi32>
        %parallel_loop3A_1292 = arith.select %parallel_loop3A_1288, %parallel_loop3A_1291, %parallel_loop3A_1274 : vector<16xi1>, vector<16xi32>
        %parallel_loop3A_1293 = vector.shape_cast %parallel_loop3A_1292 : vector<16xi32> to vector<16x1xi32>
        %parallel_loop3A_1294 = vector.shape_cast %parallel_loop3A_1293 : vector<16x1xi32> to vector<16xi32>
        %parallel_loop3A_1295 = tpu.dynamic_gather %parallel_loop3A_1175[%parallel_loop3A_1294] in [0] : vector<16xf32>, vector<16xi32> -> vector<16xf32>
        %parallel_loop3A_1296 = arith.addf %parallel_loop3A_1175, %parallel_loop3A_1295 : vector<16xf32>
        %parallel_loop3A_1297 = arith.constant 2 : i32
        %parallel_loop3A_1298 = vector.broadcast %parallel_loop3A_1297 : i32 to vector<16xi32>
        %parallel_loop3A_1299 = arith.andi %iota3A_315, %parallel_loop3A_1298 : vector<16xi32>
        %parallel_loop3A_1300 = arith.constant 0 : i32
        %parallel_loop3A_1301 = vector.broadcast %parallel_loop3A_1300 : i32 to vector<16xi32>
        %parallel_loop3A_1302 = arith.cmpi eq, %parallel_loop3A_1299, %parallel_loop3A_1301 : vector<16xi32>
        %parallel_loop3A_1303 = arith.select %parallel_loop3A_1302, %parallel_loop3A_1285, %parallel_loop3A_1296 : vector<16xi1>, vector<16xf32>
        %parallel_loop3A_1304 = arith.constant 4 : i32
        %parallel_loop3A_1305 = vector.broadcast %parallel_loop3A_1304 : i32 to vector<16xi32>
        %parallel_loop3A_1306 = arith.xori %iota3A_315, %parallel_loop3A_1305 : vector<16xi32>
        %parallel_loop3A_1307 = arith.constant 0 : i32
        %parallel_loop3A_1308 = vector.broadcast %parallel_loop3A_1307 : i32 to vector<16xi32>
        %parallel_loop3A_1309 = arith.cmpi slt, %parallel_loop3A_1306, %parallel_loop3A_1308 : vector<16xi32>
        %parallel_loop3A_1310 = arith.constant 16 : i32
        %parallel_loop3A_1311 = vector.broadcast %parallel_loop3A_1310 : i32 to vector<16xi32>
        %parallel_loop3A_1312 = arith.addi %parallel_loop3A_1306, %parallel_loop3A_1311 : vector<16xi32>
        %parallel_loop3A_1313 = arith.select %parallel_loop3A_1309, %parallel_loop3A_1312, %parallel_loop3A_1306 : vector<16xi1>, vector<16xi32>
        %parallel_loop3A_1314 = vector.shape_cast %parallel_loop3A_1313 : vector<16xi32> to vector<16x1xi32>
        %parallel_loop3A_1315 = vector.shape_cast %parallel_loop3A_1314 : vector<16x1xi32> to vector<16xi32>
        %parallel_loop3A_1316 = tpu.dynamic_gather %parallel_loop3A_1207[%parallel_loop3A_1315] in [0] : vector<16xf32>, vector<16xi32> -> vector<16xf32>
        %parallel_loop3A_1317 = arith.addf %parallel_loop3A_1207, %parallel_loop3A_1316 : vector<16xf32>
        %parallel_loop3A_1318 = arith.constant 0 : i32
        %parallel_loop3A_1319 = vector.broadcast %parallel_loop3A_1318 : i32 to vector<16xi32>
        %parallel_loop3A_1320 = arith.cmpi slt, %parallel_loop3A_1306, %parallel_loop3A_1319 : vector<16xi32>
        %parallel_loop3A_1321 = arith.constant 16 : i32
        %parallel_loop3A_1322 = vector.broadcast %parallel_loop3A_1321 : i32 to vector<16xi32>
        %parallel_loop3A_1323 = arith.addi %parallel_loop3A_1306, %parallel_loop3A_1322 : vector<16xi32>
        %parallel_loop3A_1324 = arith.select %parallel_loop3A_1320, %parallel_loop3A_1323, %parallel_loop3A_1306 : vector<16xi1>, vector<16xi32>
        %parallel_loop3A_1325 = vector.shape_cast %parallel_loop3A_1324 : vector<16xi32> to vector<16x1xi32>
        %parallel_loop3A_1326 = vector.shape_cast %parallel_loop3A_1325 : vector<16x1xi32> to vector<16xi32>
        %parallel_loop3A_1327 = tpu.dynamic_gather %parallel_loop3A_1239[%parallel_loop3A_1326] in [0] : vector<16xf32>, vector<16xi32> -> vector<16xf32>
        %parallel_loop3A_1328 = arith.addf %parallel_loop3A_1239, %parallel_loop3A_1327 : vector<16xf32>
        %parallel_loop3A_1329 = arith.constant 4 : i32
        %parallel_loop3A_1330 = vector.broadcast %parallel_loop3A_1329 : i32 to vector<16xi32>
        %parallel_loop3A_1331 = arith.andi %iota3A_315, %parallel_loop3A_1330 : vector<16xi32>
        %parallel_loop3A_1332 = arith.constant 0 : i32
        %parallel_loop3A_1333 = vector.broadcast %parallel_loop3A_1332 : i32 to vector<16xi32>
        %parallel_loop3A_1334 = arith.cmpi eq, %parallel_loop3A_1331, %parallel_loop3A_1333 : vector<16xi32>
        %parallel_loop3A_1335 = arith.select %parallel_loop3A_1334, %parallel_loop3A_1317, %parallel_loop3A_1328 : vector<16xi1>, vector<16xf32>
        %parallel_loop3A_1336 = arith.constant 4 : i32
        %parallel_loop3A_1337 = vector.broadcast %parallel_loop3A_1336 : i32 to vector<16xi32>
        %parallel_loop3A_1338 = arith.xori %iota3A_315, %parallel_loop3A_1337 : vector<16xi32>
        %parallel_loop3A_1339 = arith.constant 0 : i32
        %parallel_loop3A_1340 = vector.broadcast %parallel_loop3A_1339 : i32 to vector<16xi32>
        %parallel_loop3A_1341 = arith.cmpi slt, %parallel_loop3A_1338, %parallel_loop3A_1340 : vector<16xi32>
        %parallel_loop3A_1342 = arith.constant 16 : i32
        %parallel_loop3A_1343 = vector.broadcast %parallel_loop3A_1342 : i32 to vector<16xi32>
        %parallel_loop3A_1344 = arith.addi %parallel_loop3A_1338, %parallel_loop3A_1343 : vector<16xi32>
        %parallel_loop3A_1345 = arith.select %parallel_loop3A_1341, %parallel_loop3A_1344, %parallel_loop3A_1338 : vector<16xi1>, vector<16xi32>
        %parallel_loop3A_1346 = vector.shape_cast %parallel_loop3A_1345 : vector<16xi32> to vector<16x1xi32>
        %parallel_loop3A_1347 = vector.shape_cast %parallel_loop3A_1346 : vector<16x1xi32> to vector<16xi32>
        %parallel_loop3A_1348 = tpu.dynamic_gather %parallel_loop3A_1271[%parallel_loop3A_1347] in [0] : vector<16xf32>, vector<16xi32> -> vector<16xf32>
        %parallel_loop3A_1349 = arith.addf %parallel_loop3A_1271, %parallel_loop3A_1348 : vector<16xf32>
        %parallel_loop3A_1350 = arith.constant 0 : i32
        %parallel_loop3A_1351 = vector.broadcast %parallel_loop3A_1350 : i32 to vector<16xi32>
        %parallel_loop3A_1352 = arith.cmpi slt, %parallel_loop3A_1338, %parallel_loop3A_1351 : vector<16xi32>
        %parallel_loop3A_1353 = arith.constant 16 : i32
        %parallel_loop3A_1354 = vector.broadcast %parallel_loop3A_1353 : i32 to vector<16xi32>
        %parallel_loop3A_1355 = arith.addi %parallel_loop3A_1338, %parallel_loop3A_1354 : vector<16xi32>
        %parallel_loop3A_1356 = arith.select %parallel_loop3A_1352, %parallel_loop3A_1355, %parallel_loop3A_1338 : vector<16xi1>, vector<16xi32>
        %parallel_loop3A_1357 = vector.shape_cast %parallel_loop3A_1356 : vector<16xi32> to vector<16x1xi32>
        %parallel_loop3A_1358 = vector.shape_cast %parallel_loop3A_1357 : vector<16x1xi32> to vector<16xi32>
        %parallel_loop3A_1359 = tpu.dynamic_gather %parallel_loop3A_1303[%parallel_loop3A_1358] in [0] : vector<16xf32>, vector<16xi32> -> vector<16xf32>
        %parallel_loop3A_1360 = arith.addf %parallel_loop3A_1303, %parallel_loop3A_1359 : vector<16xf32>
        %parallel_loop3A_1361 = arith.constant 4 : i32
        %parallel_loop3A_1362 = vector.broadcast %parallel_loop3A_1361 : i32 to vector<16xi32>
        %parallel_loop3A_1363 = arith.andi %iota3A_315, %parallel_loop3A_1362 : vector<16xi32>
        %parallel_loop3A_1364 = arith.constant 0 : i32
        %parallel_loop3A_1365 = vector.broadcast %parallel_loop3A_1364 : i32 to vector<16xi32>
        %parallel_loop3A_1366 = arith.cmpi eq, %parallel_loop3A_1363, %parallel_loop3A_1365 : vector<16xi32>
        %parallel_loop3A_1367 = arith.select %parallel_loop3A_1366, %parallel_loop3A_1349, %parallel_loop3A_1360 : vector<16xi1>, vector<16xf32>
        %parallel_loop3A_1368 = arith.constant 8 : i32
        %parallel_loop3A_1369 = vector.broadcast %parallel_loop3A_1368 : i32 to vector<16xi32>
        %parallel_loop3A_1370 = arith.xori %iota3A_315, %parallel_loop3A_1369 : vector<16xi32>
        %parallel_loop3A_1371 = arith.constant 0 : i32
        %parallel_loop3A_1372 = vector.broadcast %parallel_loop3A_1371 : i32 to vector<16xi32>
        %parallel_loop3A_1373 = arith.cmpi slt, %parallel_loop3A_1370, %parallel_loop3A_1372 : vector<16xi32>
        %parallel_loop3A_1374 = arith.constant 16 : i32
        %parallel_loop3A_1375 = vector.broadcast %parallel_loop3A_1374 : i32 to vector<16xi32>
        %parallel_loop3A_1376 = arith.addi %parallel_loop3A_1370, %parallel_loop3A_1375 : vector<16xi32>
        %parallel_loop3A_1377 = arith.select %parallel_loop3A_1373, %parallel_loop3A_1376, %parallel_loop3A_1370 : vector<16xi1>, vector<16xi32>
        %parallel_loop3A_1378 = vector.shape_cast %parallel_loop3A_1377 : vector<16xi32> to vector<16x1xi32>
        %parallel_loop3A_1379 = vector.shape_cast %parallel_loop3A_1378 : vector<16x1xi32> to vector<16xi32>
        %parallel_loop3A_1380 = tpu.dynamic_gather %parallel_loop3A_1335[%parallel_loop3A_1379] in [0] : vector<16xf32>, vector<16xi32> -> vector<16xf32>
        %parallel_loop3A_1381 = arith.addf %parallel_loop3A_1335, %parallel_loop3A_1380 : vector<16xf32>
        %parallel_loop3A_1382 = arith.constant 0 : i32
        %parallel_loop3A_1383 = vector.broadcast %parallel_loop3A_1382 : i32 to vector<16xi32>
        %parallel_loop3A_1384 = arith.cmpi slt, %parallel_loop3A_1370, %parallel_loop3A_1383 : vector<16xi32>
        %parallel_loop3A_1385 = arith.constant 16 : i32
        %parallel_loop3A_1386 = vector.broadcast %parallel_loop3A_1385 : i32 to vector<16xi32>
        %parallel_loop3A_1387 = arith.addi %parallel_loop3A_1370, %parallel_loop3A_1386 : vector<16xi32>
        %parallel_loop3A_1388 = arith.select %parallel_loop3A_1384, %parallel_loop3A_1387, %parallel_loop3A_1370 : vector<16xi1>, vector<16xi32>
        %parallel_loop3A_1389 = vector.shape_cast %parallel_loop3A_1388 : vector<16xi32> to vector<16x1xi32>
        %parallel_loop3A_1390 = vector.shape_cast %parallel_loop3A_1389 : vector<16x1xi32> to vector<16xi32>
        %parallel_loop3A_1391 = tpu.dynamic_gather %parallel_loop3A_1367[%parallel_loop3A_1390] in [0] : vector<16xf32>, vector<16xi32> -> vector<16xf32>
        %parallel_loop3A_1392 = arith.addf %parallel_loop3A_1367, %parallel_loop3A_1391 : vector<16xf32>
        %parallel_loop3A_1393 = arith.constant 8 : i32
        %parallel_loop3A_1394 = vector.broadcast %parallel_loop3A_1393 : i32 to vector<16xi32>
        %parallel_loop3A_1395 = arith.andi %iota3A_315, %parallel_loop3A_1394 : vector<16xi32>
        %parallel_loop3A_1396 = arith.constant 0 : i32
        %parallel_loop3A_1397 = vector.broadcast %parallel_loop3A_1396 : i32 to vector<16xi32>
        %parallel_loop3A_1398 = arith.cmpi eq, %parallel_loop3A_1395, %parallel_loop3A_1397 : vector<16xi32>
        %parallel_loop3A_1399 = arith.select %parallel_loop3A_1398, %parallel_loop3A_1381, %parallel_loop3A_1392 : vector<16xi1>, vector<16xf32>
        %parallel_loop3A_1400 = arith.constant 64 : i32
        %parallel_loop3A_1401 = arith.muli %parallel_loop3A_359, %parallel_loop3A_1400 : i32
        %parallel_loop3A_1402 = arith.constant 16 : i32
        %parallel_loop3A_1403 = arith.muli %parallel_loop3A_362, %parallel_loop3A_1402 : i32
        %parallel_loop3A_1404 = arith.addi %parallel_loop3A_1401, %parallel_loop3A_1403 : i32
        %parallel_loop3A_1405 = arith.constant 1 : i32
        %parallel_loop3A_1406 = arith.index_cast %parallel_loop3A_1405 : i32 to index
        %parallel_loop3A_1407 = arith.index_cast %parallel_loop3A_1404 : i32 to index
        %parallel_loop3A_1408 = tpu.vector_load %arg9[%parallel_loop3A_1406, %parallel_loop3A_1407] {strides = array<i32>} : memref<2x512xf32, #tpu.memory_space<vmem>>, vector<1x16xf32>,
        %parallel_loop3A_1409 = vector.shape_cast %parallel_loop3A_1408 : vector<1x16xf32> to vector<16xf32>
        %parallel_loop3A_1410 = vector.shape_cast %parallel_loop3A_1399 : vector<16xf32> to vector<1x16xf32>
        tpu.vector_store %arg9[%parallel_loop3A_1406, %parallel_loop3A_1407], %parallel_loop3A_1410 {strides = array<i32>} : memref<2x512xf32, #tpu.memory_space<vmem>>, vector<1x16xf32>,
      } {sc.loop_unroll_factor = 2 : i64, sc.parallel_access}
      %mul3A_319 = arith.constant 512 : i32
      %mul3A_320 = arith.muli %add3A, %mul3A_319 : i32
      %mul3A_321 = arith.constant 8 : i32
      %mul3A_322 = arith.muli %add3A_232, %mul3A_321 : i32
      %add3A_323 = arith.addi %mul3A_320, %mul3A_322 : i32
      %mul3A_324 = arith.constant 64 : i32
      %mul3A_325 = arith.muli %add3A_323, %mul3A_324 : i32
      %dma_start3A_326 = arith.constant 1 : i32
      %dma_start3A_327 = arith.constant 0 : i32
      %dma_start3A_328 = tpu.memref_slice %arg9[%dma_start3A_326, %dma_start3A_327] : memref<2x512xf32, #tpu.memory_space<vmem>> -> memref<1x512xf32, #tpu.memory_space<vmem>>
      %dma_start3A_329 = tpu.memref_squeeze %dma_start3A_328 : memref<1x512xf32, #tpu.memory_space<vmem>> -> memref<512xf32, #tpu.memory_space<vmem>>
      %dma_start3A_330 = tpu.memref_slice %arg5[%mul3A_325] : memref<1048576xf32, #tpu.memory_space<hbm>> -> memref<512xf32, #tpu.memory_space<hbm>>
      %dma_start3A_331 = tpu.memref_slice %arg5[%mul3A_325] : memref<1048576xf32, #tpu.memory_space<hbm>> -> memref<512xf32, #tpu.memory_space<hbm>>
      %dma_start3A_332 = arith.constant 0 : i32
      %dma_start3A_333 = tpu.memref_slice %arg9[%dma_start3A_326, %dma_start3A_332] : memref<2x512xf32, #tpu.memory_space<vmem>> -> memref<1x512xf32, #tpu.memory_space<vmem>>
      %dma_start3A_334 = tpu.memref_squeeze %dma_start3A_333 : memref<1x512xf32, #tpu.memory_space<vmem>> -> memref<512xf32, #tpu.memory_space<vmem>>
      tpu.enqueue_dma source(%dma_start3A_334 : memref<512xf32, #tpu.memory_space<vmem>>) target(%dma_start3A_331 : memref<512xf32, #tpu.memory_space<hbm>>) target_semaphore(%arg15 : memref<!tpu.dma_semaphore, #tpu.memory_space<semaphore_mem>>)
    }
    %scan3A_109 = arith.constant 32 : i32
    %dma_wait3A_110 = arith.constant 0 : i32
    %dma_wait3A_111 = arith.constant 0 : i32
    %dma_wait3A_112 = tpu.memref_slice %arg9[%dma_wait3A_110, %dma_wait3A_111] : memref<2x512xf32, #tpu.memory_space<vmem>> -> memref<1x512xf32, #tpu.memory_space<vmem>>
    %dma_wait3A_113 = tpu.memref_squeeze %dma_wait3A_112 : memref<1x512xf32, #tpu.memory_space<vmem>> -> memref<512xf32, #tpu.memory_space<vmem>>
    %dma_wait3A_114 = arith.constant 0 : i32
    %dma_wait3A_115 = tpu.memref_slice %arg5[%dma_wait3A_114] : memref<1048576xf32, #tpu.memory_space<hbm>> -> memref<512xf32, #tpu.memory_space<hbm>>
    %dma_wait3A_116 = arith.constant 0 : i32
    %dma_wait3A_117 = tpu.memref_slice %arg5[%dma_wait3A_116] : memref<1048576xf32, #tpu.memory_space<hbm>> -> memref<512xf32, #tpu.memory_space<hbm>>
    %dma_wait3A_118 = arith.constant 0 : i32
    %dma_wait3A_119 = tpu.memref_slice %arg9[%dma_wait3A_110, %dma_wait3A_118] : memref<2x512xf32, #tpu.memory_space<vmem>> -> memref<1x512xf32, #tpu.memory_space<vmem>>
    %dma_wait3A_120 = tpu.memref_squeeze %dma_wait3A_119 : memref<1x512xf32, #tpu.memory_space<vmem>> -> memref<512xf32, #tpu.memory_space<vmem>>
    tpu.wait_dma2 semaphore(%arg14 : memref<!tpu.dma_semaphore, #tpu.memory_space<semaphore_mem>>) src(%dma_wait3A_120 : memref<512xf32, #tpu.memory_space<vmem>>) dst(%dma_wait3A_117 : memref<512xf32, #tpu.memory_space<hbm>>)
    %dma_wait3A_121 = arith.constant 1 : i32
    %dma_wait3A_122 = arith.constant 0 : i32
    %dma_wait3A_123 = tpu.memref_slice %arg9[%dma_wait3A_121, %dma_wait3A_122] : memref<2x512xf32, #tpu.memory_space<vmem>> -> memref<1x512xf32, #tpu.memory_space<vmem>>
    %dma_wait3A_124 = tpu.memref_squeeze %dma_wait3A_123 : memref<1x512xf32, #tpu.memory_space<vmem>> -> memref<512xf32, #tpu.memory_space<vmem>>
    %dma_wait3A_125 = arith.constant 0 : i32
    %dma_wait3A_126 = tpu.memref_slice %arg5[%dma_wait3A_125] : memref<1048576xf32, #tpu.memory_space<hbm>> -> memref<512xf32, #tpu.memory_space<hbm>>
    %dma_wait3A_127 = arith.constant 0 : i32
    %dma_wait3A_128 = tpu.memref_slice %arg5[%dma_wait3A_127] : memref<1048576xf32, #tpu.memory_space<hbm>> -> memref<512xf32, #tpu.memory_space<hbm>>
    %dma_wait3A_129 = arith.constant 0 : i32
    %dma_wait3A_130 = tpu.memref_slice %arg9[%dma_wait3A_121, %dma_wait3A_129] : memref<2x512xf32, #tpu.memory_space<vmem>> -> memref<1x512xf32, #tpu.memory_space<vmem>>
    %dma_wait3A_131 = tpu.memref_squeeze %dma_wait3A_130 : memref<1x512xf32, #tpu.memory_space<vmem>> -> memref<512xf32, #tpu.memory_space<vmem>>
    tpu.wait_dma2 semaphore(%arg15 : memref<!tpu.dma_semaphore, #tpu.memory_space<semaphore_mem>>) src(%dma_wait3A_131 : memref<512xf32, #tpu.memory_space<vmem>>) dst(%dma_wait3A_128 : memref<512xf32, #tpu.memory_space<hbm>>)
    return
  }
}

module attributes {stable_mosaic.version = 14 : i64} {
  func.func @tc_body(%arg0: i32, %arg1: memref<512x64xf32, #tpu.memory_space<vmem>>, %arg2: memref<512xf32, #tpu.memory_space<vmem>>) attributes {dimension_semantics = [#tpu.dimension_semantics<arbitrary>], iteration_bounds = array<i64: 32>, scalar_prefetch = 0 : i64, scratch_operands = 0 : i64, tpu.core_type = #tpu.core_type<tc>, window_params = [{transform_indices = @transform_0, window_bounds = array<i64: 512, 64>}, {transform_indices = @transform_1, window_bounds = array<i64: 512>}]} {
    %get3A = arith.constant 0 : index
    %get3A_0 = arith.constant 0 : index
    %get3A_1 = vector.load %arg1[%get3A, %get3A_0] : memref<512x64xf32, #tpu.memory_space<vmem>>, vector<512x64xf32>
    %iota3A = tpu.iota {dimensions = array<i32: 1>} : vector<512x64xi32>
    %lt3A = arith.constant 10 : i32
    %lt3A_2 = vector.broadcast %lt3A : i32 to vector<512x64xi32>
    %lt3A_3 = arith.cmpi slt, %iota3A, %lt3A_2 : vector<512x64xi32>
    %neg3A = arith.constant 0.000000e+00 : f32
    %neg3A_4 = vector.broadcast %neg3A : f32 to vector<512x64xf32>
    %neg3A_5 = arith.subf %neg3A_4, %get3A_1 : vector<512x64xf32>
    %select_n3A = arith.select %lt3A_3, %get3A_1, %neg3A_5 : vector<512x64xi1>, vector<512x64xf32>
    %min3A = arith.constant 0.000000e+00 : f32
    %min3A_6 = vector.broadcast %min3A : f32 to vector<512x64xf32>
    %min3A_7 = arith.minimumf %select_n3A, %min3A_6 : vector<512x64xf32>
    %abs3A = math.absf %select_n3A : vector<512x64xf32>
    %neg3A_8 = arith.constant 0.000000e+00 : f32
    %neg3A_9 = vector.broadcast %neg3A_8 : f32 to vector<512x64xf32>
    %neg3A_10 = arith.subf %neg3A_9, %abs3A : vector<512x64xf32>
    %exp3A = math.exp %neg3A_10 : vector<512x64xf32>
    %log1p3A = math.log1p %exp3A : vector<512x64xf32>
    %sub3A = arith.subf %min3A_7, %log1p3A : vector<512x64xf32>
    %lt3A_11 = arith.constant 60 : i32
    %lt3A_12 = vector.broadcast %lt3A_11 : i32 to vector<512x64xi32>
    %lt3A_13 = arith.cmpi slt, %iota3A, %lt3A_12 : vector<512x64xi32>
    %jit3A = arith.constant 0.000000e+00 : f32
    %broadcast_in_dim3A = vector.broadcast %jit3A : f32 to vector<512x64xf32>
    %select_n3A_14 = arith.select %lt3A_13, %sub3A, %broadcast_in_dim3A : vector<512x64xi1>, vector<512x64xf32>
    %reduce_sum3A = arith.constant dense<0.000000e+00> : vector<512xf32>
    %reduce_sum3A_15 = vector.multi_reduction <add>, %select_n3A_14, %reduce_sum3A [1] : vector<512x64xf32> to vector<512xf32>
    %neg3A_16 = arith.constant 0.000000e+00 : f32
    %neg3A_17 = vector.broadcast %neg3A_16 : f32 to vector<512xf32>
    %neg3A_18 = arith.subf %neg3A_17, %reduce_sum3A_15 : vector<512xf32>
    %swap3A = arith.constant 0 : index
    %swap3A_19 = vector.load %arg2[%swap3A] : memref<512xf32, #tpu.memory_space<vmem>>, vector<512xf32>
    tpu.vector_store %arg2[%swap3A], %neg3A_18 {strides = array<i32>} : memref<512xf32, #tpu.memory_space<vmem>>, vector<512xf32>,
    return
  }
  func.func @transform_0(%arg0: i32) -> (i32, i32) {
    %c0_i32 = arith.constant 0 : i32
    %c0_i32_0 = arith.constant 0 : i32
    return %arg0, %c0_i32 : i32, i32
  }
  func.func @transform_1(%arg0: i32) -> i32 {
    %c0_i32 = arith.constant 0 : i32
    return %arg0 : i32
  }
}

</mosaic_0001>

<sc_bundles>
// kernel: gather_offload_async_start
scs
__scs_entry_jumppad:
0x0: {  	(pc) =	sbr.rel $0x88, $3  }
0x1: {  	(tag) =	ssettag $0x0;
	lr =	simm.s32 $0x1  }
0x2: {  	[smem:$0x3F9C] =	sst lr;
	_ =	strace $0xD0000000  }
0x3: {  	_ = 	snop  }
0x4: {  	_ = 	snop  }
0x5: {  	_ = 	snop  }
0x6: {  	_ = 	snop  }
0x7: {  	_ = 	snop  }
__scs_overlays_trampoline_lowered:
0x8: {  	[smem:$0x3FAB] =	sst s0  }
0x9: {  	[smem:$0x3FAC] =	sst s1  }
0xa: {  	[smem:$0x3FAD] =	sst s2  }
0xb: {  	[smem:$0x3FAE] =	sst s3  }
0xc: {  	[smem:$0x3FAF] =	sst s4  }
0xd: {  	[smem:$0x3FB0] =	sst s5  }
0xe: {  	[smem:$0x3FB1] =	sst s6  }
0xf: {  	[smem:$0x3FB2] =	sst s7  }
0x10: {  	[smem:$0x3FB3] =	sst s8  }
0x11: {  	[smem:$0x3FB4] =	sst s9;
	s0 =	simm.s32 @!p0 $0x0  }
0x12: {  	s1 =	sld [smem:$0x3F9A];
	s0 =	simm.s32 @p0 $0x1  }
0x13: {  	[smem:$0x3FB5] =	sst s0;
	s0 =	simm.s32 @!p1 $0x0  }
0x14: {  	s2 =	sld [smem:$0x3F99];
	s0 =	simm.s32 @p1 $0x1  }
0x15: {  	[smem:$0x3FB6] =	sst s0;
	s0 =	simm.s32 @!p2 $0x0  }
0x16: {  	s3 =	sld [smem:$0x3FDB];
	s0 =	simm.s32 @p2 $0x1  }
0x17: {  	s4 =	simm.s32 $0x1BF5;
	[smem:$0x3FB8] =	sst s0  }
0x18: {  	s0 =	sld [smem:$0x3F9B];
	_ =	swait.ge [sflag:s4], $0x0  }
0x19: {  	s7 =	sld [smem:$0x3F9C]  }
0x1a: {  	s8 =	sadd.s32 $0xFFFFE003, lr  }
0x1b: {  	s9 =	sadd.s32 $0xFFFFFEF7, lr;
	s5 =	simm.s32 $0xFFFFFFFF;
	p2 =	slt.u32 s8, $0xFFFFF086  }
0x1c: {  	p1 =	slt.u32 s9, $0xF7A;
	s5 =	simm.s32 @!p2 $0x0  }
0x1d: {  	s5 =	simm.s32 @p1 $0x1;
	p0 =	seq.s32 s7, s2  }
0x1e: {  	s7 =	smul.u32 @!p0 $0xF7A, s2;
	p2 =	seq.s32 @!p0 s5, $0x0  }
0x1f: {  	s9 =	smul.u32 $0xF7A, s1;
	s8 =	simm.s32 @!p0 $0x1BF5;
	p2 =	por !p2, p0  }
0x20: {  	[sflag:s8] =	ssyncset.s32 @!p0 $0xFFFFF086;
	s6 =	sadd.s32 @!p0 s3, s7;
	s7 =	simm.s32 @!p0 $0x108  }
0x21: {  	s3 =	sadd.s32 s3, s9;
	s6 =	sadd.s32 @!p0 $0x88, s6;
	s7 =	simm.s32 @p2 $0x1082  }
0x22: {  	[simem:s7], [sflag:s8] =	dma.local @!p0 [hbm:s6], $0xF7A  }
0x23: {  	s9 =	sor.u32 $0xD0000000, s2;
	s6 =	simm.s32 $0x108;
	_ =	swait.ge @!p0 [sflag:s8], $0x0  }
0x24: {  	s3 =	sadd.s32 $0x88, s3;
	s6 =	simm.s32 @!p1 $0x1082;
	[sflag:s4] =	ssyncset.s32 $0xFFFFF086  }
0x25: {  	[simem:s6], [sflag:s4] =	dma.local [hbm:s3], $0xF7A  }
0x26: {  	[smem:$0x3F9C] =	sst s1;
	(tag) =	ssettag s2;
	_ =	strace s9  }
0x27: {  	s1 =	sld [smem:$0x3FAC]  }
0x28: {  	s2 =	sld [smem:$0x3FAD]  }
0x29: {  	s4 =	sld [smem:$0x3FAF]  }
0x2a: {  	p0 =	seq.s32 s5, $0x0;
	s5 =	sld [smem:$0x3FB0]  }
0x2b: {  	s6 =	sld [smem:$0x3FB1]  }
0x2c: {  	s7 =	sld [smem:$0x3FB2]  }
0x2d: {  	s3 =	simm.s32 $0x108;
	s8 =	sld [smem:$0x3FB3]  }
0x2e: {  	s3 =	simm.s32 @!p0 $0x1082;
	s9 =	sld [smem:$0x3FB4]  }
0x2f: {  	lr =	sadd.s32 s0, s3;
	s0 =	sld [smem:$0x3FAB]  }
0x30: {  	s3 =	sld [smem:$0x3FAE]  }
0x31: {  	[smem:$0x3FB7] =	sst s10  }
0x32: {  	s10 =	sld [smem:$0x3FB5];
	_ =	sdelay $0x3  }
0x33: {  	p0 =	seq.s32 s10, $0x1;
	s10 =	sld [smem:$0x3FB7];
	_ =	sdelay $0x3  }
0x34: {  	[smem:$0x3FB7] =	sst s10  }
0x35: {  	s10 =	sld [smem:$0x3FB6];
	_ =	sdelay $0x3  }
0x36: {  	p1 =	seq.s32 s10, $0x1;
	s10 =	sld [smem:$0x3FB7];
	_ =	sdelay $0x3  }
0x37: {  	[smem:$0x3FB7] =	sst s10  }
0x38: {  	s10 =	sld [smem:$0x3FB8]  }
0x39: {  	_ = 	snop;
	(pc) =	sbr.ind lr, $3  }
0x3a: {  	_ = 	snop  }
0x3b: {  	_ = 	snop  }
0x3c: {  	p2 =	seq.s32 s10, $0x1;
	s10 =	sld [smem:$0x3FB7]  }
0x3d: {  	_ =	shalt  }
0x3e: {  	_ =	shalt  }
0x3f: {  	_ =	shalt  }
0x40: {  	_ =	shalt  }
0x41: {  	_ =	shalt  }
0x42: {  	_ =	shalt  }
0x43: {  	_ =	shalt  }
0x44: {  	_ =	shalt  }
0x45: {  	_ =	shalt  }
0x46: {  	_ =	shalt  }
0x47: {  	_ =	shalt  }
0x48: {  	_ =	shalt  }
0x49: {  	_ =	shalt  }
0x4a: {  	_ =	shalt  }
0x4b: {  	_ =	shalt  }
0x4c: {  	_ =	shalt  }
0x4d: {  	_ =	shalt  }
0x4e: {  	_ =	shalt  }
0x4f: {  	_ =	shalt  }
0x50: {  	_ =	shalt  }
0x51: {  	_ =	shalt  }
0x52: {  	_ =	shalt  }
0x53: {  	_ =	shalt  }
0x54: {  	_ =	shalt  }
0x55: {  	_ =	shalt  }
0x56: {  	_ =	shalt  }
0x57: {  	_ =	shalt  }
0x58: {  	_ =	shalt  }
0x59: {  	_ =	shalt  }
0x5a: {  	_ =	shalt  }
0x5b: {  	_ =	shalt  }
0x5c: {  	_ =	shalt  }
0x5d: {  	_ =	shalt  }
0x5e: {  	_ =	shalt  }
0x5f: {  	_ =	shalt  }
0x60: {  	_ =	shalt  }
0x61: {  	_ =	shalt  }
0x62: {  	_ =	shalt  }
0x63: {  	_ =	shalt  }
0x64: {  	_ =	shalt  }
0x65: {  	_ =	shalt  }
0x66: {  	_ =	shalt  }
0x67: {  	_ =	shalt  }
0x68: {  	_ =	shalt  }
0x69: {  	_ =	shalt  }
0x6a: {  	_ =	shalt  }
0x6b: {  	_ =	shalt  }
0x6c: {  	_ =	shalt  }
0x6d: {  	_ =	shalt  }
0x6e: {  	_ =	shalt  }
0x6f: {  	_ =	shalt  }
0x70: {  	_ =	shalt  }
0x71: {  	_ =	shalt  }
0x72: {  	_ =	shalt  }
0x73: {  	_ =	shalt  }
0x74: {  	_ =	shalt  }
0x75: {  	_ =	shalt  }
0x76: {  	_ =	shalt  }
0x77: {  	_ =	shalt  }
0x78: {  	_ =	shalt  }
0x79: {  	_ =	shalt  }
0x7a: {  	_ =	shalt  }
0x7b: {  	_ =	shalt  }
0x7c: {  	_ =	shalt  }
0x7d: {  	_ =	shalt  }
0x7e: {  	_ =	shalt  }
0x7f: {  	_ =	shalt  }
0x80: {  	_ =	shalt  }
0x81: {  	_ =	shalt  }
0x82: {  	_ =	shalt  }
0x83: {  	_ =	shalt  }
0x84: {  	_ =	shalt  }
0x85: {  	_ =	shalt  }
0x86: {  	_ =	shalt  }
0x87: {  	_ =	shalt  }
.Lfunc_end0:
.L_simem_size_0:
called_computation_lowered:
.L_overlay_start_0:
0x88: {  	s2 =	sld [smem:$0x3FD9]  }
0x89: {  	s3 =	sld [smem:$0x3FFE];
	_ =	sdelay $0x1  }
0x8a: {  	s1 =	srdreg.scid  }
0x8b: {  	s0 =	sand.u32 $0x1, s1  }
0x8c: {  	s17 =	sshll.u32 s0, $0xA;
	s2 =	sadd.s32 s3, s2  }
0x8d: {  	s2 =	sadd.s32 s2, s17  }
0x8e: {  	[smem:$0x3FC3] =	sst s2  }
0x8f: {  	_ = 	snop  }
0x90: {  	s2 =	sld [smem:$0x3FD0];
	(tm) =	ssettm $0x1  }
0x91: {  	s18 =	sld [smem:$0x3FFB];
	_ =	sdelay $0x3  }
0x92: {  	_ =	strace s18  }
0x93: {  	s3 =	sld [smem:$0x3FFC];
	_ =	sdelay $0x3  }
0x94: {  	_ =	strace s3  }
0x95: {  	s3 =	sld [smem:$0x3FFD];
	_ =	sdelay $0x3  }
0x96: {  	_ =	strace s3  }
0x97: {  	_ =	strace $0x8FFFFFFF  }
0x98: {  	s19 =	sld [smem:$0x3FDB];
	_ =	sdelay $0x1  }
0x99: {  	s4 =	simm.s32 $_scs_section_size  }
0x9a: {  	s5 =	simm.s32 $_size__tile_overlayer_lowered;
	s6 =	simm.s32 $_tile_overlayer_lowered  }
0x9b: {  	s22 =	simm.s32 $0x1BFF;
	s21 =	sshll.u32 s6, $0x1;
	s3 =	sadd.s32 s4, s19  }
0x9c: {  	s7 =	simm.s32 $0x0;
	s20 =	sshll.u32 s5, $0x1;
	s5 =	sadd.s32 s21, s3  }
0x9d: {  	[timem:s7], [sflag:s22] =	dma.local [hbm:s5], s20  }
0x9e: {  	_ =	swait.ge [sflag:s22], s20  }
0x9f: {  	s4 =	ssub.s32 $0x0, s20;
	[sflag:s22] =	ssyncset.done $0x0  }
0xa0: {  	[sflag:s22] =	ssyncadd.s32 s4;
	_ =	sdelay $0x1  }
0xa1: {  	s23 =	simm.s32 $0x1B8B  }
0xa2: {  	_ =	swait.ge [sflag:s23], $0x1  }
0xa3: {  	[sflag:s23] =	ssyncset.done $0x0  }
0xa4: {  	s25 =	simm.s32 $0x1B8E;
	s24 =	sld [smem:$0x3FFE];
	[sflag:s23] =	ssyncadd.s32 $0xFFFFFFFF  }
0xa5: {  	s26 =	simm.s32 $execute0_lowered;
	[smem:$0x3FD2] =	sst s25  }
0xa6: {  	s5 =	sshll.u32 s26, $0x1;
	_ =	strace $0x80000046;
	[dreg:$0x1] =	wrdreg $0xFFFFFFFF  }
0xa7: {  	s28 =	simm.s32 $_size_execute0_lowered;
	s3 =	sadd.s32 s3, s5;
	[dreg:$0x0] =	wrdreg $0x0  }
0xa8: {  	s5 =	sshll.u32 s28, $0x1;
	[dreg:$0x2] =	wrdreg s3  }
0xa9: {  	[dreg:$0x3] =	wrdreg s5  }
0xaa: {  	[dreg:$0x4] =	wrdreg $0xC0  }
0xab: {  	_ =	task [dreg:s7], $0x5FFFF  }
0xac: {  	[dreg:$0x1] =	wrdreg $0xFFFFFFFF  }
0xad: {  	[dreg:$0x0] =	wrdreg $0x60  }
0xae: {  	[dreg:$0x2] =	wrdreg s24  }
0xaf: {  	[dreg:$0x3] =	wrdreg s2  }
0xb0: {  	[dreg:$0x4] =	wrdreg $0x9  }
0xb1: {  	_ =	task.clear_ibuf [dreg:s7], $0x5FFFF;
	_ =	strace $0x90000046  }
0xb2: {  	s29 =	simm.s32 $0x9;
	_ =	strace $0x80000048  }
0xb3: {  	_ =	swait.ge [sflag:s29], $0x1  }
0xb4: {  	[sflag:s29] =	ssyncadd.s32 $0xFFFFFFFF  }
0xb5: {  	_ =	strace $0x90000048  }
0xb6: {  	_ =	sfence  }
0xb7: {  	s30 =	sld [smem:$0x0];
	_ =	sdelay $0x2  }
0xb8: {  	s31 =	sshll.u32 s1, $0xD;
	s1 =	sshrl.u32 s1, $0x2  }
0xb9: {  	s3 =	sand.u32 $0x4000, s31;
	s1 =	sadd.s32 s1, s30  }
0xba: {  	s0 =	sor.u32 s3, s0;
	s1 =	sshll.u32 s1, $0x11  }
0xbb: {  	s0 =	sor.u32 s1, s0  }
0xbc: {  	s0 =	sadd.s32 $0x8F2B, s0  }
0xbd: {  	[sflag:s0] =	ssyncadd.remote.s32 $0x1  }
0xbe: {  	_ =	sfence.sel $0xFFFF  }
0xbf: {  	[dreg:$0x0] =	wrdreg $0xFFFFFFFF;
	(pc) =	sbr.abs _section_cstart, $3  }
0xc0: {  	[dreg:$0x1] =	wrdreg $0xFFFFFFFF  }
0xc1: {  	_ =	task.clear_ibuf [dreg:s7], $0x2FFFF;
	_ =	strace $0x9FFFFFFF  }
0xc2: {  	(tm) =	ssettm $0x7FFFFFFF  }
0xc3: {  	_ =	shalt  }
tec
execute0_lowered:
.L_overlay_start_1:
0x0: {  	(tag) =	ssettag $0x1  }
0x1: {  	s7 =	rddreg [dreg:$0x0]  }
0x2: {  	s2 =	rddreg [dreg:$0x1]  }
0x3: {  	s0 =	rddreg [dreg:$0x2]  }
0x4: {  	s1 =	srdreg.scid;
	_ =	strace $0x80000047;
	s4 =	simm.s32 $0x1  }
0x5: {  	s9 =	simm.s32 $0x3;
	s11 =	simm.s32 $0x0;
	s5 =	sshll.u32 s1, $0x4  }
.Ltmp0:
0x6: {  	s1 =	stileid.u32;
	s5 =	sand.u32 $0x10, s5;
	(pc) =	sbr.rel .LBB2_1-.Ltmp0, $4  }
0x7: {  	p0 =	por $0x0, $0x0;
	s3 =	sadd.s32 $0xE00, s7;
	s6 =	sor.u32 s1, s5  }
0x8: {  	[sflag:s4] =	ssyncpa.u1 $0x0;
	s5 =	simm.s32 $0x2;
	s6 =	sshll.u32 s6, $0x9  }
0x9: {  	s7 =	sadd.s32 $0xF43200, s7;
	[sflag:s5] =	ssyncpa.u1 $0x0;
	s8 =	sadd.s32 $0x200, s6  }
0xa: {  	vm0 =	vmmov $0xff;
	vm1 =	vcmask $0x3F20;
	[sflag:s9] =	ssyncpa.u1 $0x0;
	s10 =	smov.u32 s6;
	s9 =	simm.s32 $0x0  }
.LBB2_7:
0xb: {  	p1 =	slt.u32 s9, $0x2;
	s11 =	sadd.s32 $0x100, s10  }
0xc: {  	s13 =	smov.u32 s6;
	s9 =	sadd.s32 $0x1, s9;
	p2 =	slt.s32 s11, s8  }
0xd: {  	s13 =	smov.u32 @p2 s11;
	p2 =	sne.s32 s9, $0x4  }
.Ltmp1:
0xe: {  	_ = 	snop;
	(pc) =	sbr.rel @!p2 .LBB2_8-.Ltmp1, $4  }
0xf: {  	s12 =	simm.s32 @!p1 $0x3  }
0x10: {  	_ =	swait.ge @!p1 [sflag:s12], $0x8000  }
0x11: {  	p0 =	por !p0, !p0;
	[sflag:s12] =	ssyncset.done @!p1 $0x0  }
0x12: {  	s11 =	smov.u32 s10;
	s10 =	smov.u32 s13;
	[sflag:s12] =	ssyncadd.s32 @!p1 $0xFFFF8000  }
.LBB2_1:
0x13: {  	p1 =	sgt.u32 s9, $0x1  }
0x14: {  	s12 =	sshll.u32 @!p1 s9, $0x8;
	s13 =	sshrl.u32 @!p1 s10, $0x3  }
0x15: {  	s14 =	sand.u32 @!p1 $0x7, s10;
	s12 =	sxor.u32 @!p1 $0x100, s12;
	s13 =	sadd.s32 @!p1 s2, s13  }
0x16: {  	[tilespmem:s12], [sflag:$0x2] =	stream.linear.gather @!p1 [hbm4b:s13+s14], $0x100, $0x38;
	[tilespmem:$0x10200] =	vst v63  }
0x17: {  	p1 =	seq.s32 s9, $0x0  }
0x18: {  	p2 =	seq.s32 @!p1 s9, $0x3  }
0x19: {  	p1 =	por p1, p2  }
.Ltmp2:
0x1a: {  	_ = 	snop;
	(pc) =	sbr.rel @p1 .LBB2_7-.Ltmp2, $1  }
0x1b: {  	_ =	sdelay $0x3  }
0x1c: {  	s12 =	simm.s32 $0x1  }
0x1d: {  	_ =	swait.ge [sflag:s5], $0x100;
	s12 =	simm.s32 @!p0 $0x0  }
0x1e: {  	[sflag:s5] =	ssyncset.done $0x0;
	s14 =	sshll.u32 s12, $0x8  }
0x1f: {  	[sflag:s5] =	ssyncadd.s32 $0xFFFFFF00;
	s13 =	sadd.s32 $0x0, s14  }
0x20: {  	v0 =	vld.msk [tilespmem:s13+$0x0 ss:$0x1], $0xffff;
	_ =	sdelay $0x4  }
0x21: {  	vm2 =	vgt.s32 v0, $0x0  }
0x22: {  	v0 =	vnsel vm2, $0x0, v0  }
0x23: {  	v0 =	vmin.u32 v0, $0xF423F  }
0x24: {  	v0 =	vshll.u32 v0, $0x4;
	_ =	sdelay $0x2  }
0x25: {  	s12 =	sshll.u32 s12, $0xF  }
0x26: {  	s12 =	sor.u32 $0x200, s12  }
0x27: {  	[tilespmem:s12], [sflag:$0x1] =	stream.indirect_vreg.gather [hbm:s3], $0x80, v0, vm0, $0x38;
	[tilespmem:$0x10200] =	vst v63  }
0x28: {  	s15 =	sadd.s32 $0x10, s14;
	s13 =	sadd.s32 $0x400, s12  }
0x29: {  	[tilespmem:s13], [sflag:$0x1] =	stream.indirect_vreg.gather [hbm:s3], $0x80, v0, vm1, $0x38;
	[tilespmem:$0x10200] =	vst v63  }
0x2a: {  	s16 =	simm.s32 $0x80;
	v0 =	vld.msk [tilespmem:s15+$0x0 ss:$0x1], $0xffff;
	s15 =	smov.u32 s12  }
.LBB2_3:
0x2b: {  	p1 =	sne.s32 s16, $0x3C0;
	_ =	sdelay $0x4  }
0x2c: {  	vm2 =	vgt.s32 v0, $0x0  }
0x2d: {  	v0 =	vnsel vm2, $0x0, v0  }
0x2e: {  	v0 =	vmin.u32 v0, $0xF423F  }
0x2f: {  	v0 =	vshll.u32 v0, $0x4;
	_ =	sdelay $0x3  }
.Ltmp3:
0x30: {  	s17 =	sshra.s32 s16, $0x2;
	s15 =	sadd.s32 $0x800, s15;
	(pc) =	sbr.rel @p1 .LBB2_3-.Ltmp3, $4  }
0x31: {  	[tilespmem:s15], [sflag:$0x1] =	stream.indirect_vreg.gather [hbm:s3], $0x80, v0, vm0, $0x38;
	[tilespmem:$0x10200] =	vst v63  }
0x32: {  	s17 =	sadd.s32 s17, s14;
	s18 =	sadd.s32 $0x400, s15  }
0x33: {  	[tilespmem:s18], [sflag:$0x1] =	stream.indirect_vreg.gather [hbm:s3], $0x80, v0, vm1, $0x38;
	[tilespmem:$0x10200] =	vst v63  }
0x34: {  	s16 =	sadd.s32 $0x40, s16;
	v0 =	vld.msk [tilespmem:s17+$0x0 ss:$0x1], $0xffff  }
0x35: {  	_ =	sdelay $0x3  }
0x36: {  	vm2 =	vgt.s32 v0, $0x0  }
0x37: {  	v0 =	vnsel vm2, $0x0, v0  }
0x38: {  	v0 =	vmin.u32 v0, $0xF423F  }
0x39: {  	v0 =	vshll.u32 v0, $0x4;
	_ =	sdelay $0x3  }
0x3a: {  	s14 =	sadd.s32 $0x800, s15  }
0x3b: {  	[tilespmem:s14], [sflag:$0x1] =	stream.indirect_vreg.gather [hbm:s3], $0x80, v0, vm0, $0x38;
	[tilespmem:$0x10200] =	vst v63  }
0x3c: {  	s14 =	sadd.s32 $0x400, s14  }
0x3d: {  	[tilespmem:s14], [sflag:$0x1] =	stream.indirect_vreg.gather [hbm:s3], $0x80, v0, vm1, $0x38;
	[tilespmem:$0x10200] =	vst v63  }
0x3e: {  	s11 =	sshll.u32 s11, $0x4;
	_ =	swait.ge [sflag:s4], $0x8000  }
0x3f: {  	s11 =	sadd.s32 s11, s7;
	[sflag:s4] =	ssyncset.done $0x0  }
0x40: {  	s15 =	sadd.s32 $0x0, s11;
	s14 =	simm.s32 $0x80;
	[sflag:s4] =	ssyncadd.s32 $0xFFFF8000  }
.LBB2_5:
0x41: {  	[hbm:s15] =	stream.linear.scatter [tilespmem:s12], [sflag:$0x3], $0x400, $0x38;
	[tilespmem:$0x10200] =	vst v63  }
0x42: {  	s15 =	smov.u32 s14;
	s12 =	smov.u32 s13;
	p1 =	sne.s32 s14, $0xF80  }
.Ltmp4:
0x43: {  	s14 =	sadd.s32 $0x80, s14;
	(pc) =	sbr.rel @p1 .LBB2_5-.Ltmp4, $2  }
0x44: {  	_ =	sdelay $0x2  }
0x45: {  	s13 =	sadd.s32 $0x400, s13;
	s15 =	sadd.s32 s15, s11  }
.Ltmp5:
0x46: {  	(pc) =	sbr.rel .LBB2_7-.Ltmp5, $2  }
0x47: {  	_ =	sdelay $0x2  }
0x48: {  	[hbm:s15] =	stream.linear.scatter [tilespmem:s12], [sflag:$0x3], $0x400, $0x38;
	[tilespmem:$0x10200] =	vst v63  }
.LBB2_8:
0x49: {  	_ =	sfence.sel $0x180000  }
0x4a: {  	s2 =	simm.s32 $0x2;
	[bflag:$0x0] =	sbarrier.arrive $0xFFFF  }
0x4b: {  	s30 =	simm.s32 $0x3;
	[sflag:s2] =	ssyncpa.u1 $0x1  }
0x4c: {  	s31 =	simm.s32 $0x1;
	[sflag:s30] =	ssyncpa.u1 $0x1  }
0x4d: {  	[sflag:s31] =	ssyncpa.u1 $0x1  }
0x4e: {  	p0 =	sne.s32 s1, $0x0;
	_ =	strace $0x90000047  }
0x4f: {  	s0 =	sadd.s32 @!p0 $0x100000, s0;
	[bflag:$0x2] =	sbarrier.arrive $0xFFFF  }
0x50: {  	[sflag:s0] =	ssyncadd.tile.s32 @!p0 $0x1;
	_ =	shalt  }
.Lfunc_end2:
_tile_overlayer_lowered:
.L_overlay_start_2:
0x51: {  	(tag) =	ssettag $0x2  }
0x52: {  	s0 =	rddreg [dreg:$0x0];
	s2 =	stileid.u32  }
0x53: {  	s1 =	rddreg [dreg:$0x1];
	p0 =	sne.s32 s2, $0x0  }
0x54: {  	s3 =	rddreg [dreg:$0x2];
	[bflag:$0x3] =	sbarrier.arrive $0xFFFF;
	s2 =	simm.s32 @!p0 $0x1C01  }
0x55: {  	[timem:s3], [sflag:s2] =	dma.local @!p0 [hbm:s0], s1  }
0x56: {  	s0 =	simm.s32 @!p0 $0x1  }
0x57: {  	_ =	swait.ge @!p0 [sflag:s0], s1  }
0x58: {  	s1 =	ssub.s32 @!p0 $0x0, s1;
	[sflag:s0] =	ssyncset.done @!p0 $0x0  }
0x59: {  	[sflag:s0] =	ssyncadd.s32 @!p0 s1  }
0x5a: {  	[bflag:$0x3] =	sbarrier.arrive $0xFFFF  }
0x5b: {  	_ =	shalt  }

// kernel: kernel.4.cloned.1.call-start
scs
__scs_entry_jumppad:
0x0: {  	(pc) =	sbr.rel $0x88, $3  }
0x1: {  	(tag) =	ssettag $0x0;
	lr =	simm.s32 $0x1  }
0x2: {  	[smem:$0x3F9C] =	sst lr;
	_ =	strace $0xD0000000  }
0x3: {  	_ = 	snop  }
0x4: {  	_ = 	snop  }
0x5: {  	_ = 	snop  }
0x6: {  	_ = 	snop  }
0x7: {  	_ = 	snop  }
__scs_overlays_trampoline_lowered:
0x8: {  	[smem:$0x3FAB] =	sst s0  }
0x9: {  	[smem:$0x3FAC] =	sst s1  }
0xa: {  	[smem:$0x3FAD] =	sst s2  }
0xb: {  	[smem:$0x3FAE] =	sst s3  }
0xc: {  	[smem:$0x3FAF] =	sst s4  }
0xd: {  	[smem:$0x3FB0] =	sst s5  }
0xe: {  	[smem:$0x3FB1] =	sst s6  }
0xf: {  	[smem:$0x3FB2] =	sst s7  }
0x10: {  	[smem:$0x3FB3] =	sst s8  }
0x11: {  	[smem:$0x3FB4] =	sst s9;
	s0 =	simm.s32 @!p0 $0x0  }
0x12: {  	s1 =	sld [smem:$0x3F9A];
	s0 =	simm.s32 @p0 $0x1  }
0x13: {  	[smem:$0x3FB5] =	sst s0;
	s0 =	simm.s32 @!p1 $0x0  }
0x14: {  	s2 =	sld [smem:$0x3F99];
	s0 =	simm.s32 @p1 $0x1  }
0x15: {  	[smem:$0x3FB6] =	sst s0;
	s0 =	simm.s32 @!p2 $0x0  }
0x16: {  	s3 =	sld [smem:$0x3FDB];
	s0 =	simm.s32 @p2 $0x1  }
0x17: {  	s4 =	simm.s32 $0x1BF5;
	[smem:$0x3FB8] =	sst s0  }
0x18: {  	s0 =	sld [smem:$0x3F9B];
	_ =	swait.ge [sflag:s4], $0x0  }
0x19: {  	s7 =	sld [smem:$0x3F9C]  }
0x1a: {  	s8 =	sadd.s32 $0xFFFFE003, lr  }
0x1b: {  	s9 =	sadd.s32 $0xFFFFFEF7, lr;
	s5 =	simm.s32 $0xFFFFFFFF;
	p2 =	slt.u32 s8, $0xFFFFF086  }
0x1c: {  	p1 =	slt.u32 s9, $0xF7A;
	s5 =	simm.s32 @!p2 $0x0  }
0x1d: {  	s5 =	simm.s32 @p1 $0x1;
	p0 =	seq.s32 s7, s2  }
0x1e: {  	s7 =	smul.u32 @!p0 $0xF7A, s2;
	p2 =	seq.s32 @!p0 s5, $0x0  }
0x1f: {  	s9 =	smul.u32 $0xF7A, s1;
	s8 =	simm.s32 @!p0 $0x1BF5;
	p2 =	por !p2, p0  }
0x20: {  	[sflag:s8] =	ssyncset.s32 @!p0 $0xFFFFF086;
	s6 =	sadd.s32 @!p0 s3, s7;
	s7 =	simm.s32 @!p0 $0x108  }
0x21: {  	s3 =	sadd.s32 s3, s9;
	s6 =	sadd.s32 @!p0 $0x88, s6;
	s7 =	simm.s32 @p2 $0x1082  }
0x22: {  	[simem:s7], [sflag:s8] =	dma.local @!p0 [hbm:s6], $0xF7A  }
0x23: {  	s9 =	sor.u32 $0xD0000000, s2;
	s6 =	simm.s32 $0x108;
	_ =	swait.ge @!p0 [sflag:s8], $0x0  }
0x24: {  	s3 =	sadd.s32 $0x88, s3;
	s6 =	simm.s32 @!p1 $0x1082;
	[sflag:s4] =	ssyncset.s32 $0xFFFFF086  }
0x25: {  	[simem:s6], [sflag:s4] =	dma.local [hbm:s3], $0xF7A  }
0x26: {  	[smem:$0x3F9C] =	sst s1;
	(tag) =	ssettag s2;
	_ =	strace s9  }
0x27: {  	s1 =	sld [smem:$0x3FAC]  }
0x28: {  	s2 =	sld [smem:$0x3FAD]  }
0x29: {  	s4 =	sld [smem:$0x3FAF]  }
0x2a: {  	p0 =	seq.s32 s5, $0x0;
	s5 =	sld [smem:$0x3FB0]  }
0x2b: {  	s6 =	sld [smem:$0x3FB1]  }
0x2c: {  	s7 =	sld [smem:$0x3FB2]  }
0x2d: {  	s3 =	simm.s32 $0x108;
	s8 =	sld [smem:$0x3FB3]  }
0x2e: {  	s3 =	simm.s32 @!p0 $0x1082;
	s9 =	sld [smem:$0x3FB4]  }
0x2f: {  	lr =	sadd.s32 s0, s3;
	s0 =	sld [smem:$0x3FAB]  }
0x30: {  	s3 =	sld [smem:$0x3FAE]  }
0x31: {  	[smem:$0x3FB7] =	sst s10  }
0x32: {  	s10 =	sld [smem:$0x3FB5];
	_ =	sdelay $0x3  }
0x33: {  	p0 =	seq.s32 s10, $0x1;
	s10 =	sld [smem:$0x3FB7];
	_ =	sdelay $0x3  }
0x34: {  	[smem:$0x3FB7] =	sst s10  }
0x35: {  	s10 =	sld [smem:$0x3FB6];
	_ =	sdelay $0x3  }
0x36: {  	p1 =	seq.s32 s10, $0x1;
	s10 =	sld [smem:$0x3FB7];
	_ =	sdelay $0x3  }
0x37: {  	[smem:$0x3FB7] =	sst s10  }
0x38: {  	s10 =	sld [smem:$0x3FB8]  }
0x39: {  	_ = 	snop;
	(pc) =	sbr.ind lr, $3  }
0x3a: {  	_ = 	snop  }
0x3b: {  	_ = 	snop  }
0x3c: {  	p2 =	seq.s32 s10, $0x1;
	s10 =	sld [smem:$0x3FB7]  }
0x3d: {  	_ =	shalt  }
0x3e: {  	_ =	shalt  }
0x3f: {  	_ =	shalt  }
0x40: {  	_ =	shalt  }
0x41: {  	_ =	shalt  }
0x42: {  	_ =	shalt  }
0x43: {  	_ =	shalt  }
0x44: {  	_ =	shalt  }
0x45: {  	_ =	shalt  }
0x46: {  	_ =	shalt  }
0x47: {  	_ =	shalt  }
0x48: {  	_ =	shalt  }
0x49: {  	_ =	shalt  }
0x4a: {  	_ =	shalt  }
0x4b: {  	_ =	shalt  }
0x4c: {  	_ =	shalt  }
0x4d: {  	_ =	shalt  }
0x4e: {  	_ =	shalt  }
0x4f: {  	_ =	shalt  }
0x50: {  	_ =	shalt  }
0x51: {  	_ =	shalt  }
0x52: {  	_ =	shalt  }
0x53: {  	_ =	shalt  }
0x54: {  	_ =	shalt  }
0x55: {  	_ =	shalt  }
0x56: {  	_ =	shalt  }
0x57: {  	_ =	shalt  }
0x58: {  	_ =	shalt  }
0x59: {  	_ =	shalt  }
0x5a: {  	_ =	shalt  }
0x5b: {  	_ =	shalt  }
0x5c: {  	_ =	shalt  }
0x5d: {  	_ =	shalt  }
0x5e: {  	_ =	shalt  }
0x5f: {  	_ =	shalt  }
0x60: {  	_ =	shalt  }
0x61: {  	_ =	shalt  }
0x62: {  	_ =	shalt  }
0x63: {  	_ =	shalt  }
0x64: {  	_ =	shalt  }
0x65: {  	_ =	shalt  }
0x66: {  	_ =	shalt  }
0x67: {  	_ =	shalt  }
0x68: {  	_ =	shalt  }
0x69: {  	_ =	shalt  }
0x6a: {  	_ =	shalt  }
0x6b: {  	_ =	shalt  }
0x6c: {  	_ =	shalt  }
0x6d: {  	_ =	shalt  }
0x6e: {  	_ =	shalt  }
0x6f: {  	_ =	shalt  }
0x70: {  	_ =	shalt  }
0x71: {  	_ =	shalt  }
0x72: {  	_ =	shalt  }
0x73: {  	_ =	shalt  }
0x74: {  	_ =	shalt  }
0x75: {  	_ =	shalt  }
0x76: {  	_ =	shalt  }
0x77: {  	_ =	shalt  }
0x78: {  	_ =	shalt  }
0x79: {  	_ =	shalt  }
0x7a: {  	_ =	shalt  }
0x7b: {  	_ =	shalt  }
0x7c: {  	_ =	shalt  }
0x7d: {  	_ =	shalt  }
0x7e: {  	_ =	shalt  }
0x7f: {  	_ =	shalt  }
0x80: {  	_ =	shalt  }
0x81: {  	_ =	shalt  }
0x82: {  	_ =	shalt  }
0x83: {  	_ =	shalt  }
0x84: {  	_ =	shalt  }
0x85: {  	_ =	shalt  }
0x86: {  	_ =	shalt  }
0x87: {  	_ =	shalt  }
.Lfunc_end0:
.L_simem_size_0:
called_computation.1_lowered:
.L_overlay_start_0:
0x88: {  	s2 =	sld [smem:$0x3FD9]  }
0x89: {  	s3 =	sld [smem:$0x3FFE];
	_ =	sdelay $0x1  }
0x8a: {  	s1 =	srdreg.scid  }
0x8b: {  	s0 =	sand.u32 $0x1, s1  }
0x8c: {  	s16 =	sshll.u32 s0, $0xA;
	s2 =	sadd.s32 s3, s2  }
0x8d: {  	s2 =	sadd.s32 s2, s16  }
0x8e: {  	[smem:$0x3FC3] =	sst s2  }
0x8f: {  	_ = 	snop  }
0x90: {  	(tm) =	ssettm $0x1  }
0x91: {  	s17 =	sld [smem:$0x3FFB];
	_ =	sdelay $0x3  }
0x92: {  	_ =	strace s17  }
0x93: {  	s2 =	sld [smem:$0x3FFC];
	_ =	sdelay $0x3  }
0x94: {  	_ =	strace s2  }
0x95: {  	s2 =	sld [smem:$0x3FFD];
	_ =	sdelay $0x3  }
0x96: {  	_ =	strace s2  }
0x97: {  	_ =	strace $0x8FFFFFFF  }
0x98: {  	s18 =	sld [smem:$0x3FDB];
	_ =	sdelay $0x1  }
0x99: {  	s19 =	simm.s32 $_scs_section_size  }
0x9a: {  	s4 =	simm.s32 $_size__tile_overlayer_lowered;
	s5 =	simm.s32 $_tile_overlayer_lowered  }
0x9b: {  	s22 =	simm.s32 $0x1BFF;
	s21 =	sshll.u32 s5, $0x1;
	s2 =	sadd.s32 s19, s18  }
0x9c: {  	s6 =	simm.s32 $0x0;
	s20 =	sshll.u32 s4, $0x1;
	s4 =	sadd.s32 s21, s2  }
0x9d: {  	[timem:s6], [sflag:s22] =	dma.local [hbm:s4], s20  }
0x9e: {  	_ =	swait.ge [sflag:s22], s20  }
0x9f: {  	s3 =	ssub.s32 $0x0, s20;
	[sflag:s22] =	ssyncset.done $0x0  }
0xa0: {  	[sflag:s22] =	ssyncadd.s32 s3;
	_ =	sdelay $0x1  }
0xa1: {  	s23 =	simm.s32 $0x1B8B  }
0xa2: {  	_ =	swait.ge [sflag:s23], $0x1  }
0xa3: {  	[sflag:s23] =	ssyncset.done $0x0  }
0xa4: {  	s25 =	simm.s32 $0x1B8E;
	s24 =	sld [smem:$0x3FFE];
	[sflag:s23] =	ssyncadd.s32 $0xFFFFFFFF  }
0xa5: {  	s26 =	simm.s32 $execute0_lowered;
	[smem:$0x3FD2] =	sst s25  }
0xa6: {  	s4 =	sshll.u32 s26, $0x1;
	_ =	strace $0x80000049;
	[dreg:$0x1] =	wrdreg $0xFFFFFFFF  }
0xa7: {  	s28 =	simm.s32 $_size_execute0_lowered;
	s2 =	sadd.s32 s2, s4;
	[dreg:$0x0] =	wrdreg $0x0  }
0xa8: {  	s4 =	sshll.u32 s28, $0x1;
	[dreg:$0x2] =	wrdreg s2  }
0xa9: {  	[dreg:$0x3] =	wrdreg s4  }
0xaa: {  	[dreg:$0x4] =	wrdreg $0xC0  }
0xab: {  	_ =	task [dreg:s6], $0x5FFFF  }
0xac: {  	[dreg:$0x1] =	wrdreg $0xFFFFFFFF  }
0xad: {  	[dreg:$0x0] =	wrdreg $0x60  }
0xae: {  	[dreg:$0x2] =	wrdreg s24  }
0xaf: {  	[dreg:$0x3] =	wrdreg $0x9  }
0xb0: {  	_ =	task.clear_ibuf [dreg:s6], $0x4FFFF;
	_ =	strace $0x90000049  }
0xb1: {  	s29 =	simm.s32 $0x9;
	_ =	strace $0x8000004B  }
0xb2: {  	_ =	swait.ge [sflag:s29], $0x1  }
0xb3: {  	[sflag:s29] =	ssyncadd.s32 $0xFFFFFFFF  }
0xb4: {  	_ =	strace $0x9000004B  }
0xb5: {  	_ =	sfence  }
0xb6: {  	s30 =	sld [smem:$0x0];
	_ =	sdelay $0x2  }
0xb7: {  	s31 =	sshll.u32 s1, $0xD;
	s1 =	sshrl.u32 s1, $0x2  }
0xb8: {  	s3 =	sand.u32 $0x4000, s31;
	s1 =	sadd.s32 s1, s30  }
0xb9: {  	s0 =	sor.u32 s3, s0;
	s1 =	sshll.u32 s1, $0x11  }
0xba: {  	s0 =	sor.u32 s1, s0  }
0xbb: {  	s0 =	sadd.s32 $0x8F2B, s0  }
0xbc: {  	[sflag:s0] =	ssyncadd.remote.s32 $0x1  }
0xbd: {  	_ =	sfence.sel $0xFFFF  }
0xbe: {  	[dreg:$0x0] =	wrdreg $0xFFFFFFFF;
	(pc) =	sbr.abs _section_cstart, $3  }
0xbf: {  	[dreg:$0x1] =	wrdreg $0xFFFFFFFF  }
0xc0: {  	_ =	task.clear_ibuf [dreg:s6], $0x2FFFF;
	_ =	strace $0x9FFFFFFF  }
0xc1: {  	(tm) =	ssettm $0x7FFFFFFF  }
tec
execute0_lowered:
.L_overlay_start_1:
0x0: {  	(tag) =	ssettag $0x1  }
0x1: {  	v0 =	vimm.s32 $0xEFCDAB89  }
0x2: {  	vm0 =	vcmask $0xB08;
	vm1 =	vcmask $0x300;
	v1 =	vimm.s32 $0x67452301  }
0x3: {  	v2 =	vimm.s32 $0xDCFE98BA;
	v3 =	vimm.s32 $0x54761032;
	vm2 =	vcmask $0x700  }
0x4: {  	vm3 =	vcmask $0x3B38;
	v4 =	vimm.s32 $0xFEDCBA98;
	v5 =	vimm.s32 $0x76543210  }
0x5: {  	v0 =	vunpack.c.l.s4.s8 v0;
	vm0 =	vmor vm1, vm0;
	vm1 =	vcmask $0x1310  }
0x6: {  	v1 =	vunpack.c.l.s4.s8 v1;
	v2 =	vunpack.c.l.s4.s8 v2;
	v3 =	vunpack.c.l.s4.s8 v3  }
0x7: {  	v4 =	vunpack.c.l.s4.s8 v4;
	vm0 =	vmor vm0, vm1;
	vm1 =	vcmask $0x1B18  }
0x8: {  	s0 =	rddreg [dreg:$0x0];
	s2 =	simm.s32 $0x0;
	s1 =	srdreg.scid;
	v0 =	vunpack.c.0.s8.s32 v0;
	vm0 =	vmor vm0, vm1;
	vm1 =	vcmask $0x2320  }
0x9: {  	s3 =	stileid.u32;
	s14 =	simm.s32 $0x1E0;
	s16 =	simm.s32 $0x78;
	v1 =	vunpack.c.0.s8.s32 v1;
	vm0 =	vmor vm0, vm1;
	vm1 =	vcmask $0x2B28  }
0xa: {  	s25 =	simm.s32 $0x3;
	s26 =	simm.s32 $0x2;
	s19 =	simm.s32 $0xDBC0;
	v4 =	vunpack.c.0.s8.s32 v4;
	vm0 =	vmor vm0, vm1;
	vm1 =	vcmask $0x3330  }
0xb: {  	s20 =	simm.s32 $0xFBC0;
	s21 =	simm.s32 $0x4;
	s22 =	simm.s32 $0xFDC0;
	v0 =	vcombine.low v1, v0;
	v1 =	vunpack.c.0.s8.s32 v2;
	v2 =	vunpack.c.0.s8.s32 v3  }
0xc: {  	s24 =	simm.s32 $0x6;
	[smem:$0x7FF] =	sst s2;
	s1 =	sand.u32 $0x1, s1;
	v3 =	vimm.s32 $0x32107654;
	vm0 =	vmor vm0, vm1;
	vm1 =	vcmask $0x1710  }
0xd: {  	s4 =	sshll.u32 s3, $0x1;
	s3 =	sadd.s32 $0x1EE3600, s0;
	s5 =	sadd.s32 $0xF83200, s0;
	v3 =	vunpack.c.l.s4.s8 v3;
	v1 =	vcombine.low v2, v1;
	v2 =	vimm.s32 $0xBA98FEDC  }
0xe: {  	s6 =	sadd.s32 $0xFC1200, s0;
	s7 =	sor.u32 s1, s4;
	s1 =	ssub.s32 $0x2, s1;
	vm1 =	vmor vm2, vm1;
	vm2 =	vcmask $0x2720;
	v2 =	vunpack.c.l.s4.s8 v2  }
0xf: {  	v5 =	vunpack.c.l.s4.s8 v5;
	_ =	strace $0x8000004A;
	s8 =	smul.u32 $0xF00, s7;
	s29 =	sshrl.u32 s1, $0x1;
	v4 =	vand.u32 $0xF, v4;
	vm1 =	vmor vm1, vm2  }
0x10: {  	s4 =	sadd.s32 $0xFA1200, s0;
	s30 =	sshll.u32 s7, $0xC;
	s0 =	ssub.s32 s1, s29;
	vm2 =	vcmask $0x3730;
	v3 =	vunpack.c.0.s8.s32 v3;
	v2 =	vunpack.c.0.s8.s32 v2  }
0x11: {  	s10 =	sadd.s32 s4, s30;
	s11 =	sor.u32 $0x40, s30;
	s9 =	sadd.s32 s5, s8;
	vm0 =	vmor vm0, vm3;
	vm3 =	vcmask $0xF00;
	vm1 =	vmor vm1, vm2  }
0x12: {  	s12 =	sadd.s32 s6, s30;
	s0 =	smax.u32 s0, $0x1;
	[dreg:$0x2] =	wrdreg s9;
	vm2 =	vcmask $0x2F20;
	v2 =	vcombine.low v3, v2;
	v3 =	vunpack.c.0.s8.s32 v5  }
0x13: {  	s8 =	sshll.u32 s7, $0x9;
	s31 =	sadd.s32 $0x3C, s9;
	[dreg:$0x4] =	wrdreg s0;
	v0 =	vand.u32 $0xF, v0;
	v1 =	vand.u32 $0xF, v1;
	vm2 =	vmor vm3, vm2  }
0x14: {  	s1 =	simm.s32 $0x0;
	s13 =	sor.u32 $0x18, s8;
	[dreg:$0x3] =	wrdreg s31;
	vm3 =	vmmov $0xff;
	v2 =	vand.u32 $0xF, v2;
	v3 =	vcombine.low v4, v3  }
.LBB2_1:
0x15: {  	[dreg:$0x5] =	wrdreg s1  }
0x16: {  	s0 =	rddreg [dreg:$0x2]  }
0x17: {  	[tilespmem:s2], [sflag:$0x1] =	stream.linear.gather [hbm4b:s0+s2], $0x1E0, $0x38;
	[tilespmem:$0xFFC0] =	vst v63  }
0x18: {  	s9 =	rddreg [dreg:$0x3];
	s15 =	simm.s32 $0x1  }
0x19: {  	[tilespmem:s14], [sflag:$0x2] =	stream.linear.gather [hbm4b:s9+s2], $0x1E0, $0x38;
	[tilespmem:$0xFFC0] =	vst v63  }
0x1a: {  	_ =	swait.ge [sflag:s15], $0x1E0  }
0x1b: {  	[sflag:s15] =	ssyncset.done $0x0  }
0x1c: {  	s17 =	simm.s32 $0x3C0;
	[sflag:s15] =	ssyncadd.s32 $0xFFFFFE20  }
0x1d: {  	[tilespmem:s17], [sflag:$0x3] =	stream.linear.gather [hbm4b:s10+s2], $0x200, $0x38;
	[tilespmem:$0xFFC0] =	vst v63  }
0x1e: {  	s18 =	simm.s32 $0x7C0  }
0x1f: {  	[tilespmem:s18], [sflag:$0x3] =	stream.indirect.gather [hbm4b:s3+s16], $0x40, s2, s16, $0xb8;
	[tilespmem:$0xFFC0] =	vst v63  }
0x20: {  	s23 =	simm.s32 $0x25C0  }
0x21: {  	[tilespmem:s23], [sflag:$0x3] =	stream.indirect.gather [hbm4b:s3+s16], $0x40, s16, s16, $0xb8;
	[tilespmem:$0xFFC0] =	vst v63  }
0x22: {  	s28 =	simm.s32 $0xF0;
	s29 =	simm.s32 $0x43C0  }
0x23: {  	[tilespmem:s29], [sflag:$0x3] =	stream.indirect.gather [hbm4b:s3+s16], $0x40, s28, s16, $0xb8;
	[tilespmem:$0xFFC0] =	vst v63  }
0x24: {  	s30 =	simm.s32 $0x168;
	s31 =	simm.s32 $0x61C0;
	s17 =	simm.s32 $0x0  }
0x25: {  	[tilespmem:s31], [sflag:$0x3] =	stream.indirect.gather [hbm4b:s3+s16], $0x40, s30, s16, $0xb8;
	[tilespmem:$0xFFC0] =	vst v63  }
.LBB2_2:
0x26: {  	_ =	swait.ge [sflag:s25], $0x200  }
0x27: {  	[sflag:s25] =	ssyncset.done $0x0  }
0x28: {  	[sflag:s25] =	ssyncadd.s32 $0xFFFFFE00  }
0x29: {  	_ =	swait.ge [sflag:s25], $0x1E00  }
0x2a: {  	[sflag:s25] =	ssyncset.done $0x0  }
0x2b: {  	[sflag:s25] =	ssyncadd.s32 $0xFFFFE200  }
0x2c: {  	_ =	swait.ge [sflag:s25], $0x1E00  }
0x2d: {  	s0 =	sshll.u32 s17, $0x1;
	[sflag:s25] =	ssyncset.done $0x0  }
0x2e: {  	p0 =	seq.s32 s17, $0x1F;
	s18 =	sadd.s32 $0x2, s0;
	[sflag:s25] =	ssyncadd.s32 $0xFFFFE200  }
0x2f: {  	s0 =	sshll.u32 @!p0 s18, $0x3;
	_ =	swait.ge [sflag:s25], $0x1E00  }
0x30: {  	s0 =	sadd.s32 @!p0 s8, s0;
	[sflag:s25] =	ssyncset.done $0x0  }
0x31: {  	s0 =	smul.u32 @!p0 $0x3C, s0;
	[sflag:s25] =	ssyncadd.s32 $0xFFFFE200  }
0x32: {  	_ =	swait.ge [sflag:s25], $0x1E00  }
0x33: {  	s0 =	sshrl.u32 @!p0 s0, $0x3;
	[sflag:s25] =	ssyncset.done $0x0  }
0x34: {  	s7 =	simm.s32 @!p0 $0x0;
	s0 =	sadd.s32 @!p0 s5, s0;
	[sflag:s25] =	ssyncadd.s32 $0xFFFFE200  }
0x35: {  	[tilespmem:s7], [sflag:$0x1] =	stream.linear.gather @!p0 [hbm4b:s0+s7], $0x1E0, $0x38;
	[tilespmem:$0xFFC0] =	vst v63  }
0x36: {  	s23 =	sshll.u32 s17, $0x7;
	_ =	swait.ge [sflag:s26], $0x1E0  }
0x37: {  	s7 =	sadd.s32 s11, s23;
	[sflag:s26] =	ssyncset.done $0x0  }
0x38: {  	s1 =	simm.s32 $0x5C0;
	s15 =	sadd.s32 s4, s7;
	[sflag:s26] =	ssyncadd.s32 $0xFFFFFE20  }
0x39: {  	[tilespmem:s1], [sflag:$0x4] =	stream.linear.gather [hbm4b:s15+s2], $0x200, $0x38;
	[tilespmem:$0xFFC0] =	vst v63  }
0x3a: {  	s1 =	simm.s32 $0x81C0  }
0x3b: {  	[tilespmem:s1], [sflag:$0x4] =	stream.indirect.gather [hbm4b:s3+s16], $0x40, s14, s16, $0xb8;
	[tilespmem:$0xFFC0] =	vst v63  }
0x3c: {  	s9 =	simm.s32 $0x258;
	s15 =	simm.s32 $0x9FC0  }
0x3d: {  	[tilespmem:s15], [sflag:$0x4] =	stream.indirect.gather [hbm4b:s3+s16], $0x40, s9, s16, $0xb8;
	[tilespmem:$0xFFC0] =	vst v63  }
0x3e: {  	p1 =	seq.s32 s17, $0x0;
	s9 =	simm.s32 $0x2D0;
	s15 =	simm.s32 $0xBDC0  }
0x3f: {  	[tilespmem:s15], [sflag:$0x4] =	stream.indirect.gather [hbm4b:s3+s16], $0x40, s9, s16, $0xb8;
	[tilespmem:$0xFFC0] =	vst v63  }
0x40: {  	s0 =	simm.s32 @!p1 $0x5;
	s9 =	simm.s32 $0x348  }
0x41: {  	[tilespmem:s19], [sflag:$0x4] =	stream.indirect.gather [hbm4b:s3+s16], $0x40, s9, s16, $0xb8;
	[tilespmem:$0xFFC0] =	vst v63  }
0x42: {  	_ =	swait.ge @!p1 [sflag:s0], $0x200  }
0x43: {  	s9 =	simm.s32 $0x0;
	[sflag:s0] =	ssyncset.done @!p1 $0x0  }
0x44: {  	s15 =	simm.s32 $0x0;
	s9 =	sand.u32 $0xFFFFFFC0, s9;
	[sflag:s0] =	ssyncadd.s32 @!p1 $0xFFFFFE00  }
0x45: {  	s0 =	sand.u32 $0xFFFFFC00, s15;
	v5 =	vld [tilespmem:s9+$0x3F0]  }
0x46: {  	s0 =	ssub.s32 $0x0, s0;
	v4 =	vld [tilespmem:s9+$0x3E0]  }
0x47: {  	v7 =	vld [tilespmem:s9+$0x3C0];
	s0 =	sshra.s32 s0, $0x2  }
0x48: {  	v6 =	vld [tilespmem:s9+$0x3D0];
	s0 =	sadd.s32 $0x7C0, s0  }
0x49: {  	v8 =	vld [tilespmem:s0+$0x430]  }
0x4a: {  	v9 =	vld [tilespmem:s0+$0x470]  }
0x4b: {  	v10 =	vld [tilespmem:s0+$0x4B0]  }
0x4c: {  	v11 =	vld [tilespmem:s0+$0x4F0]  }
0x4d: {  	v12 =	vld [tilespmem:s0+$0x530]  }
0x4e: {  	v13 =	vld [tilespmem:s0+$0x570]  }
0x4f: {  	v14 =	vld [tilespmem:s0+$0x5B0]  }
0x50: {  	v15 =	vld [tilespmem:s0+$0x5F0]  }
0x51: {  	v16 =	vld [tilespmem:s0+$0x420]  }
0x52: {  	v17 =	vld [tilespmem:s0+$0x460]  }
0x53: {  	v18 =	vld [tilespmem:s0+$0x4A0]  }
0x54: {  	v19 =	vld [tilespmem:s0+$0x4E0]  }
0x55: {  	v20 =	vld [tilespmem:s0+$0x520]  }
0x56: {  	v21 =	vld [tilespmem:s0+$0x560]  }
0x57: {  	v22 =	vld [tilespmem:s0+$0x5A0]  }
0x58: {  	v23 =	vld [tilespmem:s0+$0x5E0]  }
0x59: {  	v24 =	vld [tilespmem:s0+$0x400]  }
0x5a: {  	v25 =	vld [tilespmem:s0+$0x410]  }
0x5b: {  	v26 =	vld [tilespmem:s0+$0x440]  }
0x5c: {  	v27 =	vld [tilespmem:s0+$0x450]  }
0x5d: {  	v28 =	vld [tilespmem:s0+$0x480]  }
0x5e: {  	v29 =	vld [tilespmem:s0+$0x490]  }
0x5f: {  	v30 =	vld [tilespmem:s0+$0x4C0]  }
0x60: {  	v31 =	vld [tilespmem:s0+$0x4D0]  }
0x61: {  	v32 =	vld [tilespmem:s0+$0x500]  }
0x62: {  	v33 =	vld [tilespmem:s0+$0x510]  }
0x63: {  	v34 =	vld [tilespmem:s0+$0x540]  }
0x64: {  	v35 =	vld [tilespmem:s0+$0x550]  }
0x65: {  	v36 =	vld [tilespmem:s0+$0x580]  }
0x66: {  	v37 =	vld [tilespmem:s0+$0x590]  }
0x67: {  	v38 =	vld [tilespmem:s0+$0x5C0]  }
0x68: {  	v41 =	vld [tilespmem:s0+$0x5D0]  }
0x69: {  	v42 =	vld [tilespmem:s0+$0x600]  }
0x6a: {  	v43 =	vld [tilespmem:s0+$0x610];
	v39 =	vmul.f32 v8, v5;
	v40 =	vmul.f32 v9, v5  }
0x6b: {  	v44 =	vld [tilespmem:s0+$0x680];
	v10 =	vmul.f32 v10, v5;
	v11 =	vmul.f32 v11, v5  }
0x6c: {  	v45 =	vld [tilespmem:s0+$0x690];
	v12 =	vmul.f32 v12, v5;
	v13 =	vmul.f32 v13, v5  }
0x6d: {  	v46 =	vld [tilespmem:s0+$0x6C0];
	v8 =	vmul.f32 v14, v5;
	v9 =	vmul.f32 v15, v5  }
0x6e: {  	v47 =	vld [tilespmem:s0+$0x6D0];
	v15 =	vmul.f32 v16, v4;
	v16 =	vmul.f32 v17, v4  }
0x6f: {  	v48 =	vld [tilespmem:s0+$0x700];
	v18 =	vmul.f32 v18, v4;
	v19 =	vmul.f32 v19, v4  }
0x70: {  	v49 =	vld [tilespmem:s0+$0x710];
	v24 =	vmul.f32 v24, v7;
	v25 =	vmul.f32 v25, v6  }
0x71: {  	v50 =	vld [tilespmem:s0+$0x740];
	v26 =	vmul.f32 v26, v7;
	v27 =	vmul.f32 v27, v6  }
0x72: {  	v51 =	vld [tilespmem:s0+$0x750];
	v28 =	vmul.f32 v28, v7;
	v29 =	vmul.f32 v29, v6  }
0x73: {  	v52 =	vld [tilespmem:s0+$0x780];
	v30 =	vmul.f32 v30, v7;
	v31 =	vmul.f32 v31, v6  }
0x74: {  	v53 =	vld [tilespmem:s0+$0x790];
	v32 =	vmul.f32 v32, v7;
	v33 =	vmul.f32 v33, v6  }
0x75: {  	v54 =	vld [tilespmem:s0+$0x7C0];
	v34 =	vmul.f32 v34, v7;
	v35 =	vmul.f32 v35, v6  }
0x76: {  	v55 =	vld [tilespmem:s0+$0x7D0];
	v36 =	vmul.f32 v36, v7;
	v37 =	vmul.f32 v37, v6  }
0x77: {  	v56 =	vld [tilespmem:s0+$0x620];
	v38 =	vmul.f32 v38, v7;
	v41 =	vmul.f32 v41, v6  }
0x78: {  	v58 =	vld [tilespmem:s0+$0x7A0];
	v42 =	vmul.f32 v42, v7;
	v43 =	vmul.f32 v43, v6  }
0x79: {  	v59 =	vld [tilespmem:s0+$0x7E0];
	v44 =	vmul.f32 v44, v7;
	v45 =	vmul.f32 v45, v6  }
0x7a: {  	v62 =	vld [tilespmem:s0+$0x630];
	v46 =	vmul.f32 v46, v7;
	v47 =	vmul.f32 v47, v6  }
0x7b: {  	v14 =	vld [tilespmem:s0+$0x640];
	v48 =	vmul.f32 v48, v7;
	v49 =	vmul.f32 v49, v6;
	v24 =	vadd.f32 v25, v24  }
0x7c: {  	v17 =	vld [tilespmem:s0+$0x650];
	v50 =	vmul.f32 v50, v7;
	v26 =	vadd.f32 v27, v26;
	v28 =	vadd.f32 v29, v28  }
0x7d: {  	v57 =	vmul.f32 v53, v6;
	v53 =	vld [tilespmem:s0+$0x670];
	v30 =	vadd.f32 v31, v30;
	v32 =	vadd.f32 v33, v32  }
0x7e: {  	v63 =	vmul.f32 v56, v4;
	v56 =	vld [tilespmem:s0+$0x7B0];
	v33 =	vadd.f32 v35, v34;
	v36 =	vadd.f32 v37, v36  }
0x7f: {  	v25 =	vld [tilespmem:s0+$0x660];
	v31 =	vmul.f32 v51, v6;
	v37 =	vadd.f32 v41, v38;
	v42 =	vadd.f32 v43, v42  }
0x80: {  	v27 =	vld [tilespmem:s0+$0x6A0];
	v34 =	vmul.f32 v52, v7;
	v44 =	vadd.f32 v45, v44;
	v60 =	vadd.f32 v47, v46  }
0x81: {  	v20 =	vmul.f32 v20, v4;
	v29 =	vld [tilespmem:s0+$0x6E0];
	v48 =	vadd.f32 v49, v48;
	v31 =	vadd.f32 v31, v50  }
0x82: {  	v21 =	vmul.f32 v21, v4;
	v51 =	vld [tilespmem:s0+$0x720];
	v34 =	vadd.f32 v57, v34;
	v15 =	vadd.f32 v15, v24  }
0x83: {  	v22 =	vmul.f32 v22, v4;
	v35 =	vld [tilespmem:s0+$0x760];
	v16 =	vadd.f32 v16, v26;
	v18 =	vadd.f32 v18, v28  }
0x84: {  	v23 =	vmul.f32 v23, v4;
	v41 =	vld [tilespmem:s0+$0x0];
	v19 =	vadd.f32 v19, v30;
	v20 =	vadd.f32 v20, v32  }
0x85: {  	v61 =	vmul.f32 v55, v6;
	v38 =	vld [tilespmem:s0+$0x50];
	v21 =	vadd.f32 v21, v33;
	v22 =	vadd.f32 v22, v36  }
0x86: {  	v52 =	vld [tilespmem:s0+$0x150];
	v23 =	vadd.f32 v23, v37;
	v57 =	vadd.f32 v63, v42;
	v14 =	vmul.f32 v14, v7  }
0x87: {  	v47 =	vld [tilespmem:s0+$0x310];
	v17 =	vmul.f32 v17, v6;
	v15 =	vadd.f32 v39, v15;
	v16 =	vadd.f32 v40, v16  }
0x88: {  	v59 =	vmul.f32 v59, v4;
	v26 =	vld [tilespmem:s0+$0x6F0];
	v10 =	vadd.f32 v10, v18;
	v11 =	vadd.f32 v11, v19  }
0x89: {  	v28 =	vld [tilespmem:s0+$0x730];
	v14 =	vadd.f32 v17, v14;
	v17 =	vmul.f32 v54, v7;
	v25 =	vmul.f32 v25, v4  }
0x8a: {  	v30 =	vld [tilespmem:s0+$0x770];
	v12 =	vadd.f32 v12, v20;
	v24 =	vmul.f32 v27, v4;
	v27 =	vmul.f32 v29, v4  }
0x8b: {  	v32 =	vld [tilespmem:s0+$0x10];
	v13 =	vadd.f32 v13, v21;
	v29 =	vmul.f32 v51, v4;
	v55 =	vmul.f32 v35, v4  }
0x8c: {  	v33 =	vld [tilespmem:s0+$0x100];
	v8 =	vadd.f32 v8, v22;
	v41 =	vmul.f32 v41, v7;
	v38 =	vmul.f32 v38, v6  }
0x8d: {  	v50 =	vld [tilespmem:s0+$0x140];
	v9 =	vadd.f32 v9, v23;
	v63 =	vperm.xlane v16, v0;
	v49 =	vperm.xlane v11, v0  }
0x8e: {  	v36 =	vld [tilespmem:s0+$0x120];
	v51 =	vperm.xlane v13, v0;
	v17 =	vadd.f32 v61, v17;
	v14 =	vadd.f32 v25, v14  }
0x8f: {  	v19 =	vld [tilespmem:s0+$0x80];
	v25 =	vmul.f32 v58, v4;
	v24 =	vadd.f32 v24, v44;
	v27 =	vadd.f32 v27, v60  }
0x90: {  	v21 =	vld [tilespmem:s0+$0x90];
	v60 =	vmul.f32 v62, v5;
	v29 =	vadd.f32 v29, v48;
	v61 =	vmul.f32 v53, v5  }
0x91: {  	v23 =	vld [tilespmem:s0+$0xC0];
	v31 =	vadd.f32 v55, v31;
	v18 =	vmul.f32 v26, v5;
	v20 =	vmul.f32 v28, v5  }
0x92: {  	v39 =	vld [tilespmem:s0+$0x160];
	v22 =	vmul.f32 v30, v5;
	v28 =	vmul.f32 v56, v5;
	v16 =	vadd.f32 v63, v16  }
0x93: {  	v54 =	vld [tilespmem:s0+$0x6B0];
	v53 =	vperm.xlane v9, v0;
	v11 =	vadd.f32 v49, v11;
	v13 =	vadd.f32 v51, v13  }
0x94: {  	v58 =	vld [tilespmem:s0+$0x7F0];
	v32 =	vmul.f32 v32, v6;
	v25 =	vadd.f32 v25, v34;
	v17 =	vadd.f32 v59, v17  }
0x95: {  	v30 =	vld [tilespmem:s0+$0xD0];
	v33 =	vmul.f32 v33, v7;
	v26 =	vadd.f32 v60, v57;
	v14 =	vadd.f32 v61, v14  }
0x96: {  	v48 =	vld [tilespmem:s0+$0x110];
	v49 =	vmul.f32 v52, v6;
	v18 =	vadd.f32 v18, v27;
	v20 =	vadd.f32 v20, v29  }
0x97: {  	v56 =	vld [tilespmem:s0+$0x190];
	v29 =	vperm.xlane v15, v0;
	v22 =	vadd.f32 v22, v31;
	v31 =	vperm.xlane v10, v0  }
0x98: {  	v51 =	vld [tilespmem:s0+$0x1A0];
	v9 =	vadd.f32 v53, v9;
	v19 =	vmul.f32 v19, v7;
	v23 =	vmul.f32 v23, v7  }
0x99: {  	v34 =	vld [tilespmem:s0+$0x40];
	v62 =	vmul.f32 v54, v5;
	v25 =	vadd.f32 v28, v25;
	v28 =	vperm.xlane v12, v0  }
0x9a: {  	v57 =	vld [tilespmem:s0+$0x1C0];
	v15 =	vadd.f32 v29, v15;
	v29 =	vperm.xlane v26, v0;
	v55 =	vperm.xlane v14, v0  }
0x9b: {  	v59 =	vld [tilespmem:s0+$0x200];
	v10 =	vadd.f32 v31, v10;
	v24 =	vadd.f32 v62, v24;
	v27 =	vmul.f32 v58, v5  }
0x9c: {  	v60 =	vld [tilespmem:s0+$0x210];
	v30 =	vmul.f32 v30, v6;
	v48 =	vmul.f32 v48, v6;
	v12 =	vadd.f32 v28, v12  }
0x9d: {  	v61 =	vld [tilespmem:s0+$0x240];
	v28 =	vperm.xlane v18, v0;
	v26 =	vadd.f32 v29, v26;
	v29 =	vperm.xlane v22, v0  }
0x9e: {  	v54 =	vld [tilespmem:s0+$0x180];
	v14 =	vadd.f32 v55, v14;
	v15 =	vsel vm0, v15, v16;
	v10 =	vsel vm0, v10, v11  }
0x9f: {  	v58 =	vld [tilespmem:s0+$0x1D0];
	v17 =	vadd.f32 v27, v17;
	v27 =	vperm.xlane v8, v0;
	v31 =	vperm.xlane v24, v0  }
0xa0: {  	v16 =	vld [tilespmem:s0+$0x290];
	v23 =	vadd.f32 v30, v23;
	v33 =	vadd.f32 v48, v33;
	v52 =	vmul.f32 v57, v7  }
0xa1: {  	v55 =	vmul.f32 v59, v7;
	v57 =	vld [tilespmem:s0+$0x220];
	v18 =	vadd.f32 v28, v18;
	v22 =	vadd.f32 v29, v22  }
0xa2: {  	v59 =	vld [tilespmem:s0+$0x260];
	v12 =	vsel vm0, v12, v13;
	v8 =	vadd.f32 v27, v8;
	v27 =	vperm.xlane v20, v0  }
0xa3: {  	v28 =	vld [tilespmem:s0+$0x250];
	v30 =	vmul.f32 v54, v7;
	v24 =	vadd.f32 v31, v24;
	v31 =	vperm.xlane v25, v0  }
0xa4: {  	v29 =	vld [tilespmem:s0+$0x280];
	v53 =	vmul.f32 v58, v6;
	v58 =	vmul.f32 v61, v7;
	v20 =	vadd.f32 v27, v20  }
0xa5: {  	v54 =	vld [tilespmem:s0+$0x1E0];
	v27 =	vperm.xlane v17, v0;
	v25 =	vadd.f32 v31, v25;
	v8 =	vsel vm0, v8, v9  }
0xa6: {  	v48 =	vld [tilespmem:s0+$0x3E0];
	v13 =	vsel vm0, v24, v18;
	v18 =	vperm.xlane v10, v1;
	v16 =	vmul.f32 v16, v6  }
0xa7: {  	v61 =	vld [tilespmem:s0+$0x2E0];
	v9 =	vsel vm0, v26, v14;
	v26 =	vperm.xlane v8, v1;
	v31 =	vperm.xlane v13, v1  }
0xa8: {  	v14 =	vld [tilespmem:s0+$0x2C0];
	v11 =	vadd.f32 v27, v17;
	v17 =	vperm.xlane v15, v1;
	v20 =	vsel vm0, v20, v22  }
0xa9: {  	v24 =	vld [tilespmem:s0+$0x2D0];
	v22 =	vperm.xlane v12, v1;
	v10 =	vadd.f32 v18, v10;
	v28 =	vmul.f32 v28, v6  }
0xaa: {  	v27 =	vld [tilespmem:s0+$0x300];
	v29 =	vmul.f32 v29, v7;
	v37 =	vmul.f32 v54, v4;
	v8 =	vadd.f32 v26, v8  }
0xab: {  	v18 =	vld [tilespmem:s0+$0x340];
	v13 =	vadd.f32 v31, v13;
	v31 =	vmul.f32 v34, v7;
	v34 =	vadd.f32 v53, v52  }
0xac: {  	v54 =	vld [tilespmem:s0+$0x1B0];
	v52 =	vmul.f32 v59, v4;
	v11 =	vsel vm0, v25, v11;
	v25 =	vperm.xlane v9, v1  }
0xad: {  	v26 =	vld [tilespmem:s0+$0x350];
	v15 =	vadd.f32 v17, v15;
	v17 =	vperm.xlane v20, v1;
	v12 =	vadd.f32 v22, v12  }
0xae: {  	v59 =	vld [tilespmem:s0+$0x2F0];
	v28 =	vadd.f32 v28, v58;
	v16 =	vadd.f32 v16, v29;
	v40 =	vmul.f32 v61, v4  }
0xaf: {  	v29 =	vld [tilespmem:s0+$0x360];
	v22 =	vperm.xlane v11, v1;
	v31 =	vadd.f32 v38, v31;
	v14 =	vmul.f32 v14, v7  }
0xb0: {  	v58 =	vld [tilespmem:s0+$0x2B0];
	v24 =	vmul.f32 v24, v6;
	v34 =	vadd.f32 v37, v34;
	v9 =	vadd.f32 v25, v9  }
0xb1: {  	v25 =	vld [tilespmem:s0+$0x380];
	v17 =	vadd.f32 v17, v20;
	v10 =	vsel vm1, v15, v10;
	v8 =	vsel vm1, v12, v8  }
0xb2: {  	v20 =	vld [tilespmem:s0+$0x390];
	v28 =	vadd.f32 v52, v28;
	v11 =	vadd.f32 v22, v11;
	v12 =	vperm.xlane v10, v2  }
0xb3: {  	v15 =	vld [tilespmem:s0+$0x3C0];
	v22 =	vadd.f32 v32, v41;
	v27 =	vmul.f32 v27, v7;
	v18 =	vmul.f32 v18, v7  }
0xb4: {  	v41 =	vld [tilespmem:s0+$0x20];
	v9 =	vsel vm1, v9, v13;
	v13 =	vperm.xlane v8, v2;
	v26 =	vmul.f32 v26, v6  }
0xb5: {  	v32 =	vld [tilespmem:s0+$0xE0];
	v11 =	vsel vm1, v17, v11;
	v62 =	vperm.xlane v9, v2;
	v12 =	vadd.f32 v12, v10  }
0xb6: {  	v17 =	vld [tilespmem:s0+$0x3D0];
	v29 =	vmul.f32 v29, v4;
	v63 =	vperm.xlane v11, v2;
	v13 =	vadd.f32 v13, v8  }
0xb7: {  	v8 =	vld [tilespmem:s0+$0x60];
	v18 =	vadd.f32 v26, v18;
	v10 =	vadd.f32 v62, v9;
	v9 =	vmul.f32 v21, v6  }
0xb8: {  	v14 =	vadd.f32 v24, v14;
	v26 =	vld [tilespmem:s0+$0x70];
	v62 =	vmul.f32 v47, v6;
	v24 =	vmul.f32 v25, v7  }
0xb9: {  	v21 =	vld [tilespmem:s0+$0xA0];
	v20 =	vmul.f32 v20, v6;
	v11 =	vadd.f32 v63, v11;
	v18 =	vadd.f32 v29, v18  }
0xba: {  	v25 =	vld [tilespmem:s0+$0x3A0];
	v9 =	vadd.f32 v9, v19;
	v19 =	vmul.f32 v50, v7;
	v50 =	vmul.f32 v56, v6  }
0xbb: {  	v63 =	vld [tilespmem:s0+$0x320];
	v56 =	vmul.f32 v60, v6;
	v27 =	vadd.f32 v62, v27;
	v7 =	vmul.f32 v15, v7  }
0xbc: {  	v29 =	vld [tilespmem:s0+$0x370];
	v15 =	vmul.f32 v41, v4;
	v20 =	vadd.f32 v20, v24;
	v24 =	vmul.f32 v32, v4  }
0xbd: {  	v60 =	vld [tilespmem:s0+$0x2A0];
	v6 =	vmul.f32 v17, v6;
	v19 =	vadd.f32 v49, v19;
	v30 =	vadd.f32 v50, v30  }
0xbe: {  	v17 =	vld [tilespmem:s0+$0x30];
	v38 =	vadd.f32 v56, v55;
	v8 =	vmul.f32 v8, v4;
	v49 =	vmul.f32 v36, v4  }
0xbf: {  	v50 =	vmul.f32 v51, v4;
	v51 =	vmul.f32 v57, v4;
	v23 =	vadd.f32 v24, v23;
	v24 =	vld [tilespmem:s0+$0x170]  }
0xc0: {  	v55 =	vld [tilespmem:s0+$0x230];
	v26 =	vmul.f32 v26, v5;
	v21 =	vmul.f32 v21, v4;
	v6 =	vadd.f32 v6, v7  }
0xc1: {  	v57 =	vld [tilespmem:s0+$0x270];
	v7 =	vadd.f32 v15, v22;
	v22 =	vmul.f32 v39, v4;
	v25 =	vmul.f32 v25, v4  }
0xc2: {  	v15 =	vld [tilespmem:s0+$0xB0];
	v8 =	vadd.f32 v8, v31;
	v53 =	vmul.f32 v63, v4;
	v32 =	vadd.f32 v49, v33  }
0xc3: {  	v31 =	vld [tilespmem:s0+$0xF0];
	v30 =	vadd.f32 v50, v30;
	v56 =	vadd.f32 v51, v38;
	v29 =	vmul.f32 v29, v5  }
0xc4: {  	v9 =	vadd.f32 v21, v9;
	v21 =	vld [tilespmem:s0+$0x130];
	v35 =	vmul.f32 v60, v4;
	v19 =	vadd.f32 v22, v19  }
0xc5: {  	v22 =	vld [tilespmem:s0+$0x1F0];
	v4 =	vmul.f32 v48, v4;
	v20 =	vadd.f32 v25, v20;
	v27 =	vadd.f32 v53, v27  }
0xc6: {  	s1 =	simm.s32 $0x20;
	v25 =	vld [tilespmem:s0+$0x330];
	v17 =	vmul.f32 v17, v5;
	v26 =	vadd.f32 v26, v8;
	v16 =	vadd.f32 v35, v16  }
0xc7: {  	s9 =	sand.u32 $0xFFFFFFC0, s1;
	v60 =	vld [tilespmem:s0+$0x3B0];
	v24 =	vmul.f32 v24, v5;
	v6 =	vadd.f32 v4, v6;
	v8 =	vmul.f32 v55, v5  }
0xc8: {  	s28 =	simm.s32 $0x200;
	v4 =	vld [tilespmem:s9+$0x3F0];
	v15 =	vmul.f32 v15, v5;
	v17 =	vadd.f32 v17, v7;
	v31 =	vmul.f32 v31, v5  }
0xc9: {  	s15 =	sand.u32 $0xFFFFFC00, s28;
	v7 =	vmul.f32 v54, v5;
	v19 =	vadd.f32 v24, v19;
	v61 =	vadd.f32 v8, v56;
	v8 =	vld [tilespmem:s9+$0x3C0]  }
0xca: {  	v15 =	vadd.f32 v15, v9;
	v9 =	vmul.f32 v57, v5;
	v23 =	vadd.f32 v31, v23;
	v31 =	vld [tilespmem:s0+$0x3F0];
	s0 =	ssub.s32 $0x0, s15  }
0xcb: {  	v22 =	vmul.f32 v22, v5;
	v24 =	vadd.f32 v7, v30;
	v30 =	vmul.f32 v58, v5;
	v7 =	vld [tilespmem:s9+$0x3E0];
	s0 =	sshra.s32 s0, $0x2  }
0xcc: {  	v25 =	vmul.f32 v25, v5;
	v33 =	vmul.f32 v60, v5;
	v28 =	vadd.f32 v9, v28;
	v9 =	vld [tilespmem:s9+$0x3D0];
	s9 =	sadd.s32 $0xFC0, s0  }
0xcd: {  	v22 =	vadd.f32 v22, v34;
	v16 =	vadd.f32 v30, v16;
	v30 =	vperm.xlane v17, v0;
	v34 =	vld [tilespmem:s9+$0x430]  }
0xce: {  	v25 =	vadd.f32 v25, v27;
	v27 =	vperm.xlane v26, v0;
	v20 =	vadd.f32 v33, v20;
	v33 =	vld [tilespmem:s9+$0x4B0]  }
0xcf: {  	v18 =	vadd.f32 v29, v18;
	v29 =	vperm.xlane v15, v0;
	v17 =	vadd.f32 v30, v17;
	v30 =	vld [tilespmem:s9+$0x530]  }
0xd0: {  	v26 =	vadd.f32 v27, v26;
	v27 =	vld [tilespmem:s9+$0x570]  }
0xd1: {  	v15 =	vadd.f32 v29, v15;
	v29 =	vld [tilespmem:s9+$0x5B0]  }
0xd2: {  	v14 =	vadd.f32 v40, v14;
	v62 =	vmul.f32 v59, v5;
	v35 =	vld [tilespmem:s9+$0x5F0]  }
0xd3: {  	v39 =	vsel vm2, v12, v13;
	v21 =	vmul.f32 v21, v5;
	v52 =	vperm.xlane v61, v0;
	v36 =	vld [tilespmem:s9+$0x420]  }
0xd4: {  	v14 =	vadd.f32 v62, v14;
	v44 =	vperm.xlane v39, v3;
	v60 =	vld [tilespmem:s9+$0x5A0]  }
0xd5: {  	v21 =	vadd.f32 v21, v32;
	v50 =	vperm.xlane v24, v0;
	v32 =	vadd.f32 v52, v61;
	v61 =	vld [tilespmem:s9+$0x4C0]  }
0xd6: {  	v10 =	vsel vm2, v10, v11;
	v55 =	vperm.xlane v14, v0;
	v57 =	vperm.xlane v18, v0;
	v62 =	vld [tilespmem:s9+$0x500]  }
0xd7: {  	v39 =	vadd.f32 v44, v39;
	v49 =	vperm.xlane v19, v0;
	v24 =	vadd.f32 v50, v24;
	v50 =	vld [tilespmem:s9+$0x510]  }
0xd8: {  	v14 =	vadd.f32 v55, v14;
	v18 =	vadd.f32 v57, v18;
	v63 =	vperm.xlane v23, v0;
	v37 =	vld [tilespmem:s9+$0x610]  }
0xd9: {  	v19 =	vadd.f32 v49, v19;
	v48 =	vperm.xlane v21, v0;
	v51 =	vperm.xlane v22, v0;
	v52 =	vld [tilespmem:s9+$0x640]  }
0xda: {  	v54 =	vperm.xlane v16, v0;
	v56 =	vperm.xlane v25, v0;
	v23 =	vadd.f32 v63, v23;
	v63 =	vld [tilespmem:s9+$0x540]  }
0xdb: {  	v58 =	vperm.xlane v20, v0;
	v5 =	vmul.f32 v31, v5;
	v31 =	vld [tilespmem:s9+$0x470];
	v21 =	vadd.f32 v48, v21  }
0xdc: {  	v17 =	vsel vm0, v17, v26;
	v26 =	vld [tilespmem:s9+$0x460];
	v22 =	vadd.f32 v51, v22;
	v16 =	vadd.f32 v54, v16  }
0xdd: {  	v53 =	vperm.xlane v28, v0;
	v25 =	vadd.f32 v56, v25;
	v20 =	vadd.f32 v58, v20;
	v54 =	vld [tilespmem:s9+$0x5E0]  }
0xde: {  	v56 =	vld [tilespmem:s9+$0x400];
	v15 =	vsel vm0, v15, v23;
	v22 =	vsel vm0, v24, v22;
	v14 =	vsel vm0, v16, v14  }
0xdf: {  	v58 =	vld [tilespmem:s9+$0x450];
	v16 =	vsel vm0, v25, v18;
	v18 =	vperm.xlane v17, v1;
	v25 =	vperm.xlane v15, v1  }
0xe0: {  	v28 =	vadd.f32 v53, v28;
	v23 =	vld [tilespmem:s9+$0x4A0];
	v55 =	vperm.xlane v22, v1;
	v57 =	vperm.xlane v14, v1  }
0xe1: {  	v5 =	vadd.f32 v5, v6;
	v6 =	vld [tilespmem:s9+$0x4F0];
	v12 =	vperm.xlane v16, v1;
	v43 =	vmul.f32 v61, v8  }
0xe2: {  	v19 =	vsel vm0, v21, v19;
	v21 =	vld [tilespmem:s9+$0x4E0];
	v46 =	vmul.f32 v62, v8;
	v44 =	vmul.f32 v50, v9  }
0xe3: {  	v24 =	vld [tilespmem:s9+$0x520];
	v28 =	vsel vm0, v32, v28;
	v37 =	vmul.f32 v37, v9;
	v59 =	vperm.xlane v5, v0  }
0xe4: {  	v32 =	vld [tilespmem:s9+$0x560];
	v17 =	vadd.f32 v18, v17;
	v18 =	vperm.xlane v28, v1;
	v15 =	vadd.f32 v25, v15  }
0xe5: {  	v53 =	vld [tilespmem:s9+$0x650];
	v14 =	vadd.f32 v57, v14;
	v26 =	vmul.f32 v26, v7;
	v38 =	vmul.f32 v54, v7  }
0xe6: {  	v61 =	vld [tilespmem:s9+$0x690];
	v11 =	vadd.f32 v12, v16;
	v40 =	vmul.f32 v56, v8;
	v42 =	vmul.f32 v58, v9  }
0xe7: {  	v62 =	vld [tilespmem:s9+$0x6C0];
	v5 =	vadd.f32 v59, v5;
	v15 =	vsel vm1, v17, v15;
	v23 =	vmul.f32 v23, v7  }
0xe8: {  	v25 =	vld [tilespmem:s9+$0x410];
	v17 =	vadd.f32 v18, v28;
	v16 =	vmul.f32 v6, v4;
	v21 =	vmul.f32 v21, v7  }
0xe9: {  	v57 =	vld [tilespmem:s9+$0x700];
	v24 =	vmul.f32 v24, v7;
	v32 =	vmul.f32 v32, v7;
	v5 =	vsel vm0, v20, v5  }
0xea: {  	v59 =	vld [tilespmem:s9+$0x490];
	v20 =	vperm.xlane v19, v1;
	v45 =	vsel vm1, v17, v14;
	v17 =	vmul.f32 v34, v4  }
0xeb: {  	v54 =	vld [tilespmem:s9+$0x6B0];
	v14 =	vmul.f32 v33, v4;
	v34 =	vmul.f32 v63, v8  }
0xec: {  	v33 =	vld [tilespmem:s9+$0x5D0];
	v61 =	vmul.f32 v61, v9;
	v13 =	vperm.xlane v5, v1  }
0xed: {  	v63 =	vld [tilespmem:s9+$0x6D0];
	v47 =	vperm.xlane v45, v2;
	v19 =	vadd.f32 v20, v19;
	v20 =	vadd.f32 v55, v22  }
0xee: {  	v44 =	vadd.f32 v44, v46;
	v46 =	vld [tilespmem:s9+$0x140];
	v25 =	vmul.f32 v25, v9;
	v56 =	vmul.f32 v57, v8  }
0xef: {  	v22 =	vld [tilespmem:s9+$0x440];
	v5 =	vadd.f32 v13, v5;
	v41 =	vmul.f32 v59, v9;
	v18 =	vsel vm1, v19, v20  }
0xf0: {  	v6 =	vld [tilespmem:s9+$0x580];
	v24 =	vadd.f32 v24, v44;
	v20 =	vperm.xlane v15, v2;
	v28 =	vperm.xlane v18, v2  }
0xf1: {  	v19 =	vld [tilespmem:s9+$0x480];
	v5 =	vsel vm1, v11, v5;
	v11 =	vmul.f32 v30, v4;
	v33 =	vmul.f32 v33, v9  }
0xf2: {  	v30 =	vld [tilespmem:s9+$0x5C0];
	v50 =	vmul.f32 v63, v9;
	v12 =	vadd.f32 v20, v15;
	v48 =	vperm.xlane v5, v2  }
0xf3: {  	v63 =	vld [tilespmem:s9+$0x7C0];
	v15 =	vmul.f32 v27, v4;
	v13 =	vadd.f32 v28, v18;
	v28 =	vperm.xlane v10, v3  }
0xf4: {  	v25 =	vadd.f32 v25, v40;
	v20 =	vld [tilespmem:s9+$0x4D0];
	v18 =	vmul.f32 v31, v4;
	v22 =	vmul.f32 v22, v8  }
0xf5: {  	v27 =	vld [tilespmem:s9+$0x590];
	v11 =	vadd.f32 v11, v24;
	v49 =	vsel vm2, v12, v13;
	v12 =	vmul.f32 v29, v4  }
0xf6: {  	v31 =	vld [tilespmem:s9+$0x550];
	v5 =	vadd.f32 v48, v5;
	v13 =	vmul.f32 v35, v4;
	v29 =	vmul.f32 v36, v7  }
0xf7: {  	v48 =	vld [tilespmem:s9+$0x750];
	v36 =	vmul.f32 v60, v7;
	v19 =	vmul.f32 v19, v8;
	v10 =	vadd.f32 v28, v10  }
0xf8: {  	v35 =	vld [tilespmem:s9+$0x600];
	v22 =	vadd.f32 v42, v22;
	v51 =	vperm.xlane v49, v3;
	v30 =	vmul.f32 v30, v8  }
0xf9: {  	v60 =	vld [tilespmem:s9+$0x680];
	v40 =	vmul.f32 v63, v8;
	v20 =	vmul.f32 v20, v9;
	v10 =	vsel vm3, v39, v10  }
0xfa: {  	v63 =	vld [tilespmem:s9+$0x720];
	v39 =	vmul.f32 v52, v8;
	v52 =	vmul.f32 v53, v9;
	v19 =	vadd.f32 v41, v19  }
0xfb: {  	v41 =	vld [tilespmem:s9+$0x620];
	v25 =	vadd.f32 v29, v25;
	v22 =	vadd.f32 v26, v22;
	v28 =	vmul.f32 v31, v9  }
0xfc: {  	v29 =	vld [tilespmem:s9+$0x7E0];
	v31 =	vmul.f32 v6, v8;
	v6 =	vadd.f32 v47, v45;
	v30 =	vadd.f32 v33, v30  }
0xfd: {  	v27 =	vmul.f32 v27, v9;
	v45 =	vld [tilespmem:s9+$0x710];
	v20 =	vadd.f32 v20, v43;
	v59 =	vadd.f32 v52, v39  }
0xfe: {  	v47 =	vld [tilespmem:s9+$0x740];
	v43 =	vmul.f32 v48, v9;
	v19 =	vadd.f32 v23, v19;
	v17 =	vadd.f32 v17, v25  }
0xff: {  	v52 =	vld [tilespmem:s9+$0x7A0];
	v18 =	vadd.f32 v18, v22;
	v22 =	vmul.f32 v54, v4;
	v35 =	vmul.f32 v35, v8  }
0x100: {  	v25 =	vld [tilespmem:s9+$0x7F0];
	v5 =	vsel vm2, v6, v5;
	v6 =	vadd.f32 v51, v49;
	v28 =	vadd.f32 v28, v34  }
0x101: {  	v53 =	vmul.f32 v60, v8;
	v60 =	vld [tilespmem:s9+$0x780];
	v27 =	vadd.f32 v27, v31;
	v30 =	vadd.f32 v38, v30  }
0x102: {  	v51 =	vmul.f32 v62, v8;
	v62 =	vld [tilespmem:s9+$0x790];
	v20 =	vadd.f32 v21, v20;
	v14 =	vadd.f32 v14, v19  }
0x103: {  	v34 =	vld [tilespmem:s9+$0x660];
	v35 =	vadd.f32 v37, v35;
	v61 =	vadd.f32 v61, v53;
	v41 =	vmul.f32 v41, v7  }
0x104: {  	v31 =	vld [tilespmem:s9+$0x6A0];
	v28 =	vadd.f32 v32, v28;
	v53 =	vmul.f32 v63, v7;
	v27 =	vadd.f32 v36, v27  }
0x105: {  	v21 =	vld [tilespmem:s9+$0x630];
	v29 =	vmul.f32 v29, v7;
	v13 =	vadd.f32 v13, v30;
	v63 =	vperm.xlane v18, v0  }
0x106: {  	v30 =	vld [tilespmem:s9+$0x50];
	v45 =	vmul.f32 v45, v9;
	v42 =	vmul.f32 v47, v8;
	v16 =	vadd.f32 v16, v20  }
0x107: {  	v37 =	vld [tilespmem:s9+$0xC0];
	v48 =	vperm.xlane v14, v0;
	v35 =	vadd.f32 v41, v35;
	v15 =	vadd.f32 v15, v28  }
0x108: {  	v47 =	vld [tilespmem:s9+$0x7D0];
	v12 =	vadd.f32 v12, v27;
	v18 =	vadd.f32 v63, v18;
	v57 =	vmul.f32 v60, v8  }
0x109: {  	v20 =	vld [tilespmem:s9+$0x10];
	v58 =	vmul.f32 v62, v9;
	v62 =	vadd.f32 v50, v51;
	v45 =	vadd.f32 v45, v56  }
0x10a: {  	v28 =	vld [tilespmem:s9+$0x40];
	v42 =	vadd.f32 v43, v42;
	v34 =	vmul.f32 v34, v7;
	v26 =	vmul.f32 v31, v7  }
0x10b: {  	v60 =	vld [tilespmem:s9+$0x6E0];
	v49 =	vperm.xlane v16, v0;
	v50 =	vperm.xlane v11, v0;
	v14 =	vadd.f32 v48, v14  }
0x10c: {  	v51 =	vld [tilespmem:s9+$0x760];
	v21 =	vmul.f32 v21, v4;
	v33 =	vadd.f32 v58, v57;
	v34 =	vadd.f32 v34, v59  }
0x10d: {  	v31 =	vld [tilespmem:s9+$0x670];
	v57 =	vmul.f32 v52, v7;
	v26 =	vadd.f32 v26, v61;
	v32 =	vadd.f32 v53, v45  }
0x10e: {  	v56 =	vld [tilespmem:s9+$0x6F0];
	v52 =	vperm.xlane v13, v0;
	v16 =	vadd.f32 v49, v16;
	v11 =	vadd.f32 v50, v11  }
0x10f: {  	v58 =	vld [tilespmem:s9+$0x730];
	v30 =	vmul.f32 v30, v9;
	v47 =	vmul.f32 v47, v9;
	v21 =	vadd.f32 v21, v35  }
0x110: {  	v59 =	vld [tilespmem:s9+$0x770];
	v20 =	vmul.f32 v20, v9;
	v33 =	vadd.f32 v57, v33;
	v22 =	vadd.f32 v22, v26  }
0x111: {  	v61 =	vld [tilespmem:s9+$0x0];
	v26 =	vperm.xlane v17, v0;
	v13 =	vadd.f32 v52, v13;
	v23 =	vmul.f32 v60, v7  }
0x112: {  	v53 =	vld [tilespmem:s9+$0x110];
	v14 =	vsel vm0, v14, v16;
	v55 =	vmul.f32 v51, v7;
	v31 =	vmul.f32 v31, v4  }
0x113: {  	v63 =	vld [tilespmem:s9+$0x210];
	v40 =	vadd.f32 v47, v40;
	v19 =	vmul.f32 v56, v4;
	v51 =	vperm.xlane v15, v0  }
0x114: {  	v45 =	vld [tilespmem:s9+$0x1D0];
	v17 =	vadd.f32 v26, v17;
	v26 =	vperm.xlane v21, v0;
	v23 =	vadd.f32 v23, v62  }
0x115: {  	v60 =	vld [tilespmem:s9+$0x7B0];
	v38 =	vadd.f32 v55, v42;
	v29 =	vadd.f32 v29, v40;
	v24 =	vmul.f32 v58, v4  }
0x116: {  	v56 =	vld [tilespmem:s9+$0x150];
	v27 =	vmul.f32 v59, v4;
	v31 =	vadd.f32 v31, v34;
	v55 =	vperm.xlane v22, v0  }
0x117: {  	v40 =	vld [tilespmem:s9+$0xD0];
	v15 =	vadd.f32 v51, v15;
	v61 =	vmul.f32 v61, v8;
	v53 =	vmul.f32 v53, v9  }
0x118: {  	v42 =	vld [tilespmem:s9+$0x100];
	v21 =	vadd.f32 v26, v21;
	v17 =	vsel vm0, v17, v18;
	v19 =	vadd.f32 v19, v23  }
0x119: {  	v58 =	vld [tilespmem:s9+$0x180];
	v23 =	vmul.f32 v25, v4;
	v24 =	vadd.f32 v24, v32;
	v27 =	vadd.f32 v27, v38  }
0x11a: {  	v59 =	vld [tilespmem:s9+$0x190];
	v54 =	vperm.xlane v31, v0;
	v22 =	vadd.f32 v55, v22;
	v55 =	vmul.f32 v46, v8  }
0x11b: {  	v34 =	vld [tilespmem:s9+$0x390];
	v20 =	vadd.f32 v20, v61;
	v61 =	vmul.f32 v45, v9;
	v32 =	vmul.f32 v63, v9  }
0x11c: {  	v18 =	vld [tilespmem:s9+$0x240];
	v11 =	vsel vm0, v11, v15;
	v62 =	vmul.f32 v60, v4;
	v56 =	vmul.f32 v56, v9  }
0x11d: {  	v25 =	vld [tilespmem:s9+$0x90];
	v23 =	vadd.f32 v23, v29;
	v29 =	vperm.xlane v12, v0;
	v57 =	vperm.xlane v19, v0  }
0x11e: {  	v15 =	vld [tilespmem:s9+$0x250];
	v26 =	vperm.xlane v27, v0;
	v31 =	vadd.f32 v54, v31;
	v50 =	vmul.f32 v40, v9  }
0x11f: {  	v43 =	vld [tilespmem:s9+$0x1C0];
	v33 =	vadd.f32 v62, v33;
	v52 =	vmul.f32 v42, v8;
	v59 =	vmul.f32 v59, v9  }
0x120: {  	v35 =	vld [tilespmem:s9+$0x80];
	v34 =	vmul.f32 v34, v9;
	v12 =	vadd.f32 v29, v12;
	v29 =	vperm.xlane v24, v0  }
0x121: {  	v47 =	vld [tilespmem:s9+$0x2C0];
	v19 =	vadd.f32 v57, v19;
	v57 =	vmul.f32 v58, v8;
	v18 =	vmul.f32 v18, v8  }
0x122: {  	v51 =	vld [tilespmem:s9+$0xA0];
	v26 =	vadd.f32 v26, v27;
	v60 =	vperm.xlane v33, v0;
	v25 =	vmul.f32 v25, v9  }
0x123: {  	v63 =	vld [tilespmem:s9+$0x220];
	v15 =	vmul.f32 v15, v9;
	v24 =	vadd.f32 v29, v24;
	v29 =	vperm.xlane v23, v0  }
0x124: {  	v62 =	vld [tilespmem:s9+$0x200];
	v12 =	vsel vm0, v12, v13;
	v13 =	vsel vm0, v21, v31;
	v19 =	vsel vm0, v22, v19  }
0x125: {  	v54 =	vld [tilespmem:s9+$0xE0];
	v21 =	vperm.xlane v17, v1;
	v22 =	vperm.xlane v14, v1;
	v38 =	vadd.f32 v59, v57  }
0x126: {  	v58 =	vld [tilespmem:s9+$0x160];
	v27 =	vadd.f32 v60, v33;
	v48 =	vperm.xlane v19, v1;
	v60 =	vmul.f32 v43, v8  }
0x127: {  	v31 =	vld [tilespmem:s9+$0x290];
	v15 =	vadd.f32 v15, v18;
	v16 =	vadd.f32 v29, v23;
	v24 =	vsel vm0, v24, v26  }
0x128: {  	v33 =	vld [tilespmem:s9+$0x20];
	v26 =	vperm.xlane v11, v1;
	v29 =	vperm.xlane v12, v1;
	v17 =	vadd.f32 v21, v17  }
0x129: {  	v18 =	vld [tilespmem:s9+$0x2A0];
	v14 =	vadd.f32 v22, v14;
	v36 =	vmul.f32 v62, v8;
	v21 =	vperm.xlane v24, v1  }
0x12a: {  	v23 =	vld [tilespmem:s9+$0x280];
	v19 =	vadd.f32 v48, v19;
	v16 =	vsel vm0, v27, v16;
	v27 =	vperm.xlane v13, v1  }
0x12b: {  	v22 =	vld [tilespmem:s9+$0x2D0];
	v11 =	vadd.f32 v26, v11;
	v12 =	vadd.f32 v29, v12;
	v14 =	vsel vm1, v17, v14  }
0x12c: {  	v62 =	vld [tilespmem:s9+$0x1E0];
	v32 =	vadd.f32 v32, v36;
	v26 =	vperm.xlane v16, v1;
	v21 =	vadd.f32 v21, v24  }
0x12d: {  	v29 =	vld [tilespmem:s9+$0x300];
	v17 =	vperm.xlane v14, v2;
	v31 =	vmul.f32 v31, v9;
	v13 =	vadd.f32 v27, v13  }
0x12e: {  	v24 =	vld [tilespmem:s9+$0x340];
	v27 =	vmul.f32 v28, v8;
	v11 =	vsel vm1, v11, v12;
	v57 =	vmul.f32 v18, v7  }
0x12f: {  	v48 =	vld [tilespmem:s9+$0x260];
	v16 =	vadd.f32 v26, v16;
	v14 =	vadd.f32 v17, v14;
	v17 =	vmul.f32 v35, v8  }
0x130: {  	v28 =	vld [tilespmem:s9+$0x310];
	v35 =	vadd.f32 v61, v60;
	v23 =	vmul.f32 v23, v8;
	v22 =	vmul.f32 v22, v9  }
0x131: {  	v12 =	vsel vm1, v13, v19;
	v13 =	vld [tilespmem:s9+$0x350];
	v19 =	vperm.xlane v11, v2;
	v16 =	vsel vm1, v21, v16  }
0x132: {  	v21 =	vld [tilespmem:s9+$0x380];
	v26 =	vperm.xlane v12, v2;
	v29 =	vmul.f32 v29, v8;
	v23 =	vadd.f32 v31, v23  }
0x133: {  	v31 =	vld [tilespmem:s9+$0x2E0];
	v49 =	vperm.xlane v16, v2;
	v11 =	vadd.f32 v19, v11;
	v24 =	vmul.f32 v24, v8  }
0x134: {  	v19 =	vld [tilespmem:s9+$0x3C0];
	v12 =	vadd.f32 v26, v12;
	v26 =	vadd.f32 v30, v27;
	v27 =	vmul.f32 v37, v8  }
0x135: {  	v61 =	vld [tilespmem:s9+$0x1B0];
	v28 =	vmul.f32 v28, v9;
	v16 =	vadd.f32 v49, v16;
	v11 =	vsel vm2, v14, v11  }
0x136: {  	v30 =	vld [tilespmem:s9+$0x3D0];
	v49 =	vmul.f32 v47, v8;
	v27 =	vadd.f32 v50, v27;
	v13 =	vmul.f32 v13, v9  }
0x137: {  	v14 =	vld [tilespmem:s9+$0x60];
	v12 =	vsel vm2, v12, v16;
	v16 =	vadd.f32 v25, v17;
	v17 =	vperm.xlane v11, v3  }
0x138: {  	v50 =	vld [tilespmem:s9+$0x320];
	v28 =	vadd.f32 v28, v29;
	v21 =	vmul.f32 v21, v8;
	v31 =	vmul.f32 v31, v7  }
0x139: {  	v29 =	vld [tilespmem:s9+$0x360];
	v22 =	vadd.f32 v22, v49;
	v25 =	vperm.xlane v12, v3;
	v8 =	vmul.f32 v19, v8  }
0x13a: {  	v19 =	vmul.f32 v33, v7;
	v33 =	vadd.f32 v13, v24;
	v24 =	vld [tilespmem:s9+$0x3A0];
	v11 =	vadd.f32 v17, v11  }
0x13b: {  	v17 =	vadd.f32 v53, v52;
	v9 =	vmul.f32 v30, v9;
	v34 =	vadd.f32 v34, v21;
	v21 =	vld [tilespmem:s9+$0x3E0]  }
0x13c: {  	v22 =	vadd.f32 v31, v22;
	v12 =	vadd.f32 v25, v12;
	v25 =	vld [tilespmem:s9+$0x120];
	v13 =	vmul.f32 v14, v7  }
0x13d: {  	v30 =	vld [tilespmem:s9+$0x30];
	v14 =	vmul.f32 v51, v7;
	v51 =	vmul.f32 v54, v7;
	v53 =	vadd.f32 v19, v20  }
0x13e: {  	v19 =	vmul.f32 v58, v7;
	v52 =	vadd.f32 v9, v8;
	v43 =	vsel vm3, v11, v12;
	v12 =	vld [tilespmem:s9+$0x1A0]  }
0x13f: {  	v20 =	vld [tilespmem:s9+$0x70];
	v44 =	vmul.f32 v50, v7;
	v59 =	vmul.f32 v29, v7;
	v11 =	vadd.f32 v56, v55  }
0x140: {  	v54 =	vld [tilespmem:s9+$0xB0];
	v8 =	vadd.f32 v13, v26;
	v26 =	vmul.f32 v62, v7;
	v55 =	vmul.f32 v63, v7  }
0x141: {  	v58 =	vld [tilespmem:s9+$0x130];
	v9 =	vadd.f32 v14, v16;
	v14 =	vmul.f32 v48, v7;
	v25 =	vmul.f32 v25, v7  }
0x142: {  	v56 =	vld [tilespmem:s9+$0xF0];
	v13 =	vadd.f32 v51, v27;
	v60 =	vmul.f32 v24, v7;
	v16 =	vadd.f32 v19, v11  }
0x143: {  	v62 =	vmul.f32 v30, v4;
	v12 =	vmul.f32 v12, v7;
	v18 =	vadd.f32 v25, v17;
	v25 =	vld [tilespmem:s9+$0x170]  }
0x144: {  	v63 =	vld [tilespmem:s9+$0x1F0];
	v19 =	vadd.f32 v55, v32;
	v27 =	vmul.f32 v20, v4;
	v20 =	vadd.f32 v14, v15  }
0x145: {  	v17 =	vadd.f32 v12, v38;
	v12 =	vmul.f32 v21, v7;
	v7 =	vadd.f32 v26, v35;
	v26 =	vld [tilespmem:s9+$0x230]  }
0x146: {  	v24 =	vld [tilespmem:s9+$0x270];
	v29 =	vmul.f32 v54, v4;
	v14 =	vadd.f32 v44, v28;
	v15 =	vadd.f32 v59, v33  }
0x147: {  	s28 =	simm.s32 $0xFBD0;
	v11 =	vadd.f32 v60, v34;
	v33 =	vmul.f32 v58, v4;
	v21 =	vadd.f32 v57, v23;
	v23 =	vld [tilespmem:s9+$0x2B0]  }
0x148: {  	s29 =	simm.s32 $0xFBF0;
	[tilespmem:s28+$0x0] =	vst v10;
	v34 =	vmul.f32 v61, v4;
	v10 =	vadd.f32 v62, v53;
	v31 =	vmul.f32 v25, v4;
	v25 =	vld [tilespmem:s9+$0x2F0]  }
0x149: {  	s30 =	simm.s32 $0x2;
	s31 =	simm.s32 $0x2;
	s0 =	simm.s32 $0xFC0;
	[tilespmem:s29+$0x0] =	vst v43;
	v28 =	vld [tilespmem:s9+$0x330];
	v30 =	vmul.f32 v56, v4;
	v32 =	vmul.f32 v63, v4;
	v12 =	vadd.f32 v12, v52  }
.LBB2_3:
0x14a: {  	s30 =	sadd.s32 $0x2, s30;
	v27 =	vadd.f32 v27, v8;
	v29 =	vadd.f32 v29, v9;
	v8 =	vmul.f32 v26, v4;
	v9 =	vld [tilespmem:s9+$0x370]  }
0x14b: {  	v13 =	vadd.f32 v30, v13;
	v18 =	vadd.f32 v33, v18;
	s31 =	sadd.s32 $0x2, s31;
	s1 =	sshll.u32 s30, $0x4;
	p1 =	slt.u32 s30, $0x1E;
	v24 =	vmul.f32 v24, v4;
	v26 =	vld [tilespmem:s9+$0x3B0]  }
0x14c: {  	v16 =	vadd.f32 v31, v16;
	s15 =	sshll.u32 s31, $0x8;
	v17 =	vadd.f32 v34, v17;
	s1 =	sand.u32 $0xFFFFFFC0, s1;
	v23 =	vmul.f32 v23, v4;
	v30 =	vld [tilespmem:s9+$0x3F0]  }
0x14d: {  	v32 =	vadd.f32 v32, v7;
	s9 =	sand.u32 $0xFFFFFC00, s15;
	v19 =	vadd.f32 v8, v19;
	v31 =	vld [tilespmem:s1+$0x3F0];
	v25 =	vmul.f32 v25, v4  }
0x14e: {  	s9 =	ssub.s32 $0x0, s9;
	v20 =	vadd.f32 v24, v20;
	v7 =	vld [tilespmem:s1+$0x3E0];
	v21 =	vadd.f32 v23, v21;
	v23 =	vmul.f32 v28, v4  }
0x14f: {  	s0 =	sadd.s32 $0x800, s0;
	s9 =	sshra.s32 s9, $0x2;
	v8 =	vld [tilespmem:s1+$0x3C0];
	v22 =	vadd.f32 v25, v22;
	v24 =	vmul.f32 v9, v4;
	v25 =	vperm.xlane v10, v0  }
0x150: {  	s9 =	sadd.s32 s9, s0;
	v9 =	vld [tilespmem:s1+$0x3D0];
	v14 =	vadd.f32 v23, v14;
	v23 =	vmul.f32 v26, v4;
	v26 =	vperm.xlane v27, v0  }
0x151: {  	v28 =	vld [tilespmem:s9+$0x430];
	v15 =	vadd.f32 v24, v15;
	v24 =	vmul.f32 v30, v4;
	v30 =	vperm.xlane v29, v0  }
0x152: {  	v34 =	vperm.xlane v18, v0;
	v33 =	vld [tilespmem:s9+$0x470];
	v11 =	vadd.f32 v23, v11;
	v23 =	vperm.xlane v13, v0;
	v4 =	vmovc v31  }
0x153: {  	v35 =	vperm.xlane v17, v0;
	v31 =	vld [tilespmem:s9+$0x4B0];
	v12 =	vadd.f32 v24, v12;
	v24 =	vperm.xlane v16, v0  }
0x154: {  	v37 =	vperm.xlane v19, v0;
	v10 =	vadd.f32 v25, v10;
	v25 =	vperm.xlane v32, v0;
	v36 =	vld [tilespmem:s9+$0x4F0]  }
0x155: {  	v39 =	vperm.xlane v21, v0;
	v26 =	vadd.f32 v26, v27;
	v27 =	vperm.xlane v20, v0;
	v38 =	vld [tilespmem:s9+$0x530]  }
0x156: {  	v41 =	vperm.xlane v14, v0;
	v29 =	vadd.f32 v30, v29;
	v30 =	vperm.xlane v22, v0;
	v40 =	vld [tilespmem:s9+$0x570]  }
0x157: {  	v13 =	vadd.f32 v23, v13;
	v23 =	vperm.xlane v15, v0;
	v43 =	vperm.xlane v11, v0;
	v42 =	vld [tilespmem:s9+$0x5B0]  }
0x158: {  	v18 =	vadd.f32 v34, v18;
	v16 =	vadd.f32 v24, v16;
	v24 =	vperm.xlane v12, v0;
	v44 =	vld [tilespmem:s9+$0x5F0]  }
0x159: {  	v17 =	vadd.f32 v35, v17;
	v25 =	vadd.f32 v25, v32;
	v10 =	vsel vm0, v10, v26;
	v34 =	vld [tilespmem:s9+$0x420]  }
0x15a: {  	v19 =	vadd.f32 v37, v19;
	v20 =	vadd.f32 v27, v20;
	v13 =	vsel vm0, v29, v13;
	v26 =	vld [tilespmem:s9+$0x460]  }
0x15b: {  	v16 =	vsel vm0, v18, v16;
	v18 =	vadd.f32 v39, v21;
	v21 =	vadd.f32 v30, v22;
	v27 =	vld [tilespmem:s9+$0x4A0]  }
0x15c: {  	v14 =	vadd.f32 v41, v14;
	v17 =	vsel vm0, v17, v25;
	v15 =	vadd.f32 v23, v15;
	v22 =	vld [tilespmem:s9+$0x4E0]  }
0x15d: {  	v19 =	vsel vm0, v19, v20;
	v11 =	vadd.f32 v43, v11;
	v12 =	vadd.f32 v24, v12;
	v23 =	vld [tilespmem:s9+$0x520]  }
0x15e: {  	v14 =	vsel vm0, v14, v15;
	v15 =	vperm.xlane v10, v1;
	v18 =	vsel vm0, v18, v21;
	v20 =	vld [tilespmem:s9+$0x560]  }
0x15f: {  	v24 =	vperm.xlane v16, v1;
	v11 =	vsel vm0, v11, v12;
	v12 =	vperm.xlane v13, v1;
	v21 =	vld [tilespmem:s9+$0x5A0]  }
0x160: {  	v29 =	vperm.xlane v19, v1;
	v10 =	vadd.f32 v15, v10;
	v15 =	vperm.xlane v17, v1;
	v25 =	vld [tilespmem:s9+$0x5E0]  }
0x161: {  	v32 =	vperm.xlane v14, v1;
	v12 =	vadd.f32 v12, v13;
	v13 =	vperm.xlane v18, v1;
	v30 =	vld [tilespmem:s9+$0x400]  }
0x162: {  	v16 =	vadd.f32 v24, v16;
	v15 =	vadd.f32 v15, v17;
	v17 =	vperm.xlane v11, v1;
	v35 =	vld [tilespmem:s9+$0x410]  }
0x163: {  	v10 =	vsel vm1, v10, v12;
	v12 =	vadd.f32 v29, v19;
	v13 =	vadd.f32 v13, v18;
	v24 =	vld [tilespmem:s9+$0x440]  }
0x164: {  	v14 =	vadd.f32 v32, v14;
	v15 =	vsel vm1, v16, v15;
	v11 =	vadd.f32 v17, v11;
	v18 =	vld [tilespmem:s9+$0x450]  }
0x165: {  	v12 =	vsel vm1, v12, v13;
	v13 =	vperm.xlane v10, v2;
	v16 =	vperm.xlane v15, v2;
	v19 =	vld [tilespmem:s9+$0x480]  }
0x166: {  	v17 =	vperm.xlane v5, v3;
	v11 =	vsel vm1, v14, v11;
	v14 =	vperm.xlane v12, v2;
	v29 =	vld [tilespmem:s9+$0x490]  }
0x167: {  	v10 =	vadd.f32 v13, v10;
	v13 =	vadd.f32 v16, v15;
	v15 =	vperm.xlane v11, v2;
	v32 =	vld [tilespmem:s9+$0x4C0]  }
0x168: {  	v5 =	vadd.f32 v17, v5;
	v12 =	vadd.f32 v14, v12;
	v37 =	vld [tilespmem:s9+$0x4D0]  }
0x169: {  	v14 =	vsel vm2, v10, v13;
	v13 =	vadd.f32 v15, v11;
	v39 =	vld [tilespmem:s9+$0x500]  }
0x16a: {  	v6 =	vsel vm3, v6, v5;
	v15 =	vperm.xlane v14, v3;
	v41 =	vld [tilespmem:s9+$0x510]  }
0x16b: {  	v10 =	vmul.f32 v28, v4;
	v11 =	vmul.f32 v33, v4;
	v5 =	vsel vm2, v12, v13;
	v28 =	vld [tilespmem:s9+$0x540];
	[tilespmem:s28+$0xFFFFFFF0] =	vst v6;
	s28 =	smov.u32 s29  }
0x16c: {  	v12 =	vmul.f32 v31, v4;
	v13 =	vmul.f32 v36, v4;
	v6 =	vadd.f32 v15, v14;
	v31 =	vld [tilespmem:s9+$0x550]  }
0x16d: {  	v14 =	vmul.f32 v38, v4;
	v15 =	vmul.f32 v40, v4;
	v33 =	vld [tilespmem:s9+$0x580]  }
0x16e: {  	v17 =	vmul.f32 v44, v4;
	v16 =	vmul.f32 v42, v4;
	v36 =	vld [tilespmem:s9+$0x590]  }
0x16f: {  	v34 =	vmul.f32 v34, v7;
	v26 =	vmul.f32 v26, v7;
	v38 =	vld [tilespmem:s9+$0x5C0]  }
0x170: {  	v27 =	vmul.f32 v27, v7;
	v22 =	vmul.f32 v22, v7;
	v40 =	vld [tilespmem:s9+$0x5D0]  }
0x171: {  	v23 =	vmul.f32 v23, v7;
	v20 =	vmul.f32 v20, v7;
	v42 =	vld [tilespmem:s9+$0x600]  }
0x172: {  	v21 =	vmul.f32 v21, v7;
	v25 =	vmul.f32 v25, v7;
	v43 =	vld [tilespmem:s9+$0x610]  }
0x173: {  	v30 =	vmul.f32 v30, v8;
	v35 =	vmul.f32 v35, v9;
	v44 =	vld [tilespmem:s9+$0x640]  }
0x174: {  	v24 =	vmul.f32 v24, v8;
	v18 =	vmul.f32 v18, v9;
	v45 =	vld [tilespmem:s9+$0x650]  }
0x175: {  	v19 =	vmul.f32 v19, v8;
	v29 =	vmul.f32 v29, v9;
	v46 =	vld [tilespmem:s9+$0x680]  }
0x176: {  	v32 =	vmul.f32 v32, v8;
	v37 =	vmul.f32 v37, v9;
	v47 =	vld [tilespmem:s9+$0x690]  }
0x177: {  	v39 =	vmul.f32 v39, v8;
	v41 =	vmul.f32 v41, v9;
	v48 =	vld [tilespmem:s9+$0x6C0]  }
0x178: {  	v28 =	vmul.f32 v28, v8;
	v31 =	vmul.f32 v31, v9;
	v49 =	vld [tilespmem:s9+$0x6D0]  }
0x179: {  	v33 =	vmul.f32 v33, v8;
	v36 =	vmul.f32 v36, v9;
	v50 =	vld [tilespmem:s9+$0x700]  }
0x17a: {  	v38 =	vmul.f32 v38, v8;
	v40 =	vmul.f32 v40, v9;
	v51 =	vld [tilespmem:s9+$0x710]  }
0x17b: {  	v42 =	vmul.f32 v42, v8;
	v43 =	vmul.f32 v43, v9;
	v52 =	vld [tilespmem:s9+$0x740]  }
0x17c: {  	v44 =	vmul.f32 v44, v8;
	v45 =	vmul.f32 v45, v9;
	v53 =	vld [tilespmem:s9+$0x750]  }
0x17d: {  	v46 =	vmul.f32 v46, v8;
	v47 =	vmul.f32 v47, v9;
	v54 =	vld [tilespmem:s9+$0x780]  }
0x17e: {  	v48 =	vmul.f32 v48, v8;
	v49 =	vmul.f32 v49, v9;
	v55 =	vld [tilespmem:s9+$0x790]  }
0x17f: {  	v50 =	vmul.f32 v50, v8;
	v51 =	vmul.f32 v51, v9;
	v56 =	vld [tilespmem:s9+$0x7C0]  }
0x180: {  	v30 =	vadd.f32 v35, v30;
	v18 =	vadd.f32 v18, v24;
	v24 =	vmul.f32 v52, v8;
	v35 =	vld [tilespmem:s9+$0x7D0]  }
0x181: {  	v19 =	vadd.f32 v29, v19;
	v29 =	vadd.f32 v37, v32;
	v32 =	vld [tilespmem:s9+$0x620];
	v37 =	vmul.f32 v53, v9  }
0x182: {  	v39 =	vadd.f32 v41, v39;
	v28 =	vadd.f32 v31, v28;
	v31 =	vld [tilespmem:s9+$0x660];
	v41 =	vmul.f32 v54, v8  }
0x183: {  	v33 =	vadd.f32 v36, v33;
	v36 =	vadd.f32 v40, v38;
	v38 =	vld [tilespmem:s9+$0x6A0];
	v40 =	vmul.f32 v55, v9  }
0x184: {  	v42 =	vadd.f32 v43, v42;
	v43 =	vadd.f32 v45, v44;
	v44 =	vld [tilespmem:s9+$0x6E0];
	v45 =	vmul.f32 v56, v8  }
0x185: {  	v46 =	vadd.f32 v47, v46;
	v47 =	vadd.f32 v49, v48;
	v48 =	vld [tilespmem:s9+$0x720];
	v35 =	vmul.f32 v35, v9  }
0x186: {  	v49 =	vadd.f32 v51, v50;
	v24 =	vadd.f32 v37, v24;
	v32 =	vmul.f32 v32, v7;
	v37 =	vld [tilespmem:s9+$0x760]  }
0x187: {  	v40 =	vadd.f32 v40, v41;
	v31 =	vmul.f32 v31, v7;
	v41 =	vld [tilespmem:s9+$0x7A0];
	v35 =	vadd.f32 v35, v45  }
0x188: {  	v30 =	vadd.f32 v34, v30;
	v18 =	vadd.f32 v26, v18;
	v26 =	vmul.f32 v38, v7;
	v34 =	vld [tilespmem:s9+$0x7E0]  }
0x189: {  	v19 =	vadd.f32 v27, v19;
	v22 =	vadd.f32 v22, v29;
	v27 =	vld [tilespmem:s9+$0x630];
	v29 =	vmul.f32 v44, v7  }
0x18a: {  	v23 =	vadd.f32 v23, v39;
	v20 =	vadd.f32 v20, v28;
	v28 =	vld [tilespmem:s9+$0x670];
	v38 =	vmul.f32 v48, v7  }
0x18b: {  	v21 =	vadd.f32 v21, v33;
	v25 =	vadd.f32 v25, v36;
	v33 =	vld [tilespmem:s9+$0x6B0];
	v36 =	vmul.f32 v37, v7  }
0x18c: {  	v32 =	vadd.f32 v32, v42;
	v31 =	vadd.f32 v31, v43;
	v37 =	vld [tilespmem:s9+$0x6F0];
	v39 =	vmul.f32 v41, v7  }
0x18d: {  	v26 =	vadd.f32 v26, v46;
	v29 =	vadd.f32 v29, v47;
	v41 =	vld [tilespmem:s9+$0x730];
	v34 =	vmul.f32 v34, v7  }
0x18e: {  	v38 =	vadd.f32 v38, v49;
	v24 =	vadd.f32 v36, v24;
	v27 =	vmul.f32 v27, v4;
	v36 =	vld [tilespmem:s9+$0x770]  }
0x18f: {  	v39 =	vadd.f32 v39, v40;
	v28 =	vmul.f32 v28, v4;
	v40 =	vld [tilespmem:s9+$0x7B0];
	v34 =	vadd.f32 v34, v35  }
0x190: {  	v30 =	vadd.f32 v10, v30;
	v18 =	vadd.f32 v11, v18;
	v10 =	vmul.f32 v33, v4;
	v11 =	vld [tilespmem:s9+$0x7F0]  }
0x191: {  	v19 =	vadd.f32 v12, v19;
	v22 =	vadd.f32 v13, v22;
	v33 =	vld [tilespmem:s9+$0x0];
	v35 =	vmul.f32 v37, v4  }
0x192: {  	v14 =	vadd.f32 v14, v23;
	v15 =	vadd.f32 v15, v20;
	v37 =	vld [tilespmem:s9+$0x10];
	v20 =	vmul.f32 v41, v4  }
0x193: {  	v16 =	vadd.f32 v16, v21;
	v17 =	vadd.f32 v17, v25;
	v23 =	vld [tilespmem:s9+$0x40];
	v21 =	vmul.f32 v36, v4  }
0x194: {  	v25 =	vadd.f32 v27, v32;
	v27 =	vadd.f32 v28, v31;
	v12 =	vld [tilespmem:s9+$0x50];
	v28 =	vmul.f32 v40, v4  }
0x195: {  	v26 =	vadd.f32 v10, v26;
	v29 =	vadd.f32 v35, v29;
	v13 =	vld [tilespmem:s9+$0x80];
	v31 =	vmul.f32 v11, v4  }
0x196: {  	v32 =	vperm.xlane v30, v0;
	v35 =	vperm.xlane v18, v0;
	v20 =	vadd.f32 v20, v38;
	v11 =	vld [tilespmem:s9+$0x90]  }
0x197: {  	v38 =	vperm.xlane v22, v0;
	v21 =	vadd.f32 v21, v24;
	v24 =	vperm.xlane v19, v0;
	v36 =	vld [tilespmem:s9+$0xC0]  }
0x198: {  	v41 =	vperm.xlane v15, v0;
	v28 =	vadd.f32 v28, v39;
	v39 =	vperm.xlane v14, v0;
	v40 =	vld [tilespmem:s9+$0xD0]  }
0x199: {  	v42 =	vperm.xlane v17, v0;
	v31 =	vadd.f32 v31, v34;
	v34 =	vperm.xlane v16, v0;
	v10 =	vld [tilespmem:s9+$0x100]  }
0x19a: {  	v30 =	vadd.f32 v32, v30;
	v32 =	vperm.xlane v25, v0;
	v44 =	vperm.xlane v27, v0;
	v43 =	vld [tilespmem:s9+$0x110]  }
0x19b: {  	v18 =	vadd.f32 v35, v18;
	v19 =	vadd.f32 v24, v19;
	v24 =	vperm.xlane v26, v0;
	v45 =	vld [tilespmem:s9+$0x140]  }
0x19c: {  	v22 =	vadd.f32 v38, v22;
	v38 =	vperm.xlane v29, v0;
	v14 =	vadd.f32 v39, v14;
	v35 =	vld [tilespmem:s9+$0x150]  }
0x19d: {  	v15 =	vadd.f32 v41, v15;
	v16 =	vadd.f32 v34, v16;
	v34 =	vperm.xlane v20, v0;
	v39 =	vld [tilespmem:s9+$0x180]  }
0x19e: {  	v17 =	vadd.f32 v42, v17;
	v25 =	vadd.f32 v32, v25;
	v32 =	vperm.xlane v21, v0;
	v41 =	vld [tilespmem:s9+$0x190]  }
0x19f: {  	v27 =	vadd.f32 v44, v27;
	v24 =	vadd.f32 v24, v26;
	v26 =	vperm.xlane v28, v0;
	v42 =	vld [tilespmem:s9+$0x1C0]  }
0x1a0: {  	v29 =	vadd.f32 v38, v29;
	v20 =	vadd.f32 v34, v20;
	v34 =	vperm.xlane v31, v0;
	v44 =	vld [tilespmem:s9+$0x1D0]  }
0x1a1: {  	v33 =	vmul.f32 v33, v8;
	v21 =	vadd.f32 v32, v21;
	v26 =	vadd.f32 v26, v28;
	v38 =	vld [tilespmem:s9+$0x200]  }
0x1a2: {  	v18 =	vsel vm0, v30, v18;
	v19 =	vsel vm0, v19, v22;
	v22 =	vadd.f32 v34, v31;
	v28 =	vld [tilespmem:s9+$0x210]  }
0x1a3: {  	v14 =	vsel vm0, v14, v15;
	v15 =	vsel vm0, v16, v17;
	v16 =	vsel vm0, v25, v27;
	v30 =	vld [tilespmem:s9+$0x240]  }
0x1a4: {  	v24 =	vsel vm0, v24, v29;
	v25 =	vperm.xlane v18, v1;
	v27 =	vperm.xlane v19, v1;
	v17 =	vld [tilespmem:s9+$0x250]  }
0x1a5: {  	v20 =	vsel vm0, v20, v21;
	v21 =	vperm.xlane v14, v1;
	v31 =	vperm.xlane v15, v1;
	v29 =	vld [tilespmem:s9+$0x280]  }
0x1a6: {  	v34 =	vperm.xlane v24, v1;
	v22 =	vsel vm0, v26, v22;
	v26 =	vperm.xlane v16, v1;
	v32 =	vld [tilespmem:s9+$0x290]  }
0x1a7: {  	v18 =	vadd.f32 v25, v18;
	v19 =	vadd.f32 v27, v19;
	v25 =	vperm.xlane v20, v1;
	v46 =	vld [tilespmem:s9+$0x2C0]  }
0x1a8: {  	v14 =	vadd.f32 v21, v14;
	v15 =	vadd.f32 v31, v15;
	v21 =	vperm.xlane v22, v1;
	v27 =	vld [tilespmem:s9+$0x2D0]  }
0x1a9: {  	v31 =	vmul.f32 v37, v9;
	v24 =	vadd.f32 v34, v24;
	v16 =	vadd.f32 v26, v16;
	v37 =	vld [tilespmem:s9+$0x300]  }
0x1aa: {  	v23 =	vmul.f32 v23, v8;
	v20 =	vadd.f32 v25, v20;
	v21 =	vadd.f32 v21, v22;
	v26 =	vld [tilespmem:s9+$0x310]  }
0x1ab: {  	v18 =	vsel vm1, v18, v19;
	v14 =	vsel vm1, v14, v15;
	v15 =	vsel vm1, v16, v24;
	v22 =	vld [tilespmem:s9+$0x340]  }
0x1ac: {  	v19 =	vsel vm1, v20, v21;
	v20 =	vperm.xlane v18, v2;
	v21 =	vperm.xlane v14, v2;
	v16 =	vld [tilespmem:s9+$0x350]  }
0x1ad: {  	v24 =	vadd.f32 v31, v33;
	v31 =	vperm.xlane v15, v2;
	v33 =	vperm.xlane v19, v2;
	v25 =	vld [tilespmem:s9+$0x380]  }
0x1ae: {  	v12 =	vmul.f32 v12, v9;
	v18 =	vadd.f32 v20, v18;
	v14 =	vadd.f32 v21, v14;
	v34 =	vld [tilespmem:s9+$0x390]  }
0x1af: {  	v13 =	vmul.f32 v13, v8;
	v15 =	vadd.f32 v31, v15;
	v19 =	vadd.f32 v33, v19;
	v20 =	vld [tilespmem:s9+$0x3C0]  }
0x1b0: {  	v12 =	vadd.f32 v12, v23;
	v11 =	vmul.f32 v11, v9;
	v21 =	vmul.f32 v36, v8;
	v23 =	vld [tilespmem:s9+$0x3D0]  }
0x1b1: {  	v33 =	vmul.f32 v40, v9;
	v14 =	vsel vm2, v18, v14;
	v15 =	vsel vm2, v15, v19;
	v31 =	vld [tilespmem:s9+$0x20]  }
0x1b2: {  	v11 =	vadd.f32 v11, v13;
	v13 =	vperm.xlane v14, v3;
	v19 =	vperm.xlane v15, v3;
	v18 =	vld [tilespmem:s9+$0x60]  }
0x1b3: {  	v10 =	vmul.f32 v10, v8;
	v21 =	vadd.f32 v33, v21;
	v33 =	vmul.f32 v43, v9;
	v36 =	vld [tilespmem:s9+$0xA0]  }
0x1b4: {  	v43 =	vmul.f32 v45, v8;
	v13 =	vadd.f32 v13, v14;
	v14 =	vadd.f32 v19, v15;
	v40 =	vld [tilespmem:s9+$0xE0]  }
0x1b5: {  	v10 =	vadd.f32 v33, v10;
	v33 =	vmul.f32 v39, v8;
	v19 =	vmul.f32 v35, v9;
	v15 =	vld [tilespmem:s9+$0x120]  }
0x1b6: {  	s29 =	sadd.s32 $0x20, s29;
	v39 =	vmul.f32 v41, v9;
	v41 =	vmul.f32 v42, v8;
	v13 =	vsel vm3, v13, v14;
	v35 =	vld [tilespmem:s9+$0x160]  }
0x1b7: {  	v38 =	vmul.f32 v38, v8;
	v42 =	vmul.f32 v44, v9;
	v14 =	vadd.f32 v19, v43;
	v19 =	vld [tilespmem:s9+$0x1A0];
	[tilespmem:s29+$0x0] =	vst v13  }
0x1b8: {  	v28 =	vmul.f32 v28, v9;
	v30 =	vmul.f32 v30, v8;
	v33 =	vadd.f32 v39, v33;
	v13 =	vld [tilespmem:s9+$0x1E0]  }
0x1b9: {  	v17 =	vmul.f32 v17, v9;
	v29 =	vmul.f32 v29, v8;
	v39 =	vadd.f32 v42, v41;
	v41 =	vld [tilespmem:s9+$0x220]  }
0x1ba: {  	v28 =	vadd.f32 v28, v38;
	v32 =	vmul.f32 v32, v9;
	v42 =	vmul.f32 v46, v8;
	v38 =	vld [tilespmem:s9+$0x260]  }
0x1bb: {  	v30 =	vadd.f32 v17, v30;
	v27 =	vmul.f32 v27, v9;
	v37 =	vmul.f32 v37, v8;
	v17 =	vld [tilespmem:s9+$0x2A0]  }
0x1bc: {  	v29 =	vadd.f32 v32, v29;
	v26 =	vmul.f32 v26, v9;
	v22 =	vmul.f32 v22, v8;
	v32 =	vld [tilespmem:s9+$0x2E0]  }
0x1bd: {  	v42 =	vadd.f32 v27, v42;
	v16 =	vmul.f32 v16, v9;
	v25 =	vmul.f32 v25, v8;
	v27 =	vld [tilespmem:s9+$0x320]  }
0x1be: {  	v37 =	vadd.f32 v26, v37;
	v34 =	vmul.f32 v34, v9;
	v8 =	vmul.f32 v20, v8;
	v26 =	vld [tilespmem:s9+$0x360]  }
0x1bf: {  	v9 =	vmul.f32 v23, v9;
	v20 =	vmul.f32 v31, v7;
	v31 =	vadd.f32 v16, v22;
	v16 =	vld [tilespmem:s9+$0x3A0]  }
0x1c0: {  	v25 =	vadd.f32 v34, v25;
	v18 =	vmul.f32 v18, v7;
	v22 =	vmul.f32 v36, v7;
	v23 =	vld [tilespmem:s9+$0x3E0]  }
0x1c1: {  	v36 =	vmul.f32 v40, v7;
	v40 =	vadd.f32 v9, v8;
	v15 =	vmul.f32 v15, v7;
	v34 =	vld [tilespmem:s9+$0x30]  }
0x1c2: {  	v43 =	vadd.f32 v20, v24;
	v24 =	vmul.f32 v35, v7;
	v19 =	vmul.f32 v19, v7;
	v20 =	vld [tilespmem:s9+$0x70]  }
0x1c3: {  	v8 =	vadd.f32 v18, v12;
	v35 =	vmul.f32 v13, v7;
	v41 =	vmul.f32 v41, v7;
	v12 =	vld [tilespmem:s9+$0xB0]  }
0x1c4: {  	v9 =	vadd.f32 v22, v11;
	v22 =	vmul.f32 v38, v7;
	v38 =	vmul.f32 v17, v7;
	v11 =	vld [tilespmem:s9+$0xF0]  }
0x1c5: {  	v13 =	vadd.f32 v36, v21;
	v32 =	vmul.f32 v32, v7;
	v44 =	vmul.f32 v27, v7;
	v36 =	vld [tilespmem:s9+$0x130]  }
0x1c6: {  	v18 =	vadd.f32 v15, v10;
	v15 =	vmul.f32 v26, v7;
	v45 =	vmul.f32 v16, v7;
	v10 =	vld [tilespmem:s9+$0x170]  }
0x1c7: {  	v17 =	vadd.f32 v19, v33;
	v16 =	vadd.f32 v24, v14;
	v47 =	vmul.f32 v23, v7;
	v46 =	vld [tilespmem:s9+$0x1B0]  }
0x1c8: {  	v19 =	vadd.f32 v41, v28;
	v7 =	vadd.f32 v35, v39;
	v34 =	vmul.f32 v34, v4;
	v35 =	vld [tilespmem:s9+$0x1F0]  }
.Ltmp0:
0x1c9: {  	v21 =	vadd.f32 v38, v29;
	v27 =	vmul.f32 v20, v4;
	v20 =	vadd.f32 v22, v30;
	v26 =	vld [tilespmem:s9+$0x230];
	(pc) =	sbr.rel @p1 .LBB2_3-.Ltmp0, $4  }
0x1ca: {  	v14 =	vadd.f32 v44, v37;
	v22 =	vadd.f32 v32, v42;
	v29 =	vmul.f32 v12, v4;
	v24 =	vld [tilespmem:s9+$0x270]  }
0x1cb: {  	v15 =	vadd.f32 v15, v31;
	v30 =	vmul.f32 v11, v4;
	v11 =	vadd.f32 v45, v25;
	v23 =	vld [tilespmem:s9+$0x2B0]  }
0x1cc: {  	v12 =	vadd.f32 v47, v40;
	v33 =	vmul.f32 v36, v4;
	v31 =	vmul.f32 v10, v4;
	v25 =	vld [tilespmem:s9+$0x2F0]  }
0x1cd: {  	v10 =	vadd.f32 v34, v43;
	v34 =	vmul.f32 v46, v4;
	v32 =	vmul.f32 v35, v4;
	v28 =	vld [tilespmem:s9+$0x330]  }
0x1ce: {  	v8 =	vadd.f32 v27, v8  }
0x1cf: {  	v9 =	vadd.f32 v29, v9;
	v26 =	vmul.f32 v26, v4;
	v27 =	vld [tilespmem:s9+$0x370];
	v13 =	vadd.f32 v30, v13  }
0x1d0: {  	v18 =	vadd.f32 v33, v18;
	v29 =	vld [tilespmem:s9+$0x3B0];
	v16 =	vadd.f32 v31, v16;
	v24 =	vmul.f32 v24, v4  }
0x1d1: {  	v30 =	vld [tilespmem:s9+$0x3F0];
	v17 =	vadd.f32 v34, v17;
	v23 =	vmul.f32 v23, v4;
	v19 =	vadd.f32 v26, v19  }
0x1d2: {  	v26 =	vperm.xlane v8, v0;
	v25 =	vmul.f32 v25, v4;
	v20 =	vadd.f32 v24, v20  }
0x1d3: {  	v21 =	vadd.f32 v23, v21;
	v23 =	vmul.f32 v28, v4;
	v28 =	vperm.xlane v17, v0  }
0x1d4: {  	v22 =	vadd.f32 v25, v22;
	v24 =	vmul.f32 v27, v4;
	v25 =	vperm.xlane v10, v0  }
0x1d5: {  	v8 =	vadd.f32 v26, v8;
	v27 =	vperm.xlane v18, v0;
	v26 =	vperm.xlane v20, v0  }
0x1d6: {  	v14 =	vadd.f32 v23, v14;
	v23 =	vmul.f32 v29, v4;
	v4 =	vmul.f32 v30, v4  }
0x1d7: {  	v7 =	vadd.f32 v32, v7;
	v29 =	vperm.xlane v19, v0;
	v30 =	vperm.xlane v21, v0  }
0x1d8: {  	v15 =	vadd.f32 v24, v15;
	v24 =	vperm.xlane v9, v0;
	v10 =	vadd.f32 v25, v10  }
0x1d9: {  	v25 =	vperm.xlane v7, v0;
	v18 =	vadd.f32 v27, v18;
	v11 =	vadd.f32 v23, v11  }
0x1da: {  	v23 =	vperm.xlane v13, v0;
	v4 =	vadd.f32 v4, v12;
	v12 =	vperm.xlane v16, v0  }
0x1db: {  	v31 =	vperm.xlane v14, v0;
	v9 =	vadd.f32 v24, v9;
	v24 =	vperm.xlane v22, v0  }
0x1dc: {  	v8 =	vsel vm0, v10, v8;
	v10 =	vadd.f32 v28, v17;
	v7 =	vadd.f32 v25, v7  }
0x1dd: {  	v17 =	vadd.f32 v26, v20;
	v13 =	vadd.f32 v23, v13;
	v23 =	vperm.xlane v15, v0  }
0x1de: {  	v53 =	vperm.xlane v11, v0;
	v12 =	vadd.f32 v12, v16;
	v16 =	vperm.xlane v4, v0  }
0x1df: {  	v7 =	vsel vm0, v10, v7;
	v10 =	vadd.f32 v31, v14;
	v9 =	vsel vm0, v9, v13  }
0x1e0: {  	v13 =	vadd.f32 v29, v19;
	v12 =	vsel vm0, v18, v12;
	v18 =	vadd.f32 v30, v21  }
0x1e1: {  	v19 =	vadd.f32 v24, v22;
	v14 =	vadd.f32 v23, v15  }
0x1e2: {  	v11 =	vadd.f32 v53, v11;
	v4 =	vadd.f32 v16, v4;
	v16 =	vperm.xlane v12, v1  }
0x1e3: {  	v13 =	vsel vm0, v13, v17;
	v10 =	vsel vm0, v10, v14;
	v14 =	vperm.xlane v8, v1  }
0x1e4: {  	v15 =	vsel vm0, v18, v19;
	v4 =	vsel vm0, v11, v4;
	v11 =	vperm.xlane v9, v1  }
0x1e5: {  	v17 =	vperm.xlane v13, v1;
	v8 =	vadd.f32 v14, v8;
	v14 =	vperm.xlane v7, v1  }
0x1e6: {  	v18 =	vperm.xlane v10, v1;
	v9 =	vadd.f32 v11, v9;
	v11 =	vperm.xlane v15, v1  }
0x1e7: {  	v12 =	vadd.f32 v16, v12;
	v7 =	vadd.f32 v14, v7;
	v14 =	vperm.xlane v4, v1  }
0x1e8: {  	v13 =	vadd.f32 v17, v13;
	v11 =	vadd.f32 v11, v15  }
0x1e9: {  	v10 =	vadd.f32 v18, v10;
	v4 =	vadd.f32 v14, v4  }
0x1ea: {  	v8 =	vsel vm1, v8, v9;
	v7 =	vsel vm1, v12, v7;
	v9 =	vsel vm1, v13, v11  }
0x1eb: {  	v11 =	vperm.xlane v8, v2;
	v12 =	vperm.xlane v7, v2;
	v4 =	vsel vm1, v10, v4  }
0x1ec: {  	v10 =	vperm.xlane v9, v2;
	v13 =	vperm.xlane v4, v2  }
0x1ed: {  	v8 =	vadd.f32 v11, v8;
	v7 =	vadd.f32 v12, v7  }
0x1ee: {  	v9 =	vadd.f32 v10, v9;
	v4 =	vadd.f32 v13, v4;
	_ =	sdelay $0x1  }
0x1ef: {  	v10 =	vperm.xlane v5, v3;
	v7 =	vsel vm2, v8, v7;
	v4 =	vsel vm2, v9, v4  }
0x1f0: {  	v8 =	vperm.xlane v7, v3;
	v9 =	vperm.xlane v4, v3  }
0x1f1: {  	v5 =	vadd.f32 v10, v5  }
0x1f2: {  	v7 =	vadd.f32 v8, v7;
	v4 =	vadd.f32 v9, v4  }
0x1f3: {  	v5 =	vsel vm3, v6, v5  }
0x1f4: {  	[tilespmem:s28+$0xFFFFFFF0] =	vst v5;
	v4 =	vsel vm3, v7, v4  }
0x1f5: {  	s0 =	sadd.s32 s23, s12;
	[tilespmem:s29+$0xFFFFFFF0] =	vst v4  }
0x1f6: {  	[hbm4b:s0+s2] =	stream.linear.scatter [tilespmem:s20], [sflag:$0x5], $0x200, $0x38;
	[tilespmem:$0xFFC0] =	vst v63  }
0x1f7: {  	_ =	swait.ge [sflag:s21], $0x200  }
0x1f8: {  	[sflag:s21] =	ssyncset.done $0x0  }
0x1f9: {  	[sflag:s21] =	ssyncadd.s32 $0xFFFFFE00  }
0x1fa: {  	_ =	swait.ge [sflag:s21], $0x1E00  }
0x1fb: {  	[sflag:s21] =	ssyncset.done $0x0  }
0x1fc: {  	[sflag:s21] =	ssyncadd.s32 $0xFFFFE200  }
0x1fd: {  	_ =	swait.ge [sflag:s21], $0x1E00  }
0x1fe: {  	[sflag:s21] =	ssyncset.done $0x0  }
0x1ff: {  	[sflag:s21] =	ssyncadd.s32 $0xFFFFE200  }
0x200: {  	s0 =	sshll.u32 @!p0 s17, $0x4;
	_ =	swait.ge [sflag:s21], $0x1E00  }
0x201: {  	s0 =	sadd.s32 @!p0 s0, s13;
	[sflag:s21] =	ssyncset.done $0x0  }
0x202: {  	s0 =	smul.u32 @!p0 $0x3C, s0;
	[sflag:s21] =	ssyncadd.s32 $0xFFFFE200  }
0x203: {  	_ =	swait.ge [sflag:s21], $0x1E00  }
0x204: {  	s1 =	simm.s32 @!p0 $0x0;
	s0 =	sshrl.u32 @!p0 s0, $0x3;
	[sflag:s21] =	ssyncset.done $0x0  }
0x205: {  	s9 =	simm.s32 @!p0 $0x1E0;
	s0 =	sadd.s32 @!p0 s5, s0;
	[sflag:s21] =	ssyncadd.s32 $0xFFFFE200  }
0x206: {  	[tilespmem:s9], [sflag:$0x2] =	stream.linear.gather @!p0 [hbm4b:s0+s1], $0x1E0, $0x38;
	[tilespmem:$0xFFC0] =	vst v63  }
0x207: {  	s0 =	simm.s32 @!p0 $0x1  }
0x208: {  	_ =	swait.ge @!p0 [sflag:s0], $0x1E0  }
0x209: {  	s9 =	sshll.u32 @!p0 s18, $0x6;
	[sflag:s0] =	ssyncset.done @!p0 $0x0  }
0x20a: {  	[sflag:s0] =	ssyncadd.s32 @!p0 $0xFFFFFE20;
	s0 =	sadd.s32 @!p0 s9, s10;
	s9 =	simm.s32 @!p0 $0x3C0  }
0x20b: {  	[tilespmem:s9], [sflag:$0x3] =	stream.linear.gather @!p0 [hbm4b:s0+s1], $0x200, $0x38;
	[tilespmem:$0xFFC0] =	vst v63  }
0x20c: {  	s0 =	simm.s32 @!p0 $0x78;
	s9 =	simm.s32 @!p0 $0x7C0  }
0x20d: {  	[tilespmem:s9], [sflag:$0x3] =	stream.indirect.gather @!p0 [hbm4b:s3+s0], $0x40, s1, s0, $0xb8;
	[tilespmem:$0xFFC0] =	vst v63  }
0x20e: {  	s1 =	simm.s32 @!p0 $0x25C0  }
0x20f: {  	[tilespmem:s1], [sflag:$0x3] =	stream.indirect.gather @!p0 [hbm4b:s3+s0], $0x40, s0, s0, $0xb8;
	[tilespmem:$0xFFC0] =	vst v63  }
0x210: {  	s9 =	simm.s32 @!p0 $0x43C0;
	s1 =	simm.s32 @!p0 $0xF0  }
0x211: {  	[tilespmem:s9], [sflag:$0x3] =	stream.indirect.gather @!p0 [hbm4b:s3+s0], $0x40, s1, s0, $0xb8;
	[tilespmem:$0xFFC0] =	vst v63  }
0x212: {  	p1 =	seq.s32 @!p0 s17, $0x0;
	s1 =	simm.s32 @!p0 $0x168;
	s9 =	simm.s32 @!p0 $0x61C0  }
0x213: {  	[tilespmem:s9], [sflag:$0x3] =	stream.indirect.gather @!p0 [hbm4b:s3+s0], $0x40, s1, s0, $0xb8;
	[tilespmem:$0xFFC0] =	vst v63  }
0x214: {  	p0 =	por p0, !p1  }
0x215: {  	_ =	swait.ge @p0 [sflag:s24], $0x200  }
0x216: {  	s9 =	simm.s32 $0x0;
	[sflag:s24] =	ssyncset.done @p0 $0x0  }
0x217: {  	s15 =	simm.s32 $0x0;
	s0 =	sand.u32 $0xFFFFFFC0, s9;
	[sflag:s24] =	ssyncadd.s32 @p0 $0xFFFFFE00  }
0x218: {  	s1 =	sand.u32 $0xFFFFFC00, s15;
	v5 =	vld [tilespmem:s0+$0x5F0]  }
0x219: {  	s1 =	ssub.s32 $0x0, s1;
	v4 =	vld [tilespmem:s0+$0x5E0]  }
0x21a: {  	s1 =	sshra.s32 s1, $0x2;
	v7 =	vld [tilespmem:s0+$0x5C0]  }
0x21b: {  	s18 =	sadd.s32 $0x7C0, s1;
	v6 =	vld [tilespmem:s0+$0x5D0]  }
0x21c: {  	v8 =	vld [tilespmem:s18+$0x7E30]  }
0x21d: {  	v9 =	vld [tilespmem:s18+$0x7E70]  }
0x21e: {  	v10 =	vld [tilespmem:s18+$0x7EB0]  }
0x21f: {  	v11 =	vld [tilespmem:s18+$0x7EF0]  }
0x220: {  	v12 =	vld [tilespmem:s18+$0x7F30]  }
0x221: {  	v13 =	vld [tilespmem:s18+$0x7F70]  }
0x222: {  	v14 =	vld [tilespmem:s18+$0x7FB0]  }
0x223: {  	v15 =	vld [tilespmem:s18+$0x7FF0]  }
0x224: {  	v16 =	vld [tilespmem:s18+$0x7E20]  }
0x225: {  	v17 =	vld [tilespmem:s18+$0x7E60]  }
0x226: {  	v18 =	vld [tilespmem:s18+$0x7EA0]  }
0x227: {  	v19 =	vld [tilespmem:s18+$0x7EE0]  }
0x228: {  	v20 =	vld [tilespmem:s18+$0x7F20]  }
0x229: {  	v21 =	vld [tilespmem:s18+$0x7F60]  }
0x22a: {  	v22 =	vld [tilespmem:s18+$0x7FA0]  }
0x22b: {  	v23 =	vld [tilespmem:s18+$0x7FE0]  }
0x22c: {  	v24 =	vld [tilespmem:s18+$0x7E00]  }
0x22d: {  	v25 =	vld [tilespmem:s18+$0x7E10]  }
0x22e: {  	v26 =	vld [tilespmem:s18+$0x7E40]  }
0x22f: {  	v27 =	vld [tilespmem:s18+$0x7E50]  }
0x230: {  	v28 =	vld [tilespmem:s18+$0x7E80]  }
0x231: {  	v29 =	vld [tilespmem:s18+$0x7E90]  }
0x232: {  	v30 =	vld [tilespmem:s18+$0x7EC0]  }
0x233: {  	v31 =	vld [tilespmem:s18+$0x7ED0]  }
0x234: {  	v54 =	vld [tilespmem:s18+$0x7F00]  }
0x235: {  	v55 =	vld [tilespmem:s18+$0x7F10]  }
0x236: {  	v56 =	vld [tilespmem:s18+$0x7F40]  }
0x237: {  	v35 =	vld [tilespmem:s18+$0x7F50]  }
0x238: {  	v36 =	vld [tilespmem:s18+$0x7F80]  }
0x239: {  	v37 =	vld [tilespmem:s18+$0x7F90]  }
0x23a: {  	v38 =	vld [tilespmem:s18+$0x7FC0]  }
0x23b: {  	v41 =	vld [tilespmem:s18+$0x7FD0]  }
0x23c: {  	v42 =	vld [tilespmem:s18+$0x8000]  }
0x23d: {  	v43 =	vld [tilespmem:s18+$0x8010]  }
0x23e: {  	v44 =	vld [tilespmem:s18+$0x8080]  }
0x23f: {  	v45 =	vld [tilespmem:s18+$0x8090];
	v39 =	vmul.f32 v8, v5;
	v40 =	vmul.f32 v9, v5  }
0x240: {  	v46 =	vld [tilespmem:s18+$0x80C0];
	v10 =	vmul.f32 v10, v5;
	v11 =	vmul.f32 v11, v5  }
0x241: {  	v47 =	vld [tilespmem:s18+$0x80D0];
	v12 =	vmul.f32 v12, v5;
	v8 =	vmul.f32 v14, v5  }
0x242: {  	v48 =	vld [tilespmem:s18+$0x8100];
	v9 =	vmul.f32 v15, v5;
	v15 =	vmul.f32 v16, v4  }
0x243: {  	v49 =	vld [tilespmem:s18+$0x8110];
	v16 =	vmul.f32 v17, v4;
	v18 =	vmul.f32 v18, v4  }
0x244: {  	v50 =	vld [tilespmem:s18+$0x8140];
	v19 =	vmul.f32 v19, v4;
	v24 =	vmul.f32 v24, v7  }
0x245: {  	v51 =	vld [tilespmem:s18+$0x8150];
	v25 =	vmul.f32 v25, v6;
	v26 =	vmul.f32 v26, v7  }
0x246: {  	v52 =	vld [tilespmem:s18+$0x8180];
	v27 =	vmul.f32 v27, v6;
	v28 =	vmul.f32 v28, v7  }
0x247: {  	v53 =	vld [tilespmem:s18+$0x8190];
	v29 =	vmul.f32 v29, v6;
	v30 =	vmul.f32 v30, v7  }
0x248: {  	v58 =	vld [tilespmem:s18+$0x81A0];
	v31 =	vmul.f32 v31, v6;
	v32 =	vmul.f32 v54, v7  }
0x249: {  	v59 =	vld [tilespmem:s18+$0x81E0];
	v33 =	vmul.f32 v55, v6;
	v34 =	vmul.f32 v56, v7  }
0x24a: {  	v62 =	vld [tilespmem:s18+$0x8030];
	v35 =	vmul.f32 v35, v6;
	v36 =	vmul.f32 v36, v7  }
0x24b: {  	v14 =	vld [tilespmem:s18+$0x8040];
	v37 =	vmul.f32 v37, v6;
	v38 =	vmul.f32 v38, v7  }
0x24c: {  	v17 =	vld [tilespmem:s18+$0x8050];
	v41 =	vmul.f32 v41, v6;
	v42 =	vmul.f32 v42, v7  }
0x24d: {  	v54 =	vld [tilespmem:s18+$0x81C0];
	v43 =	vmul.f32 v43, v6;
	v44 =	vmul.f32 v44, v7  }
0x24e: {  	v55 =	vld [tilespmem:s18+$0x81D0];
	v45 =	vmul.f32 v45, v6;
	v46 =	vmul.f32 v46, v7  }
0x24f: {  	v56 =	vld [tilespmem:s18+$0x8020];
	v47 =	vmul.f32 v47, v6;
	v48 =	vmul.f32 v48, v7  }
0x250: {  	v57 =	vmul.f32 v53, v6;
	v53 =	vld [tilespmem:s18+$0x8070];
	v24 =	vadd.f32 v25, v24;
	v26 =	vadd.f32 v27, v26  }
0x251: {  	v49 =	vmul.f32 v49, v6;
	v25 =	vld [tilespmem:s18+$0x8060];
	v28 =	vadd.f32 v29, v28;
	v30 =	vadd.f32 v31, v30  }
0x252: {  	v50 =	vmul.f32 v50, v7;
	v27 =	vld [tilespmem:s18+$0x80A0];
	v32 =	vadd.f32 v33, v32;
	v33 =	vadd.f32 v35, v34  }
0x253: {  	v29 =	vld [tilespmem:s18+$0x80E0];
	v31 =	vmul.f32 v51, v6;
	v36 =	vadd.f32 v37, v36;
	v37 =	vadd.f32 v41, v38  }
0x254: {  	v51 =	vld [tilespmem:s18+$0x8120];
	v34 =	vmul.f32 v52, v7;
	v42 =	vadd.f32 v43, v42;
	v44 =	vadd.f32 v45, v44  }
0x255: {  	v20 =	vmul.f32 v20, v4;
	v35 =	vld [tilespmem:s18+$0x8160];
	v60 =	vadd.f32 v47, v46;
	v48 =	vadd.f32 v49, v48  }
0x256: {  	v21 =	vmul.f32 v21, v4;
	v41 =	vld [tilespmem:s18+$0x7A00];
	v31 =	vadd.f32 v31, v50;
	v34 =	vadd.f32 v57, v34  }
0x257: {  	v22 =	vmul.f32 v22, v4;
	v38 =	vld [tilespmem:s18+$0x7A50];
	v15 =	vadd.f32 v15, v24;
	v16 =	vadd.f32 v16, v26  }
0x258: {  	v23 =	vmul.f32 v23, v4;
	v52 =	vld [tilespmem:s18+$0x7B50];
	v18 =	vadd.f32 v18, v28;
	v19 =	vadd.f32 v19, v30  }
0x259: {  	v13 =	vmul.f32 v13, v5;
	v47 =	vld [tilespmem:s18+$0x7D10];
	v20 =	vadd.f32 v20, v32;
	v21 =	vadd.f32 v21, v33  }
0x25a: {  	v59 =	vmul.f32 v59, v4;
	v26 =	vld [tilespmem:s18+$0x80F0];
	v22 =	vadd.f32 v22, v36;
	v23 =	vadd.f32 v23, v37  }
0x25b: {  	v28 =	vld [tilespmem:s18+$0x8130];
	v14 =	vmul.f32 v14, v7;
	v17 =	vmul.f32 v17, v6;
	v15 =	vadd.f32 v39, v15  }
0x25c: {  	v30 =	vld [tilespmem:s18+$0x8170];
	v61 =	vmul.f32 v55, v6;
	v16 =	vadd.f32 v40, v16;
	v10 =	vadd.f32 v10, v18  }
0x25d: {  	v32 =	vld [tilespmem:s18+$0x7A10];
	v63 =	vmul.f32 v56, v4;
	v11 =	vadd.f32 v11, v19;
	v12 =	vadd.f32 v12, v20  }
0x25e: {  	v33 =	vld [tilespmem:s18+$0x7B00];
	v14 =	vadd.f32 v17, v14;
	v17 =	vmul.f32 v54, v7;
	v25 =	vmul.f32 v25, v4  }
0x25f: {  	v50 =	vld [tilespmem:s18+$0x7B40];
	v13 =	vadd.f32 v13, v21;
	v24 =	vmul.f32 v27, v4;
	v27 =	vmul.f32 v29, v4  }
0x260: {  	v36 =	vld [tilespmem:s18+$0x7B20];
	v8 =	vadd.f32 v8, v22;
	v29 =	vmul.f32 v51, v4;
	v55 =	vmul.f32 v35, v4  }
0x261: {  	v56 =	vld [tilespmem:s18+$0x81B0];
	v9 =	vadd.f32 v9, v23;
	v41 =	vmul.f32 v41, v7;
	v38 =	vmul.f32 v38, v6  }
0x262: {  	v19 =	vld [tilespmem:s18+$0x7A80];
	v57 =	vadd.f32 v63, v42;
	v63 =	vperm.xlane v16, v0;
	v49 =	vperm.xlane v11, v0  }
0x263: {  	v21 =	vld [tilespmem:s18+$0x7A90];
	v51 =	vperm.xlane v13, v0;
	v17 =	vadd.f32 v61, v17;
	v14 =	vadd.f32 v25, v14  }
0x264: {  	v23 =	vld [tilespmem:s18+$0x7AC0];
	v25 =	vmul.f32 v58, v4;
	v24 =	vadd.f32 v24, v44;
	v27 =	vadd.f32 v27, v60  }
0x265: {  	v39 =	vld [tilespmem:s18+$0x7B60];
	v60 =	vmul.f32 v62, v5;
	v29 =	vadd.f32 v29, v48;
	v61 =	vmul.f32 v53, v5  }
0x266: {  	v54 =	vld [tilespmem:s18+$0x80B0];
	v31 =	vadd.f32 v55, v31;
	v18 =	vmul.f32 v26, v5;
	v20 =	vmul.f32 v28, v5  }
0x267: {  	v58 =	vld [tilespmem:s18+$0x81F0];
	v22 =	vmul.f32 v30, v5;
	v53 =	vperm.xlane v9, v0;
	v16 =	vadd.f32 v63, v16  }
0x268: {  	v30 =	vld [tilespmem:s18+$0x7AD0];
	v32 =	vmul.f32 v32, v6;
	v11 =	vadd.f32 v49, v11;
	v13 =	vadd.f32 v51, v13  }
0x269: {  	v48 =	vld [tilespmem:s18+$0x7B10];
	v33 =	vmul.f32 v33, v7;
	v25 =	vadd.f32 v25, v34;
	v17 =	vadd.f32 v59, v17  }
0x26a: {  	v28 =	vmul.f32 v56, v5;
	v56 =	vld [tilespmem:s18+$0x7B90];
	v26 =	vadd.f32 v60, v57;
	v14 =	vadd.f32 v61, v14  }
0x26b: {  	v49 =	vmul.f32 v52, v6;
	v51 =	vld [tilespmem:s18+$0x7BA0];
	v18 =	vadd.f32 v18, v27;
	v20 =	vadd.f32 v20, v29  }
0x26c: {  	v34 =	vld [tilespmem:s18+$0x7A40];
	v29 =	vperm.xlane v15, v0;
	v22 =	vadd.f32 v22, v31;
	v31 =	vperm.xlane v10, v0  }
0x26d: {  	v57 =	vld [tilespmem:s18+$0x7BC0];
	v9 =	vadd.f32 v53, v9;
	v19 =	vmul.f32 v19, v7;
	v23 =	vmul.f32 v23, v7  }
0x26e: {  	v59 =	vld [tilespmem:s18+$0x7C00];
	v62 =	vmul.f32 v54, v5;
	v25 =	vadd.f32 v28, v25;
	v28 =	vperm.xlane v12, v0  }
0x26f: {  	v60 =	vld [tilespmem:s18+$0x7C10];
	v15 =	vadd.f32 v29, v15;
	v29 =	vperm.xlane v26, v0;
	v55 =	vperm.xlane v14, v0  }
0x270: {  	v61 =	vld [tilespmem:s18+$0x7C40];
	v10 =	vadd.f32 v31, v10;
	v24 =	vadd.f32 v62, v24;
	v27 =	vmul.f32 v58, v5  }
0x271: {  	v54 =	vld [tilespmem:s18+$0x7B80];
	v30 =	vmul.f32 v30, v6;
	v48 =	vmul.f32 v48, v6;
	v12 =	vadd.f32 v28, v12  }
0x272: {  	v58 =	vld [tilespmem:s18+$0x7BD0];
	v28 =	vperm.xlane v18, v0;
	v26 =	vadd.f32 v29, v26;
	v29 =	vperm.xlane v22, v0  }
0x273: {  	v14 =	vadd.f32 v55, v14;
	v15 =	vsel vm0, v15, v16;
	v10 =	vsel vm0, v10, v11;
	v16 =	vld [tilespmem:s18+$0x7C90]  }
0x274: {  	v17 =	vadd.f32 v27, v17;
	v27 =	vperm.xlane v8, v0;
	v52 =	vmul.f32 v57, v7;
	v57 =	vld [tilespmem:s18+$0x7C20]  }
0x275: {  	v23 =	vadd.f32 v30, v23;
	v33 =	vadd.f32 v48, v33;
	v55 =	vmul.f32 v59, v7;
	v59 =	vld [tilespmem:s18+$0x7C60]  }
0x276: {  	v31 =	vperm.xlane v24, v0;
	v48 =	vld [tilespmem:s18+$0x7DE0];
	v18 =	vadd.f32 v28, v18;
	v22 =	vadd.f32 v29, v22  }
0x277: {  	v28 =	vld [tilespmem:s18+$0x7C50];
	v12 =	vsel vm0, v12, v13;
	v8 =	vadd.f32 v27, v8;
	v27 =	vperm.xlane v20, v0  }
0x278: {  	v29 =	vld [tilespmem:s18+$0x7C80];
	v30 =	vmul.f32 v54, v7;
	v24 =	vadd.f32 v31, v24;
	v31 =	vperm.xlane v25, v0  }
0x279: {  	v54 =	vld [tilespmem:s18+$0x7BE0];
	v53 =	vmul.f32 v58, v6;
	v58 =	vmul.f32 v61, v7;
	v20 =	vadd.f32 v27, v20  }
0x27a: {  	v61 =	vld [tilespmem:s18+$0x7CE0];
	v27 =	vperm.xlane v17, v0;
	v8 =	vsel vm0, v8, v9;
	v9 =	vsel vm0, v26, v14  }
0x27b: {  	v14 =	vld [tilespmem:s18+$0x7CC0];
	v13 =	vsel vm0, v24, v18;
	v18 =	vperm.xlane v10, v1;
	v16 =	vmul.f32 v16, v6  }
0x27c: {  	v25 =	vadd.f32 v31, v25;
	v24 =	vld [tilespmem:s18+$0x7CD0];
	v26 =	vperm.xlane v8, v1;
	v31 =	vperm.xlane v13, v1  }
0x27d: {  	v11 =	vadd.f32 v27, v17;
	v17 =	vperm.xlane v15, v1;
	v20 =	vsel vm0, v20, v22;
	v27 =	vld [tilespmem:s18+$0x7D00]  }
0x27e: {  	v22 =	vperm.xlane v12, v1;
	v10 =	vadd.f32 v18, v10;
	v18 =	vld [tilespmem:s18+$0x7D40];
	v28 =	vmul.f32 v28, v6  }
0x27f: {  	s30 =	simm.s32 $0x200;
	v29 =	vmul.f32 v29, v7;
	v37 =	vmul.f32 v54, v4;
	v54 =	vld [tilespmem:s18+$0x7BB0]  }
0x280: {  	s31 =	sand.u32 $0xFFFFFC00, s30;
	v8 =	vadd.f32 v26, v8;
	v26 =	vld [tilespmem:s18+$0x7D50];
	v13 =	vadd.f32 v31, v13;
	v31 =	vmul.f32 v34, v7  }
0x281: {  	s0 =	ssub.s32 $0x0, s31;
	v34 =	vadd.f32 v53, v52;
	v52 =	vmul.f32 v59, v4;
	v59 =	vld [tilespmem:s18+$0x7CF0];
	v11 =	vsel vm0, v25, v11  }
0x282: {  	s0 =	sshra.s32 s0, $0x2;
	v25 =	vperm.xlane v9, v1;
	v15 =	vadd.f32 v17, v15;
	v16 =	vadd.f32 v16, v29;
	v29 =	vld [tilespmem:s18+$0x7D60]  }
0x283: {  	s9 =	sadd.s32 $0xFC0, s0;
	v17 =	vperm.xlane v20, v1;
	v12 =	vadd.f32 v22, v12;
	v28 =	vadd.f32 v28, v58;
	v58 =	vld [tilespmem:s18+$0x7CB0]  }
0x284: {  	v40 =	vmul.f32 v61, v4;
	v22 =	vperm.xlane v11, v1;
	v34 =	vadd.f32 v37, v34;
	v37 =	vld [tilespmem:s9+$0x8010]  }
0x285: {  	v31 =	vadd.f32 v38, v31;
	v14 =	vmul.f32 v14, v7;
	v9 =	vadd.f32 v25, v9;
	v25 =	vld [tilespmem:s18+$0x7D80]  }
0x286: {  	v24 =	vmul.f32 v24, v6;
	v17 =	vadd.f32 v17, v20;
	v20 =	vld [tilespmem:s18+$0x7D90];
	v10 =	vsel vm1, v15, v10  }
0x287: {  	v8 =	vsel vm1, v12, v8;
	v15 =	vld [tilespmem:s18+$0x7DC0];
	v28 =	vadd.f32 v52, v28;
	v11 =	vadd.f32 v22, v11  }
0x288: {  	v12 =	vperm.xlane v10, v2;
	v22 =	vadd.f32 v32, v41;
	v41 =	vld [tilespmem:s18+$0x7A20];
	v27 =	vmul.f32 v27, v7  }
0x289: {  	v32 =	vld [tilespmem:s18+$0x7AE0];
	v18 =	vmul.f32 v18, v7;
	v9 =	vsel vm1, v9, v13;
	v13 =	vperm.xlane v8, v2  }
0x28a: {  	v14 =	vadd.f32 v24, v14;
	v26 =	vmul.f32 v26, v6;
	v11 =	vsel vm1, v17, v11;
	v17 =	vld [tilespmem:s18+$0x7DD0]  }
0x28b: {  	v62 =	vperm.xlane v9, v2;
	v12 =	vadd.f32 v12, v10;
	v13 =	vadd.f32 v13, v8;
	v8 =	vld [tilespmem:s18+$0x7A60]  }
0x28c: {  	v29 =	vmul.f32 v29, v4;
	v63 =	vperm.xlane v11, v2;
	v18 =	vadd.f32 v26, v18;
	v26 =	vld [tilespmem:s18+$0x7A70]  }
0x28d: {  	v10 =	vadd.f32 v62, v9;
	v9 =	vmul.f32 v21, v6;
	v21 =	vld [tilespmem:s18+$0x7AA0];
	v62 =	vmul.f32 v47, v6  }
0x28e: {  	v14 =	vadd.f32 v40, v14;
	v24 =	vmul.f32 v25, v7;
	v20 =	vmul.f32 v20, v6;
	v25 =	vld [tilespmem:s18+$0x7DA0]  }
0x28f: {  	v11 =	vadd.f32 v63, v11;
	v63 =	vld [tilespmem:s18+$0x7D20];
	v9 =	vadd.f32 v9, v19;
	v19 =	vmul.f32 v50, v7  }
0x290: {  	v18 =	vadd.f32 v29, v18;
	v29 =	vld [tilespmem:s18+$0x7D70];
	v50 =	vmul.f32 v56, v6;
	v56 =	vmul.f32 v60, v6  }
0x291: {  	v60 =	vld [tilespmem:s18+$0x7CA0];
	v7 =	vmul.f32 v15, v7;
	v20 =	vadd.f32 v20, v24;
	v24 =	vmul.f32 v32, v4  }
0x292: {  	v27 =	vadd.f32 v62, v27;
	v15 =	vmul.f32 v41, v4;
	v6 =	vmul.f32 v17, v6;
	v17 =	vld [tilespmem:s18+$0x7A30]  }
0x293: {  	v62 =	vmul.f32 v59, v5;
	v19 =	vadd.f32 v49, v19;
	v23 =	vadd.f32 v24, v23;
	v24 =	vld [tilespmem:s18+$0x7B70]  }
0x294: {  	v38 =	vadd.f32 v56, v55;
	v8 =	vmul.f32 v8, v4;
	v49 =	vmul.f32 v36, v4;
	v55 =	vld [tilespmem:s18+$0x7C30]  }
0x295: {  	v30 =	vadd.f32 v50, v30;
	v50 =	vmul.f32 v51, v4;
	v51 =	vmul.f32 v57, v4;
	v57 =	vld [tilespmem:s18+$0x7C70]  }
0x296: {  	v26 =	vmul.f32 v26, v5;
	v14 =	vadd.f32 v62, v14;
	v36 =	vld [tilespmem:s9+$0x7E20];
	v21 =	vmul.f32 v21, v4  }
0x297: {  	v62 =	vld [tilespmem:s9+$0x7F00];
	v6 =	vadd.f32 v6, v7;
	v7 =	vadd.f32 v15, v22;
	v22 =	vmul.f32 v39, v4  }
0x298: {  	v15 =	vld [tilespmem:s18+$0x7AB0];
	v25 =	vmul.f32 v25, v4;
	v39 =	vsel vm2, v12, v13;
	v8 =	vadd.f32 v8, v31  }
0x299: {  	v31 =	vld [tilespmem:s18+$0x7AF0];
	v53 =	vmul.f32 v63, v4;
	v32 =	vadd.f32 v49, v33;
	v30 =	vadd.f32 v50, v30  }
0x29a: {  	v56 =	vadd.f32 v51, v38;
	v29 =	vmul.f32 v29, v5;
	v9 =	vadd.f32 v21, v9;
	v21 =	vld [tilespmem:s18+$0x7B30]  }
0x29b: {  	v44 =	vperm.xlane v39, v3;
	v35 =	vmul.f32 v60, v4;
	v19 =	vadd.f32 v22, v19;
	v22 =	vld [tilespmem:s18+$0x7BF0]  }
0x29c: {  	s23 =	simm.s32 $0x20;
	v4 =	vmul.f32 v48, v4;
	v20 =	vadd.f32 v25, v20;
	v25 =	vld [tilespmem:s18+$0x7D30];
	v27 =	vadd.f32 v53, v27  }
0x29d: {  	s1 =	sand.u32 $0xFFFFFFC0, s23;
	v60 =	vld [tilespmem:s18+$0x7DB0];
	v17 =	vmul.f32 v17, v5;
	v26 =	vadd.f32 v26, v8;
	v18 =	vadd.f32 v29, v18  }
0x29e: {  	v16 =	vadd.f32 v35, v16;
	v6 =	vadd.f32 v4, v6;
	v8 =	vmul.f32 v55, v5;
	v4 =	vld [tilespmem:s1+$0x5F0]  }
0x29f: {  	v24 =	vmul.f32 v24, v5;
	v35 =	vld [tilespmem:s9+$0x7FF0];
	v17 =	vadd.f32 v17, v7;
	v7 =	vmul.f32 v54, v5  }
0x2a0: {  	v55 =	vperm.xlane v14, v0;
	v15 =	vmul.f32 v15, v5;
	v61 =	vadd.f32 v8, v56;
	v8 =	vld [tilespmem:s1+$0x5C0]  }
0x2a1: {  	v31 =	vmul.f32 v31, v5;
	v19 =	vadd.f32 v24, v19;
	v24 =	vadd.f32 v7, v30;
	v7 =	vld [tilespmem:s1+$0x5E0]  }
0x2a2: {  	v15 =	vadd.f32 v15, v9;
	v9 =	vmul.f32 v57, v5;
	v33 =	vmul.f32 v60, v5;
	v60 =	vld [tilespmem:s9+$0x7FA0]  }
0x2a3: {  	v39 =	vadd.f32 v44, v39;
	v22 =	vmul.f32 v22, v5;
	v23 =	vadd.f32 v31, v23;
	v31 =	vld [tilespmem:s18+$0x7DF0]  }
0x2a4: {  	v14 =	vadd.f32 v55, v14;
	v21 =	vmul.f32 v21, v5;
	v28 =	vadd.f32 v9, v28;
	v9 =	vld [tilespmem:s1+$0x5D0]  }
0x2a5: {  	v30 =	vmul.f32 v58, v5;
	v52 =	vperm.xlane v61, v0;
	v22 =	vadd.f32 v22, v34;
	v34 =	vld [tilespmem:s9+$0x7E30]  }
0x2a6: {  	v25 =	vmul.f32 v25, v5;
	v21 =	vadd.f32 v21, v32;
	v20 =	vadd.f32 v33, v20;
	v33 =	vld [tilespmem:s9+$0x7EB0]  }
0x2a7: {  	v16 =	vadd.f32 v30, v16;
	v30 =	vperm.xlane v17, v0;
	v32 =	vadd.f32 v52, v61;
	v61 =	vld [tilespmem:s9+$0x7EC0]  }
0x2a8: {  	v57 =	vperm.xlane v18, v0;
	v25 =	vadd.f32 v25, v27;
	v27 =	vperm.xlane v26, v0;
	v52 =	vld [tilespmem:s9+$0x8040]  }
0x2a9: {  	v49 =	vperm.xlane v19, v0;
	v29 =	vperm.xlane v15, v0;
	v17 =	vadd.f32 v30, v17;
	v30 =	vld [tilespmem:s9+$0x7F30]  }
0x2aa: {  	v50 =	vperm.xlane v24, v0;
	v18 =	vadd.f32 v57, v18;
	v26 =	vadd.f32 v27, v26;
	v27 =	vld [tilespmem:s9+$0x7F70]  }
0x2ab: {  	v63 =	vperm.xlane v23, v0;
	v48 =	vperm.xlane v21, v0;
	v15 =	vadd.f32 v29, v15;
	v29 =	vld [tilespmem:s9+$0x7FB0]  }
0x2ac: {  	v51 =	vperm.xlane v22, v0;
	v53 =	vperm.xlane v28, v0;
	v24 =	vadd.f32 v50, v24;
	v50 =	vld [tilespmem:s9+$0x7F10]  }
0x2ad: {  	v19 =	vadd.f32 v49, v19;
	v54 =	vperm.xlane v16, v0;
	v46 =	vmul.f32 v62, v8;
	v62 =	vld [tilespmem:s9+$0x80C0]  }
0x2ae: {  	v56 =	vperm.xlane v25, v0;
	v58 =	vperm.xlane v20, v0;
	v23 =	vadd.f32 v63, v23;
	v63 =	vld [tilespmem:s9+$0x7F40]  }
0x2af: {  	v21 =	vadd.f32 v48, v21;
	v17 =	vsel vm0, v17, v26;
	v26 =	vld [tilespmem:s9+$0x7E60];
	v22 =	vadd.f32 v51, v22  }
0x2b0: {  	v5 =	vmul.f32 v31, v5;
	v28 =	vadd.f32 v53, v28;
	v16 =	vadd.f32 v54, v16;
	v54 =	vld [tilespmem:s9+$0x7FE0]  }
0x2b1: {  	v10 =	vsel vm2, v10, v11;
	v25 =	vadd.f32 v56, v25;
	v20 =	vadd.f32 v58, v20;
	v56 =	vld [tilespmem:s9+$0x7E00]  }
0x2b2: {  	v58 =	vld [tilespmem:s9+$0x7E50];
	v15 =	vsel vm0, v15, v23;
	v37 =	vmul.f32 v37, v9;
	v5 =	vadd.f32 v5, v6  }
0x2b3: {  	v23 =	vld [tilespmem:s9+$0x7EA0];
	v14 =	vsel vm0, v16, v14;
	v16 =	vsel vm0, v25, v18;
	v18 =	vperm.xlane v17, v1  }
0x2b4: {  	v6 =	vld [tilespmem:s9+$0x7EF0];
	v22 =	vsel vm0, v24, v22;
	v25 =	vperm.xlane v15, v1;
	v43 =	vmul.f32 v61, v8  }
0x2b5: {  	v19 =	vsel vm0, v21, v19;
	v21 =	vld [tilespmem:s9+$0x7EE0];
	v55 =	vperm.xlane v22, v1;
	v57 =	vperm.xlane v14, v1  }
0x2b6: {  	v24 =	vld [tilespmem:s9+$0x7F20];
	v28 =	vsel vm0, v32, v28;
	v12 =	vperm.xlane v16, v1;
	v44 =	vmul.f32 v50, v9  }
0x2b7: {  	v32 =	vld [tilespmem:s9+$0x7F60];
	v59 =	vperm.xlane v5, v0;
	v17 =	vadd.f32 v18, v17;
	v18 =	vperm.xlane v28, v1  }
0x2b8: {  	v61 =	vld [tilespmem:s9+$0x8090];
	v15 =	vadd.f32 v25, v15;
	v14 =	vadd.f32 v57, v14;
	v26 =	vmul.f32 v26, v7  }
0x2b9: {  	v31 =	vld [tilespmem:s9+$0x7E70];
	v11 =	vadd.f32 v12, v16;
	v38 =	vmul.f32 v54, v7;
	v40 =	vmul.f32 v56, v8  }
0x2ba: {  	v53 =	vld [tilespmem:s9+$0x8050];
	v42 =	vmul.f32 v58, v9;
	v5 =	vadd.f32 v59, v5;
	v23 =	vmul.f32 v23, v7  }
0x2bb: {  	v25 =	vld [tilespmem:s9+$0x7E10];
	v15 =	vsel vm1, v17, v15;
	v16 =	vmul.f32 v6, v4;
	v21 =	vmul.f32 v21, v7  }
0x2bc: {  	v57 =	vld [tilespmem:s9+$0x8100];
	v17 =	vadd.f32 v18, v28;
	v24 =	vmul.f32 v24, v7;
	v32 =	vmul.f32 v32, v7  }
0x2bd: {  	v59 =	vld [tilespmem:s9+$0x7E90];
	v61 =	vmul.f32 v61, v9;
	v5 =	vsel vm0, v20, v5;
	v20 =	vperm.xlane v19, v1  }
0x2be: {  	v54 =	vld [tilespmem:s9+$0x80B0];
	v45 =	vsel vm1, v17, v14;
	v17 =	vmul.f32 v34, v4;
	v14 =	vmul.f32 v33, v4  }
0x2bf: {  	v33 =	vld [tilespmem:s9+$0x7FD0];
	v34 =	vmul.f32 v63, v8;
	v13 =	vperm.xlane v5, v1  }
0x2c0: {  	v63 =	vld [tilespmem:s9+$0x80D0];
	v47 =	vperm.xlane v45, v2;
	v19 =	vadd.f32 v20, v19;
	v20 =	vadd.f32 v55, v22  }
0x2c1: {  	v44 =	vadd.f32 v44, v46;
	v46 =	vld [tilespmem:s9+$0x7B40];
	v25 =	vmul.f32 v25, v9;
	v56 =	vmul.f32 v57, v8  }
0x2c2: {  	v22 =	vld [tilespmem:s9+$0x7E40];
	v5 =	vadd.f32 v13, v5;
	v41 =	vmul.f32 v59, v9;
	v18 =	vsel vm1, v19, v20  }
0x2c3: {  	v6 =	vld [tilespmem:s9+$0x7F80];
	v24 =	vadd.f32 v24, v44;
	v20 =	vperm.xlane v15, v2;
	v28 =	vperm.xlane v18, v2  }
0x2c4: {  	v19 =	vld [tilespmem:s9+$0x7E80];
	v5 =	vsel vm1, v11, v5;
	v11 =	vmul.f32 v30, v4;
	v33 =	vmul.f32 v33, v9  }
0x2c5: {  	v30 =	vld [tilespmem:s9+$0x7FC0];
	v50 =	vmul.f32 v63, v9;
	v12 =	vadd.f32 v20, v15;
	v48 =	vperm.xlane v5, v2  }
0x2c6: {  	v63 =	vld [tilespmem:s9+$0x81C0];
	v15 =	vmul.f32 v27, v4;
	v13 =	vadd.f32 v28, v18;
	v28 =	vperm.xlane v10, v3  }
0x2c7: {  	v25 =	vadd.f32 v25, v40;
	v20 =	vld [tilespmem:s9+$0x7ED0];
	v18 =	vmul.f32 v31, v4;
	v22 =	vmul.f32 v22, v8  }
0x2c8: {  	v27 =	vld [tilespmem:s9+$0x7F90];
	v11 =	vadd.f32 v11, v24;
	v49 =	vsel vm2, v12, v13;
	v12 =	vmul.f32 v29, v4  }
0x2c9: {  	v31 =	vld [tilespmem:s9+$0x7F50];
	v5 =	vadd.f32 v48, v5;
	v13 =	vmul.f32 v35, v4;
	v29 =	vmul.f32 v36, v7  }
0x2ca: {  	v48 =	vld [tilespmem:s9+$0x8150];
	v36 =	vmul.f32 v60, v7;
	v19 =	vmul.f32 v19, v8;
	v10 =	vadd.f32 v28, v10  }
0x2cb: {  	v35 =	vld [tilespmem:s9+$0x8000];
	v22 =	vadd.f32 v42, v22;
	v51 =	vperm.xlane v49, v3;
	v30 =	vmul.f32 v30, v8  }
0x2cc: {  	v60 =	vld [tilespmem:s9+$0x8080];
	v40 =	vmul.f32 v63, v8;
	v20 =	vmul.f32 v20, v9;
	v10 =	vsel vm3, v39, v10  }
0x2cd: {  	v63 =	vld [tilespmem:s9+$0x8120];
	v39 =	vmul.f32 v52, v8;
	v52 =	vmul.f32 v53, v9;
	v19 =	vadd.f32 v41, v19  }
0x2ce: {  	v41 =	vld [tilespmem:s9+$0x8020];
	v25 =	vadd.f32 v29, v25;
	v22 =	vadd.f32 v26, v22;
	v28 =	vmul.f32 v31, v9  }
0x2cf: {  	v29 =	vld [tilespmem:s9+$0x81E0];
	v31 =	vmul.f32 v6, v8;
	v6 =	vadd.f32 v47, v45;
	v30 =	vadd.f32 v33, v30  }
0x2d0: {  	v27 =	vmul.f32 v27, v9;
	v45 =	vld [tilespmem:s9+$0x8110];
	v20 =	vadd.f32 v20, v43;
	v59 =	vadd.f32 v52, v39  }
0x2d1: {  	v47 =	vld [tilespmem:s9+$0x8140];
	v43 =	vmul.f32 v48, v9;
	v19 =	vadd.f32 v23, v19;
	v17 =	vadd.f32 v17, v25  }
0x2d2: {  	v52 =	vld [tilespmem:s9+$0x81A0];
	v18 =	vadd.f32 v18, v22;
	v22 =	vmul.f32 v54, v4;
	v35 =	vmul.f32 v35, v8  }
0x2d3: {  	v25 =	vld [tilespmem:s9+$0x81F0];
	v5 =	vsel vm2, v6, v5;
	v6 =	vadd.f32 v51, v49;
	v28 =	vadd.f32 v28, v34  }
0x2d4: {  	v53 =	vmul.f32 v60, v8;
	v60 =	vld [tilespmem:s9+$0x8180];
	v27 =	vadd.f32 v27, v31;
	v30 =	vadd.f32 v38, v30  }
0x2d5: {  	v51 =	vmul.f32 v62, v8;
	v62 =	vld [tilespmem:s9+$0x8190];
	v20 =	vadd.f32 v21, v20;
	v14 =	vadd.f32 v14, v19  }
0x2d6: {  	v34 =	vld [tilespmem:s9+$0x8060];
	v35 =	vadd.f32 v37, v35;
	v61 =	vadd.f32 v61, v53;
	v41 =	vmul.f32 v41, v7  }
0x2d7: {  	v31 =	vld [tilespmem:s9+$0x80A0];
	v28 =	vadd.f32 v32, v28;
	v53 =	vmul.f32 v63, v7;
	v27 =	vadd.f32 v36, v27  }
0x2d8: {  	v21 =	vld [tilespmem:s9+$0x8030];
	v29 =	vmul.f32 v29, v7;
	v13 =	vadd.f32 v13, v30;
	v63 =	vperm.xlane v18, v0  }
0x2d9: {  	v30 =	vld [tilespmem:s9+$0x7A50];
	v45 =	vmul.f32 v45, v9;
	v42 =	vmul.f32 v47, v8;
	v16 =	vadd.f32 v16, v20  }
0x2da: {  	v37 =	vld [tilespmem:s9+$0x7AC0];
	v48 =	vperm.xlane v14, v0;
	v35 =	vadd.f32 v41, v35;
	v15 =	vadd.f32 v15, v28  }
0x2db: {  	v47 =	vld [tilespmem:s9+$0x81D0];
	v12 =	vadd.f32 v12, v27;
	v18 =	vadd.f32 v63, v18;
	v57 =	vmul.f32 v60, v8  }
0x2dc: {  	v20 =	vld [tilespmem:s9+$0x7A10];
	v58 =	vmul.f32 v62, v9;
	v62 =	vadd.f32 v50, v51;
	v45 =	vadd.f32 v45, v56  }
0x2dd: {  	v28 =	vld [tilespmem:s9+$0x7A40];
	v42 =	vadd.f32 v43, v42;
	v34 =	vmul.f32 v34, v7;
	v26 =	vmul.f32 v31, v7  }
0x2de: {  	v60 =	vld [tilespmem:s9+$0x80E0];
	v49 =	vperm.xlane v16, v0;
	v50 =	vperm.xlane v11, v0;
	v14 =	vadd.f32 v48, v14  }
0x2df: {  	v51 =	vld [tilespmem:s9+$0x8160];
	v21 =	vmul.f32 v21, v4;
	v33 =	vadd.f32 v58, v57;
	v34 =	vadd.f32 v34, v59  }
0x2e0: {  	v31 =	vld [tilespmem:s9+$0x8070];
	v57 =	vmul.f32 v52, v7;
	v26 =	vadd.f32 v26, v61;
	v32 =	vadd.f32 v53, v45  }
0x2e1: {  	v56 =	vld [tilespmem:s9+$0x80F0];
	v52 =	vperm.xlane v13, v0;
	v16 =	vadd.f32 v49, v16;
	v11 =	vadd.f32 v50, v11  }
0x2e2: {  	v58 =	vld [tilespmem:s9+$0x8130];
	v30 =	vmul.f32 v30, v9;
	v47 =	vmul.f32 v47, v9;
	v21 =	vadd.f32 v21, v35  }
0x2e3: {  	v59 =	vld [tilespmem:s9+$0x8170];
	v20 =	vmul.f32 v20, v9;
	v33 =	vadd.f32 v57, v33;
	v22 =	vadd.f32 v22, v26  }
0x2e4: {  	v61 =	vld [tilespmem:s9+$0x7A00];
	v26 =	vperm.xlane v17, v0;
	v13 =	vadd.f32 v52, v13;
	v23 =	vmul.f32 v60, v7  }
0x2e5: {  	v53 =	vld [tilespmem:s9+$0x7B10];
	v14 =	vsel vm0, v14, v16;
	v55 =	vmul.f32 v51, v7;
	v31 =	vmul.f32 v31, v4  }
0x2e6: {  	v63 =	vld [tilespmem:s9+$0x7C10];
	v40 =	vadd.f32 v47, v40;
	v19 =	vmul.f32 v56, v4;
	v51 =	vperm.xlane v15, v0  }
0x2e7: {  	v45 =	vld [tilespmem:s9+$0x7BD0];
	v17 =	vadd.f32 v26, v17;
	v26 =	vperm.xlane v21, v0;
	v23 =	vadd.f32 v23, v62  }
0x2e8: {  	v60 =	vld [tilespmem:s9+$0x81B0];
	v38 =	vadd.f32 v55, v42;
	v29 =	vadd.f32 v29, v40;
	v24 =	vmul.f32 v58, v4  }
0x2e9: {  	v56 =	vld [tilespmem:s9+$0x7B50];
	v27 =	vmul.f32 v59, v4;
	v31 =	vadd.f32 v31, v34;
	v55 =	vperm.xlane v22, v0  }
0x2ea: {  	v40 =	vld [tilespmem:s9+$0x7AD0];
	v15 =	vadd.f32 v51, v15;
	v61 =	vmul.f32 v61, v8;
	v53 =	vmul.f32 v53, v9  }
0x2eb: {  	v42 =	vld [tilespmem:s9+$0x7B00];
	v21 =	vadd.f32 v26, v21;
	v17 =	vsel vm0, v17, v18;
	v19 =	vadd.f32 v19, v23  }
0x2ec: {  	v58 =	vld [tilespmem:s9+$0x7B80];
	v23 =	vmul.f32 v25, v4;
	v24 =	vadd.f32 v24, v32;
	v27 =	vadd.f32 v27, v38  }
0x2ed: {  	v59 =	vld [tilespmem:s9+$0x7B90];
	v54 =	vperm.xlane v31, v0;
	v22 =	vadd.f32 v55, v22;
	v55 =	vmul.f32 v46, v8  }
0x2ee: {  	v34 =	vld [tilespmem:s9+$0x7D90];
	v20 =	vadd.f32 v20, v61;
	v61 =	vmul.f32 v45, v9;
	v32 =	vmul.f32 v63, v9  }
0x2ef: {  	v18 =	vld [tilespmem:s9+$0x7C40];
	v11 =	vsel vm0, v11, v15;
	v62 =	vmul.f32 v60, v4;
	v56 =	vmul.f32 v56, v9  }
0x2f0: {  	v25 =	vld [tilespmem:s9+$0x7A90];
	v23 =	vadd.f32 v23, v29;
	v29 =	vperm.xlane v12, v0;
	v57 =	vperm.xlane v19, v0  }
0x2f1: {  	v15 =	vld [tilespmem:s9+$0x7C50];
	v26 =	vperm.xlane v27, v0;
	v31 =	vadd.f32 v54, v31;
	v50 =	vmul.f32 v40, v9  }
0x2f2: {  	v43 =	vld [tilespmem:s9+$0x7BC0];
	v33 =	vadd.f32 v62, v33;
	v52 =	vmul.f32 v42, v8;
	v59 =	vmul.f32 v59, v9  }
0x2f3: {  	v35 =	vld [tilespmem:s9+$0x7A80];
	v34 =	vmul.f32 v34, v9;
	v12 =	vadd.f32 v29, v12;
	v29 =	vperm.xlane v24, v0  }
0x2f4: {  	v47 =	vld [tilespmem:s9+$0x7CC0];
	v19 =	vadd.f32 v57, v19;
	v57 =	vmul.f32 v58, v8;
	v18 =	vmul.f32 v18, v8  }
0x2f5: {  	v51 =	vld [tilespmem:s9+$0x7AA0];
	v26 =	vadd.f32 v26, v27;
	v60 =	vperm.xlane v33, v0;
	v25 =	vmul.f32 v25, v9  }
0x2f6: {  	v63 =	vld [tilespmem:s9+$0x7C20];
	v15 =	vmul.f32 v15, v9;
	v24 =	vadd.f32 v29, v24;
	v29 =	vperm.xlane v23, v0  }
0x2f7: {  	v62 =	vld [tilespmem:s9+$0x7C00];
	v12 =	vsel vm0, v12, v13;
	v13 =	vsel vm0, v21, v31;
	v19 =	vsel vm0, v22, v19  }
0x2f8: {  	v54 =	vld [tilespmem:s9+$0x7AE0];
	v21 =	vperm.xlane v17, v1;
	v22 =	vperm.xlane v14, v1;
	v38 =	vadd.f32 v59, v57  }
0x2f9: {  	v58 =	vld [tilespmem:s9+$0x7B60];
	v27 =	vadd.f32 v60, v33;
	v48 =	vperm.xlane v19, v1;
	v60 =	vmul.f32 v43, v8  }
0x2fa: {  	v31 =	vld [tilespmem:s9+$0x7C90];
	v15 =	vadd.f32 v15, v18;
	v16 =	vadd.f32 v29, v23;
	v24 =	vsel vm0, v24, v26  }
0x2fb: {  	v33 =	vld [tilespmem:s9+$0x7A20];
	v26 =	vperm.xlane v11, v1;
	v29 =	vperm.xlane v12, v1;
	v17 =	vadd.f32 v21, v17  }
0x2fc: {  	v18 =	vld [tilespmem:s9+$0x7CA0];
	v14 =	vadd.f32 v22, v14;
	v36 =	vmul.f32 v62, v8;
	v21 =	vperm.xlane v24, v1  }
0x2fd: {  	v23 =	vld [tilespmem:s9+$0x7C80];
	v19 =	vadd.f32 v48, v19;
	v16 =	vsel vm0, v27, v16;
	v27 =	vperm.xlane v13, v1  }
0x2fe: {  	v22 =	vld [tilespmem:s9+$0x7CD0];
	v11 =	vadd.f32 v26, v11;
	v12 =	vadd.f32 v29, v12;
	v14 =	vsel vm1, v17, v14  }
0x2ff: {  	v62 =	vld [tilespmem:s9+$0x7BE0];
	v32 =	vadd.f32 v32, v36;
	v26 =	vperm.xlane v16, v1;
	v21 =	vadd.f32 v21, v24  }
0x300: {  	v29 =	vld [tilespmem:s9+$0x7D00];
	v17 =	vperm.xlane v14, v2;
	v31 =	vmul.f32 v31, v9;
	v13 =	vadd.f32 v27, v13  }
0x301: {  	v24 =	vld [tilespmem:s9+$0x7D40];
	v27 =	vmul.f32 v28, v8;
	v11 =	vsel vm1, v11, v12;
	v57 =	vmul.f32 v18, v7  }
0x302: {  	v48 =	vld [tilespmem:s9+$0x7C60];
	v16 =	vadd.f32 v26, v16;
	v14 =	vadd.f32 v17, v14;
	v17 =	vmul.f32 v35, v8  }
0x303: {  	v28 =	vld [tilespmem:s9+$0x7D10];
	v35 =	vadd.f32 v61, v60;
	v23 =	vmul.f32 v23, v8;
	v22 =	vmul.f32 v22, v9  }
0x304: {  	v12 =	vsel vm1, v13, v19;
	v13 =	vld [tilespmem:s9+$0x7D50];
	v19 =	vperm.xlane v11, v2;
	v16 =	vsel vm1, v21, v16  }
0x305: {  	v21 =	vld [tilespmem:s9+$0x7D80];
	v26 =	vperm.xlane v12, v2;
	v29 =	vmul.f32 v29, v8;
	v23 =	vadd.f32 v31, v23  }
0x306: {  	v31 =	vld [tilespmem:s9+$0x7CE0];
	v49 =	vperm.xlane v16, v2;
	v11 =	vadd.f32 v19, v11;
	v24 =	vmul.f32 v24, v8  }
0x307: {  	v19 =	vld [tilespmem:s9+$0x7DC0];
	v12 =	vadd.f32 v26, v12;
	v26 =	vadd.f32 v30, v27;
	v27 =	vmul.f32 v37, v8  }
0x308: {  	v61 =	vld [tilespmem:s9+$0x7BB0];
	v28 =	vmul.f32 v28, v9;
	v16 =	vadd.f32 v49, v16;
	v11 =	vsel vm2, v14, v11  }
0x309: {  	v30 =	vld [tilespmem:s9+$0x7DD0];
	v49 =	vmul.f32 v47, v8;
	v27 =	vadd.f32 v50, v27;
	v13 =	vmul.f32 v13, v9  }
0x30a: {  	v14 =	vld [tilespmem:s9+$0x7A60];
	v12 =	vsel vm2, v12, v16;
	v16 =	vadd.f32 v25, v17;
	v17 =	vperm.xlane v11, v3  }
0x30b: {  	v50 =	vld [tilespmem:s9+$0x7D20];
	v28 =	vadd.f32 v28, v29;
	v21 =	vmul.f32 v21, v8;
	v31 =	vmul.f32 v31, v7  }
0x30c: {  	v29 =	vld [tilespmem:s9+$0x7D60];
	v22 =	vadd.f32 v22, v49;
	v25 =	vperm.xlane v12, v3;
	v8 =	vmul.f32 v19, v8  }
0x30d: {  	v19 =	vmul.f32 v33, v7;
	v33 =	vadd.f32 v13, v24;
	v24 =	vld [tilespmem:s9+$0x7DA0];
	v11 =	vadd.f32 v17, v11  }
0x30e: {  	v17 =	vadd.f32 v53, v52;
	v9 =	vmul.f32 v30, v9;
	v34 =	vadd.f32 v34, v21;
	v21 =	vld [tilespmem:s9+$0x7DE0]  }
0x30f: {  	v22 =	vadd.f32 v31, v22;
	v12 =	vadd.f32 v25, v12;
	v25 =	vld [tilespmem:s9+$0x7B20];
	v13 =	vmul.f32 v14, v7  }
0x310: {  	v30 =	vld [tilespmem:s9+$0x7A30];
	v14 =	vmul.f32 v51, v7;
	v51 =	vmul.f32 v54, v7;
	v53 =	vadd.f32 v19, v20  }
0x311: {  	v19 =	vmul.f32 v58, v7;
	v52 =	vadd.f32 v9, v8;
	v43 =	vsel vm3, v11, v12;
	v12 =	vld [tilespmem:s9+$0x7BA0]  }
0x312: {  	v20 =	vld [tilespmem:s9+$0x7A70];
	v44 =	vmul.f32 v50, v7;
	v59 =	vmul.f32 v29, v7;
	v11 =	vadd.f32 v56, v55  }
0x313: {  	v54 =	vld [tilespmem:s9+$0x7AB0];
	v8 =	vadd.f32 v13, v26;
	v26 =	vmul.f32 v62, v7;
	v55 =	vmul.f32 v63, v7  }
0x314: {  	v58 =	vld [tilespmem:s9+$0x7B30];
	v9 =	vadd.f32 v14, v16;
	v14 =	vmul.f32 v48, v7;
	v25 =	vmul.f32 v25, v7  }
0x315: {  	v56 =	vld [tilespmem:s9+$0x7AF0];
	v13 =	vadd.f32 v51, v27;
	v60 =	vmul.f32 v24, v7;
	v16 =	vadd.f32 v19, v11  }
0x316: {  	v62 =	vmul.f32 v30, v4;
	v12 =	vmul.f32 v12, v7;
	v18 =	vadd.f32 v25, v17;
	v25 =	vld [tilespmem:s9+$0x7B70]  }
0x317: {  	v63 =	vld [tilespmem:s9+$0x7BF0];
	v19 =	vadd.f32 v55, v32;
	v27 =	vmul.f32 v20, v4;
	v20 =	vadd.f32 v14, v15  }
0x318: {  	v17 =	vadd.f32 v12, v38;
	v12 =	vmul.f32 v21, v7;
	v7 =	vadd.f32 v26, v35;
	v26 =	vld [tilespmem:s9+$0x7C30]  }
0x319: {  	v24 =	vld [tilespmem:s9+$0x7C70];
	v29 =	vmul.f32 v54, v4;
	v14 =	vadd.f32 v44, v28;
	v15 =	vadd.f32 v59, v33  }
0x31a: {  	s18 =	simm.s32 $0xFDD0;
	v11 =	vadd.f32 v60, v34;
	v33 =	vmul.f32 v58, v4;
	v21 =	vadd.f32 v57, v23;
	v23 =	vld [tilespmem:s9+$0x7CB0]  }
0x31b: {  	s23 =	simm.s32 $0xFDF0;
	[tilespmem:s18+$0x0] =	vst v10;
	v34 =	vmul.f32 v61, v4;
	v10 =	vadd.f32 v62, v53;
	v31 =	vmul.f32 v25, v4;
	v25 =	vld [tilespmem:s9+$0x7CF0]  }
0x31c: {  	s28 =	simm.s32 $0x2;
	s29 =	simm.s32 $0x2;
	s0 =	simm.s32 $0xFC0;
	[tilespmem:s23+$0x0] =	vst v43;
	v28 =	vld [tilespmem:s9+$0x7D30];
	v30 =	vmul.f32 v56, v4;
	v32 =	vmul.f32 v63, v4;
	v12 =	vadd.f32 v12, v52  }
.LBB2_5:
0x31d: {  	s28 =	sadd.s32 $0x2, s28;
	v27 =	vadd.f32 v27, v8;
	v29 =	vadd.f32 v29, v9;
	v8 =	vmul.f32 v26, v4;
	v9 =	vld [tilespmem:s9+$0x7D70]  }
0x31e: {  	v13 =	vadd.f32 v30, v13;
	v18 =	vadd.f32 v33, v18;
	s29 =	sadd.s32 $0x2, s29;
	s1 =	sshll.u32 s28, $0x4;
	p0 =	slt.u32 s28, $0x1E;
	v24 =	vmul.f32 v24, v4;
	v26 =	vld [tilespmem:s9+$0x7DB0]  }
0x31f: {  	v16 =	vadd.f32 v31, v16;
	s15 =	sshll.u32 s29, $0x8;
	v17 =	vadd.f32 v34, v17;
	s1 =	sand.u32 $0xFFFFFFC0, s1;
	v23 =	vmul.f32 v23, v4;
	v30 =	vld [tilespmem:s9+$0x7DF0]  }
0x320: {  	v32 =	vadd.f32 v32, v7;
	s9 =	sand.u32 $0xFFFFFC00, s15;
	v19 =	vadd.f32 v8, v19;
	v31 =	vld [tilespmem:s1+$0x5F0];
	v25 =	vmul.f32 v25, v4  }
0x321: {  	s9 =	ssub.s32 $0x0, s9;
	v20 =	vadd.f32 v24, v20;
	v7 =	vld [tilespmem:s1+$0x5E0];
	v21 =	vadd.f32 v23, v21;
	v23 =	vmul.f32 v28, v4  }
0x322: {  	s0 =	sadd.s32 $0x800, s0;
	s9 =	sshra.s32 s9, $0x2;
	v8 =	vld [tilespmem:s1+$0x5C0];
	v22 =	vadd.f32 v25, v22;
	v24 =	vmul.f32 v9, v4;
	v25 =	vperm.xlane v10, v0  }
0x323: {  	s9 =	sadd.s32 s9, s0;
	v9 =	vld [tilespmem:s1+$0x5D0];
	v14 =	vadd.f32 v23, v14;
	v23 =	vmul.f32 v26, v4;
	v26 =	vperm.xlane v27, v0  }
0x324: {  	v28 =	vld [tilespmem:s9+$0x7E30];
	v15 =	vadd.f32 v24, v15;
	v24 =	vmul.f32 v30, v4;
	v30 =	vperm.xlane v29, v0  }
0x325: {  	v34 =	vperm.xlane v18, v0;
	v33 =	vld [tilespmem:s9+$0x7E70];
	v11 =	vadd.f32 v23, v11;
	v23 =	vperm.xlane v13, v0;
	v4 =	vmovc v31  }
0x326: {  	v35 =	vperm.xlane v17, v0;
	v31 =	vld [tilespmem:s9+$0x7EB0];
	v12 =	vadd.f32 v24, v12;
	v24 =	vperm.xlane v16, v0  }
0x327: {  	v37 =	vperm.xlane v19, v0;
	v10 =	vadd.f32 v25, v10;
	v25 =	vperm.xlane v32, v0;
	v36 =	vld [tilespmem:s9+$0x7EF0]  }
0x328: {  	v39 =	vperm.xlane v21, v0;
	v26 =	vadd.f32 v26, v27;
	v27 =	vperm.xlane v20, v0;
	v38 =	vld [tilespmem:s9+$0x7F30]  }
0x329: {  	v41 =	vperm.xlane v14, v0;
	v29 =	vadd.f32 v30, v29;
	v30 =	vperm.xlane v22, v0;
	v40 =	vld [tilespmem:s9+$0x7F70]  }
0x32a: {  	v13 =	vadd.f32 v23, v13;
	v23 =	vperm.xlane v15, v0;
	v43 =	vperm.xlane v11, v0;
	v42 =	vld [tilespmem:s9+$0x7FB0]  }
0x32b: {  	v18 =	vadd.f32 v34, v18;
	v16 =	vadd.f32 v24, v16;
	v24 =	vperm.xlane v12, v0;
	v44 =	vld [tilespmem:s9+$0x7FF0]  }
0x32c: {  	v17 =	vadd.f32 v35, v17;
	v25 =	vadd.f32 v25, v32;
	v10 =	vsel vm0, v10, v26;
	v34 =	vld [tilespmem:s9+$0x7E20]  }
0x32d: {  	v19 =	vadd.f32 v37, v19;
	v20 =	vadd.f32 v27, v20;
	v13 =	vsel vm0, v29, v13;
	v26 =	vld [tilespmem:s9+$0x7E60]  }
0x32e: {  	v16 =	vsel vm0, v18, v16;
	v18 =	vadd.f32 v39, v21;
	v21 =	vadd.f32 v30, v22;
	v27 =	vld [tilespmem:s9+$0x7EA0]  }
0x32f: {  	v14 =	vadd.f32 v41, v14;
	v17 =	vsel vm0, v17, v25;
	v15 =	vadd.f32 v23, v15;
	v22 =	vld [tilespmem:s9+$0x7EE0]  }
0x330: {  	v19 =	vsel vm0, v19, v20;
	v11 =	vadd.f32 v43, v11;
	v12 =	vadd.f32 v24, v12;
	v23 =	vld [tilespmem:s9+$0x7F20]  }
0x331: {  	v14 =	vsel vm0, v14, v15;
	v15 =	vperm.xlane v10, v1;
	v18 =	vsel vm0, v18, v21;
	v20 =	vld [tilespmem:s9+$0x7F60]  }
0x332: {  	v24 =	vperm.xlane v16, v1;
	v11 =	vsel vm0, v11, v12;
	v12 =	vperm.xlane v13, v1;
	v21 =	vld [tilespmem:s9+$0x7FA0]  }
0x333: {  	v29 =	vperm.xlane v19, v1;
	v10 =	vadd.f32 v15, v10;
	v15 =	vperm.xlane v17, v1;
	v25 =	vld [tilespmem:s9+$0x7FE0]  }
0x334: {  	v32 =	vperm.xlane v14, v1;
	v12 =	vadd.f32 v12, v13;
	v13 =	vperm.xlane v18, v1;
	v30 =	vld [tilespmem:s9+$0x7E00]  }
0x335: {  	v16 =	vadd.f32 v24, v16;
	v15 =	vadd.f32 v15, v17;
	v17 =	vperm.xlane v11, v1;
	v35 =	vld [tilespmem:s9+$0x7E10]  }
0x336: {  	v10 =	vsel vm1, v10, v12;
	v12 =	vadd.f32 v29, v19;
	v13 =	vadd.f32 v13, v18;
	v24 =	vld [tilespmem:s9+$0x7E40]  }
0x337: {  	v14 =	vadd.f32 v32, v14;
	v15 =	vsel vm1, v16, v15;
	v11 =	vadd.f32 v17, v11;
	v18 =	vld [tilespmem:s9+$0x7E50]  }
0x338: {  	v12 =	vsel vm1, v12, v13;
	v13 =	vperm.xlane v10, v2;
	v16 =	vperm.xlane v15, v2;
	v19 =	vld [tilespmem:s9+$0x7E80]  }
0x339: {  	v17 =	vperm.xlane v5, v3;
	v11 =	vsel vm1, v14, v11;
	v14 =	vperm.xlane v12, v2;
	v29 =	vld [tilespmem:s9+$0x7E90]  }
0x33a: {  	v10 =	vadd.f32 v13, v10;
	v13 =	vadd.f32 v16, v15;
	v15 =	vperm.xlane v11, v2;
	v32 =	vld [tilespmem:s9+$0x7EC0]  }
0x33b: {  	v5 =	vadd.f32 v17, v5;
	v12 =	vadd.f32 v14, v12;
	v37 =	vld [tilespmem:s9+$0x7ED0]  }
0x33c: {  	v14 =	vsel vm2, v10, v13;
	v13 =	vadd.f32 v15, v11;
	v39 =	vld [tilespmem:s9+$0x7F00]  }
0x33d: {  	v6 =	vsel vm3, v6, v5;
	v15 =	vperm.xlane v14, v3;
	v41 =	vld [tilespmem:s9+$0x7F10]  }
0x33e: {  	v10 =	vmul.f32 v28, v4;
	v11 =	vmul.f32 v33, v4;
	v5 =	vsel vm2, v12, v13;
	v28 =	vld [tilespmem:s9+$0x7F40];
	[tilespmem:s18+$0xFFFFFFF0] =	vst v6;
	s18 =	smov.u32 s23  }
0x33f: {  	v12 =	vmul.f32 v31, v4;
	v13 =	vmul.f32 v36, v4;
	v6 =	vadd.f32 v15, v14;
	v31 =	vld [tilespmem:s9+$0x7F50]  }
0x340: {  	v14 =	vmul.f32 v38, v4;
	v15 =	vmul.f32 v40, v4;
	v33 =	vld [tilespmem:s9+$0x7F80]  }
0x341: {  	v17 =	vmul.f32 v44, v4;
	v16 =	vmul.f32 v42, v4;
	v36 =	vld [tilespmem:s9+$0x7F90]  }
0x342: {  	v34 =	vmul.f32 v34, v7;
	v26 =	vmul.f32 v26, v7;
	v38 =	vld [tilespmem:s9+$0x7FC0]  }
0x343: {  	v27 =	vmul.f32 v27, v7;
	v22 =	vmul.f32 v22, v7;
	v40 =	vld [tilespmem:s9+$0x7FD0]  }
0x344: {  	v23 =	vmul.f32 v23, v7;
	v20 =	vmul.f32 v20, v7;
	v42 =	vld [tilespmem:s9+$0x8000]  }
0x345: {  	v21 =	vmul.f32 v21, v7;
	v25 =	vmul.f32 v25, v7;
	v43 =	vld [tilespmem:s9+$0x8010]  }
0x346: {  	v30 =	vmul.f32 v30, v8;
	v35 =	vmul.f32 v35, v9;
	v44 =	vld [tilespmem:s9+$0x8040]  }
0x347: {  	v24 =	vmul.f32 v24, v8;
	v18 =	vmul.f32 v18, v9;
	v45 =	vld [tilespmem:s9+$0x8050]  }
0x348: {  	v19 =	vmul.f32 v19, v8;
	v29 =	vmul.f32 v29, v9;
	v46 =	vld [tilespmem:s9+$0x8080]  }
0x349: {  	v32 =	vmul.f32 v32, v8;
	v37 =	vmul.f32 v37, v9;
	v47 =	vld [tilespmem:s9+$0x8090]  }
0x34a: {  	v39 =	vmul.f32 v39, v8;
	v41 =	vmul.f32 v41, v9;
	v48 =	vld [tilespmem:s9+$0x80C0]  }
0x34b: {  	v28 =	vmul.f32 v28, v8;
	v31 =	vmul.f32 v31, v9;
	v49 =	vld [tilespmem:s9+$0x80D0]  }
0x34c: {  	v33 =	vmul.f32 v33, v8;
	v36 =	vmul.f32 v36, v9;
	v50 =	vld [tilespmem:s9+$0x8100]  }
0x34d: {  	v38 =	vmul.f32 v38, v8;
	v40 =	vmul.f32 v40, v9;
	v51 =	vld [tilespmem:s9+$0x8110]  }
0x34e: {  	v42 =	vmul.f32 v42, v8;
	v43 =	vmul.f32 v43, v9;
	v52 =	vld [tilespmem:s9+$0x8140]  }
0x34f: {  	v44 =	vmul.f32 v44, v8;
	v45 =	vmul.f32 v45, v9;
	v53 =	vld [tilespmem:s9+$0x8150]  }
0x350: {  	v46 =	vmul.f32 v46, v8;
	v47 =	vmul.f32 v47, v9;
	v54 =	vld [tilespmem:s9+$0x8180]  }
0x351: {  	v48 =	vmul.f32 v48, v8;
	v49 =	vmul.f32 v49, v9;
	v55 =	vld [tilespmem:s9+$0x8190]  }
0x352: {  	v50 =	vmul.f32 v50, v8;
	v51 =	vmul.f32 v51, v9;
	v56 =	vld [tilespmem:s9+$0x81C0]  }
0x353: {  	v30 =	vadd.f32 v35, v30;
	v18 =	vadd.f32 v18, v24;
	v24 =	vmul.f32 v52, v8;
	v35 =	vld [tilespmem:s9+$0x81D0]  }
0x354: {  	v19 =	vadd.f32 v29, v19;
	v29 =	vadd.f32 v37, v32;
	v32 =	vld [tilespmem:s9+$0x8020];
	v37 =	vmul.f32 v53, v9  }
0x355: {  	v39 =	vadd.f32 v41, v39;
	v28 =	vadd.f32 v31, v28;
	v31 =	vld [tilespmem:s9+$0x8060];
	v41 =	vmul.f32 v54, v8  }
0x356: {  	v33 =	vadd.f32 v36, v33;
	v36 =	vadd.f32 v40, v38;
	v38 =	vld [tilespmem:s9+$0x80A0];
	v40 =	vmul.f32 v55, v9  }
0x357: {  	v42 =	vadd.f32 v43, v42;
	v43 =	vadd.f32 v45, v44;
	v44 =	vld [tilespmem:s9+$0x80E0];
	v45 =	vmul.f32 v56, v8  }
0x358: {  	v46 =	vadd.f32 v47, v46;
	v47 =	vadd.f32 v49, v48;
	v48 =	vld [tilespmem:s9+$0x8120];
	v35 =	vmul.f32 v35, v9  }
0x359: {  	v49 =	vadd.f32 v51, v50;
	v24 =	vadd.f32 v37, v24;
	v32 =	vmul.f32 v32, v7;
	v37 =	vld [tilespmem:s9+$0x8160]  }
0x35a: {  	v40 =	vadd.f32 v40, v41;
	v31 =	vmul.f32 v31, v7;
	v41 =	vld [tilespmem:s9+$0x81A0];
	v35 =	vadd.f32 v35, v45  }
0x35b: {  	v30 =	vadd.f32 v34, v30;
	v18 =	vadd.f32 v26, v18;
	v26 =	vmul.f32 v38, v7;
	v34 =	vld [tilespmem:s9+$0x81E0]  }
0x35c: {  	v19 =	vadd.f32 v27, v19;
	v22 =	vadd.f32 v22, v29;
	v27 =	vld [tilespmem:s9+$0x8030];
	v29 =	vmul.f32 v44, v7  }
0x35d: {  	v23 =	vadd.f32 v23, v39;
	v20 =	vadd.f32 v20, v28;
	v28 =	vld [tilespmem:s9+$0x8070];
	v38 =	vmul.f32 v48, v7  }
0x35e: {  	v21 =	vadd.f32 v21, v33;
	v25 =	vadd.f32 v25, v36;
	v33 =	vld [tilespmem:s9+$0x80B0];
	v36 =	vmul.f32 v37, v7  }
0x35f: {  	v32 =	vadd.f32 v32, v42;
	v31 =	vadd.f32 v31, v43;
	v37 =	vld [tilespmem:s9+$0x80F0];
	v39 =	vmul.f32 v41, v7  }
0x360: {  	v26 =	vadd.f32 v26, v46;
	v29 =	vadd.f32 v29, v47;
	v41 =	vld [tilespmem:s9+$0x8130];
	v34 =	vmul.f32 v34, v7  }
0x361: {  	v38 =	vadd.f32 v38, v49;
	v24 =	vadd.f32 v36, v24;
	v27 =	vmul.f32 v27, v4;
	v36 =	vld [tilespmem:s9+$0x8170]  }
0x362: {  	v39 =	vadd.f32 v39, v40;
	v28 =	vmul.f32 v28, v4;
	v40 =	vld [tilespmem:s9+$0x81B0];
	v34 =	vadd.f32 v34, v35  }
0x363: {  	v30 =	vadd.f32 v10, v30;
	v18 =	vadd.f32 v11, v18;
	v10 =	vmul.f32 v33, v4;
	v11 =	vld [tilespmem:s9+$0x81F0]  }
0x364: {  	v19 =	vadd.f32 v12, v19;
	v22 =	vadd.f32 v13, v22;
	v33 =	vld [tilespmem:s9+$0x7A00];
	v35 =	vmul.f32 v37, v4  }
0x365: {  	v14 =	vadd.f32 v14, v23;
	v15 =	vadd.f32 v15, v20;
	v37 =	vld [tilespmem:s9+$0x7A10];
	v20 =	vmul.f32 v41, v4  }
0x366: {  	v16 =	vadd.f32 v16, v21;
	v17 =	vadd.f32 v17, v25;
	v23 =	vld [tilespmem:s9+$0x7A40];
	v21 =	vmul.f32 v36, v4  }
0x367: {  	v25 =	vadd.f32 v27, v32;
	v27 =	vadd.f32 v28, v31;
	v12 =	vld [tilespmem:s9+$0x7A50];
	v28 =	vmul.f32 v40, v4  }
0x368: {  	v26 =	vadd.f32 v10, v26;
	v29 =	vadd.f32 v35, v29;
	v13 =	vld [tilespmem:s9+$0x7A80];
	v31 =	vmul.f32 v11, v4  }
0x369: {  	v32 =	vperm.xlane v30, v0;
	v35 =	vperm.xlane v18, v0;
	v20 =	vadd.f32 v20, v38;
	v11 =	vld [tilespmem:s9+$0x7A90]  }
0x36a: {  	v38 =	vperm.xlane v22, v0;
	v21 =	vadd.f32 v21, v24;
	v24 =	vperm.xlane v19, v0;
	v36 =	vld [tilespmem:s9+$0x7AC0]  }
0x36b: {  	v41 =	vperm.xlane v15, v0;
	v28 =	vadd.f32 v28, v39;
	v39 =	vperm.xlane v14, v0;
	v40 =	vld [tilespmem:s9+$0x7AD0]  }
0x36c: {  	v42 =	vperm.xlane v17, v0;
	v31 =	vadd.f32 v31, v34;
	v34 =	vperm.xlane v16, v0;
	v10 =	vld [tilespmem:s9+$0x7B00]  }
0x36d: {  	v30 =	vadd.f32 v32, v30;
	v32 =	vperm.xlane v25, v0;
	v44 =	vperm.xlane v27, v0;
	v43 =	vld [tilespmem:s9+$0x7B10]  }
0x36e: {  	v18 =	vadd.f32 v35, v18;
	v19 =	vadd.f32 v24, v19;
	v24 =	vperm.xlane v26, v0;
	v45 =	vld [tilespmem:s9+$0x7B40]  }
0x36f: {  	v22 =	vadd.f32 v38, v22;
	v38 =	vperm.xlane v29, v0;
	v14 =	vadd.f32 v39, v14;
	v35 =	vld [tilespmem:s9+$0x7B50]  }
0x370: {  	v15 =	vadd.f32 v41, v15;
	v16 =	vadd.f32 v34, v16;
	v34 =	vperm.xlane v20, v0;
	v39 =	vld [tilespmem:s9+$0x7B80]  }
0x371: {  	v17 =	vadd.f32 v42, v17;
	v25 =	vadd.f32 v32, v25;
	v32 =	vperm.xlane v21, v0;
	v41 =	vld [tilespmem:s9+$0x7B90]  }
0x372: {  	v27 =	vadd.f32 v44, v27;
	v24 =	vadd.f32 v24, v26;
	v26 =	vperm.xlane v28, v0;
	v42 =	vld [tilespmem:s9+$0x7BC0]  }
0x373: {  	v29 =	vadd.f32 v38, v29;
	v20 =	vadd.f32 v34, v20;
	v34 =	vperm.xlane v31, v0;
	v44 =	vld [tilespmem:s9+$0x7BD0]  }
0x374: {  	v33 =	vmul.f32 v33, v8;
	v21 =	vadd.f32 v32, v21;
	v26 =	vadd.f32 v26, v28;
	v38 =	vld [tilespmem:s9+$0x7C00]  }
0x375: {  	v18 =	vsel vm0, v30, v18;
	v19 =	vsel vm0, v19, v22;
	v22 =	vadd.f32 v34, v31;
	v28 =	vld [tilespmem:s9+$0x7C10]  }
0x376: {  	v14 =	vsel vm0, v14, v15;
	v15 =	vsel vm0, v16, v17;
	v16 =	vsel vm0, v25, v27;
	v30 =	vld [tilespmem:s9+$0x7C40]  }
0x377: {  	v24 =	vsel vm0, v24, v29;
	v25 =	vperm.xlane v18, v1;
	v27 =	vperm.xlane v19, v1;
	v17 =	vld [tilespmem:s9+$0x7C50]  }
0x378: {  	v20 =	vsel vm0, v20, v21;
	v21 =	vperm.xlane v14, v1;
	v31 =	vperm.xlane v15, v1;
	v29 =	vld [tilespmem:s9+$0x7C80]  }
0x379: {  	v34 =	vperm.xlane v24, v1;
	v22 =	vsel vm0, v26, v22;
	v26 =	vperm.xlane v16, v1;
	v32 =	vld [tilespmem:s9+$0x7C90]  }
0x37a: {  	v18 =	vadd.f32 v25, v18;
	v19 =	vadd.f32 v27, v19;
	v25 =	vperm.xlane v20, v1;
	v46 =	vld [tilespmem:s9+$0x7CC0]  }
0x37b: {  	v14 =	vadd.f32 v21, v14;
	v15 =	vadd.f32 v31, v15;
	v21 =	vperm.xlane v22, v1;
	v27 =	vld [tilespmem:s9+$0x7CD0]  }
0x37c: {  	v31 =	vmul.f32 v37, v9;
	v24 =	vadd.f32 v34, v24;
	v16 =	vadd.f32 v26, v16;
	v37 =	vld [tilespmem:s9+$0x7D00]  }
0x37d: {  	v23 =	vmul.f32 v23, v8;
	v20 =	vadd.f32 v25, v20;
	v21 =	vadd.f32 v21, v22;
	v26 =	vld [tilespmem:s9+$0x7D10]  }
0x37e: {  	v18 =	vsel vm1, v18, v19;
	v14 =	vsel vm1, v14, v15;
	v15 =	vsel vm1, v16, v24;
	v22 =	vld [tilespmem:s9+$0x7D40]  }
0x37f: {  	v19 =	vsel vm1, v20, v21;
	v20 =	vperm.xlane v18, v2;
	v21 =	vperm.xlane v14, v2;
	v16 =	vld [tilespmem:s9+$0x7D50]  }
0x380: {  	v24 =	vadd.f32 v31, v33;
	v31 =	vperm.xlane v15, v2;
	v33 =	vperm.xlane v19, v2;
	v25 =	vld [tilespmem:s9+$0x7D80]  }
0x381: {  	v12 =	vmul.f32 v12, v9;
	v18 =	vadd.f32 v20, v18;
	v14 =	vadd.f32 v21, v14;
	v34 =	vld [tilespmem:s9+$0x7D90]  }
0x382: {  	v13 =	vmul.f32 v13, v8;
	v15 =	vadd.f32 v31, v15;
	v19 =	vadd.f32 v33, v19;
	v20 =	vld [tilespmem:s9+$0x7DC0]  }
0x383: {  	v12 =	vadd.f32 v12, v23;
	v11 =	vmul.f32 v11, v9;
	v21 =	vmul.f32 v36, v8;
	v23 =	vld [tilespmem:s9+$0x7DD0]  }
0x384: {  	v33 =	vmul.f32 v40, v9;
	v14 =	vsel vm2, v18, v14;
	v15 =	vsel vm2, v15, v19;
	v31 =	vld [tilespmem:s9+$0x7A20]  }
0x385: {  	v11 =	vadd.f32 v11, v13;
	v13 =	vperm.xlane v14, v3;
	v19 =	vperm.xlane v15, v3;
	v18 =	vld [tilespmem:s9+$0x7A60]  }
0x386: {  	v10 =	vmul.f32 v10, v8;
	v21 =	vadd.f32 v33, v21;
	v33 =	vmul.f32 v43, v9;
	v36 =	vld [tilespmem:s9+$0x7AA0]  }
0x387: {  	v43 =	vmul.f32 v45, v8;
	v13 =	vadd.f32 v13, v14;
	v14 =	vadd.f32 v19, v15;
	v40 =	vld [tilespmem:s9+$0x7AE0]  }
0x388: {  	v10 =	vadd.f32 v33, v10;
	v33 =	vmul.f32 v39, v8;
	v19 =	vmul.f32 v35, v9;
	v15 =	vld [tilespmem:s9+$0x7B20]  }
0x389: {  	s23 =	sadd.s32 $0x20, s23;
	v39 =	vmul.f32 v41, v9;
	v41 =	vmul.f32 v42, v8;
	v13 =	vsel vm3, v13, v14;
	v35 =	vld [tilespmem:s9+$0x7B60]  }
0x38a: {  	v38 =	vmul.f32 v38, v8;
	v42 =	vmul.f32 v44, v9;
	v14 =	vadd.f32 v19, v43;
	v19 =	vld [tilespmem:s9+$0x7BA0];
	[tilespmem:s23+$0x0] =	vst v13  }
0x38b: {  	v28 =	vmul.f32 v28, v9;
	v30 =	vmul.f32 v30, v8;
	v33 =	vadd.f32 v39, v33;
	v13 =	vld [tilespmem:s9+$0x7BE0]  }
0x38c: {  	v17 =	vmul.f32 v17, v9;
	v29 =	vmul.f32 v29, v8;
	v39 =	vadd.f32 v42, v41;
	v41 =	vld [tilespmem:s9+$0x7C20]  }
0x38d: {  	v28 =	vadd.f32 v28, v38;
	v32 =	vmul.f32 v32, v9;
	v42 =	vmul.f32 v46, v8;
	v38 =	vld [tilespmem:s9+$0x7C60]  }
0x38e: {  	v30 =	vadd.f32 v17, v30;
	v27 =	vmul.f32 v27, v9;
	v37 =	vmul.f32 v37, v8;
	v17 =	vld [tilespmem:s9+$0x7CA0]  }
0x38f: {  	v29 =	vadd.f32 v32, v29;
	v26 =	vmul.f32 v26, v9;
	v22 =	vmul.f32 v22, v8;
	v32 =	vld [tilespmem:s9+$0x7CE0]  }
0x390: {  	v42 =	vadd.f32 v27, v42;
	v16 =	vmul.f32 v16, v9;
	v25 =	vmul.f32 v25, v8;
	v27 =	vld [tilespmem:s9+$0x7D20]  }
0x391: {  	v37 =	vadd.f32 v26, v37;
	v34 =	vmul.f32 v34, v9;
	v8 =	vmul.f32 v20, v8;
	v26 =	vld [tilespmem:s9+$0x7D60]  }
0x392: {  	v9 =	vmul.f32 v23, v9;
	v20 =	vmul.f32 v31, v7;
	v31 =	vadd.f32 v16, v22;
	v16 =	vld [tilespmem:s9+$0x7DA0]  }
0x393: {  	v25 =	vadd.f32 v34, v25;
	v18 =	vmul.f32 v18, v7;
	v22 =	vmul.f32 v36, v7;
	v23 =	vld [tilespmem:s9+$0x7DE0]  }
0x394: {  	v36 =	vmul.f32 v40, v7;
	v40 =	vadd.f32 v9, v8;
	v15 =	vmul.f32 v15, v7;
	v34 =	vld [tilespmem:s9+$0x7A30]  }
0x395: {  	v43 =	vadd.f32 v20, v24;
	v24 =	vmul.f32 v35, v7;
	v19 =	vmul.f32 v19, v7;
	v20 =	vld [tilespmem:s9+$0x7A70]  }
0x396: {  	v8 =	vadd.f32 v18, v12;
	v35 =	vmul.f32 v13, v7;
	v41 =	vmul.f32 v41, v7;
	v12 =	vld [tilespmem:s9+$0x7AB0]  }
0x397: {  	v9 =	vadd.f32 v22, v11;
	v22 =	vmul.f32 v38, v7;
	v38 =	vmul.f32 v17, v7;
	v11 =	vld [tilespmem:s9+$0x7AF0]  }
0x398: {  	v13 =	vadd.f32 v36, v21;
	v32 =	vmul.f32 v32, v7;
	v44 =	vmul.f32 v27, v7;
	v36 =	vld [tilespmem:s9+$0x7B30]  }
0x399: {  	v18 =	vadd.f32 v15, v10;
	v15 =	vmul.f32 v26, v7;
	v45 =	vmul.f32 v16, v7;
	v10 =	vld [tilespmem:s9+$0x7B70]  }
0x39a: {  	v17 =	vadd.f32 v19, v33;
	v16 =	vadd.f32 v24, v14;
	v47 =	vmul.f32 v23, v7;
	v46 =	vld [tilespmem:s9+$0x7BB0]  }
0x39b: {  	v19 =	vadd.f32 v41, v28;
	v7 =	vadd.f32 v35, v39;
	v34 =	vmul.f32 v34, v4;
	v35 =	vld [tilespmem:s9+$0x7BF0]  }
.Ltmp1:
0x39c: {  	v21 =	vadd.f32 v38, v29;
	v27 =	vmul.f32 v20, v4;
	v20 =	vadd.f32 v22, v30;
	v26 =	vld [tilespmem:s9+$0x7C30];
	(pc) =	sbr.rel @p0 .LBB2_5-.Ltmp1, $4  }
0x39d: {  	v14 =	vadd.f32 v44, v37;
	v22 =	vadd.f32 v32, v42;
	v29 =	vmul.f32 v12, v4;
	v24 =	vld [tilespmem:s9+$0x7C70]  }
0x39e: {  	v15 =	vadd.f32 v15, v31;
	v30 =	vmul.f32 v11, v4;
	v11 =	vadd.f32 v45, v25;
	v23 =	vld [tilespmem:s9+$0x7CB0]  }
0x39f: {  	v12 =	vadd.f32 v47, v40;
	v33 =	vmul.f32 v36, v4;
	v31 =	vmul.f32 v10, v4;
	v25 =	vld [tilespmem:s9+$0x7CF0]  }
0x3a0: {  	v10 =	vadd.f32 v34, v43;
	v34 =	vmul.f32 v46, v4;
	v32 =	vmul.f32 v35, v4;
	v28 =	vld [tilespmem:s9+$0x7D30]  }
0x3a1: {  	v8 =	vadd.f32 v27, v8;
	v9 =	vadd.f32 v29, v9;
	v26 =	vmul.f32 v26, v4  }
0x3a2: {  	v13 =	vadd.f32 v30, v13;
	v18 =	vadd.f32 v33, v18;
	v24 =	vmul.f32 v24, v4  }
0x3a3: {  	v16 =	vadd.f32 v31, v16;
	v55 =	vperm.xlane v10, v0;
	v23 =	vmul.f32 v23, v4  }
0x3a4: {  	v50 =	vld [tilespmem:s9+$0x7D70];
	v17 =	vadd.f32 v34, v17;
	v57 =	vperm.xlane v8, v0;
	v58 =	vperm.xlane v9, v0  }
0x3a5: {  	v51 =	vld [tilespmem:s9+$0x7DB0];
	v7 =	vadd.f32 v32, v7;
	v59 =	vperm.xlane v13, v0;
	v60 =	vperm.xlane v18, v0  }
0x3a6: {  	v52 =	vld [tilespmem:s9+$0x7DF0];
	v19 =	vadd.f32 v26, v19;
	v61 =	vperm.xlane v16, v0;
	v25 =	vmul.f32 v25, v4  }
0x3a7: {  	v20 =	vadd.f32 v24, v20;
	v62 =	vperm.xlane v17, v0;
	v10 =	vadd.f32 v55, v10  }
0x3a8: {  	v63 =	vperm.xlane v7, v0;
	v21 =	vadd.f32 v23, v21;
	v53 =	vmul.f32 v28, v4  }
0x3a9: {  	v36 =	vperm.xlane v19, v0;
	v8 =	vadd.f32 v57, v8;
	v9 =	vadd.f32 v58, v9  }
0x3aa: {  	v13 =	vadd.f32 v59, v13;
	v18 =	vadd.f32 v60, v18;
	v54 =	vmul.f32 v50, v4  }
0x3ab: {  	v22 =	vadd.f32 v25, v22;
	v56 =	vmul.f32 v51, v4;
	v4 =	vmul.f32 v52, v4  }
0x3ac: {  	v37 =	vperm.xlane v20, v0;
	v44 =	vadd.f32 v62, v17;
	v7 =	vadd.f32 v63, v7  }
0x3ad: {  	v14 =	vadd.f32 v53, v14;
	v38 =	vperm.xlane v21, v0;
	v8 =	vsel vm0, v10, v8  }
0x3ae: {  	v9 =	vsel vm0, v9, v13;
	v45 =	vadd.f32 v36, v19;
	v15 =	vadd.f32 v54, v15  }
0x3af: {  	v11 =	vadd.f32 v56, v11;
	v4 =	vadd.f32 v4, v12;
	v39 =	vperm.xlane v22, v0  }
0x3b0: {  	v12 =	vadd.f32 v61, v16;
	v46 =	vadd.f32 v37, v20;
	v52 =	vperm.xlane v8, v1  }
0x3b1: {  	v7 =	vsel vm0, v44, v7;
	v53 =	vperm.xlane v9, v1;
	v40 =	vperm.xlane v14, v0  }
0x3b2: {  	v47 =	vadd.f32 v38, v21;
	v55 =	vperm.xlane v7, v1;
	v41 =	vperm.xlane v15, v0  }
0x3b3: {  	v42 =	vperm.xlane v11, v0;
	v43 =	vperm.xlane v4, v0;
	v48 =	vadd.f32 v39, v22  }
0x3b4: {  	v12 =	vsel vm0, v18, v12;
	v8 =	vadd.f32 v52, v8;
	v9 =	vadd.f32 v53, v9  }
0x3b5: {  	v13 =	vsel vm0, v45, v46;
	v49 =	vadd.f32 v40, v14;
	v50 =	vadd.f32 v41, v15  }
0x3b6: {  	v54 =	vperm.xlane v12, v1;
	v11 =	vadd.f32 v42, v11;
	v4 =	vadd.f32 v43, v4  }
0x3b7: {  	v17 =	vperm.xlane v13, v1;
	v7 =	vadd.f32 v55, v7;
	v51 =	vsel vm0, v47, v48  }
0x3b8: {  	v56 =	vperm.xlane v51, v1;
	v10 =	vsel vm0, v49, v50;
	v4 =	vsel vm0, v11, v4  }
0x3b9: {  	v12 =	vadd.f32 v54, v12;
	v57 =	vperm.xlane v10, v1;
	v58 =	vperm.xlane v4, v1  }
0x3ba: {  	v13 =	vadd.f32 v17, v13;
	v11 =	vadd.f32 v56, v51  }
0x3bb: {  	v8 =	vsel vm1, v8, v9;
	v10 =	vadd.f32 v57, v10;
	v4 =	vadd.f32 v58, v4  }
0x3bc: {  	v60 =	vperm.xlane v8, v2;
	v7 =	vsel vm1, v12, v7  }
0x3bd: {  	v12 =	vperm.xlane v7, v2;
	v59 =	vsel vm1, v13, v11;
	v4 =	vsel vm1, v10, v4  }
0x3be: {  	v61 =	vperm.xlane v59, v2;
	v62 =	vperm.xlane v4, v2  }
0x3bf: {  	v8 =	vadd.f32 v60, v8;
	v7 =	vadd.f32 v12, v7  }
0x3c0: {  	v9 =	vadd.f32 v61, v59;
	v4 =	vadd.f32 v62, v4;
	_ =	sdelay $0x1  }
0x3c1: {  	v63 =	vperm.xlane v5, v3;
	v7 =	vsel vm2, v8, v7;
	v4 =	vsel vm2, v9, v4  }
0x3c2: {  	s17 =	sadd.s32 $0x1, s17;
	v8 =	vperm.xlane v7, v3;
	v9 =	vperm.xlane v4, v3  }
0x3c3: {  	p0 =	sne.s32 s17, $0x20;
	v5 =	vadd.f32 v63, v5  }
.Ltmp2:
0x3c4: {  	v7 =	vadd.f32 v8, v7;
	v4 =	vadd.f32 v9, v4;
	(pc) =	sbr.rel @p0 .LBB2_2-.Ltmp2, $4  }
0x3c5: {  	v5 =	vsel vm3, v6, v5  }
0x3c6: {  	[tilespmem:s18+$0xFFFFFFF0] =	vst v5;
	v4 =	vsel vm3, v7, v4  }
0x3c7: {  	s0 =	sadd.s32 s6, s7;
	[tilespmem:s23+$0xFFFFFFF0] =	vst v4  }
0x3c8: {  	[hbm4b:s0+s2] =	stream.linear.scatter [tilespmem:s22], [sflag:$0x6], $0x200, $0x38;
	[tilespmem:$0xFFC0] =	vst v63  }
0x3c9: {  	s0 =	simm.s32 $0x5  }
0x3ca: {  	_ =	swait.ge [sflag:s0], $0x200  }
0x3cb: {  	[sflag:s0] =	ssyncset.done $0x0  }
0x3cc: {  	[sflag:s0] =	ssyncadd.s32 $0xFFFFFE00  }
0x3cd: {  	_ =	swait.ge [sflag:s24], $0x200  }
0x3ce: {  	s1 =	rddreg [dreg:$0x5]  }
0x3cf: {  	s31 =	rddreg [dreg:$0x4];
	s1 =	sadd.s32 $0x1, s1  }
0x3d0: {  	p0 =	sne.s32 s1, s31  }
.Ltmp3:
0x3d1: {  	_ = 	snop;
	(pc) =	sbr.rel @p0 .LBB2_1-.Ltmp3, $3  }
0x3d2: {  	_ =	sdelay $0x1  }
0x3d3: {  	[sflag:s24] =	ssyncset.done $0x0  }
0x3d4: {  	[sflag:s24] =	ssyncadd.s32 $0xFFFFFE00  }
0x3d5: {  	_ =	sfence.sel $0x180000  }
0x3d6: {  	[bflag:$0x0] =	sbarrier.arrive $0xFFFF  }
0x3d7: {  	_ =	strace $0x9000004A  }
0x3d8: {  	s0 =	stileid.u32;
	[bflag:$0x2] =	sbarrier.arrive $0xFFFF  }
0x3d9: {  	p0 =	sne.s32 s0, $0x0;
	s0 =	rddreg [dreg:$0x1]  }
0x3da: {  	s0 =	sadd.s32 @!p0 $0x100000, s0  }
0x3db: {  	[sflag:s0] =	ssyncadd.tile.s32 @!p0 $0x1;
	_ =	shalt  }
.Lfunc_end2:
_tile_overlayer_lowered:
.L_overlay_start_2:
0x3dc: {  	(tag) =	ssettag $0x2  }
0x3dd: {  	s0 =	rddreg [dreg:$0x0];
	s2 =	stileid.u32  }
0x3de: {  	s1 =	rddreg [dreg:$0x1];
	p0 =	sne.s32 s2, $0x0  }
0x3df: {  	s3 =	rddreg [dreg:$0x2];
	[bflag:$0x3] =	sbarrier.arrive $0xFFFF;
	s2 =	simm.s32 @!p0 $0x1C07  }
0x3e0: {  	[timem:s3], [sflag:s2] =	dma.local @!p0 [hbm:s0], s1  }
0x3e1: {  	s0 =	simm.s32 @!p0 $0x7  }
0x3e2: {  	_ =	swait.ge @!p0 [sflag:s0], s1  }
0x3e3: {  	s1 =	ssub.s32 @!p0 $0x0, s1;
	[sflag:s0] =	ssyncset.done @!p0 $0x0  }
0x3e4: {  	[sflag:s0] =	ssyncadd.s32 @!p0 s1  }
0x3e5: {  	[bflag:$0x3] =	sbarrier.arrive $0xFFFF  }
0x3e6: {  	_ =	shalt  }

</sc_bundles>
